<compile_context>
chip_gen: v7x
topology: tpu7x:2x2x1
jax: 0.10.2.dev20260603
libtpu: 0.0.44.dev20260713+nightly
codegen_flags: <defaults>
</compile_context>

<pallas_src>
import functools

import jax
import jax.numpy as jnp
from jax import lax
from jax.experimental import pallas as pl
from jax.experimental.pallas import tpu as pltpu
from jax.experimental.pallas import tpu_sc as plsc

NC = 2
NS = 16
NW = NC * NS
K = 128
H = K // 2


def _pad_rows(N):
    return (-(-(N // NS + 1) // 8)) * 8



def _sc_degree(dst3, zeros, N):
    nch = dst3.shape[1]
    mesh = plsc.VectorSubcoreMesh(
        core_axis_name="c", subcore_axis_name="s", num_cores=NC, num_subcores=NS)
    rpt = _pad_rows(N)
    npad = rpt * NS

    @functools.partial(
        pl.kernel,
        out_type=jax.ShapeDtypeStruct((NC, npad, 128), jnp.float32),
        mesh=mesh,
        scratch_types=[
            pltpu.VMEM((nch, K), jnp.int32),
            pltpu.VMEM((K, 128), jnp.float32),
            pltpu.VMEM_SHARED((npad, 128), jnp.float32),
        ],
    )
    def k(dst_hbm, ones_hbm, zeros_hbm, out_hbm, dst_v, ones_v, acc_sh):
        c = lax.axis_index("c")
        s = lax.axis_index("s")
        w = s * NC + c
        pltpu.sync_copy(dst_hbm.at[w], dst_v)
        pltpu.sync_copy(ones_hbm, ones_v)
        pltpu.sync_copy(zeros_hbm, acc_sh.at[pl.ds(s * rpt, rpt)])
        plsc.subcore_barrier()

        def step(j, carry):
            pltpu.sync_copy(ones_v, acc_sh.at[dst_v.at[j]], add=True)
            return carry

        lax.fori_loop(0, nch, step, 0)
        plsc.subcore_barrier()
        pltpu.sync_copy(acc_sh.at[pl.ds(s * rpt, rpt)],
                        out_hbm.at[c, pl.ds(s * rpt, rpt)])

    ones = jnp.ones((K, 128), jnp.float32)
    return k(dst3, ones, zeros)


def _sc_scatter(hs, src3, dst3, zeros):
    N, D = hs.shape
    nch = src3.shape[1]
    half = nch // 2
    rpt = _pad_rows(N)
    npad = rpt * NS
    mesh = plsc.VectorSubcoreMesh(
        core_axis_name="c", subcore_axis_name="s", num_cores=NC, num_subcores=NS)

    @functools.partial(
        pl.kernel,
        out_type=jax.ShapeDtypeStruct((NC, npad, D), jnp.float32),
        mesh=mesh,
        scratch_types=[
            pltpu.VMEM((half, K), jnp.int32),
            pltpu.VMEM((half, K), jnp.int32),
            pltpu.VMEM((K, D), jnp.float32),
            pltpu.VMEM((K, D), jnp.float32),
            pltpu.VMEM_SHARED((npad, D), jnp.float32),
            pltpu.SemaphoreType.DMA,
            pltpu.SemaphoreType.DMA,
            pltpu.SemaphoreType.DMA,
            pltpu.SemaphoreType.DMA,
            pltpu.SemaphoreType.DMA,
            pltpu.SemaphoreType.DMA,
        ],
    )
    def k(hs_hbm, src_hbm, dst_hbm, zeros_hbm, out_hbm,
          src_v, dst_v, rows_a, rows_b, acc_sh, ga0, ga1, gb0, gb1, sa, sb):
        c = lax.axis_index("c")
        s = lax.axis_index("s")
        w = s * NC + c
        pltpu.sync_copy(zeros_hbm, acc_sh.at[pl.ds(s * rpt, rpt)])
        plsc.subcore_barrier()

        def start(j, rows, s0, s1):
            pltpu.async_copy(
                hs_hbm.at[src_v.at[j, pl.ds(0, H)]], rows.at[pl.ds(0, H)], s0)
            pltpu.async_copy(
                hs_hbm.at[src_v.at[j, pl.ds(H, H)]], rows.at[pl.ds(H, H)], s1)

        def wait(j, rows, s0, s1):
            pltpu.make_async_copy(
                hs_hbm.at[src_v.at[j, pl.ds(0, H)]], rows.at[pl.ds(0, H)], s0).wait()
            pltpu.make_async_copy(
                hs_hbm.at[src_v.at[j, pl.ds(H, H)]], rows.at[pl.ds(H, H)], s1).wait()

        for h in range(2):
            pltpu.sync_copy(src_hbm.at[w, pl.ds(h * half, half)], src_v)
            pltpu.sync_copy(dst_hbm.at[w, pl.ds(h * half, half)], dst_v)
            start(0, rows_a, ga0, ga1)
            start(1, rows_b, gb0, gb1)

            def scat(j, rows, sem):
                pltpu.async_copy(rows, acc_sh.at[dst_v.at[j]], sem, add=True)

            def wscat(j, rows, sem):
                pltpu.make_async_copy(
                    rows, acc_sh.at[dst_v.at[j]], sem).wait()

            def step(g, carry):
                j = 2 * g
                wait(j, rows_a, ga0, ga1)
                scat(j, rows_a, sa)
                wait(j + 1, rows_b, gb0, gb1)
                scat(j + 1, rows_b, sb)
                wscat(j, rows_a, sa)
                start(j + 2, rows_a, ga0, ga1)
                wscat(j + 1, rows_b, sb)
                start(j + 3, rows_b, gb0, gb1)
                return carry

            lax.fori_loop(0, half // 2 - 1, step, 0)
            wait(half - 2, rows_a, ga0, ga1)
            pltpu.sync_copy(rows_a, acc_sh.at[dst_v.at[half - 2]], add=True)
            wait(half - 1, rows_b, gb0, gb1)
            pltpu.sync_copy(rows_b, acc_sh.at[dst_v.at[half - 1]], add=True)

        plsc.subcore_barrier()
        pltpu.sync_copy(acc_sh.at[pl.ds(s * rpt, rpt)],
                        out_hbm.at[c, pl.ds(s * rpt, rpt)])

    return k(hs, src3, dst3, zeros)



def _tc_matmul(x, W):
    N = x.shape[0]
    Dout = W.shape[1]

    def body(x_ref, w_ref, out_ref):
        out_ref[...] = jnp.dot(x_ref[...], w_ref[...],
                               preferred_element_type=jnp.float32)

    return pl.pallas_call(
        body,
        out_shape=jax.ShapeDtypeStruct((N, Dout), jnp.float32),
    )(x, W)


def _tc_scale(degp, h):
    N = h.shape[0]
    Dout = h.shape[1]

    def body(degp_ref, h_ref, dis_ref, hs_ref):
        deg = degp_ref[0][:N, :1] + degp_ref[1][:N, :1] + 1.0
        dis = lax.rsqrt(deg)
        dis_ref[...] = dis
        hs_ref[...] = h_ref[...] * dis

    return pl.pallas_call(
        body,
        out_shape=(jax.ShapeDtypeStruct((N, 1), jnp.float32),
                   jax.ShapeDtypeStruct((N, Dout), jnp.float32)),
    )(degp, h)


def _tc_mid(acc, hs_prev, dis, b, W):
    N, D = hs_prev.shape
    Dout = W.shape[1]

    def body(acc_ref, hsp_ref, dis_ref, b_ref, w_ref, out_ref):
        agg = acc_ref[0][:N] + acc_ref[1][:N] + hsp_ref[...]
        h = jnp.maximum(agg * dis_ref[...] + b_ref[...], 0.0)
        out_ref[...] = jnp.dot(h, w_ref[...],
                               preferred_element_type=jnp.float32) * dis_ref[...]

    return pl.pallas_call(
        body,
        out_shape=jax.ShapeDtypeStruct((N, Dout), jnp.float32),
    )(acc, hs_prev, dis, b.reshape(1, D), W)


def _tc_final(acc, hs_prev, dis, b, Dout):
    N, D = hs_prev.shape

    def body(acc_ref, hsp_ref, dis_ref, b_ref, out_ref):
        agg = acc_ref[0][:N] + acc_ref[1][:N] + hsp_ref[...]
        out_ref[...] = (agg * dis_ref[...])[:, :Dout] + b_ref[...]

    return pl.pallas_call(
        body,
        out_shape=jax.ShapeDtypeStruct((N, Dout), jnp.float32),
    )(acc, hs_prev, dis, b.reshape(1, Dout))



def kernel(x, edge_index, W1, b1, W2, b2, W3, b3):
    N = x.shape[0]
    E = edge_index.shape[1]
    ept = E // NW
    eptp = (-(-ept // (2 * K))) * 2 * K
    nch = eptp // K
    rpt = _pad_rows(N)
    npad = rpt * NS
    e = edge_index.astype(jnp.int32)
    src3 = jnp.pad(e[0].reshape(NW, ept), ((0, 0), (0, eptp - ept)),
                   constant_values=0).reshape(NW, nch, K)
    dst3 = jnp.pad(e[1].reshape(NW, ept), ((0, 0), (0, eptp - ept)),
                   constant_values=npad - 1).reshape(NW, nch, K)
    n_classes = W3.shape[1]
    W3p = jnp.pad(W3, ((0, 0), (0, 128 - n_classes)))
    zeros = jnp.zeros((rpt, 128), jnp.float32)

    degp = _sc_degree(dst3, zeros, N)
    h1 = _tc_matmul(x, W1)
    dis, hs1 = _tc_scale(degp, h1)
    acc1 = _sc_scatter(hs1, src3, dst3, zeros)
    hs2 = _tc_mid(acc1, hs1, dis, b1, W2)
    acc2 = _sc_scatter(hs2, src3, dst3, zeros)
    hs3 = _tc_mid(acc2, hs2, dis, b2, W3p)
    acc3 = _sc_scatter(hs3, src3, dst3, zeros)
    return _tc_final(acc3, hs3, dis, b3, n_classes)

# --- scband reference (transcript-rebuilt; emitter-appended) ---
"""Pipeline reference for scband-gcn-31207232372931 (READ-ONLY COPY).

The authoritative reference and input builder live on the scoring server;
editing this copy changes nothing except your own understanding.
"""

import jax, jax.numpy as jnp
import numpy as np

N_NODES = 10000
N_EDGES = 320000
D_FEAT = 128
HIDDEN = 128
N_CLASSES = 64


def gcn_conv(x, edge_index, W, b):
    # Faithful to PyG GCNConv: x' = D^{-1/2} (A + I) D^{-1/2} (X W) + b
    N = x.shape[0]
    src = edge_index[0]
    dst = edge_index[1]
    loop = jnp.arange(N, dtype=src.dtype)
    src = jnp.concatenate([src, loop])
    dst = jnp.concatenate([dst, loop])
    h = x @ W
    deg = jnp.zeros((N,), dtype=h.dtype).at[dst].add(1.0)
    deg_inv_sqrt = jnp.where(deg > 0, jax.lax.rsqrt(deg), 0.0)
    norm = deg_inv_sqrt[src] * deg_inv_sqrt[dst]
    msg = h[src] * norm[:, None]
    out = jnp.zeros_like(h).at[dst].add(msg)
    return out + b


def setup_inputs(seed: int = 0) -> dict:
    key = jax.random.key(seed)
    k_x, k_e, k1, k2, k3 = jax.random.split(key, 5)
    x = jax.random.normal(k_x, (N_NODES, D_FEAT), dtype=jnp.float32)
    edge_index = jax.random.randint(k_e, (2, N_EDGES), 0, N_NODES, dtype=jnp.int64 if jax.config.jax_enable_x64 else jnp.int32)
    s1 = 1.0 / np.sqrt(D_FEAT)
    s2 = 1.0 / np.sqrt(HIDDEN)
    W1 = jax.random.uniform(k1, (D_FEAT, HIDDEN), dtype=jnp.float32, minval=-s1, maxval=s1)
    b1 = jnp.zeros((HIDDEN,), dtype=jnp.float32)
    W2 = jax.random.uniform(k2, (HIDDEN, HIDDEN), dtype=jnp.float32, minval=-s2, maxval=s2)
    b2 = jnp.zeros((HIDDEN,), dtype=jnp.float32)
    W3 = jax.random.uniform(k3, (HIDDEN, N_CLASSES), dtype=jnp.float32, minval=-s2, maxval=s2)
    b3 = jnp.zeros((N_CLASSES,), dtype=jnp.float32)
    return {"x": x, "edge_index": edge_index, "W1": W1, "b1": b1, "W2": W2, "b2": b2, "W3": W3, "b3": b3}


def reference(x, edge_index, W1, b1, W2, b2, W3, b3):
    # dropout(p=0.5) is identity in eval mode
    h = gcn_conv(x, edge_index, W1, b1)
    h = jax.nn.relu(h)
    h = gcn_conv(h, edge_index, W2, b2)
    h = jax.nn.relu(h)
    out = gcn_conv(h, edge_index, W3, b3)
    return out

if __name__ == "__main__":
    import jax
    _d = setup_inputs()
    print(jax.jit(kernel)(*tuple(_d.values())))

</pallas_src>

<mosaic_0001>
#map = affine_map<(d0, d1) -> (0, 0)>
#map1 = affine_map<(d0, d1) -> (0, 0, 0)>
module attributes {stable_mosaic.version = 14 : i64} {
  func.func @k(%arg0: i32, %arg1: i32, %arg2: memref<10000x128xf32, #tpu.memory_space<hbm>>, %arg3: memref<32x80x128xi32, #tpu.memory_space<hbm>>, %arg4: memref<32x80x128xi32, #tpu.memory_space<hbm>>, %arg5: memref<632x128xf32, #tpu.memory_space<hbm>>, %arg6: memref<2x10112x128xf32, #tpu.memory_space<hbm>>, %arg7: memref<40x128xi32, #tpu.memory_space<vmem>>, %arg8: memref<40x128xi32, #tpu.memory_space<vmem>>, %arg9: memref<128x128xf32, #tpu.memory_space<vmem>>, %arg10: memref<128x128xf32, #tpu.memory_space<vmem>>, %arg11: memref<10112x128xf32, #tpu.memory_space<vmem_shared>>, %arg12: memref<!tpu.dma_semaphore, #tpu.memory_space<semaphore_mem>>, %arg13: memref<!tpu.dma_semaphore, #tpu.memory_space<semaphore_mem>>, %arg14: memref<!tpu.dma_semaphore, #tpu.memory_space<semaphore_mem>>, %arg15: memref<!tpu.dma_semaphore, #tpu.memory_space<semaphore_mem>>, %arg16: memref<!tpu.dma_semaphore, #tpu.memory_space<semaphore_mem>>, %arg17: memref<!tpu.dma_semaphore, #tpu.memory_space<semaphore_mem>>) attributes {dimension_semantics = [#tpu.dimension_semantics<core_parallel>, #tpu.dimension_semantics<subcore_parallel>], iteration_bounds = array<i64: 2, 16>, scalar_prefetch = 0 : i64, scratch_operands = 11 : i64, tpu.core_type = #tpu.core_type<sc_vector_subcore>, window_params = [{transform_indices = #map}, {transform_indices = #map1}, {transform_indices = #map1}, {transform_indices = #map}, {transform_indices = #map1}]} {
    %mul3A = arith.constant 2 : i32
    %mul3A_0 = arith.muli %arg1, %mul3A : i32
    %add3A = arith.addi %mul3A_0, %arg0 : i32
    %mul3A_1 = arith.constant 632 : i32
    %mul3A_2 = arith.muli %arg1, %mul3A_1 : i32
    "tpu.region"() ({
      %run_scoped3A_180 = tpu.sem_alloc : memref<!tpu.dma_semaphore, #tpu.memory_space<semaphore_mem>>
      %dma_start3A_181 = arith.constant 0 : i32
      %dma_start3A_182 = tpu.memref_slice %arg11[%mul3A_2, %dma_start3A_181] : memref<10112x128xf32, #tpu.memory_space<vmem_shared>> -> memref<632x128xf32, #tpu.memory_space<vmem_shared>>
      tpu.enqueue_dma source(%arg5 : memref<632x128xf32, #tpu.memory_space<hbm>>) target(%dma_start3A_182 : memref<632x128xf32, #tpu.memory_space<vmem_shared>>) target_semaphore(%run_scoped3A_180 : memref<!tpu.dma_semaphore, #tpu.memory_space<semaphore_mem>>)
      %dma_wait3A_183 = arith.constant 0 : i32
      %dma_wait3A_184 = tpu.memref_slice %arg11[%mul3A_2, %dma_wait3A_183] : memref<10112x128xf32, #tpu.memory_space<vmem_shared>> -> memref<632x128xf32, #tpu.memory_space<vmem_shared>>
      tpu.wait_dma2 semaphore(%run_scoped3A_180 : memref<!tpu.dma_semaphore, #tpu.memory_space<semaphore_mem>>) src(%arg5 : memref<632x128xf32, #tpu.memory_space<hbm>>) dst(%dma_wait3A_184 : memref<632x128xf32, #tpu.memory_space<vmem_shared>>)
      tpu.yield
    }) : () -> ()
    %barrier3A = arith.constant 0 : index
    tpu.barrier barrier_id(%barrier3A)
    "tpu.region"() ({
      %run_scoped3A_180 = tpu.sem_alloc : memref<!tpu.dma_semaphore, #tpu.memory_space<semaphore_mem>>
      %dma_start3A_181 = arith.constant 0 : i32
      %dma_start3A_182 = arith.constant 0 : i32
      %dma_start3A_183 = tpu.memref_slice %arg3[%add3A, %dma_start3A_181, %dma_start3A_182] : memref<32x80x128xi32, #tpu.memory_space<hbm>> -> memref<1x40x128xi32, #tpu.memory_space<hbm>>
      %dma_start3A_184 = tpu.memref_squeeze %dma_start3A_183 : memref<1x40x128xi32, #tpu.memory_space<hbm>> -> memref<40x128xi32, #tpu.memory_space<hbm>>
      %dma_start3A_185 = arith.constant 0 : i32
      %dma_start3A_186 = arith.constant 0 : i32
      %dma_start3A_187 = tpu.memref_slice %arg3[%add3A, %dma_start3A_185, %dma_start3A_186] : memref<32x80x128xi32, #tpu.memory_space<hbm>> -> memref<1x40x128xi32, #tpu.memory_space<hbm>>
      %dma_start3A_188 = tpu.memref_squeeze %dma_start3A_187 : memref<1x40x128xi32, #tpu.memory_space<hbm>> -> memref<40x128xi32, #tpu.memory_space<hbm>>
      tpu.enqueue_dma source(%dma_start3A_188 : memref<40x128xi32, #tpu.memory_space<hbm>>) target(%arg7 : memref<40x128xi32, #tpu.memory_space<vmem>>) target_semaphore(%run_scoped3A_180 : memref<!tpu.dma_semaphore, #tpu.memory_space<semaphore_mem>>)
      %dma_wait3A_189 = arith.constant 0 : i32
      %dma_wait3A_190 = arith.constant 0 : i32
      %dma_wait3A_191 = tpu.memref_slice %arg3[%add3A, %dma_wait3A_189, %dma_wait3A_190] : memref<32x80x128xi32, #tpu.memory_space<hbm>> -> memref<1x40x128xi32, #tpu.memory_space<hbm>>
      %dma_wait3A_192 = tpu.memref_squeeze %dma_wait3A_191 : memref<1x40x128xi32, #tpu.memory_space<hbm>> -> memref<40x128xi32, #tpu.memory_space<hbm>>
      %dma_wait3A_193 = arith.constant 0 : i32
      %dma_wait3A_194 = arith.constant 0 : i32
      %dma_wait3A_195 = tpu.memref_slice %arg3[%add3A, %dma_wait3A_193, %dma_wait3A_194] : memref<32x80x128xi32, #tpu.memory_space<hbm>> -> memref<1x40x128xi32, #tpu.memory_space<hbm>>
      %dma_wait3A_196 = tpu.memref_squeeze %dma_wait3A_195 : memref<1x40x128xi32, #tpu.memory_space<hbm>> -> memref<40x128xi32, #tpu.memory_space<hbm>>
      tpu.wait_dma2 semaphore(%run_scoped3A_180 : memref<!tpu.dma_semaphore, #tpu.memory_space<semaphore_mem>>) src(%dma_wait3A_196 : memref<40x128xi32, #tpu.memory_space<hbm>>) dst(%arg7 : memref<40x128xi32, #tpu.memory_space<vmem>>)
      tpu.yield
    }) : () -> ()
    "tpu.region"() ({
      %run_scoped3A_180 = tpu.sem_alloc : memref<!tpu.dma_semaphore, #tpu.memory_space<semaphore_mem>>
      %dma_start3A_181 = arith.constant 0 : i32
      %dma_start3A_182 = arith.constant 0 : i32
      %dma_start3A_183 = tpu.memref_slice %arg4[%add3A, %dma_start3A_181, %dma_start3A_182] : memref<32x80x128xi32, #tpu.memory_space<hbm>> -> memref<1x40x128xi32, #tpu.memory_space<hbm>>
      %dma_start3A_184 = tpu.memref_squeeze %dma_start3A_183 : memref<1x40x128xi32, #tpu.memory_space<hbm>> -> memref<40x128xi32, #tpu.memory_space<hbm>>
      %dma_start3A_185 = arith.constant 0 : i32
      %dma_start3A_186 = arith.constant 0 : i32
      %dma_start3A_187 = tpu.memref_slice %arg4[%add3A, %dma_start3A_185, %dma_start3A_186] : memref<32x80x128xi32, #tpu.memory_space<hbm>> -> memref<1x40x128xi32, #tpu.memory_space<hbm>>
      %dma_start3A_188 = tpu.memref_squeeze %dma_start3A_187 : memref<1x40x128xi32, #tpu.memory_space<hbm>> -> memref<40x128xi32, #tpu.memory_space<hbm>>
      tpu.enqueue_dma source(%dma_start3A_188 : memref<40x128xi32, #tpu.memory_space<hbm>>) target(%arg8 : memref<40x128xi32, #tpu.memory_space<vmem>>) target_semaphore(%run_scoped3A_180 : memref<!tpu.dma_semaphore, #tpu.memory_space<semaphore_mem>>)
      %dma_wait3A_189 = arith.constant 0 : i32
      %dma_wait3A_190 = arith.constant 0 : i32
      %dma_wait3A_191 = tpu.memref_slice %arg4[%add3A, %dma_wait3A_189, %dma_wait3A_190] : memref<32x80x128xi32, #tpu.memory_space<hbm>> -> memref<1x40x128xi32, #tpu.memory_space<hbm>>
      %dma_wait3A_192 = tpu.memref_squeeze %dma_wait3A_191 : memref<1x40x128xi32, #tpu.memory_space<hbm>> -> memref<40x128xi32, #tpu.memory_space<hbm>>
      %dma_wait3A_193 = arith.constant 0 : i32
      %dma_wait3A_194 = arith.constant 0 : i32
      %dma_wait3A_195 = tpu.memref_slice %arg4[%add3A, %dma_wait3A_193, %dma_wait3A_194] : memref<32x80x128xi32, #tpu.memory_space<hbm>> -> memref<1x40x128xi32, #tpu.memory_space<hbm>>
      %dma_wait3A_196 = tpu.memref_squeeze %dma_wait3A_195 : memref<1x40x128xi32, #tpu.memory_space<hbm>> -> memref<40x128xi32, #tpu.memory_space<hbm>>
      tpu.wait_dma2 semaphore(%run_scoped3A_180 : memref<!tpu.dma_semaphore, #tpu.memory_space<semaphore_mem>>) src(%dma_wait3A_196 : memref<40x128xi32, #tpu.memory_space<hbm>>) dst(%arg8 : memref<40x128xi32, #tpu.memory_space<vmem>>)
      tpu.yield
    }) : () -> ()
    %dma_start3A = arith.constant 0 : i32
    %dma_start3A_3 = arith.constant 0 : i32
    %dma_start3A_4 = arith.constant 0 : i32
    %dma_start3A_5 = tpu.memref_slice %arg9[%dma_start3A_3, %dma_start3A_4] : memref<128x128xf32, #tpu.memory_space<vmem>> -> memref<64x128xf32, #tpu.memory_space<vmem>>
    %dma_start3A_6 = arith.constant 0 : i32
    %dma_start3A_7 = tpu.memref_slice %arg7[%dma_start3A, %dma_start3A_6] : memref<40x128xi32, #tpu.memory_space<vmem>> -> memref<1x64xi32, #tpu.memory_space<vmem>>
    %dma_start3A_8 = tpu.memref_squeeze %dma_start3A_7 : memref<1x64xi32, #tpu.memory_space<vmem>> -> memref<64xi32, #tpu.memory_space<vmem>>
    %dma_start3A_9 = arith.constant 0 : i32
    %dma_start3A_10 = arith.constant 0 : i32
    %dma_start3A_11 = tpu.memref_slice %arg2[%dma_start3A_9, %dma_start3A_10] : memref<10000x128xf32, #tpu.memory_space<hbm>> -> memref<10000x128xf32, #tpu.memory_space<hbm>>
    tpu.enqueue_indirect_dma source(%dma_start3A_11 : memref<10000x128xf32, #tpu.memory_space<hbm>>) target(%dma_start3A_5 : memref<64x128xf32, #tpu.memory_space<vmem>>) offsets(%dma_start3A_8 : memref<64xi32, #tpu.memory_space<vmem>>) semaphore(%arg12 : memref<!tpu.dma_semaphore, #tpu.memory_space<semaphore_mem>>)
    %dma_start3A_12 = arith.constant 0 : i32
    %dma_start3A_13 = arith.constant 64 : i32
    %dma_start3A_14 = arith.constant 0 : i32
    %dma_start3A_15 = tpu.memref_slice %arg9[%dma_start3A_13, %dma_start3A_14] : memref<128x128xf32, #tpu.memory_space<vmem>> -> memref<64x128xf32, #tpu.memory_space<vmem>>
    %dma_start3A_16 = arith.constant 64 : i32
    %dma_start3A_17 = tpu.memref_slice %arg7[%dma_start3A_12, %dma_start3A_16] : memref<40x128xi32, #tpu.memory_space<vmem>> -> memref<1x64xi32, #tpu.memory_space<vmem>>
    %dma_start3A_18 = tpu.memref_squeeze %dma_start3A_17 : memref<1x64xi32, #tpu.memory_space<vmem>> -> memref<64xi32, #tpu.memory_space<vmem>>
    %dma_start3A_19 = arith.constant 0 : i32
    %dma_start3A_20 = arith.constant 0 : i32
    %dma_start3A_21 = tpu.memref_slice %arg2[%dma_start3A_19, %dma_start3A_20] : memref<10000x128xf32, #tpu.memory_space<hbm>> -> memref<10000x128xf32, #tpu.memory_space<hbm>>
    tpu.enqueue_indirect_dma source(%dma_start3A_21 : memref<10000x128xf32, #tpu.memory_space<hbm>>) target(%dma_start3A_15 : memref<64x128xf32, #tpu.memory_space<vmem>>) offsets(%dma_start3A_18 : memref<64xi32, #tpu.memory_space<vmem>>) semaphore(%arg13 : memref<!tpu.dma_semaphore, #tpu.memory_space<semaphore_mem>>)
    %dma_start3A_22 = arith.constant 1 : i32
    %dma_start3A_23 = arith.constant 0 : i32
    %dma_start3A_24 = arith.constant 0 : i32
    %dma_start3A_25 = tpu.memref_slice %arg10[%dma_start3A_23, %dma_start3A_24] : memref<128x128xf32, #tpu.memory_space<vmem>> -> memref<64x128xf32, #tpu.memory_space<vmem>>
    %dma_start3A_26 = arith.constant 0 : i32
    %dma_start3A_27 = tpu.memref_slice %arg7[%dma_start3A_22, %dma_start3A_26] : memref<40x128xi32, #tpu.memory_space<vmem>> -> memref<1x64xi32, #tpu.memory_space<vmem>>
    %dma_start3A_28 = tpu.memref_squeeze %dma_start3A_27 : memref<1x64xi32, #tpu.memory_space<vmem>> -> memref<64xi32, #tpu.memory_space<vmem>>
    %dma_start3A_29 = arith.constant 0 : i32
    %dma_start3A_30 = arith.constant 0 : i32
    %dma_start3A_31 = tpu.memref_slice %arg2[%dma_start3A_29, %dma_start3A_30] : memref<10000x128xf32, #tpu.memory_space<hbm>> -> memref<10000x128xf32, #tpu.memory_space<hbm>>
    tpu.enqueue_indirect_dma source(%dma_start3A_31 : memref<10000x128xf32, #tpu.memory_space<hbm>>) target(%dma_start3A_25 : memref<64x128xf32, #tpu.memory_space<vmem>>) offsets(%dma_start3A_28 : memref<64xi32, #tpu.memory_space<vmem>>) semaphore(%arg14 : memref<!tpu.dma_semaphore, #tpu.memory_space<semaphore_mem>>)
    %dma_start3A_32 = arith.constant 1 : i32
    %dma_start3A_33 = arith.constant 64 : i32
    %dma_start3A_34 = arith.constant 0 : i32
    %dma_start3A_35 = tpu.memref_slice %arg10[%dma_start3A_33, %dma_start3A_34] : memref<128x128xf32, #tpu.memory_space<vmem>> -> memref<64x128xf32, #tpu.memory_space<vmem>>
    %dma_start3A_36 = arith.constant 64 : i32
    %dma_start3A_37 = tpu.memref_slice %arg7[%dma_start3A_32, %dma_start3A_36] : memref<40x128xi32, #tpu.memory_space<vmem>> -> memref<1x64xi32, #tpu.memory_space<vmem>>
    %dma_start3A_38 = tpu.memref_squeeze %dma_start3A_37 : memref<1x64xi32, #tpu.memory_space<vmem>> -> memref<64xi32, #tpu.memory_space<vmem>>
    %dma_start3A_39 = arith.constant 0 : i32
    %dma_start3A_40 = arith.constant 0 : i32
    %dma_start3A_41 = tpu.memref_slice %arg2[%dma_start3A_39, %dma_start3A_40] : memref<10000x128xf32, #tpu.memory_space<hbm>> -> memref<10000x128xf32, #tpu.memory_space<hbm>>
    tpu.enqueue_indirect_dma source(%dma_start3A_41 : memref<10000x128xf32, #tpu.memory_space<hbm>>) target(%dma_start3A_35 : memref<64x128xf32, #tpu.memory_space<vmem>>) offsets(%dma_start3A_38 : memref<64xi32, #tpu.memory_space<vmem>>) semaphore(%arg15 : memref<!tpu.dma_semaphore, #tpu.memory_space<semaphore_mem>>)
    %scan3A = arith.constant 0 : i32
    %scan3A_42 = arith.constant 0 : i32
    %scan3A_43 = arith.constant 19 : i32
    %scan3A_44 = arith.addi %scan3A_42, %scan3A_43 : i32
    %scan3A_45 = arith.constant 1 : i32
    scf.for %scan3A_180 = %scan3A_42 to %scan3A_44 step %scan3A_45  : i32 {
      %mul3A_181 = arith.constant 2 : i32
      %mul3A_182 = arith.muli %mul3A_181, %scan3A_180 : i32
      %dma_wait3A_183 = arith.constant 0 : i32
      %dma_wait3A_184 = arith.constant 0 : i32
      %dma_wait3A_185 = tpu.memref_slice %arg9[%dma_wait3A_183, %dma_wait3A_184] : memref<128x128xf32, #tpu.memory_space<vmem>> -> memref<64x128xf32, #tpu.memory_space<vmem>>
      %dma_wait3A_186 = arith.constant 0 : i32
      %dma_wait3A_187 = tpu.memref_slice %arg7[%mul3A_182, %dma_wait3A_186] : memref<40x128xi32, #tpu.memory_space<vmem>> -> memref<1x64xi32, #tpu.memory_space<vmem>>
      %dma_wait3A_188 = tpu.memref_squeeze %dma_wait3A_187 : memref<1x64xi32, #tpu.memory_space<vmem>> -> memref<64xi32, #tpu.memory_space<vmem>>
      %dma_wait3A_189 = arith.constant 0 : i32
      %dma_wait3A_190 = arith.constant 0 : i32
      %dma_wait3A_191 = tpu.memref_slice %arg2[%dma_wait3A_189, %dma_wait3A_190] : memref<10000x128xf32, #tpu.memory_space<hbm>> -> memref<10000x128xf32, #tpu.memory_space<hbm>>
      tpu.wait_indirect_dma semaphore(%arg12 : memref<!tpu.dma_semaphore, #tpu.memory_space<semaphore_mem>>) src(%dma_wait3A_191 : memref<10000x128xf32, #tpu.memory_space<hbm>>) dst(%dma_wait3A_185 : memref<64x128xf32, #tpu.memory_space<vmem>>)
      %dma_wait3A_192 = arith.constant 64 : i32
      %dma_wait3A_193 = arith.constant 0 : i32
      %dma_wait3A_194 = tpu.memref_slice %arg9[%dma_wait3A_192, %dma_wait3A_193] : memref<128x128xf32, #tpu.memory_space<vmem>> -> memref<64x128xf32, #tpu.memory_space<vmem>>
      %dma_wait3A_195 = arith.constant 64 : i32
      %dma_wait3A_196 = tpu.memref_slice %arg7[%mul3A_182, %dma_wait3A_195] : memref<40x128xi32, #tpu.memory_space<vmem>> -> memref<1x64xi32, #tpu.memory_space<vmem>>
      %dma_wait3A_197 = tpu.memref_squeeze %dma_wait3A_196 : memref<1x64xi32, #tpu.memory_space<vmem>> -> memref<64xi32, #tpu.memory_space<vmem>>
      %dma_wait3A_198 = arith.constant 0 : i32
      %dma_wait3A_199 = arith.constant 0 : i32
      %dma_wait3A_200 = tpu.memref_slice %arg2[%dma_wait3A_198, %dma_wait3A_199] : memref<10000x128xf32, #tpu.memory_space<hbm>> -> memref<10000x128xf32, #tpu.memory_space<hbm>>
      tpu.wait_indirect_dma semaphore(%arg13 : memref<!tpu.dma_semaphore, #tpu.memory_space<semaphore_mem>>) src(%dma_wait3A_200 : memref<10000x128xf32, #tpu.memory_space<hbm>>) dst(%dma_wait3A_194 : memref<64x128xf32, #tpu.memory_space<vmem>>)
      %dma_start3A_201 = arith.constant 0 : i32
      %dma_start3A_202 = tpu.memref_slice %arg8[%mul3A_182, %dma_start3A_201] : memref<40x128xi32, #tpu.memory_space<vmem>> -> memref<1x128xi32, #tpu.memory_space<vmem>>
      %dma_start3A_203 = tpu.memref_squeeze %dma_start3A_202 : memref<1x128xi32, #tpu.memory_space<vmem>> -> memref<128xi32, #tpu.memory_space<vmem>>
      %dma_start3A_204 = arith.constant 0 : i32
      %dma_start3A_205 = arith.constant 0 : i32
      %dma_start3A_206 = tpu.memref_slice %arg11[%dma_start3A_204, %dma_start3A_205] : memref<10112x128xf32, #tpu.memory_space<vmem_shared>> -> memref<10112x128xf32, #tpu.memory_space<vmem_shared>>
      tpu.enqueue_indirect_dma source(%arg9 : memref<128x128xf32, #tpu.memory_space<vmem>>) target(%dma_start3A_206 : memref<10112x128xf32, #tpu.memory_space<vmem_shared>>) offsets(%dma_start3A_203 : memref<128xi32, #tpu.memory_space<vmem>>) semaphore(%arg16 : memref<!tpu.dma_semaphore, #tpu.memory_space<semaphore_mem>>) {add = true}
      %add3A_207 = arith.constant 1 : i32
      %add3A_208 = arith.addi %mul3A_182, %add3A_207 : i32
      %dma_wait3A_209 = arith.constant 0 : i32
      %dma_wait3A_210 = arith.constant 0 : i32
      %dma_wait3A_211 = tpu.memref_slice %arg10[%dma_wait3A_209, %dma_wait3A_210] : memref<128x128xf32, #tpu.memory_space<vmem>> -> memref<64x128xf32, #tpu.memory_space<vmem>>
      %dma_wait3A_212 = arith.constant 0 : i32
      %dma_wait3A_213 = tpu.memref_slice %arg7[%add3A_208, %dma_wait3A_212] : memref<40x128xi32, #tpu.memory_space<vmem>> -> memref<1x64xi32, #tpu.memory_space<vmem>>
      %dma_wait3A_214 = tpu.memref_squeeze %dma_wait3A_213 : memref<1x64xi32, #tpu.memory_space<vmem>> -> memref<64xi32, #tpu.memory_space<vmem>>
      %dma_wait3A_215 = arith.constant 0 : i32
      %dma_wait3A_216 = arith.constant 0 : i32
      %dma_wait3A_217 = tpu.memref_slice %arg2[%dma_wait3A_215, %dma_wait3A_216] : memref<10000x128xf32, #tpu.memory_space<hbm>> -> memref<10000x128xf32, #tpu.memory_space<hbm>>
      tpu.wait_indirect_dma semaphore(%arg14 : memref<!tpu.dma_semaphore, #tpu.memory_space<semaphore_mem>>) src(%dma_wait3A_217 : memref<10000x128xf32, #tpu.memory_space<hbm>>) dst(%dma_wait3A_211 : memref<64x128xf32, #tpu.memory_space<vmem>>)
      %dma_wait3A_218 = arith.constant 64 : i32
      %dma_wait3A_219 = arith.constant 0 : i32
      %dma_wait3A_220 = tpu.memref_slice %arg10[%dma_wait3A_218, %dma_wait3A_219] : memref<128x128xf32, #tpu.memory_space<vmem>> -> memref<64x128xf32, #tpu.memory_space<vmem>>
      %dma_wait3A_221 = arith.constant 64 : i32
      %dma_wait3A_222 = tpu.memref_slice %arg7[%add3A_208, %dma_wait3A_221] : memref<40x128xi32, #tpu.memory_space<vmem>> -> memref<1x64xi32, #tpu.memory_space<vmem>>
      %dma_wait3A_223 = tpu.memref_squeeze %dma_wait3A_222 : memref<1x64xi32, #tpu.memory_space<vmem>> -> memref<64xi32, #tpu.memory_space<vmem>>
      %dma_wait3A_224 = arith.constant 0 : i32
      %dma_wait3A_225 = arith.constant 0 : i32
      %dma_wait3A_226 = tpu.memref_slice %arg2[%dma_wait3A_224, %dma_wait3A_225] : memref<10000x128xf32, #tpu.memory_space<hbm>> -> memref<10000x128xf32, #tpu.memory_space<hbm>>
      tpu.wait_indirect_dma semaphore(%arg15 : memref<!tpu.dma_semaphore, #tpu.memory_space<semaphore_mem>>) src(%dma_wait3A_226 : memref<10000x128xf32, #tpu.memory_space<hbm>>) dst(%dma_wait3A_220 : memref<64x128xf32, #tpu.memory_space<vmem>>)
      %add3A_227 = arith.constant 1 : i32
      %add3A_228 = arith.addi %mul3A_182, %add3A_227 : i32
      %dma_start3A_229 = arith.constant 0 : i32
      %dma_start3A_230 = tpu.memref_slice %arg8[%add3A_228, %dma_start3A_229] : memref<40x128xi32, #tpu.memory_space<vmem>> -> memref<1x128xi32, #tpu.memory_space<vmem>>
      %dma_start3A_231 = tpu.memref_squeeze %dma_start3A_230 : memref<1x128xi32, #tpu.memory_space<vmem>> -> memref<128xi32, #tpu.memory_space<vmem>>
      %dma_start3A_232 = arith.constant 0 : i32
      %dma_start3A_233 = arith.constant 0 : i32
      %dma_start3A_234 = tpu.memref_slice %arg11[%dma_start3A_232, %dma_start3A_233] : memref<10112x128xf32, #tpu.memory_space<vmem_shared>> -> memref<10112x128xf32, #tpu.memory_space<vmem_shared>>
      tpu.enqueue_indirect_dma source(%arg10 : memref<128x128xf32, #tpu.memory_space<vmem>>) target(%dma_start3A_234 : memref<10112x128xf32, #tpu.memory_space<vmem_shared>>) offsets(%dma_start3A_231 : memref<128xi32, #tpu.memory_space<vmem>>) semaphore(%arg17 : memref<!tpu.dma_semaphore, #tpu.memory_space<semaphore_mem>>) {add = true}
      %dma_wait3A_235 = arith.constant 0 : i32
      %dma_wait3A_236 = tpu.memref_slice %arg8[%mul3A_182, %dma_wait3A_235] : memref<40x128xi32, #tpu.memory_space<vmem>> -> memref<1x128xi32, #tpu.memory_space<vmem>>
      %dma_wait3A_237 = tpu.memref_squeeze %dma_wait3A_236 : memref<1x128xi32, #tpu.memory_space<vmem>> -> memref<128xi32, #tpu.memory_space<vmem>>
      %dma_wait3A_238 = arith.constant 0 : i32
      %dma_wait3A_239 = arith.constant 0 : i32
      %dma_wait3A_240 = tpu.memref_slice %arg11[%dma_wait3A_238, %dma_wait3A_239] : memref<10112x128xf32, #tpu.memory_space<vmem_shared>> -> memref<10112x128xf32, #tpu.memory_space<vmem_shared>>
      tpu.wait_indirect_dma semaphore(%arg16 : memref<!tpu.dma_semaphore, #tpu.memory_space<semaphore_mem>>) src(%arg9 : memref<128x128xf32, #tpu.memory_space<vmem>>) dst(%dma_wait3A_240 : memref<10112x128xf32, #tpu.memory_space<vmem_shared>>)
      %add3A_241 = arith.constant 2 : i32
      %add3A_242 = arith.addi %mul3A_182, %add3A_241 : i32
      %dma_start3A_243 = arith.constant 0 : i32
      %dma_start3A_244 = arith.constant 0 : i32
      %dma_start3A_245 = tpu.memref_slice %arg9[%dma_start3A_243, %dma_start3A_244] : memref<128x128xf32, #tpu.memory_space<vmem>> -> memref<64x128xf32, #tpu.memory_space<vmem>>
      %dma_start3A_246 = arith.constant 0 : i32
      %dma_start3A_247 = tpu.memref_slice %arg7[%add3A_242, %dma_start3A_246] : memref<40x128xi32, #tpu.memory_space<vmem>> -> memref<1x64xi32, #tpu.memory_space<vmem>>
      %dma_start3A_248 = tpu.memref_squeeze %dma_start3A_247 : memref<1x64xi32, #tpu.memory_space<vmem>> -> memref<64xi32, #tpu.memory_space<vmem>>
      %dma_start3A_249 = arith.constant 0 : i32
      %dma_start3A_250 = arith.constant 0 : i32
      %dma_start3A_251 = tpu.memref_slice %arg2[%dma_start3A_249, %dma_start3A_250] : memref<10000x128xf32, #tpu.memory_space<hbm>> -> memref<10000x128xf32, #tpu.memory_space<hbm>>
      tpu.enqueue_indirect_dma source(%dma_start3A_251 : memref<10000x128xf32, #tpu.memory_space<hbm>>) target(%dma_start3A_245 : memref<64x128xf32, #tpu.memory_space<vmem>>) offsets(%dma_start3A_248 : memref<64xi32, #tpu.memory_space<vmem>>) semaphore(%arg12 : memref<!tpu.dma_semaphore, #tpu.memory_space<semaphore_mem>>)
      %dma_start3A_252 = arith.constant 64 : i32
      %dma_start3A_253 = arith.constant 0 : i32
      %dma_start3A_254 = tpu.memref_slice %arg9[%dma_start3A_252, %dma_start3A_253] : memref<128x128xf32, #tpu.memory_space<vmem>> -> memref<64x128xf32, #tpu.memory_space<vmem>>
      %dma_start3A_255 = arith.constant 64 : i32
      %dma_start3A_256 = tpu.memref_slice %arg7[%add3A_242, %dma_start3A_255] : memref<40x128xi32, #tpu.memory_space<vmem>> -> memref<1x64xi32, #tpu.memory_space<vmem>>
      %dma_start3A_257 = tpu.memref_squeeze %dma_start3A_256 : memref<1x64xi32, #tpu.memory_space<vmem>> -> memref<64xi32, #tpu.memory_space<vmem>>
      %dma_start3A_258 = arith.constant 0 : i32
      %dma_start3A_259 = arith.constant 0 : i32
      %dma_start3A_260 = tpu.memref_slice %arg2[%dma_start3A_258, %dma_start3A_259] : memref<10000x128xf32, #tpu.memory_space<hbm>> -> memref<10000x128xf32, #tpu.memory_space<hbm>>
      tpu.enqueue_indirect_dma source(%dma_start3A_260 : memref<10000x128xf32, #tpu.memory_space<hbm>>) target(%dma_start3A_254 : memref<64x128xf32, #tpu.memory_space<vmem>>) offsets(%dma_start3A_257 : memref<64xi32, #tpu.memory_space<vmem>>) semaphore(%arg13 : memref<!tpu.dma_semaphore, #tpu.memory_space<semaphore_mem>>)
      %add3A_261 = arith.constant 1 : i32
      %add3A_262 = arith.addi %mul3A_182, %add3A_261 : i32
      %dma_wait3A_263 = arith.constant 0 : i32
      %dma_wait3A_264 = tpu.memref_slice %arg8[%add3A_262, %dma_wait3A_263] : memref<40x128xi32, #tpu.memory_space<vmem>> -> memref<1x128xi32, #tpu.memory_space<vmem>>
      %dma_wait3A_265 = tpu.memref_squeeze %dma_wait3A_264 : memref<1x128xi32, #tpu.memory_space<vmem>> -> memref<128xi32, #tpu.memory_space<vmem>>
      %dma_wait3A_266 = arith.constant 0 : i32
      %dma_wait3A_267 = arith.constant 0 : i32
      %dma_wait3A_268 = tpu.memref_slice %arg11[%dma_wait3A_266, %dma_wait3A_267] : memref<10112x128xf32, #tpu.memory_space<vmem_shared>> -> memref<10112x128xf32, #tpu.memory_space<vmem_shared>>
      tpu.wait_indirect_dma semaphore(%arg17 : memref<!tpu.dma_semaphore, #tpu.memory_space<semaphore_mem>>) src(%arg10 : memref<128x128xf32, #tpu.memory_space<vmem>>) dst(%dma_wait3A_268 : memref<10112x128xf32, #tpu.memory_space<vmem_shared>>)
      %add3A_269 = arith.constant 3 : i32
      %add3A_270 = arith.addi %mul3A_182, %add3A_269 : i32
      %dma_start3A_271 = arith.constant 0 : i32
      %dma_start3A_272 = arith.constant 0 : i32
      %dma_start3A_273 = tpu.memref_slice %arg10[%dma_start3A_271, %dma_start3A_272] : memref<128x128xf32, #tpu.memory_space<vmem>> -> memref<64x128xf32, #tpu.memory_space<vmem>>
      %dma_start3A_274 = arith.constant 0 : i32
      %dma_start3A_275 = tpu.memref_slice %arg7[%add3A_270, %dma_start3A_274] : memref<40x128xi32, #tpu.memory_space<vmem>> -> memref<1x64xi32, #tpu.memory_space<vmem>>
      %dma_start3A_276 = tpu.memref_squeeze %dma_start3A_275 : memref<1x64xi32, #tpu.memory_space<vmem>> -> memref<64xi32, #tpu.memory_space<vmem>>
      %dma_start3A_277 = arith.constant 0 : i32
      %dma_start3A_278 = arith.constant 0 : i32
      %dma_start3A_279 = tpu.memref_slice %arg2[%dma_start3A_277, %dma_start3A_278] : memref<10000x128xf32, #tpu.memory_space<hbm>> -> memref<10000x128xf32, #tpu.memory_space<hbm>>
      tpu.enqueue_indirect_dma source(%dma_start3A_279 : memref<10000x128xf32, #tpu.memory_space<hbm>>) target(%dma_start3A_273 : memref<64x128xf32, #tpu.memory_space<vmem>>) offsets(%dma_start3A_276 : memref<64xi32, #tpu.memory_space<vmem>>) semaphore(%arg14 : memref<!tpu.dma_semaphore, #tpu.memory_space<semaphore_mem>>)
      %dma_start3A_280 = arith.constant 64 : i32
      %dma_start3A_281 = arith.constant 0 : i32
      %dma_start3A_282 = tpu.memref_slice %arg10[%dma_start3A_280, %dma_start3A_281] : memref<128x128xf32, #tpu.memory_space<vmem>> -> memref<64x128xf32, #tpu.memory_space<vmem>>
      %dma_start3A_283 = arith.constant 64 : i32
      %dma_start3A_284 = tpu.memref_slice %arg7[%add3A_270, %dma_start3A_283] : memref<40x128xi32, #tpu.memory_space<vmem>> -> memref<1x64xi32, #tpu.memory_space<vmem>>
      %dma_start3A_285 = tpu.memref_squeeze %dma_start3A_284 : memref<1x64xi32, #tpu.memory_space<vmem>> -> memref<64xi32, #tpu.memory_space<vmem>>
      %dma_start3A_286 = arith.constant 0 : i32
      %dma_start3A_287 = arith.constant 0 : i32
      %dma_start3A_288 = tpu.memref_slice %arg2[%dma_start3A_286, %dma_start3A_287] : memref<10000x128xf32, #tpu.memory_space<hbm>> -> memref<10000x128xf32, #tpu.memory_space<hbm>>
      tpu.enqueue_indirect_dma source(%dma_start3A_288 : memref<10000x128xf32, #tpu.memory_space<hbm>>) target(%dma_start3A_282 : memref<64x128xf32, #tpu.memory_space<vmem>>) offsets(%dma_start3A_285 : memref<64xi32, #tpu.memory_space<vmem>>) semaphore(%arg15 : memref<!tpu.dma_semaphore, #tpu.memory_space<semaphore_mem>>)
    }
    %scan3A_46 = arith.constant 19 : i32
    %dma_wait3A = arith.constant 38 : i32
    %dma_wait3A_47 = arith.constant 0 : i32
    %dma_wait3A_48 = arith.constant 0 : i32
    %dma_wait3A_49 = tpu.memref_slice %arg9[%dma_wait3A_47, %dma_wait3A_48] : memref<128x128xf32, #tpu.memory_space<vmem>> -> memref<64x128xf32, #tpu.memory_space<vmem>>
    %dma_wait3A_50 = arith.constant 0 : i32
    %dma_wait3A_51 = tpu.memref_slice %arg7[%dma_wait3A, %dma_wait3A_50] : memref<40x128xi32, #tpu.memory_space<vmem>> -> memref<1x64xi32, #tpu.memory_space<vmem>>
    %dma_wait3A_52 = tpu.memref_squeeze %dma_wait3A_51 : memref<1x64xi32, #tpu.memory_space<vmem>> -> memref<64xi32, #tpu.memory_space<vmem>>
    %dma_wait3A_53 = arith.constant 0 : i32
    %dma_wait3A_54 = arith.constant 0 : i32
    %dma_wait3A_55 = tpu.memref_slice %arg2[%dma_wait3A_53, %dma_wait3A_54] : memref<10000x128xf32, #tpu.memory_space<hbm>> -> memref<10000x128xf32, #tpu.memory_space<hbm>>
    tpu.wait_indirect_dma semaphore(%arg12 : memref<!tpu.dma_semaphore, #tpu.memory_space<semaphore_mem>>) src(%dma_wait3A_55 : memref<10000x128xf32, #tpu.memory_space<hbm>>) dst(%dma_wait3A_49 : memref<64x128xf32, #tpu.memory_space<vmem>>)
    %dma_wait3A_56 = arith.constant 38 : i32
    %dma_wait3A_57 = arith.constant 64 : i32
    %dma_wait3A_58 = arith.constant 0 : i32
    %dma_wait3A_59 = tpu.memref_slice %arg9[%dma_wait3A_57, %dma_wait3A_58] : memref<128x128xf32, #tpu.memory_space<vmem>> -> memref<64x128xf32, #tpu.memory_space<vmem>>
    %dma_wait3A_60 = arith.constant 64 : i32
    %dma_wait3A_61 = tpu.memref_slice %arg7[%dma_wait3A_56, %dma_wait3A_60] : memref<40x128xi32, #tpu.memory_space<vmem>> -> memref<1x64xi32, #tpu.memory_space<vmem>>
    %dma_wait3A_62 = tpu.memref_squeeze %dma_wait3A_61 : memref<1x64xi32, #tpu.memory_space<vmem>> -> memref<64xi32, #tpu.memory_space<vmem>>
    %dma_wait3A_63 = arith.constant 0 : i32
    %dma_wait3A_64 = arith.constant 0 : i32
    %dma_wait3A_65 = tpu.memref_slice %arg2[%dma_wait3A_63, %dma_wait3A_64] : memref<10000x128xf32, #tpu.memory_space<hbm>> -> memref<10000x128xf32, #tpu.memory_space<hbm>>
    tpu.wait_indirect_dma semaphore(%arg13 : memref<!tpu.dma_semaphore, #tpu.memory_space<semaphore_mem>>) src(%dma_wait3A_65 : memref<10000x128xf32, #tpu.memory_space<hbm>>) dst(%dma_wait3A_59 : memref<64x128xf32, #tpu.memory_space<vmem>>)
    %run_scoped3A = arith.constant 38 : i32
    "tpu.region"() ({
      %run_scoped3A_180 = tpu.sem_alloc : memref<!tpu.dma_semaphore, #tpu.memory_space<semaphore_mem>>
      %dma_start3A_181 = arith.constant 0 : i32
      %dma_start3A_182 = tpu.memref_slice %arg8[%run_scoped3A, %dma_start3A_181] : memref<40x128xi32, #tpu.memory_space<vmem>> -> memref<1x128xi32, #tpu.memory_space<vmem>>
      %dma_start3A_183 = tpu.memref_squeeze %dma_start3A_182 : memref<1x128xi32, #tpu.memory_space<vmem>> -> memref<128xi32, #tpu.memory_space<vmem>>
      %dma_start3A_184 = arith.constant 0 : i32
      %dma_start3A_185 = arith.constant 0 : i32
      %dma_start3A_186 = tpu.memref_slice %arg11[%dma_start3A_184, %dma_start3A_185] : memref<10112x128xf32, #tpu.memory_space<vmem_shared>> -> memref<10112x128xf32, #tpu.memory_space<vmem_shared>>
      tpu.enqueue_indirect_dma source(%arg9 : memref<128x128xf32, #tpu.memory_space<vmem>>) target(%dma_start3A_186 : memref<10112x128xf32, #tpu.memory_space<vmem_shared>>) offsets(%dma_start3A_183 : memref<128xi32, #tpu.memory_space<vmem>>) semaphore(%run_scoped3A_180 : memref<!tpu.dma_semaphore, #tpu.memory_space<semaphore_mem>>) {add = true}
      %dma_wait3A_187 = arith.constant 0 : i32
      %dma_wait3A_188 = tpu.memref_slice %arg8[%run_scoped3A, %dma_wait3A_187] : memref<40x128xi32, #tpu.memory_space<vmem>> -> memref<1x128xi32, #tpu.memory_space<vmem>>
      %dma_wait3A_189 = tpu.memref_squeeze %dma_wait3A_188 : memref<1x128xi32, #tpu.memory_space<vmem>> -> memref<128xi32, #tpu.memory_space<vmem>>
      %dma_wait3A_190 = arith.constant 0 : i32
      %dma_wait3A_191 = arith.constant 0 : i32
      %dma_wait3A_192 = tpu.memref_slice %arg11[%dma_wait3A_190, %dma_wait3A_191] : memref<10112x128xf32, #tpu.memory_space<vmem_shared>> -> memref<10112x128xf32, #tpu.memory_space<vmem_shared>>
      tpu.wait_indirect_dma semaphore(%run_scoped3A_180 : memref<!tpu.dma_semaphore, #tpu.memory_space<semaphore_mem>>) src(%arg9 : memref<128x128xf32, #tpu.memory_space<vmem>>) dst(%dma_wait3A_192 : memref<10112x128xf32, #tpu.memory_space<vmem_shared>>)
      tpu.yield
    }) : () -> ()
    %dma_wait3A_66 = arith.constant 39 : i32
    %dma_wait3A_67 = arith.constant 0 : i32
    %dma_wait3A_68 = arith.constant 0 : i32
    %dma_wait3A_69 = tpu.memref_slice %arg10[%dma_wait3A_67, %dma_wait3A_68] : memref<128x128xf32, #tpu.memory_space<vmem>> -> memref<64x128xf32, #tpu.memory_space<vmem>>
    %dma_wait3A_70 = arith.constant 0 : i32
    %dma_wait3A_71 = tpu.memref_slice %arg7[%dma_wait3A_66, %dma_wait3A_70] : memref<40x128xi32, #tpu.memory_space<vmem>> -> memref<1x64xi32, #tpu.memory_space<vmem>>
    %dma_wait3A_72 = tpu.memref_squeeze %dma_wait3A_71 : memref<1x64xi32, #tpu.memory_space<vmem>> -> memref<64xi32, #tpu.memory_space<vmem>>
    %dma_wait3A_73 = arith.constant 0 : i32
    %dma_wait3A_74 = arith.constant 0 : i32
    %dma_wait3A_75 = tpu.memref_slice %arg2[%dma_wait3A_73, %dma_wait3A_74] : memref<10000x128xf32, #tpu.memory_space<hbm>> -> memref<10000x128xf32, #tpu.memory_space<hbm>>
    tpu.wait_indirect_dma semaphore(%arg14 : memref<!tpu.dma_semaphore, #tpu.memory_space<semaphore_mem>>) src(%dma_wait3A_75 : memref<10000x128xf32, #tpu.memory_space<hbm>>) dst(%dma_wait3A_69 : memref<64x128xf32, #tpu.memory_space<vmem>>)
    %dma_wait3A_76 = arith.constant 39 : i32
    %dma_wait3A_77 = arith.constant 64 : i32
    %dma_wait3A_78 = arith.constant 0 : i32
    %dma_wait3A_79 = tpu.memref_slice %arg10[%dma_wait3A_77, %dma_wait3A_78] : memref<128x128xf32, #tpu.memory_space<vmem>> -> memref<64x128xf32, #tpu.memory_space<vmem>>
    %dma_wait3A_80 = arith.constant 64 : i32
    %dma_wait3A_81 = tpu.memref_slice %arg7[%dma_wait3A_76, %dma_wait3A_80] : memref<40x128xi32, #tpu.memory_space<vmem>> -> memref<1x64xi32, #tpu.memory_space<vmem>>
    %dma_wait3A_82 = tpu.memref_squeeze %dma_wait3A_81 : memref<1x64xi32, #tpu.memory_space<vmem>> -> memref<64xi32, #tpu.memory_space<vmem>>
    %dma_wait3A_83 = arith.constant 0 : i32
    %dma_wait3A_84 = arith.constant 0 : i32
    %dma_wait3A_85 = tpu.memref_slice %arg2[%dma_wait3A_83, %dma_wait3A_84] : memref<10000x128xf32, #tpu.memory_space<hbm>> -> memref<10000x128xf32, #tpu.memory_space<hbm>>
    tpu.wait_indirect_dma semaphore(%arg15 : memref<!tpu.dma_semaphore, #tpu.memory_space<semaphore_mem>>) src(%dma_wait3A_85 : memref<10000x128xf32, #tpu.memory_space<hbm>>) dst(%dma_wait3A_79 : memref<64x128xf32, #tpu.memory_space<vmem>>)
    %run_scoped3A_86 = arith.constant 39 : i32
    "tpu.region"() ({
      %run_scoped3A_180 = tpu.sem_alloc : memref<!tpu.dma_semaphore, #tpu.memory_space<semaphore_mem>>
      %dma_start3A_181 = arith.constant 0 : i32
      %dma_start3A_182 = tpu.memref_slice %arg8[%run_scoped3A_86, %dma_start3A_181] : memref<40x128xi32, #tpu.memory_space<vmem>> -> memref<1x128xi32, #tpu.memory_space<vmem>>
      %dma_start3A_183 = tpu.memref_squeeze %dma_start3A_182 : memref<1x128xi32, #tpu.memory_space<vmem>> -> memref<128xi32, #tpu.memory_space<vmem>>
      %dma_start3A_184 = arith.constant 0 : i32
      %dma_start3A_185 = arith.constant 0 : i32
      %dma_start3A_186 = tpu.memref_slice %arg11[%dma_start3A_184, %dma_start3A_185] : memref<10112x128xf32, #tpu.memory_space<vmem_shared>> -> memref<10112x128xf32, #tpu.memory_space<vmem_shared>>
      tpu.enqueue_indirect_dma source(%arg10 : memref<128x128xf32, #tpu.memory_space<vmem>>) target(%dma_start3A_186 : memref<10112x128xf32, #tpu.memory_space<vmem_shared>>) offsets(%dma_start3A_183 : memref<128xi32, #tpu.memory_space<vmem>>) semaphore(%run_scoped3A_180 : memref<!tpu.dma_semaphore, #tpu.memory_space<semaphore_mem>>) {add = true}
      %dma_wait3A_187 = arith.constant 0 : i32
      %dma_wait3A_188 = tpu.memref_slice %arg8[%run_scoped3A_86, %dma_wait3A_187] : memref<40x128xi32, #tpu.memory_space<vmem>> -> memref<1x128xi32, #tpu.memory_space<vmem>>
      %dma_wait3A_189 = tpu.memref_squeeze %dma_wait3A_188 : memref<1x128xi32, #tpu.memory_space<vmem>> -> memref<128xi32, #tpu.memory_space<vmem>>
      %dma_wait3A_190 = arith.constant 0 : i32
      %dma_wait3A_191 = arith.constant 0 : i32
      %dma_wait3A_192 = tpu.memref_slice %arg11[%dma_wait3A_190, %dma_wait3A_191] : memref<10112x128xf32, #tpu.memory_space<vmem_shared>> -> memref<10112x128xf32, #tpu.memory_space<vmem_shared>>
      tpu.wait_indirect_dma semaphore(%run_scoped3A_180 : memref<!tpu.dma_semaphore, #tpu.memory_space<semaphore_mem>>) src(%arg10 : memref<128x128xf32, #tpu.memory_space<vmem>>) dst(%dma_wait3A_192 : memref<10112x128xf32, #tpu.memory_space<vmem_shared>>)
      tpu.yield
    }) : () -> ()
    "tpu.region"() ({
      %run_scoped3A_180 = tpu.sem_alloc : memref<!tpu.dma_semaphore, #tpu.memory_space<semaphore_mem>>
      %dma_start3A_181 = arith.constant 40 : i32
      %dma_start3A_182 = arith.constant 0 : i32
      %dma_start3A_183 = tpu.memref_slice %arg3[%add3A, %dma_start3A_181, %dma_start3A_182] : memref<32x80x128xi32, #tpu.memory_space<hbm>> -> memref<1x40x128xi32, #tpu.memory_space<hbm>>
      %dma_start3A_184 = tpu.memref_squeeze %dma_start3A_183 : memref<1x40x128xi32, #tpu.memory_space<hbm>> -> memref<40x128xi32, #tpu.memory_space<hbm>>
      %dma_start3A_185 = arith.constant 40 : i32
      %dma_start3A_186 = arith.constant 0 : i32
      %dma_start3A_187 = tpu.memref_slice %arg3[%add3A, %dma_start3A_185, %dma_start3A_186] : memref<32x80x128xi32, #tpu.memory_space<hbm>> -> memref<1x40x128xi32, #tpu.memory_space<hbm>>
      %dma_start3A_188 = tpu.memref_squeeze %dma_start3A_187 : memref<1x40x128xi32, #tpu.memory_space<hbm>> -> memref<40x128xi32, #tpu.memory_space<hbm>>
      tpu.enqueue_dma source(%dma_start3A_188 : memref<40x128xi32, #tpu.memory_space<hbm>>) target(%arg7 : memref<40x128xi32, #tpu.memory_space<vmem>>) target_semaphore(%run_scoped3A_180 : memref<!tpu.dma_semaphore, #tpu.memory_space<semaphore_mem>>)
      %dma_wait3A_189 = arith.constant 40 : i32
      %dma_wait3A_190 = arith.constant 0 : i32
      %dma_wait3A_191 = tpu.memref_slice %arg3[%add3A, %dma_wait3A_189, %dma_wait3A_190] : memref<32x80x128xi32, #tpu.memory_space<hbm>> -> memref<1x40x128xi32, #tpu.memory_space<hbm>>
      %dma_wait3A_192 = tpu.memref_squeeze %dma_wait3A_191 : memref<1x40x128xi32, #tpu.memory_space<hbm>> -> memref<40x128xi32, #tpu.memory_space<hbm>>
      %dma_wait3A_193 = arith.constant 40 : i32
      %dma_wait3A_194 = arith.constant 0 : i32
      %dma_wait3A_195 = tpu.memref_slice %arg3[%add3A, %dma_wait3A_193, %dma_wait3A_194] : memref<32x80x128xi32, #tpu.memory_space<hbm>> -> memref<1x40x128xi32, #tpu.memory_space<hbm>>
      %dma_wait3A_196 = tpu.memref_squeeze %dma_wait3A_195 : memref<1x40x128xi32, #tpu.memory_space<hbm>> -> memref<40x128xi32, #tpu.memory_space<hbm>>
      tpu.wait_dma2 semaphore(%run_scoped3A_180 : memref<!tpu.dma_semaphore, #tpu.memory_space<semaphore_mem>>) src(%dma_wait3A_196 : memref<40x128xi32, #tpu.memory_space<hbm>>) dst(%arg7 : memref<40x128xi32, #tpu.memory_space<vmem>>)
      tpu.yield
    }) : () -> ()
    "tpu.region"() ({
      %run_scoped3A_180 = tpu.sem_alloc : memref<!tpu.dma_semaphore, #tpu.memory_space<semaphore_mem>>
      %dma_start3A_181 = arith.constant 40 : i32
      %dma_start3A_182 = arith.constant 0 : i32
      %dma_start3A_183 = tpu.memref_slice %arg4[%add3A, %dma_start3A_181, %dma_start3A_182] : memref<32x80x128xi32, #tpu.memory_space<hbm>> -> memref<1x40x128xi32, #tpu.memory_space<hbm>>
      %dma_start3A_184 = tpu.memref_squeeze %dma_start3A_183 : memref<1x40x128xi32, #tpu.memory_space<hbm>> -> memref<40x128xi32, #tpu.memory_space<hbm>>
      %dma_start3A_185 = arith.constant 40 : i32
      %dma_start3A_186 = arith.constant 0 : i32
      %dma_start3A_187 = tpu.memref_slice %arg4[%add3A, %dma_start3A_185, %dma_start3A_186] : memref<32x80x128xi32, #tpu.memory_space<hbm>> -> memref<1x40x128xi32, #tpu.memory_space<hbm>>
      %dma_start3A_188 = tpu.memref_squeeze %dma_start3A_187 : memref<1x40x128xi32, #tpu.memory_space<hbm>> -> memref<40x128xi32, #tpu.memory_space<hbm>>
      tpu.enqueue_dma source(%dma_start3A_188 : memref<40x128xi32, #tpu.memory_space<hbm>>) target(%arg8 : memref<40x128xi32, #tpu.memory_space<vmem>>) target_semaphore(%run_scoped3A_180 : memref<!tpu.dma_semaphore, #tpu.memory_space<semaphore_mem>>)
      %dma_wait3A_189 = arith.constant 40 : i32
      %dma_wait3A_190 = arith.constant 0 : i32
      %dma_wait3A_191 = tpu.memref_slice %arg4[%add3A, %dma_wait3A_189, %dma_wait3A_190] : memref<32x80x128xi32, #tpu.memory_space<hbm>> -> memref<1x40x128xi32, #tpu.memory_space<hbm>>
      %dma_wait3A_192 = tpu.memref_squeeze %dma_wait3A_191 : memref<1x40x128xi32, #tpu.memory_space<hbm>> -> memref<40x128xi32, #tpu.memory_space<hbm>>
      %dma_wait3A_193 = arith.constant 40 : i32
      %dma_wait3A_194 = arith.constant 0 : i32
      %dma_wait3A_195 = tpu.memref_slice %arg4[%add3A, %dma_wait3A_193, %dma_wait3A_194] : memref<32x80x128xi32, #tpu.memory_space<hbm>> -> memref<1x40x128xi32, #tpu.memory_space<hbm>>
      %dma_wait3A_196 = tpu.memref_squeeze %dma_wait3A_195 : memref<1x40x128xi32, #tpu.memory_space<hbm>> -> memref<40x128xi32, #tpu.memory_space<hbm>>
      tpu.wait_dma2 semaphore(%run_scoped3A_180 : memref<!tpu.dma_semaphore, #tpu.memory_space<semaphore_mem>>) src(%dma_wait3A_196 : memref<40x128xi32, #tpu.memory_space<hbm>>) dst(%arg8 : memref<40x128xi32, #tpu.memory_space<vmem>>)
      tpu.yield
    }) : () -> ()
    %dma_start3A_87 = arith.constant 0 : i32
    %dma_start3A_88 = arith.constant 0 : i32
    %dma_start3A_89 = arith.constant 0 : i32
    %dma_start3A_90 = tpu.memref_slice %arg9[%dma_start3A_88, %dma_start3A_89] : memref<128x128xf32, #tpu.memory_space<vmem>> -> memref<64x128xf32, #tpu.memory_space<vmem>>
    %dma_start3A_91 = arith.constant 0 : i32
    %dma_start3A_92 = tpu.memref_slice %arg7[%dma_start3A_87, %dma_start3A_91] : memref<40x128xi32, #tpu.memory_space<vmem>> -> memref<1x64xi32, #tpu.memory_space<vmem>>
    %dma_start3A_93 = tpu.memref_squeeze %dma_start3A_92 : memref<1x64xi32, #tpu.memory_space<vmem>> -> memref<64xi32, #tpu.memory_space<vmem>>
    %dma_start3A_94 = arith.constant 0 : i32
    %dma_start3A_95 = arith.constant 0 : i32
    %dma_start3A_96 = tpu.memref_slice %arg2[%dma_start3A_94, %dma_start3A_95] : memref<10000x128xf32, #tpu.memory_space<hbm>> -> memref<10000x128xf32, #tpu.memory_space<hbm>>
    tpu.enqueue_indirect_dma source(%dma_start3A_96 : memref<10000x128xf32, #tpu.memory_space<hbm>>) target(%dma_start3A_90 : memref<64x128xf32, #tpu.memory_space<vmem>>) offsets(%dma_start3A_93 : memref<64xi32, #tpu.memory_space<vmem>>) semaphore(%arg12 : memref<!tpu.dma_semaphore, #tpu.memory_space<semaphore_mem>>)
    %dma_start3A_97 = arith.constant 0 : i32
    %dma_start3A_98 = arith.constant 64 : i32
    %dma_start3A_99 = arith.constant 0 : i32
    %dma_start3A_100 = tpu.memref_slice %arg9[%dma_start3A_98, %dma_start3A_99] : memref<128x128xf32, #tpu.memory_space<vmem>> -> memref<64x128xf32, #tpu.memory_space<vmem>>
    %dma_start3A_101 = arith.constant 64 : i32
    %dma_start3A_102 = tpu.memref_slice %arg7[%dma_start3A_97, %dma_start3A_101] : memref<40x128xi32, #tpu.memory_space<vmem>> -> memref<1x64xi32, #tpu.memory_space<vmem>>
    %dma_start3A_103 = tpu.memref_squeeze %dma_start3A_102 : memref<1x64xi32, #tpu.memory_space<vmem>> -> memref<64xi32, #tpu.memory_space<vmem>>
    %dma_start3A_104 = arith.constant 0 : i32
    %dma_start3A_105 = arith.constant 0 : i32
    %dma_start3A_106 = tpu.memref_slice %arg2[%dma_start3A_104, %dma_start3A_105] : memref<10000x128xf32, #tpu.memory_space<hbm>> -> memref<10000x128xf32, #tpu.memory_space<hbm>>
    tpu.enqueue_indirect_dma source(%dma_start3A_106 : memref<10000x128xf32, #tpu.memory_space<hbm>>) target(%dma_start3A_100 : memref<64x128xf32, #tpu.memory_space<vmem>>) offsets(%dma_start3A_103 : memref<64xi32, #tpu.memory_space<vmem>>) semaphore(%arg13 : memref<!tpu.dma_semaphore, #tpu.memory_space<semaphore_mem>>)
    %dma_start3A_107 = arith.constant 1 : i32
    %dma_start3A_108 = arith.constant 0 : i32
    %dma_start3A_109 = arith.constant 0 : i32
    %dma_start3A_110 = tpu.memref_slice %arg10[%dma_start3A_108, %dma_start3A_109] : memref<128x128xf32, #tpu.memory_space<vmem>> -> memref<64x128xf32, #tpu.memory_space<vmem>>
    %dma_start3A_111 = arith.constant 0 : i32
    %dma_start3A_112 = tpu.memref_slice %arg7[%dma_start3A_107, %dma_start3A_111] : memref<40x128xi32, #tpu.memory_space<vmem>> -> memref<1x64xi32, #tpu.memory_space<vmem>>
    %dma_start3A_113 = tpu.memref_squeeze %dma_start3A_112 : memref<1x64xi32, #tpu.memory_space<vmem>> -> memref<64xi32, #tpu.memory_space<vmem>>
    %dma_start3A_114 = arith.constant 0 : i32
    %dma_start3A_115 = arith.constant 0 : i32
    %dma_start3A_116 = tpu.memref_slice %arg2[%dma_start3A_114, %dma_start3A_115] : memref<10000x128xf32, #tpu.memory_space<hbm>> -> memref<10000x128xf32, #tpu.memory_space<hbm>>
    tpu.enqueue_indirect_dma source(%dma_start3A_116 : memref<10000x128xf32, #tpu.memory_space<hbm>>) target(%dma_start3A_110 : memref<64x128xf32, #tpu.memory_space<vmem>>) offsets(%dma_start3A_113 : memref<64xi32, #tpu.memory_space<vmem>>) semaphore(%arg14 : memref<!tpu.dma_semaphore, #tpu.memory_space<semaphore_mem>>)
    %dma_start3A_117 = arith.constant 1 : i32
    %dma_start3A_118 = arith.constant 64 : i32
    %dma_start3A_119 = arith.constant 0 : i32
    %dma_start3A_120 = tpu.memref_slice %arg10[%dma_start3A_118, %dma_start3A_119] : memref<128x128xf32, #tpu.memory_space<vmem>> -> memref<64x128xf32, #tpu.memory_space<vmem>>
    %dma_start3A_121 = arith.constant 64 : i32
    %dma_start3A_122 = tpu.memref_slice %arg7[%dma_start3A_117, %dma_start3A_121] : memref<40x128xi32, #tpu.memory_space<vmem>> -> memref<1x64xi32, #tpu.memory_space<vmem>>
    %dma_start3A_123 = tpu.memref_squeeze %dma_start3A_122 : memref<1x64xi32, #tpu.memory_space<vmem>> -> memref<64xi32, #tpu.memory_space<vmem>>
    %dma_start3A_124 = arith.constant 0 : i32
    %dma_start3A_125 = arith.constant 0 : i32
    %dma_start3A_126 = tpu.memref_slice %arg2[%dma_start3A_124, %dma_start3A_125] : memref<10000x128xf32, #tpu.memory_space<hbm>> -> memref<10000x128xf32, #tpu.memory_space<hbm>>
    tpu.enqueue_indirect_dma source(%dma_start3A_126 : memref<10000x128xf32, #tpu.memory_space<hbm>>) target(%dma_start3A_120 : memref<64x128xf32, #tpu.memory_space<vmem>>) offsets(%dma_start3A_123 : memref<64xi32, #tpu.memory_space<vmem>>) semaphore(%arg15 : memref<!tpu.dma_semaphore, #tpu.memory_space<semaphore_mem>>)
    %scan3A_127 = arith.constant 0 : i32
    %scan3A_128 = arith.constant 0 : i32
    %scan3A_129 = arith.constant 19 : i32
    %scan3A_130 = arith.addi %scan3A_128, %scan3A_129 : i32
    %scan3A_131 = arith.constant 1 : i32
    scf.for %scan3A_180 = %scan3A_128 to %scan3A_130 step %scan3A_131  : i32 {
      %mul3A_181 = arith.constant 2 : i32
      %mul3A_182 = arith.muli %mul3A_181, %scan3A_180 : i32
      %dma_wait3A_183 = arith.constant 0 : i32
      %dma_wait3A_184 = arith.constant 0 : i32
      %dma_wait3A_185 = tpu.memref_slice %arg9[%dma_wait3A_183, %dma_wait3A_184] : memref<128x128xf32, #tpu.memory_space<vmem>> -> memref<64x128xf32, #tpu.memory_space<vmem>>
      %dma_wait3A_186 = arith.constant 0 : i32
      %dma_wait3A_187 = tpu.memref_slice %arg7[%mul3A_182, %dma_wait3A_186] : memref<40x128xi32, #tpu.memory_space<vmem>> -> memref<1x64xi32, #tpu.memory_space<vmem>>
      %dma_wait3A_188 = tpu.memref_squeeze %dma_wait3A_187 : memref<1x64xi32, #tpu.memory_space<vmem>> -> memref<64xi32, #tpu.memory_space<vmem>>
      %dma_wait3A_189 = arith.constant 0 : i32
      %dma_wait3A_190 = arith.constant 0 : i32
      %dma_wait3A_191 = tpu.memref_slice %arg2[%dma_wait3A_189, %dma_wait3A_190] : memref<10000x128xf32, #tpu.memory_space<hbm>> -> memref<10000x128xf32, #tpu.memory_space<hbm>>
      tpu.wait_indirect_dma semaphore(%arg12 : memref<!tpu.dma_semaphore, #tpu.memory_space<semaphore_mem>>) src(%dma_wait3A_191 : memref<10000x128xf32, #tpu.memory_space<hbm>>) dst(%dma_wait3A_185 : memref<64x128xf32, #tpu.memory_space<vmem>>)
      %dma_wait3A_192 = arith.constant 64 : i32
      %dma_wait3A_193 = arith.constant 0 : i32
      %dma_wait3A_194 = tpu.memref_slice %arg9[%dma_wait3A_192, %dma_wait3A_193] : memref<128x128xf32, #tpu.memory_space<vmem>> -> memref<64x128xf32, #tpu.memory_space<vmem>>
      %dma_wait3A_195 = arith.constant 64 : i32
      %dma_wait3A_196 = tpu.memref_slice %arg7[%mul3A_182, %dma_wait3A_195] : memref<40x128xi32, #tpu.memory_space<vmem>> -> memref<1x64xi32, #tpu.memory_space<vmem>>
      %dma_wait3A_197 = tpu.memref_squeeze %dma_wait3A_196 : memref<1x64xi32, #tpu.memory_space<vmem>> -> memref<64xi32, #tpu.memory_space<vmem>>
      %dma_wait3A_198 = arith.constant 0 : i32
      %dma_wait3A_199 = arith.constant 0 : i32
      %dma_wait3A_200 = tpu.memref_slice %arg2[%dma_wait3A_198, %dma_wait3A_199] : memref<10000x128xf32, #tpu.memory_space<hbm>> -> memref<10000x128xf32, #tpu.memory_space<hbm>>
      tpu.wait_indirect_dma semaphore(%arg13 : memref<!tpu.dma_semaphore, #tpu.memory_space<semaphore_mem>>) src(%dma_wait3A_200 : memref<10000x128xf32, #tpu.memory_space<hbm>>) dst(%dma_wait3A_194 : memref<64x128xf32, #tpu.memory_space<vmem>>)
      %dma_start3A_201 = arith.constant 0 : i32
      %dma_start3A_202 = tpu.memref_slice %arg8[%mul3A_182, %dma_start3A_201] : memref<40x128xi32, #tpu.memory_space<vmem>> -> memref<1x128xi32, #tpu.memory_space<vmem>>
      %dma_start3A_203 = tpu.memref_squeeze %dma_start3A_202 : memref<1x128xi32, #tpu.memory_space<vmem>> -> memref<128xi32, #tpu.memory_space<vmem>>
      %dma_start3A_204 = arith.constant 0 : i32
      %dma_start3A_205 = arith.constant 0 : i32
      %dma_start3A_206 = tpu.memref_slice %arg11[%dma_start3A_204, %dma_start3A_205] : memref<10112x128xf32, #tpu.memory_space<vmem_shared>> -> memref<10112x128xf32, #tpu.memory_space<vmem_shared>>
      tpu.enqueue_indirect_dma source(%arg9 : memref<128x128xf32, #tpu.memory_space<vmem>>) target(%dma_start3A_206 : memref<10112x128xf32, #tpu.memory_space<vmem_shared>>) offsets(%dma_start3A_203 : memref<128xi32, #tpu.memory_space<vmem>>) semaphore(%arg16 : memref<!tpu.dma_semaphore, #tpu.memory_space<semaphore_mem>>) {add = true}
      %add3A_207 = arith.constant 1 : i32
      %add3A_208 = arith.addi %mul3A_182, %add3A_207 : i32
      %dma_wait3A_209 = arith.constant 0 : i32
      %dma_wait3A_210 = arith.constant 0 : i32
      %dma_wait3A_211 = tpu.memref_slice %arg10[%dma_wait3A_209, %dma_wait3A_210] : memref<128x128xf32, #tpu.memory_space<vmem>> -> memref<64x128xf32, #tpu.memory_space<vmem>>
      %dma_wait3A_212 = arith.constant 0 : i32
      %dma_wait3A_213 = tpu.memref_slice %arg7[%add3A_208, %dma_wait3A_212] : memref<40x128xi32, #tpu.memory_space<vmem>> -> memref<1x64xi32, #tpu.memory_space<vmem>>
      %dma_wait3A_214 = tpu.memref_squeeze %dma_wait3A_213 : memref<1x64xi32, #tpu.memory_space<vmem>> -> memref<64xi32, #tpu.memory_space<vmem>>
      %dma_wait3A_215 = arith.constant 0 : i32
      %dma_wait3A_216 = arith.constant 0 : i32
      %dma_wait3A_217 = tpu.memref_slice %arg2[%dma_wait3A_215, %dma_wait3A_216] : memref<10000x128xf32, #tpu.memory_space<hbm>> -> memref<10000x128xf32, #tpu.memory_space<hbm>>
      tpu.wait_indirect_dma semaphore(%arg14 : memref<!tpu.dma_semaphore, #tpu.memory_space<semaphore_mem>>) src(%dma_wait3A_217 : memref<10000x128xf32, #tpu.memory_space<hbm>>) dst(%dma_wait3A_211 : memref<64x128xf32, #tpu.memory_space<vmem>>)
      %dma_wait3A_218 = arith.constant 64 : i32
      %dma_wait3A_219 = arith.constant 0 : i32
      %dma_wait3A_220 = tpu.memref_slice %arg10[%dma_wait3A_218, %dma_wait3A_219] : memref<128x128xf32, #tpu.memory_space<vmem>> -> memref<64x128xf32, #tpu.memory_space<vmem>>
      %dma_wait3A_221 = arith.constant 64 : i32
      %dma_wait3A_222 = tpu.memref_slice %arg7[%add3A_208, %dma_wait3A_221] : memref<40x128xi32, #tpu.memory_space<vmem>> -> memref<1x64xi32, #tpu.memory_space<vmem>>
      %dma_wait3A_223 = tpu.memref_squeeze %dma_wait3A_222 : memref<1x64xi32, #tpu.memory_space<vmem>> -> memref<64xi32, #tpu.memory_space<vmem>>
      %dma_wait3A_224 = arith.constant 0 : i32
      %dma_wait3A_225 = arith.constant 0 : i32
      %dma_wait3A_226 = tpu.memref_slice %arg2[%dma_wait3A_224, %dma_wait3A_225] : memref<10000x128xf32, #tpu.memory_space<hbm>> -> memref<10000x128xf32, #tpu.memory_space<hbm>>
      tpu.wait_indirect_dma semaphore(%arg15 : memref<!tpu.dma_semaphore, #tpu.memory_space<semaphore_mem>>) src(%dma_wait3A_226 : memref<10000x128xf32, #tpu.memory_space<hbm>>) dst(%dma_wait3A_220 : memref<64x128xf32, #tpu.memory_space<vmem>>)
      %add3A_227 = arith.constant 1 : i32
      %add3A_228 = arith.addi %mul3A_182, %add3A_227 : i32
      %dma_start3A_229 = arith.constant 0 : i32
      %dma_start3A_230 = tpu.memref_slice %arg8[%add3A_228, %dma_start3A_229] : memref<40x128xi32, #tpu.memory_space<vmem>> -> memref<1x128xi32, #tpu.memory_space<vmem>>
      %dma_start3A_231 = tpu.memref_squeeze %dma_start3A_230 : memref<1x128xi32, #tpu.memory_space<vmem>> -> memref<128xi32, #tpu.memory_space<vmem>>
      %dma_start3A_232 = arith.constant 0 : i32
      %dma_start3A_233 = arith.constant 0 : i32
      %dma_start3A_234 = tpu.memref_slice %arg11[%dma_start3A_232, %dma_start3A_233] : memref<10112x128xf32, #tpu.memory_space<vmem_shared>> -> memref<10112x128xf32, #tpu.memory_space<vmem_shared>>
      tpu.enqueue_indirect_dma source(%arg10 : memref<128x128xf32, #tpu.memory_space<vmem>>) target(%dma_start3A_234 : memref<10112x128xf32, #tpu.memory_space<vmem_shared>>) offsets(%dma_start3A_231 : memref<128xi32, #tpu.memory_space<vmem>>) semaphore(%arg17 : memref<!tpu.dma_semaphore, #tpu.memory_space<semaphore_mem>>) {add = true}
      %dma_wait3A_235 = arith.constant 0 : i32
      %dma_wait3A_236 = tpu.memref_slice %arg8[%mul3A_182, %dma_wait3A_235] : memref<40x128xi32, #tpu.memory_space<vmem>> -> memref<1x128xi32, #tpu.memory_space<vmem>>
      %dma_wait3A_237 = tpu.memref_squeeze %dma_wait3A_236 : memref<1x128xi32, #tpu.memory_space<vmem>> -> memref<128xi32, #tpu.memory_space<vmem>>
      %dma_wait3A_238 = arith.constant 0 : i32
      %dma_wait3A_239 = arith.constant 0 : i32
      %dma_wait3A_240 = tpu.memref_slice %arg11[%dma_wait3A_238, %dma_wait3A_239] : memref<10112x128xf32, #tpu.memory_space<vmem_shared>> -> memref<10112x128xf32, #tpu.memory_space<vmem_shared>>
      tpu.wait_indirect_dma semaphore(%arg16 : memref<!tpu.dma_semaphore, #tpu.memory_space<semaphore_mem>>) src(%arg9 : memref<128x128xf32, #tpu.memory_space<vmem>>) dst(%dma_wait3A_240 : memref<10112x128xf32, #tpu.memory_space<vmem_shared>>)
      %add3A_241 = arith.constant 2 : i32
      %add3A_242 = arith.addi %mul3A_182, %add3A_241 : i32
      %dma_start3A_243 = arith.constant 0 : i32
      %dma_start3A_244 = arith.constant 0 : i32
      %dma_start3A_245 = tpu.memref_slice %arg9[%dma_start3A_243, %dma_start3A_244] : memref<128x128xf32, #tpu.memory_space<vmem>> -> memref<64x128xf32, #tpu.memory_space<vmem>>
      %dma_start3A_246 = arith.constant 0 : i32
      %dma_start3A_247 = tpu.memref_slice %arg7[%add3A_242, %dma_start3A_246] : memref<40x128xi32, #tpu.memory_space<vmem>> -> memref<1x64xi32, #tpu.memory_space<vmem>>
      %dma_start3A_248 = tpu.memref_squeeze %dma_start3A_247 : memref<1x64xi32, #tpu.memory_space<vmem>> -> memref<64xi32, #tpu.memory_space<vmem>>
      %dma_start3A_249 = arith.constant 0 : i32
      %dma_start3A_250 = arith.constant 0 : i32
      %dma_start3A_251 = tpu.memref_slice %arg2[%dma_start3A_249, %dma_start3A_250] : memref<10000x128xf32, #tpu.memory_space<hbm>> -> memref<10000x128xf32, #tpu.memory_space<hbm>>
      tpu.enqueue_indirect_dma source(%dma_start3A_251 : memref<10000x128xf32, #tpu.memory_space<hbm>>) target(%dma_start3A_245 : memref<64x128xf32, #tpu.memory_space<vmem>>) offsets(%dma_start3A_248 : memref<64xi32, #tpu.memory_space<vmem>>) semaphore(%arg12 : memref<!tpu.dma_semaphore, #tpu.memory_space<semaphore_mem>>)
      %dma_start3A_252 = arith.constant 64 : i32
      %dma_start3A_253 = arith.constant 0 : i32
      %dma_start3A_254 = tpu.memref_slice %arg9[%dma_start3A_252, %dma_start3A_253] : memref<128x128xf32, #tpu.memory_space<vmem>> -> memref<64x128xf32, #tpu.memory_space<vmem>>
      %dma_start3A_255 = arith.constant 64 : i32
      %dma_start3A_256 = tpu.memref_slice %arg7[%add3A_242, %dma_start3A_255] : memref<40x128xi32, #tpu.memory_space<vmem>> -> memref<1x64xi32, #tpu.memory_space<vmem>>
      %dma_start3A_257 = tpu.memref_squeeze %dma_start3A_256 : memref<1x64xi32, #tpu.memory_space<vmem>> -> memref<64xi32, #tpu.memory_space<vmem>>
      %dma_start3A_258 = arith.constant 0 : i32
      %dma_start3A_259 = arith.constant 0 : i32
      %dma_start3A_260 = tpu.memref_slice %arg2[%dma_start3A_258, %dma_start3A_259] : memref<10000x128xf32, #tpu.memory_space<hbm>> -> memref<10000x128xf32, #tpu.memory_space<hbm>>
      tpu.enqueue_indirect_dma source(%dma_start3A_260 : memref<10000x128xf32, #tpu.memory_space<hbm>>) target(%dma_start3A_254 : memref<64x128xf32, #tpu.memory_space<vmem>>) offsets(%dma_start3A_257 : memref<64xi32, #tpu.memory_space<vmem>>) semaphore(%arg13 : memref<!tpu.dma_semaphore, #tpu.memory_space<semaphore_mem>>)
      %add3A_261 = arith.constant 1 : i32
      %add3A_262 = arith.addi %mul3A_182, %add3A_261 : i32
      %dma_wait3A_263 = arith.constant 0 : i32
      %dma_wait3A_264 = tpu.memref_slice %arg8[%add3A_262, %dma_wait3A_263] : memref<40x128xi32, #tpu.memory_space<vmem>> -> memref<1x128xi32, #tpu.memory_space<vmem>>
      %dma_wait3A_265 = tpu.memref_squeeze %dma_wait3A_264 : memref<1x128xi32, #tpu.memory_space<vmem>> -> memref<128xi32, #tpu.memory_space<vmem>>
      %dma_wait3A_266 = arith.constant 0 : i32
      %dma_wait3A_267 = arith.constant 0 : i32
      %dma_wait3A_268 = tpu.memref_slice %arg11[%dma_wait3A_266, %dma_wait3A_267] : memref<10112x128xf32, #tpu.memory_space<vmem_shared>> -> memref<10112x128xf32, #tpu.memory_space<vmem_shared>>
      tpu.wait_indirect_dma semaphore(%arg17 : memref<!tpu.dma_semaphore, #tpu.memory_space<semaphore_mem>>) src(%arg10 : memref<128x128xf32, #tpu.memory_space<vmem>>) dst(%dma_wait3A_268 : memref<10112x128xf32, #tpu.memory_space<vmem_shared>>)
      %add3A_269 = arith.constant 3 : i32
      %add3A_270 = arith.addi %mul3A_182, %add3A_269 : i32
      %dma_start3A_271 = arith.constant 0 : i32
      %dma_start3A_272 = arith.constant 0 : i32
      %dma_start3A_273 = tpu.memref_slice %arg10[%dma_start3A_271, %dma_start3A_272] : memref<128x128xf32, #tpu.memory_space<vmem>> -> memref<64x128xf32, #tpu.memory_space<vmem>>
      %dma_start3A_274 = arith.constant 0 : i32
      %dma_start3A_275 = tpu.memref_slice %arg7[%add3A_270, %dma_start3A_274] : memref<40x128xi32, #tpu.memory_space<vmem>> -> memref<1x64xi32, #tpu.memory_space<vmem>>
      %dma_start3A_276 = tpu.memref_squeeze %dma_start3A_275 : memref<1x64xi32, #tpu.memory_space<vmem>> -> memref<64xi32, #tpu.memory_space<vmem>>
      %dma_start3A_277 = arith.constant 0 : i32
      %dma_start3A_278 = arith.constant 0 : i32
      %dma_start3A_279 = tpu.memref_slice %arg2[%dma_start3A_277, %dma_start3A_278] : memref<10000x128xf32, #tpu.memory_space<hbm>> -> memref<10000x128xf32, #tpu.memory_space<hbm>>
      tpu.enqueue_indirect_dma source(%dma_start3A_279 : memref<10000x128xf32, #tpu.memory_space<hbm>>) target(%dma_start3A_273 : memref<64x128xf32, #tpu.memory_space<vmem>>) offsets(%dma_start3A_276 : memref<64xi32, #tpu.memory_space<vmem>>) semaphore(%arg14 : memref<!tpu.dma_semaphore, #tpu.memory_space<semaphore_mem>>)
      %dma_start3A_280 = arith.constant 64 : i32
      %dma_start3A_281 = arith.constant 0 : i32
      %dma_start3A_282 = tpu.memref_slice %arg10[%dma_start3A_280, %dma_start3A_281] : memref<128x128xf32, #tpu.memory_space<vmem>> -> memref<64x128xf32, #tpu.memory_space<vmem>>
      %dma_start3A_283 = arith.constant 64 : i32
      %dma_start3A_284 = tpu.memref_slice %arg7[%add3A_270, %dma_start3A_283] : memref<40x128xi32, #tpu.memory_space<vmem>> -> memref<1x64xi32, #tpu.memory_space<vmem>>
      %dma_start3A_285 = tpu.memref_squeeze %dma_start3A_284 : memref<1x64xi32, #tpu.memory_space<vmem>> -> memref<64xi32, #tpu.memory_space<vmem>>
      %dma_start3A_286 = arith.constant 0 : i32
      %dma_start3A_287 = arith.constant 0 : i32
      %dma_start3A_288 = tpu.memref_slice %arg2[%dma_start3A_286, %dma_start3A_287] : memref<10000x128xf32, #tpu.memory_space<hbm>> -> memref<10000x128xf32, #tpu.memory_space<hbm>>
      tpu.enqueue_indirect_dma source(%dma_start3A_288 : memref<10000x128xf32, #tpu.memory_space<hbm>>) target(%dma_start3A_282 : memref<64x128xf32, #tpu.memory_space<vmem>>) offsets(%dma_start3A_285 : memref<64xi32, #tpu.memory_space<vmem>>) semaphore(%arg15 : memref<!tpu.dma_semaphore, #tpu.memory_space<semaphore_mem>>)
    }
    %scan3A_132 = arith.constant 19 : i32
    %dma_wait3A_133 = arith.constant 38 : i32
    %dma_wait3A_134 = arith.constant 0 : i32
    %dma_wait3A_135 = arith.constant 0 : i32
    %dma_wait3A_136 = tpu.memref_slice %arg9[%dma_wait3A_134, %dma_wait3A_135] : memref<128x128xf32, #tpu.memory_space<vmem>> -> memref<64x128xf32, #tpu.memory_space<vmem>>
    %dma_wait3A_137 = arith.constant 0 : i32
    %dma_wait3A_138 = tpu.memref_slice %arg7[%dma_wait3A_133, %dma_wait3A_137] : memref<40x128xi32, #tpu.memory_space<vmem>> -> memref<1x64xi32, #tpu.memory_space<vmem>>
    %dma_wait3A_139 = tpu.memref_squeeze %dma_wait3A_138 : memref<1x64xi32, #tpu.memory_space<vmem>> -> memref<64xi32, #tpu.memory_space<vmem>>
    %dma_wait3A_140 = arith.constant 0 : i32
    %dma_wait3A_141 = arith.constant 0 : i32
    %dma_wait3A_142 = tpu.memref_slice %arg2[%dma_wait3A_140, %dma_wait3A_141] : memref<10000x128xf32, #tpu.memory_space<hbm>> -> memref<10000x128xf32, #tpu.memory_space<hbm>>
    tpu.wait_indirect_dma semaphore(%arg12 : memref<!tpu.dma_semaphore, #tpu.memory_space<semaphore_mem>>) src(%dma_wait3A_142 : memref<10000x128xf32, #tpu.memory_space<hbm>>) dst(%dma_wait3A_136 : memref<64x128xf32, #tpu.memory_space<vmem>>)
    %dma_wait3A_143 = arith.constant 38 : i32
    %dma_wait3A_144 = arith.constant 64 : i32
    %dma_wait3A_145 = arith.constant 0 : i32
    %dma_wait3A_146 = tpu.memref_slice %arg9[%dma_wait3A_144, %dma_wait3A_145] : memref<128x128xf32, #tpu.memory_space<vmem>> -> memref<64x128xf32, #tpu.memory_space<vmem>>
    %dma_wait3A_147 = arith.constant 64 : i32
    %dma_wait3A_148 = tpu.memref_slice %arg7[%dma_wait3A_143, %dma_wait3A_147] : memref<40x128xi32, #tpu.memory_space<vmem>> -> memref<1x64xi32, #tpu.memory_space<vmem>>
    %dma_wait3A_149 = tpu.memref_squeeze %dma_wait3A_148 : memref<1x64xi32, #tpu.memory_space<vmem>> -> memref<64xi32, #tpu.memory_space<vmem>>
    %dma_wait3A_150 = arith.constant 0 : i32
    %dma_wait3A_151 = arith.constant 0 : i32
    %dma_wait3A_152 = tpu.memref_slice %arg2[%dma_wait3A_150, %dma_wait3A_151] : memref<10000x128xf32, #tpu.memory_space<hbm>> -> memref<10000x128xf32, #tpu.memory_space<hbm>>
    tpu.wait_indirect_dma semaphore(%arg13 : memref<!tpu.dma_semaphore, #tpu.memory_space<semaphore_mem>>) src(%dma_wait3A_152 : memref<10000x128xf32, #tpu.memory_space<hbm>>) dst(%dma_wait3A_146 : memref<64x128xf32, #tpu.memory_space<vmem>>)
    %run_scoped3A_153 = arith.constant 38 : i32
    "tpu.region"() ({
      %run_scoped3A_180 = tpu.sem_alloc : memref<!tpu.dma_semaphore, #tpu.memory_space<semaphore_mem>>
      %dma_start3A_181 = arith.constant 0 : i32
      %dma_start3A_182 = tpu.memref_slice %arg8[%run_scoped3A_153, %dma_start3A_181] : memref<40x128xi32, #tpu.memory_space<vmem>> -> memref<1x128xi32, #tpu.memory_space<vmem>>
      %dma_start3A_183 = tpu.memref_squeeze %dma_start3A_182 : memref<1x128xi32, #tpu.memory_space<vmem>> -> memref<128xi32, #tpu.memory_space<vmem>>
      %dma_start3A_184 = arith.constant 0 : i32
      %dma_start3A_185 = arith.constant 0 : i32
      %dma_start3A_186 = tpu.memref_slice %arg11[%dma_start3A_184, %dma_start3A_185] : memref<10112x128xf32, #tpu.memory_space<vmem_shared>> -> memref<10112x128xf32, #tpu.memory_space<vmem_shared>>
      tpu.enqueue_indirect_dma source(%arg9 : memref<128x128xf32, #tpu.memory_space<vmem>>) target(%dma_start3A_186 : memref<10112x128xf32, #tpu.memory_space<vmem_shared>>) offsets(%dma_start3A_183 : memref<128xi32, #tpu.memory_space<vmem>>) semaphore(%run_scoped3A_180 : memref<!tpu.dma_semaphore, #tpu.memory_space<semaphore_mem>>) {add = true}
      %dma_wait3A_187 = arith.constant 0 : i32
      %dma_wait3A_188 = tpu.memref_slice %arg8[%run_scoped3A_153, %dma_wait3A_187] : memref<40x128xi32, #tpu.memory_space<vmem>> -> memref<1x128xi32, #tpu.memory_space<vmem>>
      %dma_wait3A_189 = tpu.memref_squeeze %dma_wait3A_188 : memref<1x128xi32, #tpu.memory_space<vmem>> -> memref<128xi32, #tpu.memory_space<vmem>>
      %dma_wait3A_190 = arith.constant 0 : i32
      %dma_wait3A_191 = arith.constant 0 : i32
      %dma_wait3A_192 = tpu.memref_slice %arg11[%dma_wait3A_190, %dma_wait3A_191] : memref<10112x128xf32, #tpu.memory_space<vmem_shared>> -> memref<10112x128xf32, #tpu.memory_space<vmem_shared>>
      tpu.wait_indirect_dma semaphore(%run_scoped3A_180 : memref<!tpu.dma_semaphore, #tpu.memory_space<semaphore_mem>>) src(%arg9 : memref<128x128xf32, #tpu.memory_space<vmem>>) dst(%dma_wait3A_192 : memref<10112x128xf32, #tpu.memory_space<vmem_shared>>)
      tpu.yield
    }) : () -> ()
    %dma_wait3A_154 = arith.constant 39 : i32
    %dma_wait3A_155 = arith.constant 0 : i32
    %dma_wait3A_156 = arith.constant 0 : i32
    %dma_wait3A_157 = tpu.memref_slice %arg10[%dma_wait3A_155, %dma_wait3A_156] : memref<128x128xf32, #tpu.memory_space<vmem>> -> memref<64x128xf32, #tpu.memory_space<vmem>>
    %dma_wait3A_158 = arith.constant 0 : i32
    %dma_wait3A_159 = tpu.memref_slice %arg7[%dma_wait3A_154, %dma_wait3A_158] : memref<40x128xi32, #tpu.memory_space<vmem>> -> memref<1x64xi32, #tpu.memory_space<vmem>>
    %dma_wait3A_160 = tpu.memref_squeeze %dma_wait3A_159 : memref<1x64xi32, #tpu.memory_space<vmem>> -> memref<64xi32, #tpu.memory_space<vmem>>
    %dma_wait3A_161 = arith.constant 0 : i32
    %dma_wait3A_162 = arith.constant 0 : i32
    %dma_wait3A_163 = tpu.memref_slice %arg2[%dma_wait3A_161, %dma_wait3A_162] : memref<10000x128xf32, #tpu.memory_space<hbm>> -> memref<10000x128xf32, #tpu.memory_space<hbm>>
    tpu.wait_indirect_dma semaphore(%arg14 : memref<!tpu.dma_semaphore, #tpu.memory_space<semaphore_mem>>) src(%dma_wait3A_163 : memref<10000x128xf32, #tpu.memory_space<hbm>>) dst(%dma_wait3A_157 : memref<64x128xf32, #tpu.memory_space<vmem>>)
    %dma_wait3A_164 = arith.constant 39 : i32
    %dma_wait3A_165 = arith.constant 64 : i32
    %dma_wait3A_166 = arith.constant 0 : i32
    %dma_wait3A_167 = tpu.memref_slice %arg10[%dma_wait3A_165, %dma_wait3A_166] : memref<128x128xf32, #tpu.memory_space<vmem>> -> memref<64x128xf32, #tpu.memory_space<vmem>>
    %dma_wait3A_168 = arith.constant 64 : i32
    %dma_wait3A_169 = tpu.memref_slice %arg7[%dma_wait3A_164, %dma_wait3A_168] : memref<40x128xi32, #tpu.memory_space<vmem>> -> memref<1x64xi32, #tpu.memory_space<vmem>>
    %dma_wait3A_170 = tpu.memref_squeeze %dma_wait3A_169 : memref<1x64xi32, #tpu.memory_space<vmem>> -> memref<64xi32, #tpu.memory_space<vmem>>
    %dma_wait3A_171 = arith.constant 0 : i32
    %dma_wait3A_172 = arith.constant 0 : i32
    %dma_wait3A_173 = tpu.memref_slice %arg2[%dma_wait3A_171, %dma_wait3A_172] : memref<10000x128xf32, #tpu.memory_space<hbm>> -> memref<10000x128xf32, #tpu.memory_space<hbm>>
    tpu.wait_indirect_dma semaphore(%arg15 : memref<!tpu.dma_semaphore, #tpu.memory_space<semaphore_mem>>) src(%dma_wait3A_173 : memref<10000x128xf32, #tpu.memory_space<hbm>>) dst(%dma_wait3A_167 : memref<64x128xf32, #tpu.memory_space<vmem>>)
    %run_scoped3A_174 = arith.constant 39 : i32
    "tpu.region"() ({
      %run_scoped3A_180 = tpu.sem_alloc : memref<!tpu.dma_semaphore, #tpu.memory_space<semaphore_mem>>
      %dma_start3A_181 = arith.constant 0 : i32
      %dma_start3A_182 = tpu.memref_slice %arg8[%run_scoped3A_174, %dma_start3A_181] : memref<40x128xi32, #tpu.memory_space<vmem>> -> memref<1x128xi32, #tpu.memory_space<vmem>>
      %dma_start3A_183 = tpu.memref_squeeze %dma_start3A_182 : memref<1x128xi32, #tpu.memory_space<vmem>> -> memref<128xi32, #tpu.memory_space<vmem>>
      %dma_start3A_184 = arith.constant 0 : i32
      %dma_start3A_185 = arith.constant 0 : i32
      %dma_start3A_186 = tpu.memref_slice %arg11[%dma_start3A_184, %dma_start3A_185] : memref<10112x128xf32, #tpu.memory_space<vmem_shared>> -> memref<10112x128xf32, #tpu.memory_space<vmem_shared>>
      tpu.enqueue_indirect_dma source(%arg10 : memref<128x128xf32, #tpu.memory_space<vmem>>) target(%dma_start3A_186 : memref<10112x128xf32, #tpu.memory_space<vmem_shared>>) offsets(%dma_start3A_183 : memref<128xi32, #tpu.memory_space<vmem>>) semaphore(%run_scoped3A_180 : memref<!tpu.dma_semaphore, #tpu.memory_space<semaphore_mem>>) {add = true}
      %dma_wait3A_187 = arith.constant 0 : i32
      %dma_wait3A_188 = tpu.memref_slice %arg8[%run_scoped3A_174, %dma_wait3A_187] : memref<40x128xi32, #tpu.memory_space<vmem>> -> memref<1x128xi32, #tpu.memory_space<vmem>>
      %dma_wait3A_189 = tpu.memref_squeeze %dma_wait3A_188 : memref<1x128xi32, #tpu.memory_space<vmem>> -> memref<128xi32, #tpu.memory_space<vmem>>
      %dma_wait3A_190 = arith.constant 0 : i32
      %dma_wait3A_191 = arith.constant 0 : i32
      %dma_wait3A_192 = tpu.memref_slice %arg11[%dma_wait3A_190, %dma_wait3A_191] : memref<10112x128xf32, #tpu.memory_space<vmem_shared>> -> memref<10112x128xf32, #tpu.memory_space<vmem_shared>>
      tpu.wait_indirect_dma semaphore(%run_scoped3A_180 : memref<!tpu.dma_semaphore, #tpu.memory_space<semaphore_mem>>) src(%arg10 : memref<128x128xf32, #tpu.memory_space<vmem>>) dst(%dma_wait3A_192 : memref<10112x128xf32, #tpu.memory_space<vmem_shared>>)
      tpu.yield
    }) : () -> ()
    %barrier3A_175 = arith.constant 0 : index
    tpu.barrier barrier_id(%barrier3A_175)
    %mul3A_176 = arith.constant 632 : i32
    %mul3A_177 = arith.muli %arg1, %mul3A_176 : i32
    %mul3A_178 = arith.constant 632 : i32
    %mul3A_179 = arith.muli %arg1, %mul3A_178 : i32
    "tpu.region"() ({
      %run_scoped3A_180 = tpu.sem_alloc : memref<!tpu.dma_semaphore, #tpu.memory_space<semaphore_mem>>
      %dma_start3A_181 = arith.constant 0 : i32
      %dma_start3A_182 = tpu.memref_slice %arg6[%arg0, %mul3A_179, %dma_start3A_181] : memref<2x10112x128xf32, #tpu.memory_space<hbm>> -> memref<1x632x128xf32, #tpu.memory_space<hbm>>
      %dma_start3A_183 = tpu.memref_squeeze %dma_start3A_182 : memref<1x632x128xf32, #tpu.memory_space<hbm>> -> memref<632x128xf32, #tpu.memory_space<hbm>>
      %dma_start3A_184 = arith.constant 0 : i32
      %dma_start3A_185 = tpu.memref_slice %arg11[%mul3A_177, %dma_start3A_184] : memref<10112x128xf32, #tpu.memory_space<vmem_shared>> -> memref<632x128xf32, #tpu.memory_space<vmem_shared>>
      tpu.enqueue_dma source(%dma_start3A_185 : memref<632x128xf32, #tpu.memory_space<vmem_shared>>) target(%dma_start3A_183 : memref<632x128xf32, #tpu.memory_space<hbm>>) target_semaphore(%run_scoped3A_180 : memref<!tpu.dma_semaphore, #tpu.memory_space<semaphore_mem>>)
      %dma_wait3A_186 = arith.constant 0 : i32
      %dma_wait3A_187 = tpu.memref_slice %arg6[%arg0, %mul3A_179, %dma_wait3A_186] : memref<2x10112x128xf32, #tpu.memory_space<hbm>> -> memref<1x632x128xf32, #tpu.memory_space<hbm>>
      %dma_wait3A_188 = tpu.memref_squeeze %dma_wait3A_187 : memref<1x632x128xf32, #tpu.memory_space<hbm>> -> memref<632x128xf32, #tpu.memory_space<hbm>>
      %dma_wait3A_189 = arith.constant 0 : i32
      %dma_wait3A_190 = tpu.memref_slice %arg11[%mul3A_177, %dma_wait3A_189] : memref<10112x128xf32, #tpu.memory_space<vmem_shared>> -> memref<632x128xf32, #tpu.memory_space<vmem_shared>>
      tpu.wait_dma2 semaphore(%run_scoped3A_180 : memref<!tpu.dma_semaphore, #tpu.memory_space<semaphore_mem>>) src(%dma_wait3A_190 : memref<632x128xf32, #tpu.memory_space<vmem_shared>>) dst(%dma_wait3A_188 : memref<632x128xf32, #tpu.memory_space<hbm>>)
      tpu.yield
    }) : () -> ()
    return
  }
}

#map = affine_map<(d0, d1) -> (0, 0, 0)>
#map1 = affine_map<(d0, d1) -> (0, 0)>
module attributes {stable_mosaic.version = 14 : i64} {
  func.func @k(%arg0: i32, %arg1: i32, %arg2: memref<32x80x128xi32, #tpu.memory_space<hbm>>, %arg3: memref<128x128xf32, #tpu.memory_space<hbm>>, %arg4: memref<632x128xf32, #tpu.memory_space<hbm>>, %arg5: memref<2x10112x128xf32, #tpu.memory_space<hbm>>, %arg6: memref<80x128xi32, #tpu.memory_space<vmem>>, %arg7: memref<128x128xf32, #tpu.memory_space<vmem>>, %arg8: memref<10112x128xf32, #tpu.memory_space<vmem_shared>>) attributes {dimension_semantics = [#tpu.dimension_semantics<core_parallel>, #tpu.dimension_semantics<subcore_parallel>], iteration_bounds = array<i64: 2, 16>, scalar_prefetch = 0 : i64, scratch_operands = 3 : i64, tpu.core_type = #tpu.core_type<sc_vector_subcore>, window_params = [{transform_indices = #map}, {transform_indices = #map1}, {transform_indices = #map1}, {transform_indices = #map}]} {
    %mul3A = arith.constant 2 : i32
    %mul3A_0 = arith.muli %arg1, %mul3A : i32
    %add3A = arith.addi %mul3A_0, %arg0 : i32
    "tpu.region"() ({
      %run_scoped3A = tpu.sem_alloc : memref<!tpu.dma_semaphore, #tpu.memory_space<semaphore_mem>>
      %dma_start3A = arith.constant 0 : i32
      %dma_start3A_13 = arith.constant 0 : i32
      %dma_start3A_14 = tpu.memref_slice %arg2[%add3A, %dma_start3A, %dma_start3A_13] : memref<32x80x128xi32, #tpu.memory_space<hbm>> -> memref<1x80x128xi32, #tpu.memory_space<hbm>>
      %dma_start3A_15 = tpu.memref_squeeze %dma_start3A_14 : memref<1x80x128xi32, #tpu.memory_space<hbm>> -> memref<80x128xi32, #tpu.memory_space<hbm>>
      %dma_start3A_16 = arith.constant 0 : i32
      %dma_start3A_17 = arith.constant 0 : i32
      %dma_start3A_18 = tpu.memref_slice %arg2[%add3A, %dma_start3A_16, %dma_start3A_17] : memref<32x80x128xi32, #tpu.memory_space<hbm>> -> memref<1x80x128xi32, #tpu.memory_space<hbm>>
      %dma_start3A_19 = tpu.memref_squeeze %dma_start3A_18 : memref<1x80x128xi32, #tpu.memory_space<hbm>> -> memref<80x128xi32, #tpu.memory_space<hbm>>
      tpu.enqueue_dma source(%dma_start3A_19 : memref<80x128xi32, #tpu.memory_space<hbm>>) target(%arg6 : memref<80x128xi32, #tpu.memory_space<vmem>>) target_semaphore(%run_scoped3A : memref<!tpu.dma_semaphore, #tpu.memory_space<semaphore_mem>>)
      %dma_wait3A = arith.constant 0 : i32
      %dma_wait3A_20 = arith.constant 0 : i32
      %dma_wait3A_21 = tpu.memref_slice %arg2[%add3A, %dma_wait3A, %dma_wait3A_20] : memref<32x80x128xi32, #tpu.memory_space<hbm>> -> memref<1x80x128xi32, #tpu.memory_space<hbm>>
      %dma_wait3A_22 = tpu.memref_squeeze %dma_wait3A_21 : memref<1x80x128xi32, #tpu.memory_space<hbm>> -> memref<80x128xi32, #tpu.memory_space<hbm>>
      %dma_wait3A_23 = arith.constant 0 : i32
      %dma_wait3A_24 = arith.constant 0 : i32
      %dma_wait3A_25 = tpu.memref_slice %arg2[%add3A, %dma_wait3A_23, %dma_wait3A_24] : memref<32x80x128xi32, #tpu.memory_space<hbm>> -> memref<1x80x128xi32, #tpu.memory_space<hbm>>
      %dma_wait3A_26 = tpu.memref_squeeze %dma_wait3A_25 : memref<1x80x128xi32, #tpu.memory_space<hbm>> -> memref<80x128xi32, #tpu.memory_space<hbm>>
      tpu.wait_dma2 semaphore(%run_scoped3A : memref<!tpu.dma_semaphore, #tpu.memory_space<semaphore_mem>>) src(%dma_wait3A_26 : memref<80x128xi32, #tpu.memory_space<hbm>>) dst(%arg6 : memref<80x128xi32, #tpu.memory_space<vmem>>)
      tpu.yield
    }) : () -> ()
    "tpu.region"() ({
      %run_scoped3A = tpu.sem_alloc : memref<!tpu.dma_semaphore, #tpu.memory_space<semaphore_mem>>
      tpu.enqueue_dma source(%arg3 : memref<128x128xf32, #tpu.memory_space<hbm>>) target(%arg7 : memref<128x128xf32, #tpu.memory_space<vmem>>) target_semaphore(%run_scoped3A : memref<!tpu.dma_semaphore, #tpu.memory_space<semaphore_mem>>)
      tpu.wait_dma2 semaphore(%run_scoped3A : memref<!tpu.dma_semaphore, #tpu.memory_space<semaphore_mem>>) src(%arg3 : memref<128x128xf32, #tpu.memory_space<hbm>>) dst(%arg7 : memref<128x128xf32, #tpu.memory_space<vmem>>)
      tpu.yield
    }) : () -> ()
    %mul3A_1 = arith.constant 632 : i32
    %mul3A_2 = arith.muli %arg1, %mul3A_1 : i32
    "tpu.region"() ({
      %run_scoped3A = tpu.sem_alloc : memref<!tpu.dma_semaphore, #tpu.memory_space<semaphore_mem>>
      %dma_start3A = arith.constant 0 : i32
      %dma_start3A_13 = tpu.memref_slice %arg8[%mul3A_2, %dma_start3A] : memref<10112x128xf32, #tpu.memory_space<vmem_shared>> -> memref<632x128xf32, #tpu.memory_space<vmem_shared>>
      tpu.enqueue_dma source(%arg4 : memref<632x128xf32, #tpu.memory_space<hbm>>) target(%dma_start3A_13 : memref<632x128xf32, #tpu.memory_space<vmem_shared>>) target_semaphore(%run_scoped3A : memref<!tpu.dma_semaphore, #tpu.memory_space<semaphore_mem>>)
      %dma_wait3A = arith.constant 0 : i32
      %dma_wait3A_14 = tpu.memref_slice %arg8[%mul3A_2, %dma_wait3A] : memref<10112x128xf32, #tpu.memory_space<vmem_shared>> -> memref<632x128xf32, #tpu.memory_space<vmem_shared>>
      tpu.wait_dma2 semaphore(%run_scoped3A : memref<!tpu.dma_semaphore, #tpu.memory_space<semaphore_mem>>) src(%arg4 : memref<632x128xf32, #tpu.memory_space<hbm>>) dst(%dma_wait3A_14 : memref<632x128xf32, #tpu.memory_space<vmem_shared>>)
      tpu.yield
    }) : () -> ()
    %barrier3A = arith.constant 0 : index
    tpu.barrier barrier_id(%barrier3A)
    %scan3A = arith.constant 0 : i32
    %scan3A_3 = arith.constant 0 : i32
    %scan3A_4 = arith.constant 80 : i32
    %scan3A_5 = arith.addi %scan3A_3, %scan3A_4 : i32
    %scan3A_6 = arith.constant 1 : i32
    scf.for %scan3A_13 = %scan3A_3 to %scan3A_5 step %scan3A_6  : i32 {
      "tpu.region"() ({
        %run_scoped3A = tpu.sem_alloc : memref<!tpu.dma_semaphore, #tpu.memory_space<semaphore_mem>>
        %dma_start3A = arith.constant 0 : i32
        %dma_start3A_14 = tpu.memref_slice %arg6[%scan3A_13, %dma_start3A] : memref<80x128xi32, #tpu.memory_space<vmem>> -> memref<1x128xi32, #tpu.memory_space<vmem>>
        %dma_start3A_15 = tpu.memref_squeeze %dma_start3A_14 : memref<1x128xi32, #tpu.memory_space<vmem>> -> memref<128xi32, #tpu.memory_space<vmem>>
        %dma_start3A_16 = arith.constant 0 : i32
        %dma_start3A_17 = arith.constant 0 : i32
        %dma_start3A_18 = tpu.memref_slice %arg8[%dma_start3A_16, %dma_start3A_17] : memref<10112x128xf32, #tpu.memory_space<vmem_shared>> -> memref<10112x128xf32, #tpu.memory_space<vmem_shared>>
        tpu.enqueue_indirect_dma source(%arg7 : memref<128x128xf32, #tpu.memory_space<vmem>>) target(%dma_start3A_18 : memref<10112x128xf32, #tpu.memory_space<vmem_shared>>) offsets(%dma_start3A_15 : memref<128xi32, #tpu.memory_space<vmem>>) semaphore(%run_scoped3A : memref<!tpu.dma_semaphore, #tpu.memory_space<semaphore_mem>>) {add = true}
        %dma_wait3A = arith.constant 0 : i32
        %dma_wait3A_19 = tpu.memref_slice %arg6[%scan3A_13, %dma_wait3A] : memref<80x128xi32, #tpu.memory_space<vmem>> -> memref<1x128xi32, #tpu.memory_space<vmem>>
        %dma_wait3A_20 = tpu.memref_squeeze %dma_wait3A_19 : memref<1x128xi32, #tpu.memory_space<vmem>> -> memref<128xi32, #tpu.memory_space<vmem>>
        %dma_wait3A_21 = arith.constant 0 : i32
        %dma_wait3A_22 = arith.constant 0 : i32
        %dma_wait3A_23 = tpu.memref_slice %arg8[%dma_wait3A_21, %dma_wait3A_22] : memref<10112x128xf32, #tpu.memory_space<vmem_shared>> -> memref<10112x128xf32, #tpu.memory_space<vmem_shared>>
        tpu.wait_indirect_dma semaphore(%run_scoped3A : memref<!tpu.dma_semaphore, #tpu.memory_space<semaphore_mem>>) src(%arg7 : memref<128x128xf32, #tpu.memory_space<vmem>>) dst(%dma_wait3A_23 : memref<10112x128xf32, #tpu.memory_space<vmem_shared>>)
        tpu.yield
      }) : () -> ()
    }
    %scan3A_7 = arith.constant 80 : i32
    %barrier3A_8 = arith.constant 0 : index
    tpu.barrier barrier_id(%barrier3A_8)
    %mul3A_9 = arith.constant 632 : i32
    %mul3A_10 = arith.muli %arg1, %mul3A_9 : i32
    %mul3A_11 = arith.constant 632 : i32
    %mul3A_12 = arith.muli %arg1, %mul3A_11 : i32
    "tpu.region"() ({
      %run_scoped3A = tpu.sem_alloc : memref<!tpu.dma_semaphore, #tpu.memory_space<semaphore_mem>>
      %dma_start3A = arith.constant 0 : i32
      %dma_start3A_13 = tpu.memref_slice %arg5[%arg0, %mul3A_12, %dma_start3A] : memref<2x10112x128xf32, #tpu.memory_space<hbm>> -> memref<1x632x128xf32, #tpu.memory_space<hbm>>
      %dma_start3A_14 = tpu.memref_squeeze %dma_start3A_13 : memref<1x632x128xf32, #tpu.memory_space<hbm>> -> memref<632x128xf32, #tpu.memory_space<hbm>>
      %dma_start3A_15 = arith.constant 0 : i32
      %dma_start3A_16 = tpu.memref_slice %arg8[%mul3A_10, %dma_start3A_15] : memref<10112x128xf32, #tpu.memory_space<vmem_shared>> -> memref<632x128xf32, #tpu.memory_space<vmem_shared>>
      tpu.enqueue_dma source(%dma_start3A_16 : memref<632x128xf32, #tpu.memory_space<vmem_shared>>) target(%dma_start3A_14 : memref<632x128xf32, #tpu.memory_space<hbm>>) target_semaphore(%run_scoped3A : memref<!tpu.dma_semaphore, #tpu.memory_space<semaphore_mem>>)
      %dma_wait3A = arith.constant 0 : i32
      %dma_wait3A_17 = tpu.memref_slice %arg5[%arg0, %mul3A_12, %dma_wait3A] : memref<2x10112x128xf32, #tpu.memory_space<hbm>> -> memref<1x632x128xf32, #tpu.memory_space<hbm>>
      %dma_wait3A_18 = tpu.memref_squeeze %dma_wait3A_17 : memref<1x632x128xf32, #tpu.memory_space<hbm>> -> memref<632x128xf32, #tpu.memory_space<hbm>>
      %dma_wait3A_19 = arith.constant 0 : i32
      %dma_wait3A_20 = tpu.memref_slice %arg8[%mul3A_10, %dma_wait3A_19] : memref<10112x128xf32, #tpu.memory_space<vmem_shared>> -> memref<632x128xf32, #tpu.memory_space<vmem_shared>>
      tpu.wait_dma2 semaphore(%run_scoped3A : memref<!tpu.dma_semaphore, #tpu.memory_space<semaphore_mem>>) src(%dma_wait3A_20 : memref<632x128xf32, #tpu.memory_space<vmem_shared>>) dst(%dma_wait3A_18 : memref<632x128xf32, #tpu.memory_space<hbm>>)
      tpu.yield
    }) : () -> ()
    return
  }
}

#map = affine_map<(d0, d1) -> (0, 0)>
#map1 = affine_map<(d0, d1) -> (0, 0, 0)>
module attributes {stable_mosaic.version = 14 : i64} {
  func.func @k(%arg0: i32, %arg1: i32, %arg2: memref<10000x128xf32, #tpu.memory_space<hbm>>, %arg3: memref<32x80x128xi32, #tpu.memory_space<hbm>>, %arg4: memref<32x80x128xi32, #tpu.memory_space<hbm>>, %arg5: memref<632x128xf32, #tpu.memory_space<hbm>>, %arg6: memref<2x10112x128xf32, #tpu.memory_space<hbm>>, %arg7: memref<40x128xi32, #tpu.memory_space<vmem>>, %arg8: memref<40x128xi32, #tpu.memory_space<vmem>>, %arg9: memref<128x128xf32, #tpu.memory_space<vmem>>, %arg10: memref<128x128xf32, #tpu.memory_space<vmem>>, %arg11: memref<10112x128xf32, #tpu.memory_space<vmem_shared>>, %arg12: memref<!tpu.dma_semaphore, #tpu.memory_space<semaphore_mem>>, %arg13: memref<!tpu.dma_semaphore, #tpu.memory_space<semaphore_mem>>, %arg14: memref<!tpu.dma_semaphore, #tpu.memory_space<semaphore_mem>>, %arg15: memref<!tpu.dma_semaphore, #tpu.memory_space<semaphore_mem>>, %arg16: memref<!tpu.dma_semaphore, #tpu.memory_space<semaphore_mem>>, %arg17: memref<!tpu.dma_semaphore, #tpu.memory_space<semaphore_mem>>) attributes {dimension_semantics = [#tpu.dimension_semantics<core_parallel>, #tpu.dimension_semantics<subcore_parallel>], iteration_bounds = array<i64: 2, 16>, scalar_prefetch = 0 : i64, scratch_operands = 11 : i64, tpu.core_type = #tpu.core_type<sc_vector_subcore>, window_params = [{transform_indices = #map}, {transform_indices = #map1}, {transform_indices = #map1}, {transform_indices = #map}, {transform_indices = #map1}]} {
    %mul3A = arith.constant 2 : i32
    %mul3A_0 = arith.muli %arg1, %mul3A : i32
    %add3A = arith.addi %mul3A_0, %arg0 : i32
    %mul3A_1 = arith.constant 632 : i32
    %mul3A_2 = arith.muli %arg1, %mul3A_1 : i32
    "tpu.region"() ({
      %run_scoped3A_180 = tpu.sem_alloc : memref<!tpu.dma_semaphore, #tpu.memory_space<semaphore_mem>>
      %dma_start3A_181 = arith.constant 0 : i32
      %dma_start3A_182 = tpu.memref_slice %arg11[%mul3A_2, %dma_start3A_181] : memref<10112x128xf32, #tpu.memory_space<vmem_shared>> -> memref<632x128xf32, #tpu.memory_space<vmem_shared>>
      tpu.enqueue_dma source(%arg5 : memref<632x128xf32, #tpu.memory_space<hbm>>) target(%dma_start3A_182 : memref<632x128xf32, #tpu.memory_space<vmem_shared>>) target_semaphore(%run_scoped3A_180 : memref<!tpu.dma_semaphore, #tpu.memory_space<semaphore_mem>>)
      %dma_wait3A_183 = arith.constant 0 : i32
      %dma_wait3A_184 = tpu.memref_slice %arg11[%mul3A_2, %dma_wait3A_183] : memref<10112x128xf32, #tpu.memory_space<vmem_shared>> -> memref<632x128xf32, #tpu.memory_space<vmem_shared>>
      tpu.wait_dma2 semaphore(%run_scoped3A_180 : memref<!tpu.dma_semaphore, #tpu.memory_space<semaphore_mem>>) src(%arg5 : memref<632x128xf32, #tpu.memory_space<hbm>>) dst(%dma_wait3A_184 : memref<632x128xf32, #tpu.memory_space<vmem_shared>>)
      tpu.yield
    }) : () -> ()
    %barrier3A = arith.constant 0 : index
    tpu.barrier barrier_id(%barrier3A)
    "tpu.region"() ({
      %run_scoped3A_180 = tpu.sem_alloc : memref<!tpu.dma_semaphore, #tpu.memory_space<semaphore_mem>>
      %dma_start3A_181 = arith.constant 0 : i32
      %dma_start3A_182 = arith.constant 0 : i32
      %dma_start3A_183 = tpu.memref_slice %arg3[%add3A, %dma_start3A_181, %dma_start3A_182] : memref<32x80x128xi32, #tpu.memory_space<hbm>> -> memref<1x40x128xi32, #tpu.memory_space<hbm>>
      %dma_start3A_184 = tpu.memref_squeeze %dma_start3A_183 : memref<1x40x128xi32, #tpu.memory_space<hbm>> -> memref<40x128xi32, #tpu.memory_space<hbm>>
      %dma_start3A_185 = arith.constant 0 : i32
      %dma_start3A_186 = arith.constant 0 : i32
      %dma_start3A_187 = tpu.memref_slice %arg3[%add3A, %dma_start3A_185, %dma_start3A_186] : memref<32x80x128xi32, #tpu.memory_space<hbm>> -> memref<1x40x128xi32, #tpu.memory_space<hbm>>
      %dma_start3A_188 = tpu.memref_squeeze %dma_start3A_187 : memref<1x40x128xi32, #tpu.memory_space<hbm>> -> memref<40x128xi32, #tpu.memory_space<hbm>>
      tpu.enqueue_dma source(%dma_start3A_188 : memref<40x128xi32, #tpu.memory_space<hbm>>) target(%arg7 : memref<40x128xi32, #tpu.memory_space<vmem>>) target_semaphore(%run_scoped3A_180 : memref<!tpu.dma_semaphore, #tpu.memory_space<semaphore_mem>>)
      %dma_wait3A_189 = arith.constant 0 : i32
      %dma_wait3A_190 = arith.constant 0 : i32
      %dma_wait3A_191 = tpu.memref_slice %arg3[%add3A, %dma_wait3A_189, %dma_wait3A_190] : memref<32x80x128xi32, #tpu.memory_space<hbm>> -> memref<1x40x128xi32, #tpu.memory_space<hbm>>
      %dma_wait3A_192 = tpu.memref_squeeze %dma_wait3A_191 : memref<1x40x128xi32, #tpu.memory_space<hbm>> -> memref<40x128xi32, #tpu.memory_space<hbm>>
      %dma_wait3A_193 = arith.constant 0 : i32
      %dma_wait3A_194 = arith.constant 0 : i32
      %dma_wait3A_195 = tpu.memref_slice %arg3[%add3A, %dma_wait3A_193, %dma_wait3A_194] : memref<32x80x128xi32, #tpu.memory_space<hbm>> -> memref<1x40x128xi32, #tpu.memory_space<hbm>>
      %dma_wait3A_196 = tpu.memref_squeeze %dma_wait3A_195 : memref<1x40x128xi32, #tpu.memory_space<hbm>> -> memref<40x128xi32, #tpu.memory_space<hbm>>
      tpu.wait_dma2 semaphore(%run_scoped3A_180 : memref<!tpu.dma_semaphore, #tpu.memory_space<semaphore_mem>>) src(%dma_wait3A_196 : memref<40x128xi32, #tpu.memory_space<hbm>>) dst(%arg7 : memref<40x128xi32, #tpu.memory_space<vmem>>)
      tpu.yield
    }) : () -> ()
    "tpu.region"() ({
      %run_scoped3A_180 = tpu.sem_alloc : memref<!tpu.dma_semaphore, #tpu.memory_space<semaphore_mem>>
      %dma_start3A_181 = arith.constant 0 : i32
      %dma_start3A_182 = arith.constant 0 : i32
      %dma_start3A_183 = tpu.memref_slice %arg4[%add3A, %dma_start3A_181, %dma_start3A_182] : memref<32x80x128xi32, #tpu.memory_space<hbm>> -> memref<1x40x128xi32, #tpu.memory_space<hbm>>
      %dma_start3A_184 = tpu.memref_squeeze %dma_start3A_183 : memref<1x40x128xi32, #tpu.memory_space<hbm>> -> memref<40x128xi32, #tpu.memory_space<hbm>>
      %dma_start3A_185 = arith.constant 0 : i32
      %dma_start3A_186 = arith.constant 0 : i32
      %dma_start3A_187 = tpu.memref_slice %arg4[%add3A, %dma_start3A_185, %dma_start3A_186] : memref<32x80x128xi32, #tpu.memory_space<hbm>> -> memref<1x40x128xi32, #tpu.memory_space<hbm>>
      %dma_start3A_188 = tpu.memref_squeeze %dma_start3A_187 : memref<1x40x128xi32, #tpu.memory_space<hbm>> -> memref<40x128xi32, #tpu.memory_space<hbm>>
      tpu.enqueue_dma source(%dma_start3A_188 : memref<40x128xi32, #tpu.memory_space<hbm>>) target(%arg8 : memref<40x128xi32, #tpu.memory_space<vmem>>) target_semaphore(%run_scoped3A_180 : memref<!tpu.dma_semaphore, #tpu.memory_space<semaphore_mem>>)
      %dma_wait3A_189 = arith.constant 0 : i32
      %dma_wait3A_190 = arith.constant 0 : i32
      %dma_wait3A_191 = tpu.memref_slice %arg4[%add3A, %dma_wait3A_189, %dma_wait3A_190] : memref<32x80x128xi32, #tpu.memory_space<hbm>> -> memref<1x40x128xi32, #tpu.memory_space<hbm>>
      %dma_wait3A_192 = tpu.memref_squeeze %dma_wait3A_191 : memref<1x40x128xi32, #tpu.memory_space<hbm>> -> memref<40x128xi32, #tpu.memory_space<hbm>>
      %dma_wait3A_193 = arith.constant 0 : i32
      %dma_wait3A_194 = arith.constant 0 : i32
      %dma_wait3A_195 = tpu.memref_slice %arg4[%add3A, %dma_wait3A_193, %dma_wait3A_194] : memref<32x80x128xi32, #tpu.memory_space<hbm>> -> memref<1x40x128xi32, #tpu.memory_space<hbm>>
      %dma_wait3A_196 = tpu.memref_squeeze %dma_wait3A_195 : memref<1x40x128xi32, #tpu.memory_space<hbm>> -> memref<40x128xi32, #tpu.memory_space<hbm>>
      tpu.wait_dma2 semaphore(%run_scoped3A_180 : memref<!tpu.dma_semaphore, #tpu.memory_space<semaphore_mem>>) src(%dma_wait3A_196 : memref<40x128xi32, #tpu.memory_space<hbm>>) dst(%arg8 : memref<40x128xi32, #tpu.memory_space<vmem>>)
      tpu.yield
    }) : () -> ()
    %dma_start3A = arith.constant 0 : i32
    %dma_start3A_3 = arith.constant 0 : i32
    %dma_start3A_4 = arith.constant 0 : i32
    %dma_start3A_5 = tpu.memref_slice %arg9[%dma_start3A_3, %dma_start3A_4] : memref<128x128xf32, #tpu.memory_space<vmem>> -> memref<64x128xf32, #tpu.memory_space<vmem>>
    %dma_start3A_6 = arith.constant 0 : i32
    %dma_start3A_7 = tpu.memref_slice %arg7[%dma_start3A, %dma_start3A_6] : memref<40x128xi32, #tpu.memory_space<vmem>> -> memref<1x64xi32, #tpu.memory_space<vmem>>
    %dma_start3A_8 = tpu.memref_squeeze %dma_start3A_7 : memref<1x64xi32, #tpu.memory_space<vmem>> -> memref<64xi32, #tpu.memory_space<vmem>>
    %dma_start3A_9 = arith.constant 0 : i32
    %dma_start3A_10 = arith.constant 0 : i32
    %dma_start3A_11 = tpu.memref_slice %arg2[%dma_start3A_9, %dma_start3A_10] : memref<10000x128xf32, #tpu.memory_space<hbm>> -> memref<10000x128xf32, #tpu.memory_space<hbm>>
    tpu.enqueue_indirect_dma source(%dma_start3A_11 : memref<10000x128xf32, #tpu.memory_space<hbm>>) target(%dma_start3A_5 : memref<64x128xf32, #tpu.memory_space<vmem>>) offsets(%dma_start3A_8 : memref<64xi32, #tpu.memory_space<vmem>>) semaphore(%arg12 : memref<!tpu.dma_semaphore, #tpu.memory_space<semaphore_mem>>)
    %dma_start3A_12 = arith.constant 0 : i32
    %dma_start3A_13 = arith.constant 64 : i32
    %dma_start3A_14 = arith.constant 0 : i32
    %dma_start3A_15 = tpu.memref_slice %arg9[%dma_start3A_13, %dma_start3A_14] : memref<128x128xf32, #tpu.memory_space<vmem>> -> memref<64x128xf32, #tpu.memory_space<vmem>>
    %dma_start3A_16 = arith.constant 64 : i32
    %dma_start3A_17 = tpu.memref_slice %arg7[%dma_start3A_12, %dma_start3A_16] : memref<40x128xi32, #tpu.memory_space<vmem>> -> memref<1x64xi32, #tpu.memory_space<vmem>>
    %dma_start3A_18 = tpu.memref_squeeze %dma_start3A_17 : memref<1x64xi32, #tpu.memory_space<vmem>> -> memref<64xi32, #tpu.memory_space<vmem>>
    %dma_start3A_19 = arith.constant 0 : i32
    %dma_start3A_20 = arith.constant 0 : i32
    %dma_start3A_21 = tpu.memref_slice %arg2[%dma_start3A_19, %dma_start3A_20] : memref<10000x128xf32, #tpu.memory_space<hbm>> -> memref<10000x128xf32, #tpu.memory_space<hbm>>
    tpu.enqueue_indirect_dma source(%dma_start3A_21 : memref<10000x128xf32, #tpu.memory_space<hbm>>) target(%dma_start3A_15 : memref<64x128xf32, #tpu.memory_space<vmem>>) offsets(%dma_start3A_18 : memref<64xi32, #tpu.memory_space<vmem>>) semaphore(%arg13 : memref<!tpu.dma_semaphore, #tpu.memory_space<semaphore_mem>>)
    %dma_start3A_22 = arith.constant 1 : i32
    %dma_start3A_23 = arith.constant 0 : i32
    %dma_start3A_24 = arith.constant 0 : i32
    %dma_start3A_25 = tpu.memref_slice %arg10[%dma_start3A_23, %dma_start3A_24] : memref<128x128xf32, #tpu.memory_space<vmem>> -> memref<64x128xf32, #tpu.memory_space<vmem>>
    %dma_start3A_26 = arith.constant 0 : i32
    %dma_start3A_27 = tpu.memref_slice %arg7[%dma_start3A_22, %dma_start3A_26] : memref<40x128xi32, #tpu.memory_space<vmem>> -> memref<1x64xi32, #tpu.memory_space<vmem>>
    %dma_start3A_28 = tpu.memref_squeeze %dma_start3A_27 : memref<1x64xi32, #tpu.memory_space<vmem>> -> memref<64xi32, #tpu.memory_space<vmem>>
    %dma_start3A_29 = arith.constant 0 : i32
    %dma_start3A_30 = arith.constant 0 : i32
    %dma_start3A_31 = tpu.memref_slice %arg2[%dma_start3A_29, %dma_start3A_30] : memref<10000x128xf32, #tpu.memory_space<hbm>> -> memref<10000x128xf32, #tpu.memory_space<hbm>>
    tpu.enqueue_indirect_dma source(%dma_start3A_31 : memref<10000x128xf32, #tpu.memory_space<hbm>>) target(%dma_start3A_25 : memref<64x128xf32, #tpu.memory_space<vmem>>) offsets(%dma_start3A_28 : memref<64xi32, #tpu.memory_space<vmem>>) semaphore(%arg14 : memref<!tpu.dma_semaphore, #tpu.memory_space<semaphore_mem>>)
    %dma_start3A_32 = arith.constant 1 : i32
    %dma_start3A_33 = arith.constant 64 : i32
    %dma_start3A_34 = arith.constant 0 : i32
    %dma_start3A_35 = tpu.memref_slice %arg10[%dma_start3A_33, %dma_start3A_34] : memref<128x128xf32, #tpu.memory_space<vmem>> -> memref<64x128xf32, #tpu.memory_space<vmem>>
    %dma_start3A_36 = arith.constant 64 : i32
    %dma_start3A_37 = tpu.memref_slice %arg7[%dma_start3A_32, %dma_start3A_36] : memref<40x128xi32, #tpu.memory_space<vmem>> -> memref<1x64xi32, #tpu.memory_space<vmem>>
    %dma_start3A_38 = tpu.memref_squeeze %dma_start3A_37 : memref<1x64xi32, #tpu.memory_space<vmem>> -> memref<64xi32, #tpu.memory_space<vmem>>
    %dma_start3A_39 = arith.constant 0 : i32
    %dma_start3A_40 = arith.constant 0 : i32
    %dma_start3A_41 = tpu.memref_slice %arg2[%dma_start3A_39, %dma_start3A_40] : memref<10000x128xf32, #tpu.memory_space<hbm>> -> memref<10000x128xf32, #tpu.memory_space<hbm>>
    tpu.enqueue_indirect_dma source(%dma_start3A_41 : memref<10000x128xf32, #tpu.memory_space<hbm>>) target(%dma_start3A_35 : memref<64x128xf32, #tpu.memory_space<vmem>>) offsets(%dma_start3A_38 : memref<64xi32, #tpu.memory_space<vmem>>) semaphore(%arg15 : memref<!tpu.dma_semaphore, #tpu.memory_space<semaphore_mem>>)
    %scan3A = arith.constant 0 : i32
    %scan3A_42 = arith.constant 0 : i32
    %scan3A_43 = arith.constant 19 : i32
    %scan3A_44 = arith.addi %scan3A_42, %scan3A_43 : i32
    %scan3A_45 = arith.constant 1 : i32
    scf.for %scan3A_180 = %scan3A_42 to %scan3A_44 step %scan3A_45  : i32 {
      %mul3A_181 = arith.constant 2 : i32
      %mul3A_182 = arith.muli %mul3A_181, %scan3A_180 : i32
      %dma_wait3A_183 = arith.constant 0 : i32
      %dma_wait3A_184 = arith.constant 0 : i32
      %dma_wait3A_185 = tpu.memref_slice %arg9[%dma_wait3A_183, %dma_wait3A_184] : memref<128x128xf32, #tpu.memory_space<vmem>> -> memref<64x128xf32, #tpu.memory_space<vmem>>
      %dma_wait3A_186 = arith.constant 0 : i32
      %dma_wait3A_187 = tpu.memref_slice %arg7[%mul3A_182, %dma_wait3A_186] : memref<40x128xi32, #tpu.memory_space<vmem>> -> memref<1x64xi32, #tpu.memory_space<vmem>>
      %dma_wait3A_188 = tpu.memref_squeeze %dma_wait3A_187 : memref<1x64xi32, #tpu.memory_space<vmem>> -> memref<64xi32, #tpu.memory_space<vmem>>
      %dma_wait3A_189 = arith.constant 0 : i32
      %dma_wait3A_190 = arith.constant 0 : i32
      %dma_wait3A_191 = tpu.memref_slice %arg2[%dma_wait3A_189, %dma_wait3A_190] : memref<10000x128xf32, #tpu.memory_space<hbm>> -> memref<10000x128xf32, #tpu.memory_space<hbm>>
      tpu.wait_indirect_dma semaphore(%arg12 : memref<!tpu.dma_semaphore, #tpu.memory_space<semaphore_mem>>) src(%dma_wait3A_191 : memref<10000x128xf32, #tpu.memory_space<hbm>>) dst(%dma_wait3A_185 : memref<64x128xf32, #tpu.memory_space<vmem>>)
      %dma_wait3A_192 = arith.constant 64 : i32
      %dma_wait3A_193 = arith.constant 0 : i32
      %dma_wait3A_194 = tpu.memref_slice %arg9[%dma_wait3A_192, %dma_wait3A_193] : memref<128x128xf32, #tpu.memory_space<vmem>> -> memref<64x128xf32, #tpu.memory_space<vmem>>
      %dma_wait3A_195 = arith.constant 64 : i32
      %dma_wait3A_196 = tpu.memref_slice %arg7[%mul3A_182, %dma_wait3A_195] : memref<40x128xi32, #tpu.memory_space<vmem>> -> memref<1x64xi32, #tpu.memory_space<vmem>>
      %dma_wait3A_197 = tpu.memref_squeeze %dma_wait3A_196 : memref<1x64xi32, #tpu.memory_space<vmem>> -> memref<64xi32, #tpu.memory_space<vmem>>
      %dma_wait3A_198 = arith.constant 0 : i32
      %dma_wait3A_199 = arith.constant 0 : i32
      %dma_wait3A_200 = tpu.memref_slice %arg2[%dma_wait3A_198, %dma_wait3A_199] : memref<10000x128xf32, #tpu.memory_space<hbm>> -> memref<10000x128xf32, #tpu.memory_space<hbm>>
      tpu.wait_indirect_dma semaphore(%arg13 : memref<!tpu.dma_semaphore, #tpu.memory_space<semaphore_mem>>) src(%dma_wait3A_200 : memref<10000x128xf32, #tpu.memory_space<hbm>>) dst(%dma_wait3A_194 : memref<64x128xf32, #tpu.memory_space<vmem>>)
      %dma_start3A_201 = arith.constant 0 : i32
      %dma_start3A_202 = tpu.memref_slice %arg8[%mul3A_182, %dma_start3A_201] : memref<40x128xi32, #tpu.memory_space<vmem>> -> memref<1x128xi32, #tpu.memory_space<vmem>>
      %dma_start3A_203 = tpu.memref_squeeze %dma_start3A_202 : memref<1x128xi32, #tpu.memory_space<vmem>> -> memref<128xi32, #tpu.memory_space<vmem>>
      %dma_start3A_204 = arith.constant 0 : i32
      %dma_start3A_205 = arith.constant 0 : i32
      %dma_start3A_206 = tpu.memref_slice %arg11[%dma_start3A_204, %dma_start3A_205] : memref<10112x128xf32, #tpu.memory_space<vmem_shared>> -> memref<10112x128xf32, #tpu.memory_space<vmem_shared>>
      tpu.enqueue_indirect_dma source(%arg9 : memref<128x128xf32, #tpu.memory_space<vmem>>) target(%dma_start3A_206 : memref<10112x128xf32, #tpu.memory_space<vmem_shared>>) offsets(%dma_start3A_203 : memref<128xi32, #tpu.memory_space<vmem>>) semaphore(%arg16 : memref<!tpu.dma_semaphore, #tpu.memory_space<semaphore_mem>>) {add = true}
      %add3A_207 = arith.constant 1 : i32
      %add3A_208 = arith.addi %mul3A_182, %add3A_207 : i32
      %dma_wait3A_209 = arith.constant 0 : i32
      %dma_wait3A_210 = arith.constant 0 : i32
      %dma_wait3A_211 = tpu.memref_slice %arg10[%dma_wait3A_209, %dma_wait3A_210] : memref<128x128xf32, #tpu.memory_space<vmem>> -> memref<64x128xf32, #tpu.memory_space<vmem>>
      %dma_wait3A_212 = arith.constant 0 : i32
      %dma_wait3A_213 = tpu.memref_slice %arg7[%add3A_208, %dma_wait3A_212] : memref<40x128xi32, #tpu.memory_space<vmem>> -> memref<1x64xi32, #tpu.memory_space<vmem>>
      %dma_wait3A_214 = tpu.memref_squeeze %dma_wait3A_213 : memref<1x64xi32, #tpu.memory_space<vmem>> -> memref<64xi32, #tpu.memory_space<vmem>>
      %dma_wait3A_215 = arith.constant 0 : i32
      %dma_wait3A_216 = arith.constant 0 : i32
      %dma_wait3A_217 = tpu.memref_slice %arg2[%dma_wait3A_215, %dma_wait3A_216] : memref<10000x128xf32, #tpu.memory_space<hbm>> -> memref<10000x128xf32, #tpu.memory_space<hbm>>
      tpu.wait_indirect_dma semaphore(%arg14 : memref<!tpu.dma_semaphore, #tpu.memory_space<semaphore_mem>>) src(%dma_wait3A_217 : memref<10000x128xf32, #tpu.memory_space<hbm>>) dst(%dma_wait3A_211 : memref<64x128xf32, #tpu.memory_space<vmem>>)
      %dma_wait3A_218 = arith.constant 64 : i32
      %dma_wait3A_219 = arith.constant 0 : i32
      %dma_wait3A_220 = tpu.memref_slice %arg10[%dma_wait3A_218, %dma_wait3A_219] : memref<128x128xf32, #tpu.memory_space<vmem>> -> memref<64x128xf32, #tpu.memory_space<vmem>>
      %dma_wait3A_221 = arith.constant 64 : i32
      %dma_wait3A_222 = tpu.memref_slice %arg7[%add3A_208, %dma_wait3A_221] : memref<40x128xi32, #tpu.memory_space<vmem>> -> memref<1x64xi32, #tpu.memory_space<vmem>>
      %dma_wait3A_223 = tpu.memref_squeeze %dma_wait3A_222 : memref<1x64xi32, #tpu.memory_space<vmem>> -> memref<64xi32, #tpu.memory_space<vmem>>
      %dma_wait3A_224 = arith.constant 0 : i32
      %dma_wait3A_225 = arith.constant 0 : i32
      %dma_wait3A_226 = tpu.memref_slice %arg2[%dma_wait3A_224, %dma_wait3A_225] : memref<10000x128xf32, #tpu.memory_space<hbm>> -> memref<10000x128xf32, #tpu.memory_space<hbm>>
      tpu.wait_indirect_dma semaphore(%arg15 : memref<!tpu.dma_semaphore, #tpu.memory_space<semaphore_mem>>) src(%dma_wait3A_226 : memref<10000x128xf32, #tpu.memory_space<hbm>>) dst(%dma_wait3A_220 : memref<64x128xf32, #tpu.memory_space<vmem>>)
      %add3A_227 = arith.constant 1 : i32
      %add3A_228 = arith.addi %mul3A_182, %add3A_227 : i32
      %dma_start3A_229 = arith.constant 0 : i32
      %dma_start3A_230 = tpu.memref_slice %arg8[%add3A_228, %dma_start3A_229] : memref<40x128xi32, #tpu.memory_space<vmem>> -> memref<1x128xi32, #tpu.memory_space<vmem>>
      %dma_start3A_231 = tpu.memref_squeeze %dma_start3A_230 : memref<1x128xi32, #tpu.memory_space<vmem>> -> memref<128xi32, #tpu.memory_space<vmem>>
      %dma_start3A_232 = arith.constant 0 : i32
      %dma_start3A_233 = arith.constant 0 : i32
      %dma_start3A_234 = tpu.memref_slice %arg11[%dma_start3A_232, %dma_start3A_233] : memref<10112x128xf32, #tpu.memory_space<vmem_shared>> -> memref<10112x128xf32, #tpu.memory_space<vmem_shared>>
      tpu.enqueue_indirect_dma source(%arg10 : memref<128x128xf32, #tpu.memory_space<vmem>>) target(%dma_start3A_234 : memref<10112x128xf32, #tpu.memory_space<vmem_shared>>) offsets(%dma_start3A_231 : memref<128xi32, #tpu.memory_space<vmem>>) semaphore(%arg17 : memref<!tpu.dma_semaphore, #tpu.memory_space<semaphore_mem>>) {add = true}
      %dma_wait3A_235 = arith.constant 0 : i32
      %dma_wait3A_236 = tpu.memref_slice %arg8[%mul3A_182, %dma_wait3A_235] : memref<40x128xi32, #tpu.memory_space<vmem>> -> memref<1x128xi32, #tpu.memory_space<vmem>>
      %dma_wait3A_237 = tpu.memref_squeeze %dma_wait3A_236 : memref<1x128xi32, #tpu.memory_space<vmem>> -> memref<128xi32, #tpu.memory_space<vmem>>
      %dma_wait3A_238 = arith.constant 0 : i32
      %dma_wait3A_239 = arith.constant 0 : i32
      %dma_wait3A_240 = tpu.memref_slice %arg11[%dma_wait3A_238, %dma_wait3A_239] : memref<10112x128xf32, #tpu.memory_space<vmem_shared>> -> memref<10112x128xf32, #tpu.memory_space<vmem_shared>>
      tpu.wait_indirect_dma semaphore(%arg16 : memref<!tpu.dma_semaphore, #tpu.memory_space<semaphore_mem>>) src(%arg9 : memref<128x128xf32, #tpu.memory_space<vmem>>) dst(%dma_wait3A_240 : memref<10112x128xf32, #tpu.memory_space<vmem_shared>>)
      %add3A_241 = arith.constant 2 : i32
      %add3A_242 = arith.addi %mul3A_182, %add3A_241 : i32
      %dma_start3A_243 = arith.constant 0 : i32
      %dma_start3A_244 = arith.constant 0 : i32
      %dma_start3A_245 = tpu.memref_slice %arg9[%dma_start3A_243, %dma_start3A_244] : memref<128x128xf32, #tpu.memory_space<vmem>> -> memref<64x128xf32, #tpu.memory_space<vmem>>
      %dma_start3A_246 = arith.constant 0 : i32
      %dma_start3A_247 = tpu.memref_slice %arg7[%add3A_242, %dma_start3A_246] : memref<40x128xi32, #tpu.memory_space<vmem>> -> memref<1x64xi32, #tpu.memory_space<vmem>>
      %dma_start3A_248 = tpu.memref_squeeze %dma_start3A_247 : memref<1x64xi32, #tpu.memory_space<vmem>> -> memref<64xi32, #tpu.memory_space<vmem>>
      %dma_start3A_249 = arith.constant 0 : i32
      %dma_start3A_250 = arith.constant 0 : i32
      %dma_start3A_251 = tpu.memref_slice %arg2[%dma_start3A_249, %dma_start3A_250] : memref<10000x128xf32, #tpu.memory_space<hbm>> -> memref<10000x128xf32, #tpu.memory_space<hbm>>
      tpu.enqueue_indirect_dma source(%dma_start3A_251 : memref<10000x128xf32, #tpu.memory_space<hbm>>) target(%dma_start3A_245 : memref<64x128xf32, #tpu.memory_space<vmem>>) offsets(%dma_start3A_248 : memref<64xi32, #tpu.memory_space<vmem>>) semaphore(%arg12 : memref<!tpu.dma_semaphore, #tpu.memory_space<semaphore_mem>>)
      %dma_start3A_252 = arith.constant 64 : i32
      %dma_start3A_253 = arith.constant 0 : i32
      %dma_start3A_254 = tpu.memref_slice %arg9[%dma_start3A_252, %dma_start3A_253] : memref<128x128xf32, #tpu.memory_space<vmem>> -> memref<64x128xf32, #tpu.memory_space<vmem>>
      %dma_start3A_255 = arith.constant 64 : i32
      %dma_start3A_256 = tpu.memref_slice %arg7[%add3A_242, %dma_start3A_255] : memref<40x128xi32, #tpu.memory_space<vmem>> -> memref<1x64xi32, #tpu.memory_space<vmem>>
      %dma_start3A_257 = tpu.memref_squeeze %dma_start3A_256 : memref<1x64xi32, #tpu.memory_space<vmem>> -> memref<64xi32, #tpu.memory_space<vmem>>
      %dma_start3A_258 = arith.constant 0 : i32
      %dma_start3A_259 = arith.constant 0 : i32
      %dma_start3A_260 = tpu.memref_slice %arg2[%dma_start3A_258, %dma_start3A_259] : memref<10000x128xf32, #tpu.memory_space<hbm>> -> memref<10000x128xf32, #tpu.memory_space<hbm>>
      tpu.enqueue_indirect_dma source(%dma_start3A_260 : memref<10000x128xf32, #tpu.memory_space<hbm>>) target(%dma_start3A_254 : memref<64x128xf32, #tpu.memory_space<vmem>>) offsets(%dma_start3A_257 : memref<64xi32, #tpu.memory_space<vmem>>) semaphore(%arg13 : memref<!tpu.dma_semaphore, #tpu.memory_space<semaphore_mem>>)
      %add3A_261 = arith.constant 1 : i32
      %add3A_262 = arith.addi %mul3A_182, %add3A_261 : i32
      %dma_wait3A_263 = arith.constant 0 : i32
      %dma_wait3A_264 = tpu.memref_slice %arg8[%add3A_262, %dma_wait3A_263] : memref<40x128xi32, #tpu.memory_space<vmem>> -> memref<1x128xi32, #tpu.memory_space<vmem>>
      %dma_wait3A_265 = tpu.memref_squeeze %dma_wait3A_264 : memref<1x128xi32, #tpu.memory_space<vmem>> -> memref<128xi32, #tpu.memory_space<vmem>>
      %dma_wait3A_266 = arith.constant 0 : i32
      %dma_wait3A_267 = arith.constant 0 : i32
      %dma_wait3A_268 = tpu.memref_slice %arg11[%dma_wait3A_266, %dma_wait3A_267] : memref<10112x128xf32, #tpu.memory_space<vmem_shared>> -> memref<10112x128xf32, #tpu.memory_space<vmem_shared>>
      tpu.wait_indirect_dma semaphore(%arg17 : memref<!tpu.dma_semaphore, #tpu.memory_space<semaphore_mem>>) src(%arg10 : memref<128x128xf32, #tpu.memory_space<vmem>>) dst(%dma_wait3A_268 : memref<10112x128xf32, #tpu.memory_space<vmem_shared>>)
      %add3A_269 = arith.constant 3 : i32
      %add3A_270 = arith.addi %mul3A_182, %add3A_269 : i32
      %dma_start3A_271 = arith.constant 0 : i32
      %dma_start3A_272 = arith.constant 0 : i32
      %dma_start3A_273 = tpu.memref_slice %arg10[%dma_start3A_271, %dma_start3A_272] : memref<128x128xf32, #tpu.memory_space<vmem>> -> memref<64x128xf32, #tpu.memory_space<vmem>>
      %dma_start3A_274 = arith.constant 0 : i32
      %dma_start3A_275 = tpu.memref_slice %arg7[%add3A_270, %dma_start3A_274] : memref<40x128xi32, #tpu.memory_space<vmem>> -> memref<1x64xi32, #tpu.memory_space<vmem>>
      %dma_start3A_276 = tpu.memref_squeeze %dma_start3A_275 : memref<1x64xi32, #tpu.memory_space<vmem>> -> memref<64xi32, #tpu.memory_space<vmem>>
      %dma_start3A_277 = arith.constant 0 : i32
      %dma_start3A_278 = arith.constant 0 : i32
      %dma_start3A_279 = tpu.memref_slice %arg2[%dma_start3A_277, %dma_start3A_278] : memref<10000x128xf32, #tpu.memory_space<hbm>> -> memref<10000x128xf32, #tpu.memory_space<hbm>>
      tpu.enqueue_indirect_dma source(%dma_start3A_279 : memref<10000x128xf32, #tpu.memory_space<hbm>>) target(%dma_start3A_273 : memref<64x128xf32, #tpu.memory_space<vmem>>) offsets(%dma_start3A_276 : memref<64xi32, #tpu.memory_space<vmem>>) semaphore(%arg14 : memref<!tpu.dma_semaphore, #tpu.memory_space<semaphore_mem>>)
      %dma_start3A_280 = arith.constant 64 : i32
      %dma_start3A_281 = arith.constant 0 : i32
      %dma_start3A_282 = tpu.memref_slice %arg10[%dma_start3A_280, %dma_start3A_281] : memref<128x128xf32, #tpu.memory_space<vmem>> -> memref<64x128xf32, #tpu.memory_space<vmem>>
      %dma_start3A_283 = arith.constant 64 : i32
      %dma_start3A_284 = tpu.memref_slice %arg7[%add3A_270, %dma_start3A_283] : memref<40x128xi32, #tpu.memory_space<vmem>> -> memref<1x64xi32, #tpu.memory_space<vmem>>
      %dma_start3A_285 = tpu.memref_squeeze %dma_start3A_284 : memref<1x64xi32, #tpu.memory_space<vmem>> -> memref<64xi32, #tpu.memory_space<vmem>>
      %dma_start3A_286 = arith.constant 0 : i32
      %dma_start3A_287 = arith.constant 0 : i32
      %dma_start3A_288 = tpu.memref_slice %arg2[%dma_start3A_286, %dma_start3A_287] : memref<10000x128xf32, #tpu.memory_space<hbm>> -> memref<10000x128xf32, #tpu.memory_space<hbm>>
      tpu.enqueue_indirect_dma source(%dma_start3A_288 : memref<10000x128xf32, #tpu.memory_space<hbm>>) target(%dma_start3A_282 : memref<64x128xf32, #tpu.memory_space<vmem>>) offsets(%dma_start3A_285 : memref<64xi32, #tpu.memory_space<vmem>>) semaphore(%arg15 : memref<!tpu.dma_semaphore, #tpu.memory_space<semaphore_mem>>)
    }
    %scan3A_46 = arith.constant 19 : i32
    %dma_wait3A = arith.constant 38 : i32
    %dma_wait3A_47 = arith.constant 0 : i32
    %dma_wait3A_48 = arith.constant 0 : i32
    %dma_wait3A_49 = tpu.memref_slice %arg9[%dma_wait3A_47, %dma_wait3A_48] : memref<128x128xf32, #tpu.memory_space<vmem>> -> memref<64x128xf32, #tpu.memory_space<vmem>>
    %dma_wait3A_50 = arith.constant 0 : i32
    %dma_wait3A_51 = tpu.memref_slice %arg7[%dma_wait3A, %dma_wait3A_50] : memref<40x128xi32, #tpu.memory_space<vmem>> -> memref<1x64xi32, #tpu.memory_space<vmem>>
    %dma_wait3A_52 = tpu.memref_squeeze %dma_wait3A_51 : memref<1x64xi32, #tpu.memory_space<vmem>> -> memref<64xi32, #tpu.memory_space<vmem>>
    %dma_wait3A_53 = arith.constant 0 : i32
    %dma_wait3A_54 = arith.constant 0 : i32
    %dma_wait3A_55 = tpu.memref_slice %arg2[%dma_wait3A_53, %dma_wait3A_54] : memref<10000x128xf32, #tpu.memory_space<hbm>> -> memref<10000x128xf32, #tpu.memory_space<hbm>>
    tpu.wait_indirect_dma semaphore(%arg12 : memref<!tpu.dma_semaphore, #tpu.memory_space<semaphore_mem>>) src(%dma_wait3A_55 : memref<10000x128xf32, #tpu.memory_space<hbm>>) dst(%dma_wait3A_49 : memref<64x128xf32, #tpu.memory_space<vmem>>)
    %dma_wait3A_56 = arith.constant 38 : i32
    %dma_wait3A_57 = arith.constant 64 : i32
    %dma_wait3A_58 = arith.constant 0 : i32
    %dma_wait3A_59 = tpu.memref_slice %arg9[%dma_wait3A_57, %dma_wait3A_58] : memref<128x128xf32, #tpu.memory_space<vmem>> -> memref<64x128xf32, #tpu.memory_space<vmem>>
    %dma_wait3A_60 = arith.constant 64 : i32
    %dma_wait3A_61 = tpu.memref_slice %arg7[%dma_wait3A_56, %dma_wait3A_60] : memref<40x128xi32, #tpu.memory_space<vmem>> -> memref<1x64xi32, #tpu.memory_space<vmem>>
    %dma_wait3A_62 = tpu.memref_squeeze %dma_wait3A_61 : memref<1x64xi32, #tpu.memory_space<vmem>> -> memref<64xi32, #tpu.memory_space<vmem>>
    %dma_wait3A_63 = arith.constant 0 : i32
    %dma_wait3A_64 = arith.constant 0 : i32
    %dma_wait3A_65 = tpu.memref_slice %arg2[%dma_wait3A_63, %dma_wait3A_64] : memref<10000x128xf32, #tpu.memory_space<hbm>> -> memref<10000x128xf32, #tpu.memory_space<hbm>>
    tpu.wait_indirect_dma semaphore(%arg13 : memref<!tpu.dma_semaphore, #tpu.memory_space<semaphore_mem>>) src(%dma_wait3A_65 : memref<10000x128xf32, #tpu.memory_space<hbm>>) dst(%dma_wait3A_59 : memref<64x128xf32, #tpu.memory_space<vmem>>)
    %run_scoped3A = arith.constant 38 : i32
    "tpu.region"() ({
      %run_scoped3A_180 = tpu.sem_alloc : memref<!tpu.dma_semaphore, #tpu.memory_space<semaphore_mem>>
      %dma_start3A_181 = arith.constant 0 : i32
      %dma_start3A_182 = tpu.memref_slice %arg8[%run_scoped3A, %dma_start3A_181] : memref<40x128xi32, #tpu.memory_space<vmem>> -> memref<1x128xi32, #tpu.memory_space<vmem>>
      %dma_start3A_183 = tpu.memref_squeeze %dma_start3A_182 : memref<1x128xi32, #tpu.memory_space<vmem>> -> memref<128xi32, #tpu.memory_space<vmem>>
      %dma_start3A_184 = arith.constant 0 : i32
      %dma_start3A_185 = arith.constant 0 : i32
      %dma_start3A_186 = tpu.memref_slice %arg11[%dma_start3A_184, %dma_start3A_185] : memref<10112x128xf32, #tpu.memory_space<vmem_shared>> -> memref<10112x128xf32, #tpu.memory_space<vmem_shared>>
      tpu.enqueue_indirect_dma source(%arg9 : memref<128x128xf32, #tpu.memory_space<vmem>>) target(%dma_start3A_186 : memref<10112x128xf32, #tpu.memory_space<vmem_shared>>) offsets(%dma_start3A_183 : memref<128xi32, #tpu.memory_space<vmem>>) semaphore(%run_scoped3A_180 : memref<!tpu.dma_semaphore, #tpu.memory_space<semaphore_mem>>) {add = true}
      %dma_wait3A_187 = arith.constant 0 : i32
      %dma_wait3A_188 = tpu.memref_slice %arg8[%run_scoped3A, %dma_wait3A_187] : memref<40x128xi32, #tpu.memory_space<vmem>> -> memref<1x128xi32, #tpu.memory_space<vmem>>
      %dma_wait3A_189 = tpu.memref_squeeze %dma_wait3A_188 : memref<1x128xi32, #tpu.memory_space<vmem>> -> memref<128xi32, #tpu.memory_space<vmem>>
      %dma_wait3A_190 = arith.constant 0 : i32
      %dma_wait3A_191 = arith.constant 0 : i32
      %dma_wait3A_192 = tpu.memref_slice %arg11[%dma_wait3A_190, %dma_wait3A_191] : memref<10112x128xf32, #tpu.memory_space<vmem_shared>> -> memref<10112x128xf32, #tpu.memory_space<vmem_shared>>
      tpu.wait_indirect_dma semaphore(%run_scoped3A_180 : memref<!tpu.dma_semaphore, #tpu.memory_space<semaphore_mem>>) src(%arg9 : memref<128x128xf32, #tpu.memory_space<vmem>>) dst(%dma_wait3A_192 : memref<10112x128xf32, #tpu.memory_space<vmem_shared>>)
      tpu.yield
    }) : () -> ()
    %dma_wait3A_66 = arith.constant 39 : i32
    %dma_wait3A_67 = arith.constant 0 : i32
    %dma_wait3A_68 = arith.constant 0 : i32
    %dma_wait3A_69 = tpu.memref_slice %arg10[%dma_wait3A_67, %dma_wait3A_68] : memref<128x128xf32, #tpu.memory_space<vmem>> -> memref<64x128xf32, #tpu.memory_space<vmem>>
    %dma_wait3A_70 = arith.constant 0 : i32
    %dma_wait3A_71 = tpu.memref_slice %arg7[%dma_wait3A_66, %dma_wait3A_70] : memref<40x128xi32, #tpu.memory_space<vmem>> -> memref<1x64xi32, #tpu.memory_space<vmem>>
    %dma_wait3A_72 = tpu.memref_squeeze %dma_wait3A_71 : memref<1x64xi32, #tpu.memory_space<vmem>> -> memref<64xi32, #tpu.memory_space<vmem>>
    %dma_wait3A_73 = arith.constant 0 : i32
    %dma_wait3A_74 = arith.constant 0 : i32
    %dma_wait3A_75 = tpu.memref_slice %arg2[%dma_wait3A_73, %dma_wait3A_74] : memref<10000x128xf32, #tpu.memory_space<hbm>> -> memref<10000x128xf32, #tpu.memory_space<hbm>>
    tpu.wait_indirect_dma semaphore(%arg14 : memref<!tpu.dma_semaphore, #tpu.memory_space<semaphore_mem>>) src(%dma_wait3A_75 : memref<10000x128xf32, #tpu.memory_space<hbm>>) dst(%dma_wait3A_69 : memref<64x128xf32, #tpu.memory_space<vmem>>)
    %dma_wait3A_76 = arith.constant 39 : i32
    %dma_wait3A_77 = arith.constant 64 : i32
    %dma_wait3A_78 = arith.constant 0 : i32
    %dma_wait3A_79 = tpu.memref_slice %arg10[%dma_wait3A_77, %dma_wait3A_78] : memref<128x128xf32, #tpu.memory_space<vmem>> -> memref<64x128xf32, #tpu.memory_space<vmem>>
    %dma_wait3A_80 = arith.constant 64 : i32
    %dma_wait3A_81 = tpu.memref_slice %arg7[%dma_wait3A_76, %dma_wait3A_80] : memref<40x128xi32, #tpu.memory_space<vmem>> -> memref<1x64xi32, #tpu.memory_space<vmem>>
    %dma_wait3A_82 = tpu.memref_squeeze %dma_wait3A_81 : memref<1x64xi32, #tpu.memory_space<vmem>> -> memref<64xi32, #tpu.memory_space<vmem>>
    %dma_wait3A_83 = arith.constant 0 : i32
    %dma_wait3A_84 = arith.constant 0 : i32
    %dma_wait3A_85 = tpu.memref_slice %arg2[%dma_wait3A_83, %dma_wait3A_84] : memref<10000x128xf32, #tpu.memory_space<hbm>> -> memref<10000x128xf32, #tpu.memory_space<hbm>>
    tpu.wait_indirect_dma semaphore(%arg15 : memref<!tpu.dma_semaphore, #tpu.memory_space<semaphore_mem>>) src(%dma_wait3A_85 : memref<10000x128xf32, #tpu.memory_space<hbm>>) dst(%dma_wait3A_79 : memref<64x128xf32, #tpu.memory_space<vmem>>)
    %run_scoped3A_86 = arith.constant 39 : i32
    "tpu.region"() ({
      %run_scoped3A_180 = tpu.sem_alloc : memref<!tpu.dma_semaphore, #tpu.memory_space<semaphore_mem>>
      %dma_start3A_181 = arith.constant 0 : i32
      %dma_start3A_182 = tpu.memref_slice %arg8[%run_scoped3A_86, %dma_start3A_181] : memref<40x128xi32, #tpu.memory_space<vmem>> -> memref<1x128xi32, #tpu.memory_space<vmem>>
      %dma_start3A_183 = tpu.memref_squeeze %dma_start3A_182 : memref<1x128xi32, #tpu.memory_space<vmem>> -> memref<128xi32, #tpu.memory_space<vmem>>
      %dma_start3A_184 = arith.constant 0 : i32
      %dma_start3A_185 = arith.constant 0 : i32
      %dma_start3A_186 = tpu.memref_slice %arg11[%dma_start3A_184, %dma_start3A_185] : memref<10112x128xf32, #tpu.memory_space<vmem_shared>> -> memref<10112x128xf32, #tpu.memory_space<vmem_shared>>
      tpu.enqueue_indirect_dma source(%arg10 : memref<128x128xf32, #tpu.memory_space<vmem>>) target(%dma_start3A_186 : memref<10112x128xf32, #tpu.memory_space<vmem_shared>>) offsets(%dma_start3A_183 : memref<128xi32, #tpu.memory_space<vmem>>) semaphore(%run_scoped3A_180 : memref<!tpu.dma_semaphore, #tpu.memory_space<semaphore_mem>>) {add = true}
      %dma_wait3A_187 = arith.constant 0 : i32
      %dma_wait3A_188 = tpu.memref_slice %arg8[%run_scoped3A_86, %dma_wait3A_187] : memref<40x128xi32, #tpu.memory_space<vmem>> -> memref<1x128xi32, #tpu.memory_space<vmem>>
      %dma_wait3A_189 = tpu.memref_squeeze %dma_wait3A_188 : memref<1x128xi32, #tpu.memory_space<vmem>> -> memref<128xi32, #tpu.memory_space<vmem>>
      %dma_wait3A_190 = arith.constant 0 : i32
      %dma_wait3A_191 = arith.constant 0 : i32
      %dma_wait3A_192 = tpu.memref_slice %arg11[%dma_wait3A_190, %dma_wait3A_191] : memref<10112x128xf32, #tpu.memory_space<vmem_shared>> -> memref<10112x128xf32, #tpu.memory_space<vmem_shared>>
      tpu.wait_indirect_dma semaphore(%run_scoped3A_180 : memref<!tpu.dma_semaphore, #tpu.memory_space<semaphore_mem>>) src(%arg10 : memref<128x128xf32, #tpu.memory_space<vmem>>) dst(%dma_wait3A_192 : memref<10112x128xf32, #tpu.memory_space<vmem_shared>>)
      tpu.yield
    }) : () -> ()
    "tpu.region"() ({
      %run_scoped3A_180 = tpu.sem_alloc : memref<!tpu.dma_semaphore, #tpu.memory_space<semaphore_mem>>
      %dma_start3A_181 = arith.constant 40 : i32
      %dma_start3A_182 = arith.constant 0 : i32
      %dma_start3A_183 = tpu.memref_slice %arg3[%add3A, %dma_start3A_181, %dma_start3A_182] : memref<32x80x128xi32, #tpu.memory_space<hbm>> -> memref<1x40x128xi32, #tpu.memory_space<hbm>>
      %dma_start3A_184 = tpu.memref_squeeze %dma_start3A_183 : memref<1x40x128xi32, #tpu.memory_space<hbm>> -> memref<40x128xi32, #tpu.memory_space<hbm>>
      %dma_start3A_185 = arith.constant 40 : i32
      %dma_start3A_186 = arith.constant 0 : i32
      %dma_start3A_187 = tpu.memref_slice %arg3[%add3A, %dma_start3A_185, %dma_start3A_186] : memref<32x80x128xi32, #tpu.memory_space<hbm>> -> memref<1x40x128xi32, #tpu.memory_space<hbm>>
      %dma_start3A_188 = tpu.memref_squeeze %dma_start3A_187 : memref<1x40x128xi32, #tpu.memory_space<hbm>> -> memref<40x128xi32, #tpu.memory_space<hbm>>
      tpu.enqueue_dma source(%dma_start3A_188 : memref<40x128xi32, #tpu.memory_space<hbm>>) target(%arg7 : memref<40x128xi32, #tpu.memory_space<vmem>>) target_semaphore(%run_scoped3A_180 : memref<!tpu.dma_semaphore, #tpu.memory_space<semaphore_mem>>)
      %dma_wait3A_189 = arith.constant 40 : i32
      %dma_wait3A_190 = arith.constant 0 : i32
      %dma_wait3A_191 = tpu.memref_slice %arg3[%add3A, %dma_wait3A_189, %dma_wait3A_190] : memref<32x80x128xi32, #tpu.memory_space<hbm>> -> memref<1x40x128xi32, #tpu.memory_space<hbm>>
      %dma_wait3A_192 = tpu.memref_squeeze %dma_wait3A_191 : memref<1x40x128xi32, #tpu.memory_space<hbm>> -> memref<40x128xi32, #tpu.memory_space<hbm>>
      %dma_wait3A_193 = arith.constant 40 : i32
      %dma_wait3A_194 = arith.constant 0 : i32
      %dma_wait3A_195 = tpu.memref_slice %arg3[%add3A, %dma_wait3A_193, %dma_wait3A_194] : memref<32x80x128xi32, #tpu.memory_space<hbm>> -> memref<1x40x128xi32, #tpu.memory_space<hbm>>
      %dma_wait3A_196 = tpu.memref_squeeze %dma_wait3A_195 : memref<1x40x128xi32, #tpu.memory_space<hbm>> -> memref<40x128xi32, #tpu.memory_space<hbm>>
      tpu.wait_dma2 semaphore(%run_scoped3A_180 : memref<!tpu.dma_semaphore, #tpu.memory_space<semaphore_mem>>) src(%dma_wait3A_196 : memref<40x128xi32, #tpu.memory_space<hbm>>) dst(%arg7 : memref<40x128xi32, #tpu.memory_space<vmem>>)
      tpu.yield
    }) : () -> ()
    "tpu.region"() ({
      %run_scoped3A_180 = tpu.sem_alloc : memref<!tpu.dma_semaphore, #tpu.memory_space<semaphore_mem>>
      %dma_start3A_181 = arith.constant 40 : i32
      %dma_start3A_182 = arith.constant 0 : i32
      %dma_start3A_183 = tpu.memref_slice %arg4[%add3A, %dma_start3A_181, %dma_start3A_182] : memref<32x80x128xi32, #tpu.memory_space<hbm>> -> memref<1x40x128xi32, #tpu.memory_space<hbm>>
      %dma_start3A_184 = tpu.memref_squeeze %dma_start3A_183 : memref<1x40x128xi32, #tpu.memory_space<hbm>> -> memref<40x128xi32, #tpu.memory_space<hbm>>
      %dma_start3A_185 = arith.constant 40 : i32
      %dma_start3A_186 = arith.constant 0 : i32
      %dma_start3A_187 = tpu.memref_slice %arg4[%add3A, %dma_start3A_185, %dma_start3A_186] : memref<32x80x128xi32, #tpu.memory_space<hbm>> -> memref<1x40x128xi32, #tpu.memory_space<hbm>>
      %dma_start3A_188 = tpu.memref_squeeze %dma_start3A_187 : memref<1x40x128xi32, #tpu.memory_space<hbm>> -> memref<40x128xi32, #tpu.memory_space<hbm>>
      tpu.enqueue_dma source(%dma_start3A_188 : memref<40x128xi32, #tpu.memory_space<hbm>>) target(%arg8 : memref<40x128xi32, #tpu.memory_space<vmem>>) target_semaphore(%run_scoped3A_180 : memref<!tpu.dma_semaphore, #tpu.memory_space<semaphore_mem>>)
      %dma_wait3A_189 = arith.constant 40 : i32
      %dma_wait3A_190 = arith.constant 0 : i32
      %dma_wait3A_191 = tpu.memref_slice %arg4[%add3A, %dma_wait3A_189, %dma_wait3A_190] : memref<32x80x128xi32, #tpu.memory_space<hbm>> -> memref<1x40x128xi32, #tpu.memory_space<hbm>>
      %dma_wait3A_192 = tpu.memref_squeeze %dma_wait3A_191 : memref<1x40x128xi32, #tpu.memory_space<hbm>> -> memref<40x128xi32, #tpu.memory_space<hbm>>
      %dma_wait3A_193 = arith.constant 40 : i32
      %dma_wait3A_194 = arith.constant 0 : i32
      %dma_wait3A_195 = tpu.memref_slice %arg4[%add3A, %dma_wait3A_193, %dma_wait3A_194] : memref<32x80x128xi32, #tpu.memory_space<hbm>> -> memref<1x40x128xi32, #tpu.memory_space<hbm>>
      %dma_wait3A_196 = tpu.memref_squeeze %dma_wait3A_195 : memref<1x40x128xi32, #tpu.memory_space<hbm>> -> memref<40x128xi32, #tpu.memory_space<hbm>>
      tpu.wait_dma2 semaphore(%run_scoped3A_180 : memref<!tpu.dma_semaphore, #tpu.memory_space<semaphore_mem>>) src(%dma_wait3A_196 : memref<40x128xi32, #tpu.memory_space<hbm>>) dst(%arg8 : memref<40x128xi32, #tpu.memory_space<vmem>>)
      tpu.yield
    }) : () -> ()
    %dma_start3A_87 = arith.constant 0 : i32
    %dma_start3A_88 = arith.constant 0 : i32
    %dma_start3A_89 = arith.constant 0 : i32
    %dma_start3A_90 = tpu.memref_slice %arg9[%dma_start3A_88, %dma_start3A_89] : memref<128x128xf32, #tpu.memory_space<vmem>> -> memref<64x128xf32, #tpu.memory_space<vmem>>
    %dma_start3A_91 = arith.constant 0 : i32
    %dma_start3A_92 = tpu.memref_slice %arg7[%dma_start3A_87, %dma_start3A_91] : memref<40x128xi32, #tpu.memory_space<vmem>> -> memref<1x64xi32, #tpu.memory_space<vmem>>
    %dma_start3A_93 = tpu.memref_squeeze %dma_start3A_92 : memref<1x64xi32, #tpu.memory_space<vmem>> -> memref<64xi32, #tpu.memory_space<vmem>>
    %dma_start3A_94 = arith.constant 0 : i32
    %dma_start3A_95 = arith.constant 0 : i32
    %dma_start3A_96 = tpu.memref_slice %arg2[%dma_start3A_94, %dma_start3A_95] : memref<10000x128xf32, #tpu.memory_space<hbm>> -> memref<10000x128xf32, #tpu.memory_space<hbm>>
    tpu.enqueue_indirect_dma source(%dma_start3A_96 : memref<10000x128xf32, #tpu.memory_space<hbm>>) target(%dma_start3A_90 : memref<64x128xf32, #tpu.memory_space<vmem>>) offsets(%dma_start3A_93 : memref<64xi32, #tpu.memory_space<vmem>>) semaphore(%arg12 : memref<!tpu.dma_semaphore, #tpu.memory_space<semaphore_mem>>)
    %dma_start3A_97 = arith.constant 0 : i32
    %dma_start3A_98 = arith.constant 64 : i32
    %dma_start3A_99 = arith.constant 0 : i32
    %dma_start3A_100 = tpu.memref_slice %arg9[%dma_start3A_98, %dma_start3A_99] : memref<128x128xf32, #tpu.memory_space<vmem>> -> memref<64x128xf32, #tpu.memory_space<vmem>>
    %dma_start3A_101 = arith.constant 64 : i32
    %dma_start3A_102 = tpu.memref_slice %arg7[%dma_start3A_97, %dma_start3A_101] : memref<40x128xi32, #tpu.memory_space<vmem>> -> memref<1x64xi32, #tpu.memory_space<vmem>>
    %dma_start3A_103 = tpu.memref_squeeze %dma_start3A_102 : memref<1x64xi32, #tpu.memory_space<vmem>> -> memref<64xi32, #tpu.memory_space<vmem>>
    %dma_start3A_104 = arith.constant 0 : i32
    %dma_start3A_105 = arith.constant 0 : i32
    %dma_start3A_106 = tpu.memref_slice %arg2[%dma_start3A_104, %dma_start3A_105] : memref<10000x128xf32, #tpu.memory_space<hbm>> -> memref<10000x128xf32, #tpu.memory_space<hbm>>
    tpu.enqueue_indirect_dma source(%dma_start3A_106 : memref<10000x128xf32, #tpu.memory_space<hbm>>) target(%dma_start3A_100 : memref<64x128xf32, #tpu.memory_space<vmem>>) offsets(%dma_start3A_103 : memref<64xi32, #tpu.memory_space<vmem>>) semaphore(%arg13 : memref<!tpu.dma_semaphore, #tpu.memory_space<semaphore_mem>>)
    %dma_start3A_107 = arith.constant 1 : i32
    %dma_start3A_108 = arith.constant 0 : i32
    %dma_start3A_109 = arith.constant 0 : i32
    %dma_start3A_110 = tpu.memref_slice %arg10[%dma_start3A_108, %dma_start3A_109] : memref<128x128xf32, #tpu.memory_space<vmem>> -> memref<64x128xf32, #tpu.memory_space<vmem>>
    %dma_start3A_111 = arith.constant 0 : i32
    %dma_start3A_112 = tpu.memref_slice %arg7[%dma_start3A_107, %dma_start3A_111] : memref<40x128xi32, #tpu.memory_space<vmem>> -> memref<1x64xi32, #tpu.memory_space<vmem>>
    %dma_start3A_113 = tpu.memref_squeeze %dma_start3A_112 : memref<1x64xi32, #tpu.memory_space<vmem>> -> memref<64xi32, #tpu.memory_space<vmem>>
    %dma_start3A_114 = arith.constant 0 : i32
    %dma_start3A_115 = arith.constant 0 : i32
    %dma_start3A_116 = tpu.memref_slice %arg2[%dma_start3A_114, %dma_start3A_115] : memref<10000x128xf32, #tpu.memory_space<hbm>> -> memref<10000x128xf32, #tpu.memory_space<hbm>>
    tpu.enqueue_indirect_dma source(%dma_start3A_116 : memref<10000x128xf32, #tpu.memory_space<hbm>>) target(%dma_start3A_110 : memref<64x128xf32, #tpu.memory_space<vmem>>) offsets(%dma_start3A_113 : memref<64xi32, #tpu.memory_space<vmem>>) semaphore(%arg14 : memref<!tpu.dma_semaphore, #tpu.memory_space<semaphore_mem>>)
    %dma_start3A_117 = arith.constant 1 : i32
    %dma_start3A_118 = arith.constant 64 : i32
    %dma_start3A_119 = arith.constant 0 : i32
    %dma_start3A_120 = tpu.memref_slice %arg10[%dma_start3A_118, %dma_start3A_119] : memref<128x128xf32, #tpu.memory_space<vmem>> -> memref<64x128xf32, #tpu.memory_space<vmem>>
    %dma_start3A_121 = arith.constant 64 : i32
    %dma_start3A_122 = tpu.memref_slice %arg7[%dma_start3A_117, %dma_start3A_121] : memref<40x128xi32, #tpu.memory_space<vmem>> -> memref<1x64xi32, #tpu.memory_space<vmem>>
    %dma_start3A_123 = tpu.memref_squeeze %dma_start3A_122 : memref<1x64xi32, #tpu.memory_space<vmem>> -> memref<64xi32, #tpu.memory_space<vmem>>
    %dma_start3A_124 = arith.constant 0 : i32
    %dma_start3A_125 = arith.constant 0 : i32
    %dma_start3A_126 = tpu.memref_slice %arg2[%dma_start3A_124, %dma_start3A_125] : memref<10000x128xf32, #tpu.memory_space<hbm>> -> memref<10000x128xf32, #tpu.memory_space<hbm>>
    tpu.enqueue_indirect_dma source(%dma_start3A_126 : memref<10000x128xf32, #tpu.memory_space<hbm>>) target(%dma_start3A_120 : memref<64x128xf32, #tpu.memory_space<vmem>>) offsets(%dma_start3A_123 : memref<64xi32, #tpu.memory_space<vmem>>) semaphore(%arg15 : memref<!tpu.dma_semaphore, #tpu.memory_space<semaphore_mem>>)
    %scan3A_127 = arith.constant 0 : i32
    %scan3A_128 = arith.constant 0 : i32
    %scan3A_129 = arith.constant 19 : i32
    %scan3A_130 = arith.addi %scan3A_128, %scan3A_129 : i32
    %scan3A_131 = arith.constant 1 : i32
    scf.for %scan3A_180 = %scan3A_128 to %scan3A_130 step %scan3A_131  : i32 {
      %mul3A_181 = arith.constant 2 : i32
      %mul3A_182 = arith.muli %mul3A_181, %scan3A_180 : i32
      %dma_wait3A_183 = arith.constant 0 : i32
      %dma_wait3A_184 = arith.constant 0 : i32
      %dma_wait3A_185 = tpu.memref_slice %arg9[%dma_wait3A_183, %dma_wait3A_184] : memref<128x128xf32, #tpu.memory_space<vmem>> -> memref<64x128xf32, #tpu.memory_space<vmem>>
      %dma_wait3A_186 = arith.constant 0 : i32
      %dma_wait3A_187 = tpu.memref_slice %arg7[%mul3A_182, %dma_wait3A_186] : memref<40x128xi32, #tpu.memory_space<vmem>> -> memref<1x64xi32, #tpu.memory_space<vmem>>
      %dma_wait3A_188 = tpu.memref_squeeze %dma_wait3A_187 : memref<1x64xi32, #tpu.memory_space<vmem>> -> memref<64xi32, #tpu.memory_space<vmem>>
      %dma_wait3A_189 = arith.constant 0 : i32
      %dma_wait3A_190 = arith.constant 0 : i32
      %dma_wait3A_191 = tpu.memref_slice %arg2[%dma_wait3A_189, %dma_wait3A_190] : memref<10000x128xf32, #tpu.memory_space<hbm>> -> memref<10000x128xf32, #tpu.memory_space<hbm>>
      tpu.wait_indirect_dma semaphore(%arg12 : memref<!tpu.dma_semaphore, #tpu.memory_space<semaphore_mem>>) src(%dma_wait3A_191 : memref<10000x128xf32, #tpu.memory_space<hbm>>) dst(%dma_wait3A_185 : memref<64x128xf32, #tpu.memory_space<vmem>>)
      %dma_wait3A_192 = arith.constant 64 : i32
      %dma_wait3A_193 = arith.constant 0 : i32
      %dma_wait3A_194 = tpu.memref_slice %arg9[%dma_wait3A_192, %dma_wait3A_193] : memref<128x128xf32, #tpu.memory_space<vmem>> -> memref<64x128xf32, #tpu.memory_space<vmem>>
      %dma_wait3A_195 = arith.constant 64 : i32
      %dma_wait3A_196 = tpu.memref_slice %arg7[%mul3A_182, %dma_wait3A_195] : memref<40x128xi32, #tpu.memory_space<vmem>> -> memref<1x64xi32, #tpu.memory_space<vmem>>
      %dma_wait3A_197 = tpu.memref_squeeze %dma_wait3A_196 : memref<1x64xi32, #tpu.memory_space<vmem>> -> memref<64xi32, #tpu.memory_space<vmem>>
      %dma_wait3A_198 = arith.constant 0 : i32
      %dma_wait3A_199 = arith.constant 0 : i32
      %dma_wait3A_200 = tpu.memref_slice %arg2[%dma_wait3A_198, %dma_wait3A_199] : memref<10000x128xf32, #tpu.memory_space<hbm>> -> memref<10000x128xf32, #tpu.memory_space<hbm>>
      tpu.wait_indirect_dma semaphore(%arg13 : memref<!tpu.dma_semaphore, #tpu.memory_space<semaphore_mem>>) src(%dma_wait3A_200 : memref<10000x128xf32, #tpu.memory_space<hbm>>) dst(%dma_wait3A_194 : memref<64x128xf32, #tpu.memory_space<vmem>>)
      %dma_start3A_201 = arith.constant 0 : i32
      %dma_start3A_202 = tpu.memref_slice %arg8[%mul3A_182, %dma_start3A_201] : memref<40x128xi32, #tpu.memory_space<vmem>> -> memref<1x128xi32, #tpu.memory_space<vmem>>
      %dma_start3A_203 = tpu.memref_squeeze %dma_start3A_202 : memref<1x128xi32, #tpu.memory_space<vmem>> -> memref<128xi32, #tpu.memory_space<vmem>>
      %dma_start3A_204 = arith.constant 0 : i32
      %dma_start3A_205 = arith.constant 0 : i32
      %dma_start3A_206 = tpu.memref_slice %arg11[%dma_start3A_204, %dma_start3A_205] : memref<10112x128xf32, #tpu.memory_space<vmem_shared>> -> memref<10112x128xf32, #tpu.memory_space<vmem_shared>>
      tpu.enqueue_indirect_dma source(%arg9 : memref<128x128xf32, #tpu.memory_space<vmem>>) target(%dma_start3A_206 : memref<10112x128xf32, #tpu.memory_space<vmem_shared>>) offsets(%dma_start3A_203 : memref<128xi32, #tpu.memory_space<vmem>>) semaphore(%arg16 : memref<!tpu.dma_semaphore, #tpu.memory_space<semaphore_mem>>) {add = true}
      %add3A_207 = arith.constant 1 : i32
      %add3A_208 = arith.addi %mul3A_182, %add3A_207 : i32
      %dma_wait3A_209 = arith.constant 0 : i32
      %dma_wait3A_210 = arith.constant 0 : i32
      %dma_wait3A_211 = tpu.memref_slice %arg10[%dma_wait3A_209, %dma_wait3A_210] : memref<128x128xf32, #tpu.memory_space<vmem>> -> memref<64x128xf32, #tpu.memory_space<vmem>>
      %dma_wait3A_212 = arith.constant 0 : i32
      %dma_wait3A_213 = tpu.memref_slice %arg7[%add3A_208, %dma_wait3A_212] : memref<40x128xi32, #tpu.memory_space<vmem>> -> memref<1x64xi32, #tpu.memory_space<vmem>>
      %dma_wait3A_214 = tpu.memref_squeeze %dma_wait3A_213 : memref<1x64xi32, #tpu.memory_space<vmem>> -> memref<64xi32, #tpu.memory_space<vmem>>
      %dma_wait3A_215 = arith.constant 0 : i32
      %dma_wait3A_216 = arith.constant 0 : i32
      %dma_wait3A_217 = tpu.memref_slice %arg2[%dma_wait3A_215, %dma_wait3A_216] : memref<10000x128xf32, #tpu.memory_space<hbm>> -> memref<10000x128xf32, #tpu.memory_space<hbm>>
      tpu.wait_indirect_dma semaphore(%arg14 : memref<!tpu.dma_semaphore, #tpu.memory_space<semaphore_mem>>) src(%dma_wait3A_217 : memref<10000x128xf32, #tpu.memory_space<hbm>>) dst(%dma_wait3A_211 : memref<64x128xf32, #tpu.memory_space<vmem>>)
      %dma_wait3A_218 = arith.constant 64 : i32
      %dma_wait3A_219 = arith.constant 0 : i32
      %dma_wait3A_220 = tpu.memref_slice %arg10[%dma_wait3A_218, %dma_wait3A_219] : memref<128x128xf32, #tpu.memory_space<vmem>> -> memref<64x128xf32, #tpu.memory_space<vmem>>
      %dma_wait3A_221 = arith.constant 64 : i32
      %dma_wait3A_222 = tpu.memref_slice %arg7[%add3A_208, %dma_wait3A_221] : memref<40x128xi32, #tpu.memory_space<vmem>> -> memref<1x64xi32, #tpu.memory_space<vmem>>
      %dma_wait3A_223 = tpu.memref_squeeze %dma_wait3A_222 : memref<1x64xi32, #tpu.memory_space<vmem>> -> memref<64xi32, #tpu.memory_space<vmem>>
      %dma_wait3A_224 = arith.constant 0 : i32
      %dma_wait3A_225 = arith.constant 0 : i32
      %dma_wait3A_226 = tpu.memref_slice %arg2[%dma_wait3A_224, %dma_wait3A_225] : memref<10000x128xf32, #tpu.memory_space<hbm>> -> memref<10000x128xf32, #tpu.memory_space<hbm>>
      tpu.wait_indirect_dma semaphore(%arg15 : memref<!tpu.dma_semaphore, #tpu.memory_space<semaphore_mem>>) src(%dma_wait3A_226 : memref<10000x128xf32, #tpu.memory_space<hbm>>) dst(%dma_wait3A_220 : memref<64x128xf32, #tpu.memory_space<vmem>>)
      %add3A_227 = arith.constant 1 : i32
      %add3A_228 = arith.addi %mul3A_182, %add3A_227 : i32
      %dma_start3A_229 = arith.constant 0 : i32
      %dma_start3A_230 = tpu.memref_slice %arg8[%add3A_228, %dma_start3A_229] : memref<40x128xi32, #tpu.memory_space<vmem>> -> memref<1x128xi32, #tpu.memory_space<vmem>>
      %dma_start3A_231 = tpu.memref_squeeze %dma_start3A_230 : memref<1x128xi32, #tpu.memory_space<vmem>> -> memref<128xi32, #tpu.memory_space<vmem>>
      %dma_start3A_232 = arith.constant 0 : i32
      %dma_start3A_233 = arith.constant 0 : i32
      %dma_start3A_234 = tpu.memref_slice %arg11[%dma_start3A_232, %dma_start3A_233] : memref<10112x128xf32, #tpu.memory_space<vmem_shared>> -> memref<10112x128xf32, #tpu.memory_space<vmem_shared>>
      tpu.enqueue_indirect_dma source(%arg10 : memref<128x128xf32, #tpu.memory_space<vmem>>) target(%dma_start3A_234 : memref<10112x128xf32, #tpu.memory_space<vmem_shared>>) offsets(%dma_start3A_231 : memref<128xi32, #tpu.memory_space<vmem>>) semaphore(%arg17 : memref<!tpu.dma_semaphore, #tpu.memory_space<semaphore_mem>>) {add = true}
      %dma_wait3A_235 = arith.constant 0 : i32
      %dma_wait3A_236 = tpu.memref_slice %arg8[%mul3A_182, %dma_wait3A_235] : memref<40x128xi32, #tpu.memory_space<vmem>> -> memref<1x128xi32, #tpu.memory_space<vmem>>
      %dma_wait3A_237 = tpu.memref_squeeze %dma_wait3A_236 : memref<1x128xi32, #tpu.memory_space<vmem>> -> memref<128xi32, #tpu.memory_space<vmem>>
      %dma_wait3A_238 = arith.constant 0 : i32
      %dma_wait3A_239 = arith.constant 0 : i32
      %dma_wait3A_240 = tpu.memref_slice %arg11[%dma_wait3A_238, %dma_wait3A_239] : memref<10112x128xf32, #tpu.memory_space<vmem_shared>> -> memref<10112x128xf32, #tpu.memory_space<vmem_shared>>
      tpu.wait_indirect_dma semaphore(%arg16 : memref<!tpu.dma_semaphore, #tpu.memory_space<semaphore_mem>>) src(%arg9 : memref<128x128xf32, #tpu.memory_space<vmem>>) dst(%dma_wait3A_240 : memref<10112x128xf32, #tpu.memory_space<vmem_shared>>)
      %add3A_241 = arith.constant 2 : i32
      %add3A_242 = arith.addi %mul3A_182, %add3A_241 : i32
      %dma_start3A_243 = arith.constant 0 : i32
      %dma_start3A_244 = arith.constant 0 : i32
      %dma_start3A_245 = tpu.memref_slice %arg9[%dma_start3A_243, %dma_start3A_244] : memref<128x128xf32, #tpu.memory_space<vmem>> -> memref<64x128xf32, #tpu.memory_space<vmem>>
      %dma_start3A_246 = arith.constant 0 : i32
      %dma_start3A_247 = tpu.memref_slice %arg7[%add3A_242, %dma_start3A_246] : memref<40x128xi32, #tpu.memory_space<vmem>> -> memref<1x64xi32, #tpu.memory_space<vmem>>
      %dma_start3A_248 = tpu.memref_squeeze %dma_start3A_247 : memref<1x64xi32, #tpu.memory_space<vmem>> -> memref<64xi32, #tpu.memory_space<vmem>>
      %dma_start3A_249 = arith.constant 0 : i32
      %dma_start3A_250 = arith.constant 0 : i32
      %dma_start3A_251 = tpu.memref_slice %arg2[%dma_start3A_249, %dma_start3A_250] : memref<10000x128xf32, #tpu.memory_space<hbm>> -> memref<10000x128xf32, #tpu.memory_space<hbm>>
      tpu.enqueue_indirect_dma source(%dma_start3A_251 : memref<10000x128xf32, #tpu.memory_space<hbm>>) target(%dma_start3A_245 : memref<64x128xf32, #tpu.memory_space<vmem>>) offsets(%dma_start3A_248 : memref<64xi32, #tpu.memory_space<vmem>>) semaphore(%arg12 : memref<!tpu.dma_semaphore, #tpu.memory_space<semaphore_mem>>)
      %dma_start3A_252 = arith.constant 64 : i32
      %dma_start3A_253 = arith.constant 0 : i32
      %dma_start3A_254 = tpu.memref_slice %arg9[%dma_start3A_252, %dma_start3A_253] : memref<128x128xf32, #tpu.memory_space<vmem>> -> memref<64x128xf32, #tpu.memory_space<vmem>>
      %dma_start3A_255 = arith.constant 64 : i32
      %dma_start3A_256 = tpu.memref_slice %arg7[%add3A_242, %dma_start3A_255] : memref<40x128xi32, #tpu.memory_space<vmem>> -> memref<1x64xi32, #tpu.memory_space<vmem>>
      %dma_start3A_257 = tpu.memref_squeeze %dma_start3A_256 : memref<1x64xi32, #tpu.memory_space<vmem>> -> memref<64xi32, #tpu.memory_space<vmem>>
      %dma_start3A_258 = arith.constant 0 : i32
      %dma_start3A_259 = arith.constant 0 : i32
      %dma_start3A_260 = tpu.memref_slice %arg2[%dma_start3A_258, %dma_start3A_259] : memref<10000x128xf32, #tpu.memory_space<hbm>> -> memref<10000x128xf32, #tpu.memory_space<hbm>>
      tpu.enqueue_indirect_dma source(%dma_start3A_260 : memref<10000x128xf32, #tpu.memory_space<hbm>>) target(%dma_start3A_254 : memref<64x128xf32, #tpu.memory_space<vmem>>) offsets(%dma_start3A_257 : memref<64xi32, #tpu.memory_space<vmem>>) semaphore(%arg13 : memref<!tpu.dma_semaphore, #tpu.memory_space<semaphore_mem>>)
      %add3A_261 = arith.constant 1 : i32
      %add3A_262 = arith.addi %mul3A_182, %add3A_261 : i32
      %dma_wait3A_263 = arith.constant 0 : i32
      %dma_wait3A_264 = tpu.memref_slice %arg8[%add3A_262, %dma_wait3A_263] : memref<40x128xi32, #tpu.memory_space<vmem>> -> memref<1x128xi32, #tpu.memory_space<vmem>>
      %dma_wait3A_265 = tpu.memref_squeeze %dma_wait3A_264 : memref<1x128xi32, #tpu.memory_space<vmem>> -> memref<128xi32, #tpu.memory_space<vmem>>
      %dma_wait3A_266 = arith.constant 0 : i32
      %dma_wait3A_267 = arith.constant 0 : i32
      %dma_wait3A_268 = tpu.memref_slice %arg11[%dma_wait3A_266, %dma_wait3A_267] : memref<10112x128xf32, #tpu.memory_space<vmem_shared>> -> memref<10112x128xf32, #tpu.memory_space<vmem_shared>>
      tpu.wait_indirect_dma semaphore(%arg17 : memref<!tpu.dma_semaphore, #tpu.memory_space<semaphore_mem>>) src(%arg10 : memref<128x128xf32, #tpu.memory_space<vmem>>) dst(%dma_wait3A_268 : memref<10112x128xf32, #tpu.memory_space<vmem_shared>>)
      %add3A_269 = arith.constant 3 : i32
      %add3A_270 = arith.addi %mul3A_182, %add3A_269 : i32
      %dma_start3A_271 = arith.constant 0 : i32
      %dma_start3A_272 = arith.constant 0 : i32
      %dma_start3A_273 = tpu.memref_slice %arg10[%dma_start3A_271, %dma_start3A_272] : memref<128x128xf32, #tpu.memory_space<vmem>> -> memref<64x128xf32, #tpu.memory_space<vmem>>
      %dma_start3A_274 = arith.constant 0 : i32
      %dma_start3A_275 = tpu.memref_slice %arg7[%add3A_270, %dma_start3A_274] : memref<40x128xi32, #tpu.memory_space<vmem>> -> memref<1x64xi32, #tpu.memory_space<vmem>>
      %dma_start3A_276 = tpu.memref_squeeze %dma_start3A_275 : memref<1x64xi32, #tpu.memory_space<vmem>> -> memref<64xi32, #tpu.memory_space<vmem>>
      %dma_start3A_277 = arith.constant 0 : i32
      %dma_start3A_278 = arith.constant 0 : i32
      %dma_start3A_279 = tpu.memref_slice %arg2[%dma_start3A_277, %dma_start3A_278] : memref<10000x128xf32, #tpu.memory_space<hbm>> -> memref<10000x128xf32, #tpu.memory_space<hbm>>
      tpu.enqueue_indirect_dma source(%dma_start3A_279 : memref<10000x128xf32, #tpu.memory_space<hbm>>) target(%dma_start3A_273 : memref<64x128xf32, #tpu.memory_space<vmem>>) offsets(%dma_start3A_276 : memref<64xi32, #tpu.memory_space<vmem>>) semaphore(%arg14 : memref<!tpu.dma_semaphore, #tpu.memory_space<semaphore_mem>>)
      %dma_start3A_280 = arith.constant 64 : i32
      %dma_start3A_281 = arith.constant 0 : i32
      %dma_start3A_282 = tpu.memref_slice %arg10[%dma_start3A_280, %dma_start3A_281] : memref<128x128xf32, #tpu.memory_space<vmem>> -> memref<64x128xf32, #tpu.memory_space<vmem>>
      %dma_start3A_283 = arith.constant 64 : i32
      %dma_start3A_284 = tpu.memref_slice %arg7[%add3A_270, %dma_start3A_283] : memref<40x128xi32, #tpu.memory_space<vmem>> -> memref<1x64xi32, #tpu.memory_space<vmem>>
      %dma_start3A_285 = tpu.memref_squeeze %dma_start3A_284 : memref<1x64xi32, #tpu.memory_space<vmem>> -> memref<64xi32, #tpu.memory_space<vmem>>
      %dma_start3A_286 = arith.constant 0 : i32
      %dma_start3A_287 = arith.constant 0 : i32
      %dma_start3A_288 = tpu.memref_slice %arg2[%dma_start3A_286, %dma_start3A_287] : memref<10000x128xf32, #tpu.memory_space<hbm>> -> memref<10000x128xf32, #tpu.memory_space<hbm>>
      tpu.enqueue_indirect_dma source(%dma_start3A_288 : memref<10000x128xf32, #tpu.memory_space<hbm>>) target(%dma_start3A_282 : memref<64x128xf32, #tpu.memory_space<vmem>>) offsets(%dma_start3A_285 : memref<64xi32, #tpu.memory_space<vmem>>) semaphore(%arg15 : memref<!tpu.dma_semaphore, #tpu.memory_space<semaphore_mem>>)
    }
    %scan3A_132 = arith.constant 19 : i32
    %dma_wait3A_133 = arith.constant 38 : i32
    %dma_wait3A_134 = arith.constant 0 : i32
    %dma_wait3A_135 = arith.constant 0 : i32
    %dma_wait3A_136 = tpu.memref_slice %arg9[%dma_wait3A_134, %dma_wait3A_135] : memref<128x128xf32, #tpu.memory_space<vmem>> -> memref<64x128xf32, #tpu.memory_space<vmem>>
    %dma_wait3A_137 = arith.constant 0 : i32
    %dma_wait3A_138 = tpu.memref_slice %arg7[%dma_wait3A_133, %dma_wait3A_137] : memref<40x128xi32, #tpu.memory_space<vmem>> -> memref<1x64xi32, #tpu.memory_space<vmem>>
    %dma_wait3A_139 = tpu.memref_squeeze %dma_wait3A_138 : memref<1x64xi32, #tpu.memory_space<vmem>> -> memref<64xi32, #tpu.memory_space<vmem>>
    %dma_wait3A_140 = arith.constant 0 : i32
    %dma_wait3A_141 = arith.constant 0 : i32
    %dma_wait3A_142 = tpu.memref_slice %arg2[%dma_wait3A_140, %dma_wait3A_141] : memref<10000x128xf32, #tpu.memory_space<hbm>> -> memref<10000x128xf32, #tpu.memory_space<hbm>>
    tpu.wait_indirect_dma semaphore(%arg12 : memref<!tpu.dma_semaphore, #tpu.memory_space<semaphore_mem>>) src(%dma_wait3A_142 : memref<10000x128xf32, #tpu.memory_space<hbm>>) dst(%dma_wait3A_136 : memref<64x128xf32, #tpu.memory_space<vmem>>)
    %dma_wait3A_143 = arith.constant 38 : i32
    %dma_wait3A_144 = arith.constant 64 : i32
    %dma_wait3A_145 = arith.constant 0 : i32
    %dma_wait3A_146 = tpu.memref_slice %arg9[%dma_wait3A_144, %dma_wait3A_145] : memref<128x128xf32, #tpu.memory_space<vmem>> -> memref<64x128xf32, #tpu.memory_space<vmem>>
    %dma_wait3A_147 = arith.constant 64 : i32
    %dma_wait3A_148 = tpu.memref_slice %arg7[%dma_wait3A_143, %dma_wait3A_147] : memref<40x128xi32, #tpu.memory_space<vmem>> -> memref<1x64xi32, #tpu.memory_space<vmem>>
    %dma_wait3A_149 = tpu.memref_squeeze %dma_wait3A_148 : memref<1x64xi32, #tpu.memory_space<vmem>> -> memref<64xi32, #tpu.memory_space<vmem>>
    %dma_wait3A_150 = arith.constant 0 : i32
    %dma_wait3A_151 = arith.constant 0 : i32
    %dma_wait3A_152 = tpu.memref_slice %arg2[%dma_wait3A_150, %dma_wait3A_151] : memref<10000x128xf32, #tpu.memory_space<hbm>> -> memref<10000x128xf32, #tpu.memory_space<hbm>>
    tpu.wait_indirect_dma semaphore(%arg13 : memref<!tpu.dma_semaphore, #tpu.memory_space<semaphore_mem>>) src(%dma_wait3A_152 : memref<10000x128xf32, #tpu.memory_space<hbm>>) dst(%dma_wait3A_146 : memref<64x128xf32, #tpu.memory_space<vmem>>)
    %run_scoped3A_153 = arith.constant 38 : i32
    "tpu.region"() ({
      %run_scoped3A_180 = tpu.sem_alloc : memref<!tpu.dma_semaphore, #tpu.memory_space<semaphore_mem>>
      %dma_start3A_181 = arith.constant 0 : i32
      %dma_start3A_182 = tpu.memref_slice %arg8[%run_scoped3A_153, %dma_start3A_181] : memref<40x128xi32, #tpu.memory_space<vmem>> -> memref<1x128xi32, #tpu.memory_space<vmem>>
      %dma_start3A_183 = tpu.memref_squeeze %dma_start3A_182 : memref<1x128xi32, #tpu.memory_space<vmem>> -> memref<128xi32, #tpu.memory_space<vmem>>
      %dma_start3A_184 = arith.constant 0 : i32
      %dma_start3A_185 = arith.constant 0 : i32
      %dma_start3A_186 = tpu.memref_slice %arg11[%dma_start3A_184, %dma_start3A_185] : memref<10112x128xf32, #tpu.memory_space<vmem_shared>> -> memref<10112x128xf32, #tpu.memory_space<vmem_shared>>
      tpu.enqueue_indirect_dma source(%arg9 : memref<128x128xf32, #tpu.memory_space<vmem>>) target(%dma_start3A_186 : memref<10112x128xf32, #tpu.memory_space<vmem_shared>>) offsets(%dma_start3A_183 : memref<128xi32, #tpu.memory_space<vmem>>) semaphore(%run_scoped3A_180 : memref<!tpu.dma_semaphore, #tpu.memory_space<semaphore_mem>>) {add = true}
      %dma_wait3A_187 = arith.constant 0 : i32
      %dma_wait3A_188 = tpu.memref_slice %arg8[%run_scoped3A_153, %dma_wait3A_187] : memref<40x128xi32, #tpu.memory_space<vmem>> -> memref<1x128xi32, #tpu.memory_space<vmem>>
      %dma_wait3A_189 = tpu.memref_squeeze %dma_wait3A_188 : memref<1x128xi32, #tpu.memory_space<vmem>> -> memref<128xi32, #tpu.memory_space<vmem>>
      %dma_wait3A_190 = arith.constant 0 : i32
      %dma_wait3A_191 = arith.constant 0 : i32
      %dma_wait3A_192 = tpu.memref_slice %arg11[%dma_wait3A_190, %dma_wait3A_191] : memref<10112x128xf32, #tpu.memory_space<vmem_shared>> -> memref<10112x128xf32, #tpu.memory_space<vmem_shared>>
      tpu.wait_indirect_dma semaphore(%run_scoped3A_180 : memref<!tpu.dma_semaphore, #tpu.memory_space<semaphore_mem>>) src(%arg9 : memref<128x128xf32, #tpu.memory_space<vmem>>) dst(%dma_wait3A_192 : memref<10112x128xf32, #tpu.memory_space<vmem_shared>>)
      tpu.yield
    }) : () -> ()
    %dma_wait3A_154 = arith.constant 39 : i32
    %dma_wait3A_155 = arith.constant 0 : i32
    %dma_wait3A_156 = arith.constant 0 : i32
    %dma_wait3A_157 = tpu.memref_slice %arg10[%dma_wait3A_155, %dma_wait3A_156] : memref<128x128xf32, #tpu.memory_space<vmem>> -> memref<64x128xf32, #tpu.memory_space<vmem>>
    %dma_wait3A_158 = arith.constant 0 : i32
    %dma_wait3A_159 = tpu.memref_slice %arg7[%dma_wait3A_154, %dma_wait3A_158] : memref<40x128xi32, #tpu.memory_space<vmem>> -> memref<1x64xi32, #tpu.memory_space<vmem>>
    %dma_wait3A_160 = tpu.memref_squeeze %dma_wait3A_159 : memref<1x64xi32, #tpu.memory_space<vmem>> -> memref<64xi32, #tpu.memory_space<vmem>>
    %dma_wait3A_161 = arith.constant 0 : i32
    %dma_wait3A_162 = arith.constant 0 : i32
    %dma_wait3A_163 = tpu.memref_slice %arg2[%dma_wait3A_161, %dma_wait3A_162] : memref<10000x128xf32, #tpu.memory_space<hbm>> -> memref<10000x128xf32, #tpu.memory_space<hbm>>
    tpu.wait_indirect_dma semaphore(%arg14 : memref<!tpu.dma_semaphore, #tpu.memory_space<semaphore_mem>>) src(%dma_wait3A_163 : memref<10000x128xf32, #tpu.memory_space<hbm>>) dst(%dma_wait3A_157 : memref<64x128xf32, #tpu.memory_space<vmem>>)
    %dma_wait3A_164 = arith.constant 39 : i32
    %dma_wait3A_165 = arith.constant 64 : i32
    %dma_wait3A_166 = arith.constant 0 : i32
    %dma_wait3A_167 = tpu.memref_slice %arg10[%dma_wait3A_165, %dma_wait3A_166] : memref<128x128xf32, #tpu.memory_space<vmem>> -> memref<64x128xf32, #tpu.memory_space<vmem>>
    %dma_wait3A_168 = arith.constant 64 : i32
    %dma_wait3A_169 = tpu.memref_slice %arg7[%dma_wait3A_164, %dma_wait3A_168] : memref<40x128xi32, #tpu.memory_space<vmem>> -> memref<1x64xi32, #tpu.memory_space<vmem>>
    %dma_wait3A_170 = tpu.memref_squeeze %dma_wait3A_169 : memref<1x64xi32, #tpu.memory_space<vmem>> -> memref<64xi32, #tpu.memory_space<vmem>>
    %dma_wait3A_171 = arith.constant 0 : i32
    %dma_wait3A_172 = arith.constant 0 : i32
    %dma_wait3A_173 = tpu.memref_slice %arg2[%dma_wait3A_171, %dma_wait3A_172] : memref<10000x128xf32, #tpu.memory_space<hbm>> -> memref<10000x128xf32, #tpu.memory_space<hbm>>
    tpu.wait_indirect_dma semaphore(%arg15 : memref<!tpu.dma_semaphore, #tpu.memory_space<semaphore_mem>>) src(%dma_wait3A_173 : memref<10000x128xf32, #tpu.memory_space<hbm>>) dst(%dma_wait3A_167 : memref<64x128xf32, #tpu.memory_space<vmem>>)
    %run_scoped3A_174 = arith.constant 39 : i32
    "tpu.region"() ({
      %run_scoped3A_180 = tpu.sem_alloc : memref<!tpu.dma_semaphore, #tpu.memory_space<semaphore_mem>>
      %dma_start3A_181 = arith.constant 0 : i32
      %dma_start3A_182 = tpu.memref_slice %arg8[%run_scoped3A_174, %dma_start3A_181] : memref<40x128xi32, #tpu.memory_space<vmem>> -> memref<1x128xi32, #tpu.memory_space<vmem>>
      %dma_start3A_183 = tpu.memref_squeeze %dma_start3A_182 : memref<1x128xi32, #tpu.memory_space<vmem>> -> memref<128xi32, #tpu.memory_space<vmem>>
      %dma_start3A_184 = arith.constant 0 : i32
      %dma_start3A_185 = arith.constant 0 : i32
      %dma_start3A_186 = tpu.memref_slice %arg11[%dma_start3A_184, %dma_start3A_185] : memref<10112x128xf32, #tpu.memory_space<vmem_shared>> -> memref<10112x128xf32, #tpu.memory_space<vmem_shared>>
      tpu.enqueue_indirect_dma source(%arg10 : memref<128x128xf32, #tpu.memory_space<vmem>>) target(%dma_start3A_186 : memref<10112x128xf32, #tpu.memory_space<vmem_shared>>) offsets(%dma_start3A_183 : memref<128xi32, #tpu.memory_space<vmem>>) semaphore(%run_scoped3A_180 : memref<!tpu.dma_semaphore, #tpu.memory_space<semaphore_mem>>) {add = true}
      %dma_wait3A_187 = arith.constant 0 : i32
      %dma_wait3A_188 = tpu.memref_slice %arg8[%run_scoped3A_174, %dma_wait3A_187] : memref<40x128xi32, #tpu.memory_space<vmem>> -> memref<1x128xi32, #tpu.memory_space<vmem>>
      %dma_wait3A_189 = tpu.memref_squeeze %dma_wait3A_188 : memref<1x128xi32, #tpu.memory_space<vmem>> -> memref<128xi32, #tpu.memory_space<vmem>>
      %dma_wait3A_190 = arith.constant 0 : i32
      %dma_wait3A_191 = arith.constant 0 : i32
      %dma_wait3A_192 = tpu.memref_slice %arg11[%dma_wait3A_190, %dma_wait3A_191] : memref<10112x128xf32, #tpu.memory_space<vmem_shared>> -> memref<10112x128xf32, #tpu.memory_space<vmem_shared>>
      tpu.wait_indirect_dma semaphore(%run_scoped3A_180 : memref<!tpu.dma_semaphore, #tpu.memory_space<semaphore_mem>>) src(%arg10 : memref<128x128xf32, #tpu.memory_space<vmem>>) dst(%dma_wait3A_192 : memref<10112x128xf32, #tpu.memory_space<vmem_shared>>)
      tpu.yield
    }) : () -> ()
    %barrier3A_175 = arith.constant 0 : index
    tpu.barrier barrier_id(%barrier3A_175)
    %mul3A_176 = arith.constant 632 : i32
    %mul3A_177 = arith.muli %arg1, %mul3A_176 : i32
    %mul3A_178 = arith.constant 632 : i32
    %mul3A_179 = arith.muli %arg1, %mul3A_178 : i32
    "tpu.region"() ({
      %run_scoped3A_180 = tpu.sem_alloc : memref<!tpu.dma_semaphore, #tpu.memory_space<semaphore_mem>>
      %dma_start3A_181 = arith.constant 0 : i32
      %dma_start3A_182 = tpu.memref_slice %arg6[%arg0, %mul3A_179, %dma_start3A_181] : memref<2x10112x128xf32, #tpu.memory_space<hbm>> -> memref<1x632x128xf32, #tpu.memory_space<hbm>>
      %dma_start3A_183 = tpu.memref_squeeze %dma_start3A_182 : memref<1x632x128xf32, #tpu.memory_space<hbm>> -> memref<632x128xf32, #tpu.memory_space<hbm>>
      %dma_start3A_184 = arith.constant 0 : i32
      %dma_start3A_185 = tpu.memref_slice %arg11[%mul3A_177, %dma_start3A_184] : memref<10112x128xf32, #tpu.memory_space<vmem_shared>> -> memref<632x128xf32, #tpu.memory_space<vmem_shared>>
      tpu.enqueue_dma source(%dma_start3A_185 : memref<632x128xf32, #tpu.memory_space<vmem_shared>>) target(%dma_start3A_183 : memref<632x128xf32, #tpu.memory_space<hbm>>) target_semaphore(%run_scoped3A_180 : memref<!tpu.dma_semaphore, #tpu.memory_space<semaphore_mem>>)
      %dma_wait3A_186 = arith.constant 0 : i32
      %dma_wait3A_187 = tpu.memref_slice %arg6[%arg0, %mul3A_179, %dma_wait3A_186] : memref<2x10112x128xf32, #tpu.memory_space<hbm>> -> memref<1x632x128xf32, #tpu.memory_space<hbm>>
      %dma_wait3A_188 = tpu.memref_squeeze %dma_wait3A_187 : memref<1x632x128xf32, #tpu.memory_space<hbm>> -> memref<632x128xf32, #tpu.memory_space<hbm>>
      %dma_wait3A_189 = arith.constant 0 : i32
      %dma_wait3A_190 = tpu.memref_slice %arg11[%mul3A_177, %dma_wait3A_189] : memref<10112x128xf32, #tpu.memory_space<vmem_shared>> -> memref<632x128xf32, #tpu.memory_space<vmem_shared>>
      tpu.wait_dma2 semaphore(%run_scoped3A_180 : memref<!tpu.dma_semaphore, #tpu.memory_space<semaphore_mem>>) src(%dma_wait3A_190 : memref<632x128xf32, #tpu.memory_space<vmem_shared>>) dst(%dma_wait3A_188 : memref<632x128xf32, #tpu.memory_space<hbm>>)
      tpu.yield
    }) : () -> ()
    return
  }
}

#map = affine_map<(d0, d1) -> (0, 0)>
#map1 = affine_map<(d0, d1) -> (0, 0, 0)>
module attributes {stable_mosaic.version = 14 : i64} {
  func.func @k(%arg0: i32, %arg1: i32, %arg2: memref<10000x128xf32, #tpu.memory_space<hbm>>, %arg3: memref<32x80x128xi32, #tpu.memory_space<hbm>>, %arg4: memref<32x80x128xi32, #tpu.memory_space<hbm>>, %arg5: memref<632x128xf32, #tpu.memory_space<hbm>>, %arg6: memref<2x10112x128xf32, #tpu.memory_space<hbm>>, %arg7: memref<40x128xi32, #tpu.memory_space<vmem>>, %arg8: memref<40x128xi32, #tpu.memory_space<vmem>>, %arg9: memref<128x128xf32, #tpu.memory_space<vmem>>, %arg10: memref<128x128xf32, #tpu.memory_space<vmem>>, %arg11: memref<10112x128xf32, #tpu.memory_space<vmem_shared>>, %arg12: memref<!tpu.dma_semaphore, #tpu.memory_space<semaphore_mem>>, %arg13: memref<!tpu.dma_semaphore, #tpu.memory_space<semaphore_mem>>, %arg14: memref<!tpu.dma_semaphore, #tpu.memory_space<semaphore_mem>>, %arg15: memref<!tpu.dma_semaphore, #tpu.memory_space<semaphore_mem>>, %arg16: memref<!tpu.dma_semaphore, #tpu.memory_space<semaphore_mem>>, %arg17: memref<!tpu.dma_semaphore, #tpu.memory_space<semaphore_mem>>) attributes {dimension_semantics = [#tpu.dimension_semantics<core_parallel>, #tpu.dimension_semantics<subcore_parallel>], iteration_bounds = array<i64: 2, 16>, scalar_prefetch = 0 : i64, scratch_operands = 11 : i64, tpu.core_type = #tpu.core_type<sc_vector_subcore>, window_params = [{transform_indices = #map}, {transform_indices = #map1}, {transform_indices = #map1}, {transform_indices = #map}, {transform_indices = #map1}]} {
    %mul3A = arith.constant 2 : i32
    %mul3A_0 = arith.muli %arg1, %mul3A : i32
    %add3A = arith.addi %mul3A_0, %arg0 : i32
    %mul3A_1 = arith.constant 632 : i32
    %mul3A_2 = arith.muli %arg1, %mul3A_1 : i32
    "tpu.region"() ({
      %run_scoped3A_180 = tpu.sem_alloc : memref<!tpu.dma_semaphore, #tpu.memory_space<semaphore_mem>>
      %dma_start3A_181 = arith.constant 0 : i32
      %dma_start3A_182 = tpu.memref_slice %arg11[%mul3A_2, %dma_start3A_181] : memref<10112x128xf32, #tpu.memory_space<vmem_shared>> -> memref<632x128xf32, #tpu.memory_space<vmem_shared>>
      tpu.enqueue_dma source(%arg5 : memref<632x128xf32, #tpu.memory_space<hbm>>) target(%dma_start3A_182 : memref<632x128xf32, #tpu.memory_space<vmem_shared>>) target_semaphore(%run_scoped3A_180 : memref<!tpu.dma_semaphore, #tpu.memory_space<semaphore_mem>>)
      %dma_wait3A_183 = arith.constant 0 : i32
      %dma_wait3A_184 = tpu.memref_slice %arg11[%mul3A_2, %dma_wait3A_183] : memref<10112x128xf32, #tpu.memory_space<vmem_shared>> -> memref<632x128xf32, #tpu.memory_space<vmem_shared>>
      tpu.wait_dma2 semaphore(%run_scoped3A_180 : memref<!tpu.dma_semaphore, #tpu.memory_space<semaphore_mem>>) src(%arg5 : memref<632x128xf32, #tpu.memory_space<hbm>>) dst(%dma_wait3A_184 : memref<632x128xf32, #tpu.memory_space<vmem_shared>>)
      tpu.yield
    }) : () -> ()
    %barrier3A = arith.constant 0 : index
    tpu.barrier barrier_id(%barrier3A)
    "tpu.region"() ({
      %run_scoped3A_180 = tpu.sem_alloc : memref<!tpu.dma_semaphore, #tpu.memory_space<semaphore_mem>>
      %dma_start3A_181 = arith.constant 0 : i32
      %dma_start3A_182 = arith.constant 0 : i32
      %dma_start3A_183 = tpu.memref_slice %arg3[%add3A, %dma_start3A_181, %dma_start3A_182] : memref<32x80x128xi32, #tpu.memory_space<hbm>> -> memref<1x40x128xi32, #tpu.memory_space<hbm>>
      %dma_start3A_184 = tpu.memref_squeeze %dma_start3A_183 : memref<1x40x128xi32, #tpu.memory_space<hbm>> -> memref<40x128xi32, #tpu.memory_space<hbm>>
      %dma_start3A_185 = arith.constant 0 : i32
      %dma_start3A_186 = arith.constant 0 : i32
      %dma_start3A_187 = tpu.memref_slice %arg3[%add3A, %dma_start3A_185, %dma_start3A_186] : memref<32x80x128xi32, #tpu.memory_space<hbm>> -> memref<1x40x128xi32, #tpu.memory_space<hbm>>
      %dma_start3A_188 = tpu.memref_squeeze %dma_start3A_187 : memref<1x40x128xi32, #tpu.memory_space<hbm>> -> memref<40x128xi32, #tpu.memory_space<hbm>>
      tpu.enqueue_dma source(%dma_start3A_188 : memref<40x128xi32, #tpu.memory_space<hbm>>) target(%arg7 : memref<40x128xi32, #tpu.memory_space<vmem>>) target_semaphore(%run_scoped3A_180 : memref<!tpu.dma_semaphore, #tpu.memory_space<semaphore_mem>>)
      %dma_wait3A_189 = arith.constant 0 : i32
      %dma_wait3A_190 = arith.constant 0 : i32
      %dma_wait3A_191 = tpu.memref_slice %arg3[%add3A, %dma_wait3A_189, %dma_wait3A_190] : memref<32x80x128xi32, #tpu.memory_space<hbm>> -> memref<1x40x128xi32, #tpu.memory_space<hbm>>
      %dma_wait3A_192 = tpu.memref_squeeze %dma_wait3A_191 : memref<1x40x128xi32, #tpu.memory_space<hbm>> -> memref<40x128xi32, #tpu.memory_space<hbm>>
      %dma_wait3A_193 = arith.constant 0 : i32
      %dma_wait3A_194 = arith.constant 0 : i32
      %dma_wait3A_195 = tpu.memref_slice %arg3[%add3A, %dma_wait3A_193, %dma_wait3A_194] : memref<32x80x128xi32, #tpu.memory_space<hbm>> -> memref<1x40x128xi32, #tpu.memory_space<hbm>>
      %dma_wait3A_196 = tpu.memref_squeeze %dma_wait3A_195 : memref<1x40x128xi32, #tpu.memory_space<hbm>> -> memref<40x128xi32, #tpu.memory_space<hbm>>
      tpu.wait_dma2 semaphore(%run_scoped3A_180 : memref<!tpu.dma_semaphore, #tpu.memory_space<semaphore_mem>>) src(%dma_wait3A_196 : memref<40x128xi32, #tpu.memory_space<hbm>>) dst(%arg7 : memref<40x128xi32, #tpu.memory_space<vmem>>)
      tpu.yield
    }) : () -> ()
    "tpu.region"() ({
      %run_scoped3A_180 = tpu.sem_alloc : memref<!tpu.dma_semaphore, #tpu.memory_space<semaphore_mem>>
      %dma_start3A_181 = arith.constant 0 : i32
      %dma_start3A_182 = arith.constant 0 : i32
      %dma_start3A_183 = tpu.memref_slice %arg4[%add3A, %dma_start3A_181, %dma_start3A_182] : memref<32x80x128xi32, #tpu.memory_space<hbm>> -> memref<1x40x128xi32, #tpu.memory_space<hbm>>
      %dma_start3A_184 = tpu.memref_squeeze %dma_start3A_183 : memref<1x40x128xi32, #tpu.memory_space<hbm>> -> memref<40x128xi32, #tpu.memory_space<hbm>>
      %dma_start3A_185 = arith.constant 0 : i32
      %dma_start3A_186 = arith.constant 0 : i32
      %dma_start3A_187 = tpu.memref_slice %arg4[%add3A, %dma_start3A_185, %dma_start3A_186] : memref<32x80x128xi32, #tpu.memory_space<hbm>> -> memref<1x40x128xi32, #tpu.memory_space<hbm>>
      %dma_start3A_188 = tpu.memref_squeeze %dma_start3A_187 : memref<1x40x128xi32, #tpu.memory_space<hbm>> -> memref<40x128xi32, #tpu.memory_space<hbm>>
      tpu.enqueue_dma source(%dma_start3A_188 : memref<40x128xi32, #tpu.memory_space<hbm>>) target(%arg8 : memref<40x128xi32, #tpu.memory_space<vmem>>) target_semaphore(%run_scoped3A_180 : memref<!tpu.dma_semaphore, #tpu.memory_space<semaphore_mem>>)
      %dma_wait3A_189 = arith.constant 0 : i32
      %dma_wait3A_190 = arith.constant 0 : i32
      %dma_wait3A_191 = tpu.memref_slice %arg4[%add3A, %dma_wait3A_189, %dma_wait3A_190] : memref<32x80x128xi32, #tpu.memory_space<hbm>> -> memref<1x40x128xi32, #tpu.memory_space<hbm>>
      %dma_wait3A_192 = tpu.memref_squeeze %dma_wait3A_191 : memref<1x40x128xi32, #tpu.memory_space<hbm>> -> memref<40x128xi32, #tpu.memory_space<hbm>>
      %dma_wait3A_193 = arith.constant 0 : i32
      %dma_wait3A_194 = arith.constant 0 : i32
      %dma_wait3A_195 = tpu.memref_slice %arg4[%add3A, %dma_wait3A_193, %dma_wait3A_194] : memref<32x80x128xi32, #tpu.memory_space<hbm>> -> memref<1x40x128xi32, #tpu.memory_space<hbm>>
      %dma_wait3A_196 = tpu.memref_squeeze %dma_wait3A_195 : memref<1x40x128xi32, #tpu.memory_space<hbm>> -> memref<40x128xi32, #tpu.memory_space<hbm>>
      tpu.wait_dma2 semaphore(%run_scoped3A_180 : memref<!tpu.dma_semaphore, #tpu.memory_space<semaphore_mem>>) src(%dma_wait3A_196 : memref<40x128xi32, #tpu.memory_space<hbm>>) dst(%arg8 : memref<40x128xi32, #tpu.memory_space<vmem>>)
      tpu.yield
    }) : () -> ()
    %dma_start3A = arith.constant 0 : i32
    %dma_start3A_3 = arith.constant 0 : i32
    %dma_start3A_4 = arith.constant 0 : i32
    %dma_start3A_5 = tpu.memref_slice %arg9[%dma_start3A_3, %dma_start3A_4] : memref<128x128xf32, #tpu.memory_space<vmem>> -> memref<64x128xf32, #tpu.memory_space<vmem>>
    %dma_start3A_6 = arith.constant 0 : i32
    %dma_start3A_7 = tpu.memref_slice %arg7[%dma_start3A, %dma_start3A_6] : memref<40x128xi32, #tpu.memory_space<vmem>> -> memref<1x64xi32, #tpu.memory_space<vmem>>
    %dma_start3A_8 = tpu.memref_squeeze %dma_start3A_7 : memref<1x64xi32, #tpu.memory_space<vmem>> -> memref<64xi32, #tpu.memory_space<vmem>>
    %dma_start3A_9 = arith.constant 0 : i32
    %dma_start3A_10 = arith.constant 0 : i32
    %dma_start3A_11 = tpu.memref_slice %arg2[%dma_start3A_9, %dma_start3A_10] : memref<10000x128xf32, #tpu.memory_space<hbm>> -> memref<10000x128xf32, #tpu.memory_space<hbm>>
    tpu.enqueue_indirect_dma source(%dma_start3A_11 : memref<10000x128xf32, #tpu.memory_space<hbm>>) target(%dma_start3A_5 : memref<64x128xf32, #tpu.memory_space<vmem>>) offsets(%dma_start3A_8 : memref<64xi32, #tpu.memory_space<vmem>>) semaphore(%arg12 : memref<!tpu.dma_semaphore, #tpu.memory_space<semaphore_mem>>)
    %dma_start3A_12 = arith.constant 0 : i32
    %dma_start3A_13 = arith.constant 64 : i32
    %dma_start3A_14 = arith.constant 0 : i32
    %dma_start3A_15 = tpu.memref_slice %arg9[%dma_start3A_13, %dma_start3A_14] : memref<128x128xf32, #tpu.memory_space<vmem>> -> memref<64x128xf32, #tpu.memory_space<vmem>>
    %dma_start3A_16 = arith.constant 64 : i32
    %dma_start3A_17 = tpu.memref_slice %arg7[%dma_start3A_12, %dma_start3A_16] : memref<40x128xi32, #tpu.memory_space<vmem>> -> memref<1x64xi32, #tpu.memory_space<vmem>>
    %dma_start3A_18 = tpu.memref_squeeze %dma_start3A_17 : memref<1x64xi32, #tpu.memory_space<vmem>> -> memref<64xi32, #tpu.memory_space<vmem>>
    %dma_start3A_19 = arith.constant 0 : i32
    %dma_start3A_20 = arith.constant 0 : i32
    %dma_start3A_21 = tpu.memref_slice %arg2[%dma_start3A_19, %dma_start3A_20] : memref<10000x128xf32, #tpu.memory_space<hbm>> -> memref<10000x128xf32, #tpu.memory_space<hbm>>
    tpu.enqueue_indirect_dma source(%dma_start3A_21 : memref<10000x128xf32, #tpu.memory_space<hbm>>) target(%dma_start3A_15 : memref<64x128xf32, #tpu.memory_space<vmem>>) offsets(%dma_start3A_18 : memref<64xi32, #tpu.memory_space<vmem>>) semaphore(%arg13 : memref<!tpu.dma_semaphore, #tpu.memory_space<semaphore_mem>>)
    %dma_start3A_22 = arith.constant 1 : i32
    %dma_start3A_23 = arith.constant 0 : i32
    %dma_start3A_24 = arith.constant 0 : i32
    %dma_start3A_25 = tpu.memref_slice %arg10[%dma_start3A_23, %dma_start3A_24] : memref<128x128xf32, #tpu.memory_space<vmem>> -> memref<64x128xf32, #tpu.memory_space<vmem>>
    %dma_start3A_26 = arith.constant 0 : i32
    %dma_start3A_27 = tpu.memref_slice %arg7[%dma_start3A_22, %dma_start3A_26] : memref<40x128xi32, #tpu.memory_space<vmem>> -> memref<1x64xi32, #tpu.memory_space<vmem>>
    %dma_start3A_28 = tpu.memref_squeeze %dma_start3A_27 : memref<1x64xi32, #tpu.memory_space<vmem>> -> memref<64xi32, #tpu.memory_space<vmem>>
    %dma_start3A_29 = arith.constant 0 : i32
    %dma_start3A_30 = arith.constant 0 : i32
    %dma_start3A_31 = tpu.memref_slice %arg2[%dma_start3A_29, %dma_start3A_30] : memref<10000x128xf32, #tpu.memory_space<hbm>> -> memref<10000x128xf32, #tpu.memory_space<hbm>>
    tpu.enqueue_indirect_dma source(%dma_start3A_31 : memref<10000x128xf32, #tpu.memory_space<hbm>>) target(%dma_start3A_25 : memref<64x128xf32, #tpu.memory_space<vmem>>) offsets(%dma_start3A_28 : memref<64xi32, #tpu.memory_space<vmem>>) semaphore(%arg14 : memref<!tpu.dma_semaphore, #tpu.memory_space<semaphore_mem>>)
    %dma_start3A_32 = arith.constant 1 : i32
    %dma_start3A_33 = arith.constant 64 : i32
    %dma_start3A_34 = arith.constant 0 : i32
    %dma_start3A_35 = tpu.memref_slice %arg10[%dma_start3A_33, %dma_start3A_34] : memref<128x128xf32, #tpu.memory_space<vmem>> -> memref<64x128xf32, #tpu.memory_space<vmem>>
    %dma_start3A_36 = arith.constant 64 : i32
    %dma_start3A_37 = tpu.memref_slice %arg7[%dma_start3A_32, %dma_start3A_36] : memref<40x128xi32, #tpu.memory_space<vmem>> -> memref<1x64xi32, #tpu.memory_space<vmem>>
    %dma_start3A_38 = tpu.memref_squeeze %dma_start3A_37 : memref<1x64xi32, #tpu.memory_space<vmem>> -> memref<64xi32, #tpu.memory_space<vmem>>
    %dma_start3A_39 = arith.constant 0 : i32
    %dma_start3A_40 = arith.constant 0 : i32
    %dma_start3A_41 = tpu.memref_slice %arg2[%dma_start3A_39, %dma_start3A_40] : memref<10000x128xf32, #tpu.memory_space<hbm>> -> memref<10000x128xf32, #tpu.memory_space<hbm>>
    tpu.enqueue_indirect_dma source(%dma_start3A_41 : memref<10000x128xf32, #tpu.memory_space<hbm>>) target(%dma_start3A_35 : memref<64x128xf32, #tpu.memory_space<vmem>>) offsets(%dma_start3A_38 : memref<64xi32, #tpu.memory_space<vmem>>) semaphore(%arg15 : memref<!tpu.dma_semaphore, #tpu.memory_space<semaphore_mem>>)
    %scan3A = arith.constant 0 : i32
    %scan3A_42 = arith.constant 0 : i32
    %scan3A_43 = arith.constant 19 : i32
    %scan3A_44 = arith.addi %scan3A_42, %scan3A_43 : i32
    %scan3A_45 = arith.constant 1 : i32
    scf.for %scan3A_180 = %scan3A_42 to %scan3A_44 step %scan3A_45  : i32 {
      %mul3A_181 = arith.constant 2 : i32
      %mul3A_182 = arith.muli %mul3A_181, %scan3A_180 : i32
      %dma_wait3A_183 = arith.constant 0 : i32
      %dma_wait3A_184 = arith.constant 0 : i32
      %dma_wait3A_185 = tpu.memref_slice %arg9[%dma_wait3A_183, %dma_wait3A_184] : memref<128x128xf32, #tpu.memory_space<vmem>> -> memref<64x128xf32, #tpu.memory_space<vmem>>
      %dma_wait3A_186 = arith.constant 0 : i32
      %dma_wait3A_187 = tpu.memref_slice %arg7[%mul3A_182, %dma_wait3A_186] : memref<40x128xi32, #tpu.memory_space<vmem>> -> memref<1x64xi32, #tpu.memory_space<vmem>>
      %dma_wait3A_188 = tpu.memref_squeeze %dma_wait3A_187 : memref<1x64xi32, #tpu.memory_space<vmem>> -> memref<64xi32, #tpu.memory_space<vmem>>
      %dma_wait3A_189 = arith.constant 0 : i32
      %dma_wait3A_190 = arith.constant 0 : i32
      %dma_wait3A_191 = tpu.memref_slice %arg2[%dma_wait3A_189, %dma_wait3A_190] : memref<10000x128xf32, #tpu.memory_space<hbm>> -> memref<10000x128xf32, #tpu.memory_space<hbm>>
      tpu.wait_indirect_dma semaphore(%arg12 : memref<!tpu.dma_semaphore, #tpu.memory_space<semaphore_mem>>) src(%dma_wait3A_191 : memref<10000x128xf32, #tpu.memory_space<hbm>>) dst(%dma_wait3A_185 : memref<64x128xf32, #tpu.memory_space<vmem>>)
      %dma_wait3A_192 = arith.constant 64 : i32
      %dma_wait3A_193 = arith.constant 0 : i32
      %dma_wait3A_194 = tpu.memref_slice %arg9[%dma_wait3A_192, %dma_wait3A_193] : memref<128x128xf32, #tpu.memory_space<vmem>> -> memref<64x128xf32, #tpu.memory_space<vmem>>
      %dma_wait3A_195 = arith.constant 64 : i32
      %dma_wait3A_196 = tpu.memref_slice %arg7[%mul3A_182, %dma_wait3A_195] : memref<40x128xi32, #tpu.memory_space<vmem>> -> memref<1x64xi32, #tpu.memory_space<vmem>>
      %dma_wait3A_197 = tpu.memref_squeeze %dma_wait3A_196 : memref<1x64xi32, #tpu.memory_space<vmem>> -> memref<64xi32, #tpu.memory_space<vmem>>
      %dma_wait3A_198 = arith.constant 0 : i32
      %dma_wait3A_199 = arith.constant 0 : i32
      %dma_wait3A_200 = tpu.memref_slice %arg2[%dma_wait3A_198, %dma_wait3A_199] : memref<10000x128xf32, #tpu.memory_space<hbm>> -> memref<10000x128xf32, #tpu.memory_space<hbm>>
      tpu.wait_indirect_dma semaphore(%arg13 : memref<!tpu.dma_semaphore, #tpu.memory_space<semaphore_mem>>) src(%dma_wait3A_200 : memref<10000x128xf32, #tpu.memory_space<hbm>>) dst(%dma_wait3A_194 : memref<64x128xf32, #tpu.memory_space<vmem>>)
      %dma_start3A_201 = arith.constant 0 : i32
      %dma_start3A_202 = tpu.memref_slice %arg8[%mul3A_182, %dma_start3A_201] : memref<40x128xi32, #tpu.memory_space<vmem>> -> memref<1x128xi32, #tpu.memory_space<vmem>>
      %dma_start3A_203 = tpu.memref_squeeze %dma_start3A_202 : memref<1x128xi32, #tpu.memory_space<vmem>> -> memref<128xi32, #tpu.memory_space<vmem>>
      %dma_start3A_204 = arith.constant 0 : i32
      %dma_start3A_205 = arith.constant 0 : i32
      %dma_start3A_206 = tpu.memref_slice %arg11[%dma_start3A_204, %dma_start3A_205] : memref<10112x128xf32, #tpu.memory_space<vmem_shared>> -> memref<10112x128xf32, #tpu.memory_space<vmem_shared>>
      tpu.enqueue_indirect_dma source(%arg9 : memref<128x128xf32, #tpu.memory_space<vmem>>) target(%dma_start3A_206 : memref<10112x128xf32, #tpu.memory_space<vmem_shared>>) offsets(%dma_start3A_203 : memref<128xi32, #tpu.memory_space<vmem>>) semaphore(%arg16 : memref<!tpu.dma_semaphore, #tpu.memory_space<semaphore_mem>>) {add = true}
      %add3A_207 = arith.constant 1 : i32
      %add3A_208 = arith.addi %mul3A_182, %add3A_207 : i32
      %dma_wait3A_209 = arith.constant 0 : i32
      %dma_wait3A_210 = arith.constant 0 : i32
      %dma_wait3A_211 = tpu.memref_slice %arg10[%dma_wait3A_209, %dma_wait3A_210] : memref<128x128xf32, #tpu.memory_space<vmem>> -> memref<64x128xf32, #tpu.memory_space<vmem>>
      %dma_wait3A_212 = arith.constant 0 : i32
      %dma_wait3A_213 = tpu.memref_slice %arg7[%add3A_208, %dma_wait3A_212] : memref<40x128xi32, #tpu.memory_space<vmem>> -> memref<1x64xi32, #tpu.memory_space<vmem>>
      %dma_wait3A_214 = tpu.memref_squeeze %dma_wait3A_213 : memref<1x64xi32, #tpu.memory_space<vmem>> -> memref<64xi32, #tpu.memory_space<vmem>>
      %dma_wait3A_215 = arith.constant 0 : i32
      %dma_wait3A_216 = arith.constant 0 : i32
      %dma_wait3A_217 = tpu.memref_slice %arg2[%dma_wait3A_215, %dma_wait3A_216] : memref<10000x128xf32, #tpu.memory_space<hbm>> -> memref<10000x128xf32, #tpu.memory_space<hbm>>
      tpu.wait_indirect_dma semaphore(%arg14 : memref<!tpu.dma_semaphore, #tpu.memory_space<semaphore_mem>>) src(%dma_wait3A_217 : memref<10000x128xf32, #tpu.memory_space<hbm>>) dst(%dma_wait3A_211 : memref<64x128xf32, #tpu.memory_space<vmem>>)
      %dma_wait3A_218 = arith.constant 64 : i32
      %dma_wait3A_219 = arith.constant 0 : i32
      %dma_wait3A_220 = tpu.memref_slice %arg10[%dma_wait3A_218, %dma_wait3A_219] : memref<128x128xf32, #tpu.memory_space<vmem>> -> memref<64x128xf32, #tpu.memory_space<vmem>>
      %dma_wait3A_221 = arith.constant 64 : i32
      %dma_wait3A_222 = tpu.memref_slice %arg7[%add3A_208, %dma_wait3A_221] : memref<40x128xi32, #tpu.memory_space<vmem>> -> memref<1x64xi32, #tpu.memory_space<vmem>>
      %dma_wait3A_223 = tpu.memref_squeeze %dma_wait3A_222 : memref<1x64xi32, #tpu.memory_space<vmem>> -> memref<64xi32, #tpu.memory_space<vmem>>
      %dma_wait3A_224 = arith.constant 0 : i32
      %dma_wait3A_225 = arith.constant 0 : i32
      %dma_wait3A_226 = tpu.memref_slice %arg2[%dma_wait3A_224, %dma_wait3A_225] : memref<10000x128xf32, #tpu.memory_space<hbm>> -> memref<10000x128xf32, #tpu.memory_space<hbm>>
      tpu.wait_indirect_dma semaphore(%arg15 : memref<!tpu.dma_semaphore, #tpu.memory_space<semaphore_mem>>) src(%dma_wait3A_226 : memref<10000x128xf32, #tpu.memory_space<hbm>>) dst(%dma_wait3A_220 : memref<64x128xf32, #tpu.memory_space<vmem>>)
      %add3A_227 = arith.constant 1 : i32
      %add3A_228 = arith.addi %mul3A_182, %add3A_227 : i32
      %dma_start3A_229 = arith.constant 0 : i32
      %dma_start3A_230 = tpu.memref_slice %arg8[%add3A_228, %dma_start3A_229] : memref<40x128xi32, #tpu.memory_space<vmem>> -> memref<1x128xi32, #tpu.memory_space<vmem>>
      %dma_start3A_231 = tpu.memref_squeeze %dma_start3A_230 : memref<1x128xi32, #tpu.memory_space<vmem>> -> memref<128xi32, #tpu.memory_space<vmem>>
      %dma_start3A_232 = arith.constant 0 : i32
      %dma_start3A_233 = arith.constant 0 : i32
      %dma_start3A_234 = tpu.memref_slice %arg11[%dma_start3A_232, %dma_start3A_233] : memref<10112x128xf32, #tpu.memory_space<vmem_shared>> -> memref<10112x128xf32, #tpu.memory_space<vmem_shared>>
      tpu.enqueue_indirect_dma source(%arg10 : memref<128x128xf32, #tpu.memory_space<vmem>>) target(%dma_start3A_234 : memref<10112x128xf32, #tpu.memory_space<vmem_shared>>) offsets(%dma_start3A_231 : memref<128xi32, #tpu.memory_space<vmem>>) semaphore(%arg17 : memref<!tpu.dma_semaphore, #tpu.memory_space<semaphore_mem>>) {add = true}
      %dma_wait3A_235 = arith.constant 0 : i32
      %dma_wait3A_236 = tpu.memref_slice %arg8[%mul3A_182, %dma_wait3A_235] : memref<40x128xi32, #tpu.memory_space<vmem>> -> memref<1x128xi32, #tpu.memory_space<vmem>>
      %dma_wait3A_237 = tpu.memref_squeeze %dma_wait3A_236 : memref<1x128xi32, #tpu.memory_space<vmem>> -> memref<128xi32, #tpu.memory_space<vmem>>
      %dma_wait3A_238 = arith.constant 0 : i32
      %dma_wait3A_239 = arith.constant 0 : i32
      %dma_wait3A_240 = tpu.memref_slice %arg11[%dma_wait3A_238, %dma_wait3A_239] : memref<10112x128xf32, #tpu.memory_space<vmem_shared>> -> memref<10112x128xf32, #tpu.memory_space<vmem_shared>>
      tpu.wait_indirect_dma semaphore(%arg16 : memref<!tpu.dma_semaphore, #tpu.memory_space<semaphore_mem>>) src(%arg9 : memref<128x128xf32, #tpu.memory_space<vmem>>) dst(%dma_wait3A_240 : memref<10112x128xf32, #tpu.memory_space<vmem_shared>>)
      %add3A_241 = arith.constant 2 : i32
      %add3A_242 = arith.addi %mul3A_182, %add3A_241 : i32
      %dma_start3A_243 = arith.constant 0 : i32
      %dma_start3A_244 = arith.constant 0 : i32
      %dma_start3A_245 = tpu.memref_slice %arg9[%dma_start3A_243, %dma_start3A_244] : memref<128x128xf32, #tpu.memory_space<vmem>> -> memref<64x128xf32, #tpu.memory_space<vmem>>
      %dma_start3A_246 = arith.constant 0 : i32
      %dma_start3A_247 = tpu.memref_slice %arg7[%add3A_242, %dma_start3A_246] : memref<40x128xi32, #tpu.memory_space<vmem>> -> memref<1x64xi32, #tpu.memory_space<vmem>>
      %dma_start3A_248 = tpu.memref_squeeze %dma_start3A_247 : memref<1x64xi32, #tpu.memory_space<vmem>> -> memref<64xi32, #tpu.memory_space<vmem>>
      %dma_start3A_249 = arith.constant 0 : i32
      %dma_start3A_250 = arith.constant 0 : i32
      %dma_start3A_251 = tpu.memref_slice %arg2[%dma_start3A_249, %dma_start3A_250] : memref<10000x128xf32, #tpu.memory_space<hbm>> -> memref<10000x128xf32, #tpu.memory_space<hbm>>
      tpu.enqueue_indirect_dma source(%dma_start3A_251 : memref<10000x128xf32, #tpu.memory_space<hbm>>) target(%dma_start3A_245 : memref<64x128xf32, #tpu.memory_space<vmem>>) offsets(%dma_start3A_248 : memref<64xi32, #tpu.memory_space<vmem>>) semaphore(%arg12 : memref<!tpu.dma_semaphore, #tpu.memory_space<semaphore_mem>>)
      %dma_start3A_252 = arith.constant 64 : i32
      %dma_start3A_253 = arith.constant 0 : i32
      %dma_start3A_254 = tpu.memref_slice %arg9[%dma_start3A_252, %dma_start3A_253] : memref<128x128xf32, #tpu.memory_space<vmem>> -> memref<64x128xf32, #tpu.memory_space<vmem>>
      %dma_start3A_255 = arith.constant 64 : i32
      %dma_start3A_256 = tpu.memref_slice %arg7[%add3A_242, %dma_start3A_255] : memref<40x128xi32, #tpu.memory_space<vmem>> -> memref<1x64xi32, #tpu.memory_space<vmem>>
      %dma_start3A_257 = tpu.memref_squeeze %dma_start3A_256 : memref<1x64xi32, #tpu.memory_space<vmem>> -> memref<64xi32, #tpu.memory_space<vmem>>
      %dma_start3A_258 = arith.constant 0 : i32
      %dma_start3A_259 = arith.constant 0 : i32
      %dma_start3A_260 = tpu.memref_slice %arg2[%dma_start3A_258, %dma_start3A_259] : memref<10000x128xf32, #tpu.memory_space<hbm>> -> memref<10000x128xf32, #tpu.memory_space<hbm>>
      tpu.enqueue_indirect_dma source(%dma_start3A_260 : memref<10000x128xf32, #tpu.memory_space<hbm>>) target(%dma_start3A_254 : memref<64x128xf32, #tpu.memory_space<vmem>>) offsets(%dma_start3A_257 : memref<64xi32, #tpu.memory_space<vmem>>) semaphore(%arg13 : memref<!tpu.dma_semaphore, #tpu.memory_space<semaphore_mem>>)
      %add3A_261 = arith.constant 1 : i32
      %add3A_262 = arith.addi %mul3A_182, %add3A_261 : i32
      %dma_wait3A_263 = arith.constant 0 : i32
      %dma_wait3A_264 = tpu.memref_slice %arg8[%add3A_262, %dma_wait3A_263] : memref<40x128xi32, #tpu.memory_space<vmem>> -> memref<1x128xi32, #tpu.memory_space<vmem>>
      %dma_wait3A_265 = tpu.memref_squeeze %dma_wait3A_264 : memref<1x128xi32, #tpu.memory_space<vmem>> -> memref<128xi32, #tpu.memory_space<vmem>>
      %dma_wait3A_266 = arith.constant 0 : i32
      %dma_wait3A_267 = arith.constant 0 : i32
      %dma_wait3A_268 = tpu.memref_slice %arg11[%dma_wait3A_266, %dma_wait3A_267] : memref<10112x128xf32, #tpu.memory_space<vmem_shared>> -> memref<10112x128xf32, #tpu.memory_space<vmem_shared>>
      tpu.wait_indirect_dma semaphore(%arg17 : memref<!tpu.dma_semaphore, #tpu.memory_space<semaphore_mem>>) src(%arg10 : memref<128x128xf32, #tpu.memory_space<vmem>>) dst(%dma_wait3A_268 : memref<10112x128xf32, #tpu.memory_space<vmem_shared>>)
      %add3A_269 = arith.constant 3 : i32
      %add3A_270 = arith.addi %mul3A_182, %add3A_269 : i32
      %dma_start3A_271 = arith.constant 0 : i32
      %dma_start3A_272 = arith.constant 0 : i32
      %dma_start3A_273 = tpu.memref_slice %arg10[%dma_start3A_271, %dma_start3A_272] : memref<128x128xf32, #tpu.memory_space<vmem>> -> memref<64x128xf32, #tpu.memory_space<vmem>>
      %dma_start3A_274 = arith.constant 0 : i32
      %dma_start3A_275 = tpu.memref_slice %arg7[%add3A_270, %dma_start3A_274] : memref<40x128xi32, #tpu.memory_space<vmem>> -> memref<1x64xi32, #tpu.memory_space<vmem>>
      %dma_start3A_276 = tpu.memref_squeeze %dma_start3A_275 : memref<1x64xi32, #tpu.memory_space<vmem>> -> memref<64xi32, #tpu.memory_space<vmem>>
      %dma_start3A_277 = arith.constant 0 : i32
      %dma_start3A_278 = arith.constant 0 : i32
      %dma_start3A_279 = tpu.memref_slice %arg2[%dma_start3A_277, %dma_start3A_278] : memref<10000x128xf32, #tpu.memory_space<hbm>> -> memref<10000x128xf32, #tpu.memory_space<hbm>>
      tpu.enqueue_indirect_dma source(%dma_start3A_279 : memref<10000x128xf32, #tpu.memory_space<hbm>>) target(%dma_start3A_273 : memref<64x128xf32, #tpu.memory_space<vmem>>) offsets(%dma_start3A_276 : memref<64xi32, #tpu.memory_space<vmem>>) semaphore(%arg14 : memref<!tpu.dma_semaphore, #tpu.memory_space<semaphore_mem>>)
      %dma_start3A_280 = arith.constant 64 : i32
      %dma_start3A_281 = arith.constant 0 : i32
      %dma_start3A_282 = tpu.memref_slice %arg10[%dma_start3A_280, %dma_start3A_281] : memref<128x128xf32, #tpu.memory_space<vmem>> -> memref<64x128xf32, #tpu.memory_space<vmem>>
      %dma_start3A_283 = arith.constant 64 : i32
      %dma_start3A_284 = tpu.memref_slice %arg7[%add3A_270, %dma_start3A_283] : memref<40x128xi32, #tpu.memory_space<vmem>> -> memref<1x64xi32, #tpu.memory_space<vmem>>
      %dma_start3A_285 = tpu.memref_squeeze %dma_start3A_284 : memref<1x64xi32, #tpu.memory_space<vmem>> -> memref<64xi32, #tpu.memory_space<vmem>>
      %dma_start3A_286 = arith.constant 0 : i32
      %dma_start3A_287 = arith.constant 0 : i32
      %dma_start3A_288 = tpu.memref_slice %arg2[%dma_start3A_286, %dma_start3A_287] : memref<10000x128xf32, #tpu.memory_space<hbm>> -> memref<10000x128xf32, #tpu.memory_space<hbm>>
      tpu.enqueue_indirect_dma source(%dma_start3A_288 : memref<10000x128xf32, #tpu.memory_space<hbm>>) target(%dma_start3A_282 : memref<64x128xf32, #tpu.memory_space<vmem>>) offsets(%dma_start3A_285 : memref<64xi32, #tpu.memory_space<vmem>>) semaphore(%arg15 : memref<!tpu.dma_semaphore, #tpu.memory_space<semaphore_mem>>)
    }
    %scan3A_46 = arith.constant 19 : i32
    %dma_wait3A = arith.constant 38 : i32
    %dma_wait3A_47 = arith.constant 0 : i32
    %dma_wait3A_48 = arith.constant 0 : i32
    %dma_wait3A_49 = tpu.memref_slice %arg9[%dma_wait3A_47, %dma_wait3A_48] : memref<128x128xf32, #tpu.memory_space<vmem>> -> memref<64x128xf32, #tpu.memory_space<vmem>>
    %dma_wait3A_50 = arith.constant 0 : i32
    %dma_wait3A_51 = tpu.memref_slice %arg7[%dma_wait3A, %dma_wait3A_50] : memref<40x128xi32, #tpu.memory_space<vmem>> -> memref<1x64xi32, #tpu.memory_space<vmem>>
    %dma_wait3A_52 = tpu.memref_squeeze %dma_wait3A_51 : memref<1x64xi32, #tpu.memory_space<vmem>> -> memref<64xi32, #tpu.memory_space<vmem>>
    %dma_wait3A_53 = arith.constant 0 : i32
    %dma_wait3A_54 = arith.constant 0 : i32
    %dma_wait3A_55 = tpu.memref_slice %arg2[%dma_wait3A_53, %dma_wait3A_54] : memref<10000x128xf32, #tpu.memory_space<hbm>> -> memref<10000x128xf32, #tpu.memory_space<hbm>>
    tpu.wait_indirect_dma semaphore(%arg12 : memref<!tpu.dma_semaphore, #tpu.memory_space<semaphore_mem>>) src(%dma_wait3A_55 : memref<10000x128xf32, #tpu.memory_space<hbm>>) dst(%dma_wait3A_49 : memref<64x128xf32, #tpu.memory_space<vmem>>)
    %dma_wait3A_56 = arith.constant 38 : i32
    %dma_wait3A_57 = arith.constant 64 : i32
    %dma_wait3A_58 = arith.constant 0 : i32
    %dma_wait3A_59 = tpu.memref_slice %arg9[%dma_wait3A_57, %dma_wait3A_58] : memref<128x128xf32, #tpu.memory_space<vmem>> -> memref<64x128xf32, #tpu.memory_space<vmem>>
    %dma_wait3A_60 = arith.constant 64 : i32
    %dma_wait3A_61 = tpu.memref_slice %arg7[%dma_wait3A_56, %dma_wait3A_60] : memref<40x128xi32, #tpu.memory_space<vmem>> -> memref<1x64xi32, #tpu.memory_space<vmem>>
    %dma_wait3A_62 = tpu.memref_squeeze %dma_wait3A_61 : memref<1x64xi32, #tpu.memory_space<vmem>> -> memref<64xi32, #tpu.memory_space<vmem>>
    %dma_wait3A_63 = arith.constant 0 : i32
    %dma_wait3A_64 = arith.constant 0 : i32
    %dma_wait3A_65 = tpu.memref_slice %arg2[%dma_wait3A_63, %dma_wait3A_64] : memref<10000x128xf32, #tpu.memory_space<hbm>> -> memref<10000x128xf32, #tpu.memory_space<hbm>>
    tpu.wait_indirect_dma semaphore(%arg13 : memref<!tpu.dma_semaphore, #tpu.memory_space<semaphore_mem>>) src(%dma_wait3A_65 : memref<10000x128xf32, #tpu.memory_space<hbm>>) dst(%dma_wait3A_59 : memref<64x128xf32, #tpu.memory_space<vmem>>)
    %run_scoped3A = arith.constant 38 : i32
    "tpu.region"() ({
      %run_scoped3A_180 = tpu.sem_alloc : memref<!tpu.dma_semaphore, #tpu.memory_space<semaphore_mem>>
      %dma_start3A_181 = arith.constant 0 : i32
      %dma_start3A_182 = tpu.memref_slice %arg8[%run_scoped3A, %dma_start3A_181] : memref<40x128xi32, #tpu.memory_space<vmem>> -> memref<1x128xi32, #tpu.memory_space<vmem>>
      %dma_start3A_183 = tpu.memref_squeeze %dma_start3A_182 : memref<1x128xi32, #tpu.memory_space<vmem>> -> memref<128xi32, #tpu.memory_space<vmem>>
      %dma_start3A_184 = arith.constant 0 : i32
      %dma_start3A_185 = arith.constant 0 : i32
      %dma_start3A_186 = tpu.memref_slice %arg11[%dma_start3A_184, %dma_start3A_185] : memref<10112x128xf32, #tpu.memory_space<vmem_shared>> -> memref<10112x128xf32, #tpu.memory_space<vmem_shared>>
      tpu.enqueue_indirect_dma source(%arg9 : memref<128x128xf32, #tpu.memory_space<vmem>>) target(%dma_start3A_186 : memref<10112x128xf32, #tpu.memory_space<vmem_shared>>) offsets(%dma_start3A_183 : memref<128xi32, #tpu.memory_space<vmem>>) semaphore(%run_scoped3A_180 : memref<!tpu.dma_semaphore, #tpu.memory_space<semaphore_mem>>) {add = true}
      %dma_wait3A_187 = arith.constant 0 : i32
      %dma_wait3A_188 = tpu.memref_slice %arg8[%run_scoped3A, %dma_wait3A_187] : memref<40x128xi32, #tpu.memory_space<vmem>> -> memref<1x128xi32, #tpu.memory_space<vmem>>
      %dma_wait3A_189 = tpu.memref_squeeze %dma_wait3A_188 : memref<1x128xi32, #tpu.memory_space<vmem>> -> memref<128xi32, #tpu.memory_space<vmem>>
      %dma_wait3A_190 = arith.constant 0 : i32
      %dma_wait3A_191 = arith.constant 0 : i32
      %dma_wait3A_192 = tpu.memref_slice %arg11[%dma_wait3A_190, %dma_wait3A_191] : memref<10112x128xf32, #tpu.memory_space<vmem_shared>> -> memref<10112x128xf32, #tpu.memory_space<vmem_shared>>
      tpu.wait_indirect_dma semaphore(%run_scoped3A_180 : memref<!tpu.dma_semaphore, #tpu.memory_space<semaphore_mem>>) src(%arg9 : memref<128x128xf32, #tpu.memory_space<vmem>>) dst(%dma_wait3A_192 : memref<10112x128xf32, #tpu.memory_space<vmem_shared>>)
      tpu.yield
    }) : () -> ()
    %dma_wait3A_66 = arith.constant 39 : i32
    %dma_wait3A_67 = arith.constant 0 : i32
    %dma_wait3A_68 = arith.constant 0 : i32
    %dma_wait3A_69 = tpu.memref_slice %arg10[%dma_wait3A_67, %dma_wait3A_68] : memref<128x128xf32, #tpu.memory_space<vmem>> -> memref<64x128xf32, #tpu.memory_space<vmem>>
    %dma_wait3A_70 = arith.constant 0 : i32
    %dma_wait3A_71 = tpu.memref_slice %arg7[%dma_wait3A_66, %dma_wait3A_70] : memref<40x128xi32, #tpu.memory_space<vmem>> -> memref<1x64xi32, #tpu.memory_space<vmem>>
    %dma_wait3A_72 = tpu.memref_squeeze %dma_wait3A_71 : memref<1x64xi32, #tpu.memory_space<vmem>> -> memref<64xi32, #tpu.memory_space<vmem>>
    %dma_wait3A_73 = arith.constant 0 : i32
    %dma_wait3A_74 = arith.constant 0 : i32
    %dma_wait3A_75 = tpu.memref_slice %arg2[%dma_wait3A_73, %dma_wait3A_74] : memref<10000x128xf32, #tpu.memory_space<hbm>> -> memref<10000x128xf32, #tpu.memory_space<hbm>>
    tpu.wait_indirect_dma semaphore(%arg14 : memref<!tpu.dma_semaphore, #tpu.memory_space<semaphore_mem>>) src(%dma_wait3A_75 : memref<10000x128xf32, #tpu.memory_space<hbm>>) dst(%dma_wait3A_69 : memref<64x128xf32, #tpu.memory_space<vmem>>)
    %dma_wait3A_76 = arith.constant 39 : i32
    %dma_wait3A_77 = arith.constant 64 : i32
    %dma_wait3A_78 = arith.constant 0 : i32
    %dma_wait3A_79 = tpu.memref_slice %arg10[%dma_wait3A_77, %dma_wait3A_78] : memref<128x128xf32, #tpu.memory_space<vmem>> -> memref<64x128xf32, #tpu.memory_space<vmem>>
    %dma_wait3A_80 = arith.constant 64 : i32
    %dma_wait3A_81 = tpu.memref_slice %arg7[%dma_wait3A_76, %dma_wait3A_80] : memref<40x128xi32, #tpu.memory_space<vmem>> -> memref<1x64xi32, #tpu.memory_space<vmem>>
    %dma_wait3A_82 = tpu.memref_squeeze %dma_wait3A_81 : memref<1x64xi32, #tpu.memory_space<vmem>> -> memref<64xi32, #tpu.memory_space<vmem>>
    %dma_wait3A_83 = arith.constant 0 : i32
    %dma_wait3A_84 = arith.constant 0 : i32
    %dma_wait3A_85 = tpu.memref_slice %arg2[%dma_wait3A_83, %dma_wait3A_84] : memref<10000x128xf32, #tpu.memory_space<hbm>> -> memref<10000x128xf32, #tpu.memory_space<hbm>>
    tpu.wait_indirect_dma semaphore(%arg15 : memref<!tpu.dma_semaphore, #tpu.memory_space<semaphore_mem>>) src(%dma_wait3A_85 : memref<10000x128xf32, #tpu.memory_space<hbm>>) dst(%dma_wait3A_79 : memref<64x128xf32, #tpu.memory_space<vmem>>)
    %run_scoped3A_86 = arith.constant 39 : i32
    "tpu.region"() ({
      %run_scoped3A_180 = tpu.sem_alloc : memref<!tpu.dma_semaphore, #tpu.memory_space<semaphore_mem>>
      %dma_start3A_181 = arith.constant 0 : i32
      %dma_start3A_182 = tpu.memref_slice %arg8[%run_scoped3A_86, %dma_start3A_181] : memref<40x128xi32, #tpu.memory_space<vmem>> -> memref<1x128xi32, #tpu.memory_space<vmem>>
      %dma_start3A_183 = tpu.memref_squeeze %dma_start3A_182 : memref<1x128xi32, #tpu.memory_space<vmem>> -> memref<128xi32, #tpu.memory_space<vmem>>
      %dma_start3A_184 = arith.constant 0 : i32
      %dma_start3A_185 = arith.constant 0 : i32
      %dma_start3A_186 = tpu.memref_slice %arg11[%dma_start3A_184, %dma_start3A_185] : memref<10112x128xf32, #tpu.memory_space<vmem_shared>> -> memref<10112x128xf32, #tpu.memory_space<vmem_shared>>
      tpu.enqueue_indirect_dma source(%arg10 : memref<128x128xf32, #tpu.memory_space<vmem>>) target(%dma_start3A_186 : memref<10112x128xf32, #tpu.memory_space<vmem_shared>>) offsets(%dma_start3A_183 : memref<128xi32, #tpu.memory_space<vmem>>) semaphore(%run_scoped3A_180 : memref<!tpu.dma_semaphore, #tpu.memory_space<semaphore_mem>>) {add = true}
      %dma_wait3A_187 = arith.constant 0 : i32
      %dma_wait3A_188 = tpu.memref_slice %arg8[%run_scoped3A_86, %dma_wait3A_187] : memref<40x128xi32, #tpu.memory_space<vmem>> -> memref<1x128xi32, #tpu.memory_space<vmem>>
      %dma_wait3A_189 = tpu.memref_squeeze %dma_wait3A_188 : memref<1x128xi32, #tpu.memory_space<vmem>> -> memref<128xi32, #tpu.memory_space<vmem>>
      %dma_wait3A_190 = arith.constant 0 : i32
      %dma_wait3A_191 = arith.constant 0 : i32
      %dma_wait3A_192 = tpu.memref_slice %arg11[%dma_wait3A_190, %dma_wait3A_191] : memref<10112x128xf32, #tpu.memory_space<vmem_shared>> -> memref<10112x128xf32, #tpu.memory_space<vmem_shared>>
      tpu.wait_indirect_dma semaphore(%run_scoped3A_180 : memref<!tpu.dma_semaphore, #tpu.memory_space<semaphore_mem>>) src(%arg10 : memref<128x128xf32, #tpu.memory_space<vmem>>) dst(%dma_wait3A_192 : memref<10112x128xf32, #tpu.memory_space<vmem_shared>>)
      tpu.yield
    }) : () -> ()
    "tpu.region"() ({
      %run_scoped3A_180 = tpu.sem_alloc : memref<!tpu.dma_semaphore, #tpu.memory_space<semaphore_mem>>
      %dma_start3A_181 = arith.constant 40 : i32
      %dma_start3A_182 = arith.constant 0 : i32
      %dma_start3A_183 = tpu.memref_slice %arg3[%add3A, %dma_start3A_181, %dma_start3A_182] : memref<32x80x128xi32, #tpu.memory_space<hbm>> -> memref<1x40x128xi32, #tpu.memory_space<hbm>>
      %dma_start3A_184 = tpu.memref_squeeze %dma_start3A_183 : memref<1x40x128xi32, #tpu.memory_space<hbm>> -> memref<40x128xi32, #tpu.memory_space<hbm>>
      %dma_start3A_185 = arith.constant 40 : i32
      %dma_start3A_186 = arith.constant 0 : i32
      %dma_start3A_187 = tpu.memref_slice %arg3[%add3A, %dma_start3A_185, %dma_start3A_186] : memref<32x80x128xi32, #tpu.memory_space<hbm>> -> memref<1x40x128xi32, #tpu.memory_space<hbm>>
      %dma_start3A_188 = tpu.memref_squeeze %dma_start3A_187 : memref<1x40x128xi32, #tpu.memory_space<hbm>> -> memref<40x128xi32, #tpu.memory_space<hbm>>
      tpu.enqueue_dma source(%dma_start3A_188 : memref<40x128xi32, #tpu.memory_space<hbm>>) target(%arg7 : memref<40x128xi32, #tpu.memory_space<vmem>>) target_semaphore(%run_scoped3A_180 : memref<!tpu.dma_semaphore, #tpu.memory_space<semaphore_mem>>)
      %dma_wait3A_189 = arith.constant 40 : i32
      %dma_wait3A_190 = arith.constant 0 : i32
      %dma_wait3A_191 = tpu.memref_slice %arg3[%add3A, %dma_wait3A_189, %dma_wait3A_190] : memref<32x80x128xi32, #tpu.memory_space<hbm>> -> memref<1x40x128xi32, #tpu.memory_space<hbm>>
      %dma_wait3A_192 = tpu.memref_squeeze %dma_wait3A_191 : memref<1x40x128xi32, #tpu.memory_space<hbm>> -> memref<40x128xi32, #tpu.memory_space<hbm>>
      %dma_wait3A_193 = arith.constant 40 : i32
      %dma_wait3A_194 = arith.constant 0 : i32
      %dma_wait3A_195 = tpu.memref_slice %arg3[%add3A, %dma_wait3A_193, %dma_wait3A_194] : memref<32x80x128xi32, #tpu.memory_space<hbm>> -> memref<1x40x128xi32, #tpu.memory_space<hbm>>
      %dma_wait3A_196 = tpu.memref_squeeze %dma_wait3A_195 : memref<1x40x128xi32, #tpu.memory_space<hbm>> -> memref<40x128xi32, #tpu.memory_space<hbm>>
      tpu.wait_dma2 semaphore(%run_scoped3A_180 : memref<!tpu.dma_semaphore, #tpu.memory_space<semaphore_mem>>) src(%dma_wait3A_196 : memref<40x128xi32, #tpu.memory_space<hbm>>) dst(%arg7 : memref<40x128xi32, #tpu.memory_space<vmem>>)
      tpu.yield
    }) : () -> ()
    "tpu.region"() ({
      %run_scoped3A_180 = tpu.sem_alloc : memref<!tpu.dma_semaphore, #tpu.memory_space<semaphore_mem>>
      %dma_start3A_181 = arith.constant 40 : i32
      %dma_start3A_182 = arith.constant 0 : i32
      %dma_start3A_183 = tpu.memref_slice %arg4[%add3A, %dma_start3A_181, %dma_start3A_182] : memref<32x80x128xi32, #tpu.memory_space<hbm>> -> memref<1x40x128xi32, #tpu.memory_space<hbm>>
      %dma_start3A_184 = tpu.memref_squeeze %dma_start3A_183 : memref<1x40x128xi32, #tpu.memory_space<hbm>> -> memref<40x128xi32, #tpu.memory_space<hbm>>
      %dma_start3A_185 = arith.constant 40 : i32
      %dma_start3A_186 = arith.constant 0 : i32
      %dma_start3A_187 = tpu.memref_slice %arg4[%add3A, %dma_start3A_185, %dma_start3A_186] : memref<32x80x128xi32, #tpu.memory_space<hbm>> -> memref<1x40x128xi32, #tpu.memory_space<hbm>>
      %dma_start3A_188 = tpu.memref_squeeze %dma_start3A_187 : memref<1x40x128xi32, #tpu.memory_space<hbm>> -> memref<40x128xi32, #tpu.memory_space<hbm>>
      tpu.enqueue_dma source(%dma_start3A_188 : memref<40x128xi32, #tpu.memory_space<hbm>>) target(%arg8 : memref<40x128xi32, #tpu.memory_space<vmem>>) target_semaphore(%run_scoped3A_180 : memref<!tpu.dma_semaphore, #tpu.memory_space<semaphore_mem>>)
      %dma_wait3A_189 = arith.constant 40 : i32
      %dma_wait3A_190 = arith.constant 0 : i32
      %dma_wait3A_191 = tpu.memref_slice %arg4[%add3A, %dma_wait3A_189, %dma_wait3A_190] : memref<32x80x128xi32, #tpu.memory_space<hbm>> -> memref<1x40x128xi32, #tpu.memory_space<hbm>>
      %dma_wait3A_192 = tpu.memref_squeeze %dma_wait3A_191 : memref<1x40x128xi32, #tpu.memory_space<hbm>> -> memref<40x128xi32, #tpu.memory_space<hbm>>
      %dma_wait3A_193 = arith.constant 40 : i32
      %dma_wait3A_194 = arith.constant 0 : i32
      %dma_wait3A_195 = tpu.memref_slice %arg4[%add3A, %dma_wait3A_193, %dma_wait3A_194] : memref<32x80x128xi32, #tpu.memory_space<hbm>> -> memref<1x40x128xi32, #tpu.memory_space<hbm>>
      %dma_wait3A_196 = tpu.memref_squeeze %dma_wait3A_195 : memref<1x40x128xi32, #tpu.memory_space<hbm>> -> memref<40x128xi32, #tpu.memory_space<hbm>>
      tpu.wait_dma2 semaphore(%run_scoped3A_180 : memref<!tpu.dma_semaphore, #tpu.memory_space<semaphore_mem>>) src(%dma_wait3A_196 : memref<40x128xi32, #tpu.memory_space<hbm>>) dst(%arg8 : memref<40x128xi32, #tpu.memory_space<vmem>>)
      tpu.yield
    }) : () -> ()
    %dma_start3A_87 = arith.constant 0 : i32
    %dma_start3A_88 = arith.constant 0 : i32
    %dma_start3A_89 = arith.constant 0 : i32
    %dma_start3A_90 = tpu.memref_slice %arg9[%dma_start3A_88, %dma_start3A_89] : memref<128x128xf32, #tpu.memory_space<vmem>> -> memref<64x128xf32, #tpu.memory_space<vmem>>
    %dma_start3A_91 = arith.constant 0 : i32
    %dma_start3A_92 = tpu.memref_slice %arg7[%dma_start3A_87, %dma_start3A_91] : memref<40x128xi32, #tpu.memory_space<vmem>> -> memref<1x64xi32, #tpu.memory_space<vmem>>
    %dma_start3A_93 = tpu.memref_squeeze %dma_start3A_92 : memref<1x64xi32, #tpu.memory_space<vmem>> -> memref<64xi32, #tpu.memory_space<vmem>>
    %dma_start3A_94 = arith.constant 0 : i32
    %dma_start3A_95 = arith.constant 0 : i32
    %dma_start3A_96 = tpu.memref_slice %arg2[%dma_start3A_94, %dma_start3A_95] : memref<10000x128xf32, #tpu.memory_space<hbm>> -> memref<10000x128xf32, #tpu.memory_space<hbm>>
    tpu.enqueue_indirect_dma source(%dma_start3A_96 : memref<10000x128xf32, #tpu.memory_space<hbm>>) target(%dma_start3A_90 : memref<64x128xf32, #tpu.memory_space<vmem>>) offsets(%dma_start3A_93 : memref<64xi32, #tpu.memory_space<vmem>>) semaphore(%arg12 : memref<!tpu.dma_semaphore, #tpu.memory_space<semaphore_mem>>)
    %dma_start3A_97 = arith.constant 0 : i32
    %dma_start3A_98 = arith.constant 64 : i32
    %dma_start3A_99 = arith.constant 0 : i32
    %dma_start3A_100 = tpu.memref_slice %arg9[%dma_start3A_98, %dma_start3A_99] : memref<128x128xf32, #tpu.memory_space<vmem>> -> memref<64x128xf32, #tpu.memory_space<vmem>>
    %dma_start3A_101 = arith.constant 64 : i32
    %dma_start3A_102 = tpu.memref_slice %arg7[%dma_start3A_97, %dma_start3A_101] : memref<40x128xi32, #tpu.memory_space<vmem>> -> memref<1x64xi32, #tpu.memory_space<vmem>>
    %dma_start3A_103 = tpu.memref_squeeze %dma_start3A_102 : memref<1x64xi32, #tpu.memory_space<vmem>> -> memref<64xi32, #tpu.memory_space<vmem>>
    %dma_start3A_104 = arith.constant 0 : i32
    %dma_start3A_105 = arith.constant 0 : i32
    %dma_start3A_106 = tpu.memref_slice %arg2[%dma_start3A_104, %dma_start3A_105] : memref<10000x128xf32, #tpu.memory_space<hbm>> -> memref<10000x128xf32, #tpu.memory_space<hbm>>
    tpu.enqueue_indirect_dma source(%dma_start3A_106 : memref<10000x128xf32, #tpu.memory_space<hbm>>) target(%dma_start3A_100 : memref<64x128xf32, #tpu.memory_space<vmem>>) offsets(%dma_start3A_103 : memref<64xi32, #tpu.memory_space<vmem>>) semaphore(%arg13 : memref<!tpu.dma_semaphore, #tpu.memory_space<semaphore_mem>>)
    %dma_start3A_107 = arith.constant 1 : i32
    %dma_start3A_108 = arith.constant 0 : i32
    %dma_start3A_109 = arith.constant 0 : i32
    %dma_start3A_110 = tpu.memref_slice %arg10[%dma_start3A_108, %dma_start3A_109] : memref<128x128xf32, #tpu.memory_space<vmem>> -> memref<64x128xf32, #tpu.memory_space<vmem>>
    %dma_start3A_111 = arith.constant 0 : i32
    %dma_start3A_112 = tpu.memref_slice %arg7[%dma_start3A_107, %dma_start3A_111] : memref<40x128xi32, #tpu.memory_space<vmem>> -> memref<1x64xi32, #tpu.memory_space<vmem>>
    %dma_start3A_113 = tpu.memref_squeeze %dma_start3A_112 : memref<1x64xi32, #tpu.memory_space<vmem>> -> memref<64xi32, #tpu.memory_space<vmem>>
    %dma_start3A_114 = arith.constant 0 : i32
    %dma_start3A_115 = arith.constant 0 : i32
    %dma_start3A_116 = tpu.memref_slice %arg2[%dma_start3A_114, %dma_start3A_115] : memref<10000x128xf32, #tpu.memory_space<hbm>> -> memref<10000x128xf32, #tpu.memory_space<hbm>>
    tpu.enqueue_indirect_dma source(%dma_start3A_116 : memref<10000x128xf32, #tpu.memory_space<hbm>>) target(%dma_start3A_110 : memref<64x128xf32, #tpu.memory_space<vmem>>) offsets(%dma_start3A_113 : memref<64xi32, #tpu.memory_space<vmem>>) semaphore(%arg14 : memref<!tpu.dma_semaphore, #tpu.memory_space<semaphore_mem>>)
    %dma_start3A_117 = arith.constant 1 : i32
    %dma_start3A_118 = arith.constant 64 : i32
    %dma_start3A_119 = arith.constant 0 : i32
    %dma_start3A_120 = tpu.memref_slice %arg10[%dma_start3A_118, %dma_start3A_119] : memref<128x128xf32, #tpu.memory_space<vmem>> -> memref<64x128xf32, #tpu.memory_space<vmem>>
    %dma_start3A_121 = arith.constant 64 : i32
    %dma_start3A_122 = tpu.memref_slice %arg7[%dma_start3A_117, %dma_start3A_121] : memref<40x128xi32, #tpu.memory_space<vmem>> -> memref<1x64xi32, #tpu.memory_space<vmem>>
    %dma_start3A_123 = tpu.memref_squeeze %dma_start3A_122 : memref<1x64xi32, #tpu.memory_space<vmem>> -> memref<64xi32, #tpu.memory_space<vmem>>
    %dma_start3A_124 = arith.constant 0 : i32
    %dma_start3A_125 = arith.constant 0 : i32
    %dma_start3A_126 = tpu.memref_slice %arg2[%dma_start3A_124, %dma_start3A_125] : memref<10000x128xf32, #tpu.memory_space<hbm>> -> memref<10000x128xf32, #tpu.memory_space<hbm>>
    tpu.enqueue_indirect_dma source(%dma_start3A_126 : memref<10000x128xf32, #tpu.memory_space<hbm>>) target(%dma_start3A_120 : memref<64x128xf32, #tpu.memory_space<vmem>>) offsets(%dma_start3A_123 : memref<64xi32, #tpu.memory_space<vmem>>) semaphore(%arg15 : memref<!tpu.dma_semaphore, #tpu.memory_space<semaphore_mem>>)
    %scan3A_127 = arith.constant 0 : i32
    %scan3A_128 = arith.constant 0 : i32
    %scan3A_129 = arith.constant 19 : i32
    %scan3A_130 = arith.addi %scan3A_128, %scan3A_129 : i32
    %scan3A_131 = arith.constant 1 : i32
    scf.for %scan3A_180 = %scan3A_128 to %scan3A_130 step %scan3A_131  : i32 {
      %mul3A_181 = arith.constant 2 : i32
      %mul3A_182 = arith.muli %mul3A_181, %scan3A_180 : i32
      %dma_wait3A_183 = arith.constant 0 : i32
      %dma_wait3A_184 = arith.constant 0 : i32
      %dma_wait3A_185 = tpu.memref_slice %arg9[%dma_wait3A_183, %dma_wait3A_184] : memref<128x128xf32, #tpu.memory_space<vmem>> -> memref<64x128xf32, #tpu.memory_space<vmem>>
      %dma_wait3A_186 = arith.constant 0 : i32
      %dma_wait3A_187 = tpu.memref_slice %arg7[%mul3A_182, %dma_wait3A_186] : memref<40x128xi32, #tpu.memory_space<vmem>> -> memref<1x64xi32, #tpu.memory_space<vmem>>
      %dma_wait3A_188 = tpu.memref_squeeze %dma_wait3A_187 : memref<1x64xi32, #tpu.memory_space<vmem>> -> memref<64xi32, #tpu.memory_space<vmem>>
      %dma_wait3A_189 = arith.constant 0 : i32
      %dma_wait3A_190 = arith.constant 0 : i32
      %dma_wait3A_191 = tpu.memref_slice %arg2[%dma_wait3A_189, %dma_wait3A_190] : memref<10000x128xf32, #tpu.memory_space<hbm>> -> memref<10000x128xf32, #tpu.memory_space<hbm>>
      tpu.wait_indirect_dma semaphore(%arg12 : memref<!tpu.dma_semaphore, #tpu.memory_space<semaphore_mem>>) src(%dma_wait3A_191 : memref<10000x128xf32, #tpu.memory_space<hbm>>) dst(%dma_wait3A_185 : memref<64x128xf32, #tpu.memory_space<vmem>>)
      %dma_wait3A_192 = arith.constant 64 : i32
      %dma_wait3A_193 = arith.constant 0 : i32
      %dma_wait3A_194 = tpu.memref_slice %arg9[%dma_wait3A_192, %dma_wait3A_193] : memref<128x128xf32, #tpu.memory_space<vmem>> -> memref<64x128xf32, #tpu.memory_space<vmem>>
      %dma_wait3A_195 = arith.constant 64 : i32
      %dma_wait3A_196 = tpu.memref_slice %arg7[%mul3A_182, %dma_wait3A_195] : memref<40x128xi32, #tpu.memory_space<vmem>> -> memref<1x64xi32, #tpu.memory_space<vmem>>
      %dma_wait3A_197 = tpu.memref_squeeze %dma_wait3A_196 : memref<1x64xi32, #tpu.memory_space<vmem>> -> memref<64xi32, #tpu.memory_space<vmem>>
      %dma_wait3A_198 = arith.constant 0 : i32
      %dma_wait3A_199 = arith.constant 0 : i32
      %dma_wait3A_200 = tpu.memref_slice %arg2[%dma_wait3A_198, %dma_wait3A_199] : memref<10000x128xf32, #tpu.memory_space<hbm>> -> memref<10000x128xf32, #tpu.memory_space<hbm>>
      tpu.wait_indirect_dma semaphore(%arg13 : memref<!tpu.dma_semaphore, #tpu.memory_space<semaphore_mem>>) src(%dma_wait3A_200 : memref<10000x128xf32, #tpu.memory_space<hbm>>) dst(%dma_wait3A_194 : memref<64x128xf32, #tpu.memory_space<vmem>>)
      %dma_start3A_201 = arith.constant 0 : i32
      %dma_start3A_202 = tpu.memref_slice %arg8[%mul3A_182, %dma_start3A_201] : memref<40x128xi32, #tpu.memory_space<vmem>> -> memref<1x128xi32, #tpu.memory_space<vmem>>
      %dma_start3A_203 = tpu.memref_squeeze %dma_start3A_202 : memref<1x128xi32, #tpu.memory_space<vmem>> -> memref<128xi32, #tpu.memory_space<vmem>>
      %dma_start3A_204 = arith.constant 0 : i32
      %dma_start3A_205 = arith.constant 0 : i32
      %dma_start3A_206 = tpu.memref_slice %arg11[%dma_start3A_204, %dma_start3A_205] : memref<10112x128xf32, #tpu.memory_space<vmem_shared>> -> memref<10112x128xf32, #tpu.memory_space<vmem_shared>>
      tpu.enqueue_indirect_dma source(%arg9 : memref<128x128xf32, #tpu.memory_space<vmem>>) target(%dma_start3A_206 : memref<10112x128xf32, #tpu.memory_space<vmem_shared>>) offsets(%dma_start3A_203 : memref<128xi32, #tpu.memory_space<vmem>>) semaphore(%arg16 : memref<!tpu.dma_semaphore, #tpu.memory_space<semaphore_mem>>) {add = true}
      %add3A_207 = arith.constant 1 : i32
      %add3A_208 = arith.addi %mul3A_182, %add3A_207 : i32
      %dma_wait3A_209 = arith.constant 0 : i32
      %dma_wait3A_210 = arith.constant 0 : i32
      %dma_wait3A_211 = tpu.memref_slice %arg10[%dma_wait3A_209, %dma_wait3A_210] : memref<128x128xf32, #tpu.memory_space<vmem>> -> memref<64x128xf32, #tpu.memory_space<vmem>>
      %dma_wait3A_212 = arith.constant 0 : i32
      %dma_wait3A_213 = tpu.memref_slice %arg7[%add3A_208, %dma_wait3A_212] : memref<40x128xi32, #tpu.memory_space<vmem>> -> memref<1x64xi32, #tpu.memory_space<vmem>>
      %dma_wait3A_214 = tpu.memref_squeeze %dma_wait3A_213 : memref<1x64xi32, #tpu.memory_space<vmem>> -> memref<64xi32, #tpu.memory_space<vmem>>
      %dma_wait3A_215 = arith.constant 0 : i32
      %dma_wait3A_216 = arith.constant 0 : i32
      %dma_wait3A_217 = tpu.memref_slice %arg2[%dma_wait3A_215, %dma_wait3A_216] : memref<10000x128xf32, #tpu.memory_space<hbm>> -> memref<10000x128xf32, #tpu.memory_space<hbm>>
      tpu.wait_indirect_dma semaphore(%arg14 : memref<!tpu.dma_semaphore, #tpu.memory_space<semaphore_mem>>) src(%dma_wait3A_217 : memref<10000x128xf32, #tpu.memory_space<hbm>>) dst(%dma_wait3A_211 : memref<64x128xf32, #tpu.memory_space<vmem>>)
      %dma_wait3A_218 = arith.constant 64 : i32
      %dma_wait3A_219 = arith.constant 0 : i32
      %dma_wait3A_220 = tpu.memref_slice %arg10[%dma_wait3A_218, %dma_wait3A_219] : memref<128x128xf32, #tpu.memory_space<vmem>> -> memref<64x128xf32, #tpu.memory_space<vmem>>
      %dma_wait3A_221 = arith.constant 64 : i32
      %dma_wait3A_222 = tpu.memref_slice %arg7[%add3A_208, %dma_wait3A_221] : memref<40x128xi32, #tpu.memory_space<vmem>> -> memref<1x64xi32, #tpu.memory_space<vmem>>
      %dma_wait3A_223 = tpu.memref_squeeze %dma_wait3A_222 : memref<1x64xi32, #tpu.memory_space<vmem>> -> memref<64xi32, #tpu.memory_space<vmem>>
      %dma_wait3A_224 = arith.constant 0 : i32
      %dma_wait3A_225 = arith.constant 0 : i32
      %dma_wait3A_226 = tpu.memref_slice %arg2[%dma_wait3A_224, %dma_wait3A_225] : memref<10000x128xf32, #tpu.memory_space<hbm>> -> memref<10000x128xf32, #tpu.memory_space<hbm>>
      tpu.wait_indirect_dma semaphore(%arg15 : memref<!tpu.dma_semaphore, #tpu.memory_space<semaphore_mem>>) src(%dma_wait3A_226 : memref<10000x128xf32, #tpu.memory_space<hbm>>) dst(%dma_wait3A_220 : memref<64x128xf32, #tpu.memory_space<vmem>>)
      %add3A_227 = arith.constant 1 : i32
      %add3A_228 = arith.addi %mul3A_182, %add3A_227 : i32
      %dma_start3A_229 = arith.constant 0 : i32
      %dma_start3A_230 = tpu.memref_slice %arg8[%add3A_228, %dma_start3A_229] : memref<40x128xi32, #tpu.memory_space<vmem>> -> memref<1x128xi32, #tpu.memory_space<vmem>>
      %dma_start3A_231 = tpu.memref_squeeze %dma_start3A_230 : memref<1x128xi32, #tpu.memory_space<vmem>> -> memref<128xi32, #tpu.memory_space<vmem>>
      %dma_start3A_232 = arith.constant 0 : i32
      %dma_start3A_233 = arith.constant 0 : i32
      %dma_start3A_234 = tpu.memref_slice %arg11[%dma_start3A_232, %dma_start3A_233] : memref<10112x128xf32, #tpu.memory_space<vmem_shared>> -> memref<10112x128xf32, #tpu.memory_space<vmem_shared>>
      tpu.enqueue_indirect_dma source(%arg10 : memref<128x128xf32, #tpu.memory_space<vmem>>) target(%dma_start3A_234 : memref<10112x128xf32, #tpu.memory_space<vmem_shared>>) offsets(%dma_start3A_231 : memref<128xi32, #tpu.memory_space<vmem>>) semaphore(%arg17 : memref<!tpu.dma_semaphore, #tpu.memory_space<semaphore_mem>>) {add = true}
      %dma_wait3A_235 = arith.constant 0 : i32
      %dma_wait3A_236 = tpu.memref_slice %arg8[%mul3A_182, %dma_wait3A_235] : memref<40x128xi32, #tpu.memory_space<vmem>> -> memref<1x128xi32, #tpu.memory_space<vmem>>
      %dma_wait3A_237 = tpu.memref_squeeze %dma_wait3A_236 : memref<1x128xi32, #tpu.memory_space<vmem>> -> memref<128xi32, #tpu.memory_space<vmem>>
      %dma_wait3A_238 = arith.constant 0 : i32
      %dma_wait3A_239 = arith.constant 0 : i32
      %dma_wait3A_240 = tpu.memref_slice %arg11[%dma_wait3A_238, %dma_wait3A_239] : memref<10112x128xf32, #tpu.memory_space<vmem_shared>> -> memref<10112x128xf32, #tpu.memory_space<vmem_shared>>
      tpu.wait_indirect_dma semaphore(%arg16 : memref<!tpu.dma_semaphore, #tpu.memory_space<semaphore_mem>>) src(%arg9 : memref<128x128xf32, #tpu.memory_space<vmem>>) dst(%dma_wait3A_240 : memref<10112x128xf32, #tpu.memory_space<vmem_shared>>)
      %add3A_241 = arith.constant 2 : i32
      %add3A_242 = arith.addi %mul3A_182, %add3A_241 : i32
      %dma_start3A_243 = arith.constant 0 : i32
      %dma_start3A_244 = arith.constant 0 : i32
      %dma_start3A_245 = tpu.memref_slice %arg9[%dma_start3A_243, %dma_start3A_244] : memref<128x128xf32, #tpu.memory_space<vmem>> -> memref<64x128xf32, #tpu.memory_space<vmem>>
      %dma_start3A_246 = arith.constant 0 : i32
      %dma_start3A_247 = tpu.memref_slice %arg7[%add3A_242, %dma_start3A_246] : memref<40x128xi32, #tpu.memory_space<vmem>> -> memref<1x64xi32, #tpu.memory_space<vmem>>
      %dma_start3A_248 = tpu.memref_squeeze %dma_start3A_247 : memref<1x64xi32, #tpu.memory_space<vmem>> -> memref<64xi32, #tpu.memory_space<vmem>>
      %dma_start3A_249 = arith.constant 0 : i32
      %dma_start3A_250 = arith.constant 0 : i32
      %dma_start3A_251 = tpu.memref_slice %arg2[%dma_start3A_249, %dma_start3A_250] : memref<10000x128xf32, #tpu.memory_space<hbm>> -> memref<10000x128xf32, #tpu.memory_space<hbm>>
      tpu.enqueue_indirect_dma source(%dma_start3A_251 : memref<10000x128xf32, #tpu.memory_space<hbm>>) target(%dma_start3A_245 : memref<64x128xf32, #tpu.memory_space<vmem>>) offsets(%dma_start3A_248 : memref<64xi32, #tpu.memory_space<vmem>>) semaphore(%arg12 : memref<!tpu.dma_semaphore, #tpu.memory_space<semaphore_mem>>)
      %dma_start3A_252 = arith.constant 64 : i32
      %dma_start3A_253 = arith.constant 0 : i32
      %dma_start3A_254 = tpu.memref_slice %arg9[%dma_start3A_252, %dma_start3A_253] : memref<128x128xf32, #tpu.memory_space<vmem>> -> memref<64x128xf32, #tpu.memory_space<vmem>>
      %dma_start3A_255 = arith.constant 64 : i32
      %dma_start3A_256 = tpu.memref_slice %arg7[%add3A_242, %dma_start3A_255] : memref<40x128xi32, #tpu.memory_space<vmem>> -> memref<1x64xi32, #tpu.memory_space<vmem>>
      %dma_start3A_257 = tpu.memref_squeeze %dma_start3A_256 : memref<1x64xi32, #tpu.memory_space<vmem>> -> memref<64xi32, #tpu.memory_space<vmem>>
      %dma_start3A_258 = arith.constant 0 : i32
      %dma_start3A_259 = arith.constant 0 : i32
      %dma_start3A_260 = tpu.memref_slice %arg2[%dma_start3A_258, %dma_start3A_259] : memref<10000x128xf32, #tpu.memory_space<hbm>> -> memref<10000x128xf32, #tpu.memory_space<hbm>>
      tpu.enqueue_indirect_dma source(%dma_start3A_260 : memref<10000x128xf32, #tpu.memory_space<hbm>>) target(%dma_start3A_254 : memref<64x128xf32, #tpu.memory_space<vmem>>) offsets(%dma_start3A_257 : memref<64xi32, #tpu.memory_space<vmem>>) semaphore(%arg13 : memref<!tpu.dma_semaphore, #tpu.memory_space<semaphore_mem>>)
      %add3A_261 = arith.constant 1 : i32
      %add3A_262 = arith.addi %mul3A_182, %add3A_261 : i32
      %dma_wait3A_263 = arith.constant 0 : i32
      %dma_wait3A_264 = tpu.memref_slice %arg8[%add3A_262, %dma_wait3A_263] : memref<40x128xi32, #tpu.memory_space<vmem>> -> memref<1x128xi32, #tpu.memory_space<vmem>>
      %dma_wait3A_265 = tpu.memref_squeeze %dma_wait3A_264 : memref<1x128xi32, #tpu.memory_space<vmem>> -> memref<128xi32, #tpu.memory_space<vmem>>
      %dma_wait3A_266 = arith.constant 0 : i32
      %dma_wait3A_267 = arith.constant 0 : i32
      %dma_wait3A_268 = tpu.memref_slice %arg11[%dma_wait3A_266, %dma_wait3A_267] : memref<10112x128xf32, #tpu.memory_space<vmem_shared>> -> memref<10112x128xf32, #tpu.memory_space<vmem_shared>>
      tpu.wait_indirect_dma semaphore(%arg17 : memref<!tpu.dma_semaphore, #tpu.memory_space<semaphore_mem>>) src(%arg10 : memref<128x128xf32, #tpu.memory_space<vmem>>) dst(%dma_wait3A_268 : memref<10112x128xf32, #tpu.memory_space<vmem_shared>>)
      %add3A_269 = arith.constant 3 : i32
      %add3A_270 = arith.addi %mul3A_182, %add3A_269 : i32
      %dma_start3A_271 = arith.constant 0 : i32
      %dma_start3A_272 = arith.constant 0 : i32
      %dma_start3A_273 = tpu.memref_slice %arg10[%dma_start3A_271, %dma_start3A_272] : memref<128x128xf32, #tpu.memory_space<vmem>> -> memref<64x128xf32, #tpu.memory_space<vmem>>
      %dma_start3A_274 = arith.constant 0 : i32
      %dma_start3A_275 = tpu.memref_slice %arg7[%add3A_270, %dma_start3A_274] : memref<40x128xi32, #tpu.memory_space<vmem>> -> memref<1x64xi32, #tpu.memory_space<vmem>>
      %dma_start3A_276 = tpu.memref_squeeze %dma_start3A_275 : memref<1x64xi32, #tpu.memory_space<vmem>> -> memref<64xi32, #tpu.memory_space<vmem>>
      %dma_start3A_277 = arith.constant 0 : i32
      %dma_start3A_278 = arith.constant 0 : i32
      %dma_start3A_279 = tpu.memref_slice %arg2[%dma_start3A_277, %dma_start3A_278] : memref<10000x128xf32, #tpu.memory_space<hbm>> -> memref<10000x128xf32, #tpu.memory_space<hbm>>
      tpu.enqueue_indirect_dma source(%dma_start3A_279 : memref<10000x128xf32, #tpu.memory_space<hbm>>) target(%dma_start3A_273 : memref<64x128xf32, #tpu.memory_space<vmem>>) offsets(%dma_start3A_276 : memref<64xi32, #tpu.memory_space<vmem>>) semaphore(%arg14 : memref<!tpu.dma_semaphore, #tpu.memory_space<semaphore_mem>>)
      %dma_start3A_280 = arith.constant 64 : i32
      %dma_start3A_281 = arith.constant 0 : i32
      %dma_start3A_282 = tpu.memref_slice %arg10[%dma_start3A_280, %dma_start3A_281] : memref<128x128xf32, #tpu.memory_space<vmem>> -> memref<64x128xf32, #tpu.memory_space<vmem>>
      %dma_start3A_283 = arith.constant 64 : i32
      %dma_start3A_284 = tpu.memref_slice %arg7[%add3A_270, %dma_start3A_283] : memref<40x128xi32, #tpu.memory_space<vmem>> -> memref<1x64xi32, #tpu.memory_space<vmem>>
      %dma_start3A_285 = tpu.memref_squeeze %dma_start3A_284 : memref<1x64xi32, #tpu.memory_space<vmem>> -> memref<64xi32, #tpu.memory_space<vmem>>
      %dma_start3A_286 = arith.constant 0 : i32
      %dma_start3A_287 = arith.constant 0 : i32
      %dma_start3A_288 = tpu.memref_slice %arg2[%dma_start3A_286, %dma_start3A_287] : memref<10000x128xf32, #tpu.memory_space<hbm>> -> memref<10000x128xf32, #tpu.memory_space<hbm>>
      tpu.enqueue_indirect_dma source(%dma_start3A_288 : memref<10000x128xf32, #tpu.memory_space<hbm>>) target(%dma_start3A_282 : memref<64x128xf32, #tpu.memory_space<vmem>>) offsets(%dma_start3A_285 : memref<64xi32, #tpu.memory_space<vmem>>) semaphore(%arg15 : memref<!tpu.dma_semaphore, #tpu.memory_space<semaphore_mem>>)
    }
    %scan3A_132 = arith.constant 19 : i32
    %dma_wait3A_133 = arith.constant 38 : i32
    %dma_wait3A_134 = arith.constant 0 : i32
    %dma_wait3A_135 = arith.constant 0 : i32
    %dma_wait3A_136 = tpu.memref_slice %arg9[%dma_wait3A_134, %dma_wait3A_135] : memref<128x128xf32, #tpu.memory_space<vmem>> -> memref<64x128xf32, #tpu.memory_space<vmem>>
    %dma_wait3A_137 = arith.constant 0 : i32
    %dma_wait3A_138 = tpu.memref_slice %arg7[%dma_wait3A_133, %dma_wait3A_137] : memref<40x128xi32, #tpu.memory_space<vmem>> -> memref<1x64xi32, #tpu.memory_space<vmem>>
    %dma_wait3A_139 = tpu.memref_squeeze %dma_wait3A_138 : memref<1x64xi32, #tpu.memory_space<vmem>> -> memref<64xi32, #tpu.memory_space<vmem>>
    %dma_wait3A_140 = arith.constant 0 : i32
    %dma_wait3A_141 = arith.constant 0 : i32
    %dma_wait3A_142 = tpu.memref_slice %arg2[%dma_wait3A_140, %dma_wait3A_141] : memref<10000x128xf32, #tpu.memory_space<hbm>> -> memref<10000x128xf32, #tpu.memory_space<hbm>>
    tpu.wait_indirect_dma semaphore(%arg12 : memref<!tpu.dma_semaphore, #tpu.memory_space<semaphore_mem>>) src(%dma_wait3A_142 : memref<10000x128xf32, #tpu.memory_space<hbm>>) dst(%dma_wait3A_136 : memref<64x128xf32, #tpu.memory_space<vmem>>)
    %dma_wait3A_143 = arith.constant 38 : i32
    %dma_wait3A_144 = arith.constant 64 : i32
    %dma_wait3A_145 = arith.constant 0 : i32
    %dma_wait3A_146 = tpu.memref_slice %arg9[%dma_wait3A_144, %dma_wait3A_145] : memref<128x128xf32, #tpu.memory_space<vmem>> -> memref<64x128xf32, #tpu.memory_space<vmem>>
    %dma_wait3A_147 = arith.constant 64 : i32
    %dma_wait3A_148 = tpu.memref_slice %arg7[%dma_wait3A_143, %dma_wait3A_147] : memref<40x128xi32, #tpu.memory_space<vmem>> -> memref<1x64xi32, #tpu.memory_space<vmem>>
    %dma_wait3A_149 = tpu.memref_squeeze %dma_wait3A_148 : memref<1x64xi32, #tpu.memory_space<vmem>> -> memref<64xi32, #tpu.memory_space<vmem>>
    %dma_wait3A_150 = arith.constant 0 : i32
    %dma_wait3A_151 = arith.constant 0 : i32
    %dma_wait3A_152 = tpu.memref_slice %arg2[%dma_wait3A_150, %dma_wait3A_151] : memref<10000x128xf32, #tpu.memory_space<hbm>> -> memref<10000x128xf32, #tpu.memory_space<hbm>>
    tpu.wait_indirect_dma semaphore(%arg13 : memref<!tpu.dma_semaphore, #tpu.memory_space<semaphore_mem>>) src(%dma_wait3A_152 : memref<10000x128xf32, #tpu.memory_space<hbm>>) dst(%dma_wait3A_146 : memref<64x128xf32, #tpu.memory_space<vmem>>)
    %run_scoped3A_153 = arith.constant 38 : i32
    "tpu.region"() ({
      %run_scoped3A_180 = tpu.sem_alloc : memref<!tpu.dma_semaphore, #tpu.memory_space<semaphore_mem>>
      %dma_start3A_181 = arith.constant 0 : i32
      %dma_start3A_182 = tpu.memref_slice %arg8[%run_scoped3A_153, %dma_start3A_181] : memref<40x128xi32, #tpu.memory_space<vmem>> -> memref<1x128xi32, #tpu.memory_space<vmem>>
      %dma_start3A_183 = tpu.memref_squeeze %dma_start3A_182 : memref<1x128xi32, #tpu.memory_space<vmem>> -> memref<128xi32, #tpu.memory_space<vmem>>
      %dma_start3A_184 = arith.constant 0 : i32
      %dma_start3A_185 = arith.constant 0 : i32
      %dma_start3A_186 = tpu.memref_slice %arg11[%dma_start3A_184, %dma_start3A_185] : memref<10112x128xf32, #tpu.memory_space<vmem_shared>> -> memref<10112x128xf32, #tpu.memory_space<vmem_shared>>
      tpu.enqueue_indirect_dma source(%arg9 : memref<128x128xf32, #tpu.memory_space<vmem>>) target(%dma_start3A_186 : memref<10112x128xf32, #tpu.memory_space<vmem_shared>>) offsets(%dma_start3A_183 : memref<128xi32, #tpu.memory_space<vmem>>) semaphore(%run_scoped3A_180 : memref<!tpu.dma_semaphore, #tpu.memory_space<semaphore_mem>>) {add = true}
      %dma_wait3A_187 = arith.constant 0 : i32
      %dma_wait3A_188 = tpu.memref_slice %arg8[%run_scoped3A_153, %dma_wait3A_187] : memref<40x128xi32, #tpu.memory_space<vmem>> -> memref<1x128xi32, #tpu.memory_space<vmem>>
      %dma_wait3A_189 = tpu.memref_squeeze %dma_wait3A_188 : memref<1x128xi32, #tpu.memory_space<vmem>> -> memref<128xi32, #tpu.memory_space<vmem>>
      %dma_wait3A_190 = arith.constant 0 : i32
      %dma_wait3A_191 = arith.constant 0 : i32
      %dma_wait3A_192 = tpu.memref_slice %arg11[%dma_wait3A_190, %dma_wait3A_191] : memref<10112x128xf32, #tpu.memory_space<vmem_shared>> -> memref<10112x128xf32, #tpu.memory_space<vmem_shared>>
      tpu.wait_indirect_dma semaphore(%run_scoped3A_180 : memref<!tpu.dma_semaphore, #tpu.memory_space<semaphore_mem>>) src(%arg9 : memref<128x128xf32, #tpu.memory_space<vmem>>) dst(%dma_wait3A_192 : memref<10112x128xf32, #tpu.memory_space<vmem_shared>>)
      tpu.yield
    }) : () -> ()
    %dma_wait3A_154 = arith.constant 39 : i32
    %dma_wait3A_155 = arith.constant 0 : i32
    %dma_wait3A_156 = arith.constant 0 : i32
    %dma_wait3A_157 = tpu.memref_slice %arg10[%dma_wait3A_155, %dma_wait3A_156] : memref<128x128xf32, #tpu.memory_space<vmem>> -> memref<64x128xf32, #tpu.memory_space<vmem>>
    %dma_wait3A_158 = arith.constant 0 : i32
    %dma_wait3A_159 = tpu.memref_slice %arg7[%dma_wait3A_154, %dma_wait3A_158] : memref<40x128xi32, #tpu.memory_space<vmem>> -> memref<1x64xi32, #tpu.memory_space<vmem>>
    %dma_wait3A_160 = tpu.memref_squeeze %dma_wait3A_159 : memref<1x64xi32, #tpu.memory_space<vmem>> -> memref<64xi32, #tpu.memory_space<vmem>>
    %dma_wait3A_161 = arith.constant 0 : i32
    %dma_wait3A_162 = arith.constant 0 : i32
    %dma_wait3A_163 = tpu.memref_slice %arg2[%dma_wait3A_161, %dma_wait3A_162] : memref<10000x128xf32, #tpu.memory_space<hbm>> -> memref<10000x128xf32, #tpu.memory_space<hbm>>
    tpu.wait_indirect_dma semaphore(%arg14 : memref<!tpu.dma_semaphore, #tpu.memory_space<semaphore_mem>>) src(%dma_wait3A_163 : memref<10000x128xf32, #tpu.memory_space<hbm>>) dst(%dma_wait3A_157 : memref<64x128xf32, #tpu.memory_space<vmem>>)
    %dma_wait3A_164 = arith.constant 39 : i32
    %dma_wait3A_165 = arith.constant 64 : i32
    %dma_wait3A_166 = arith.constant 0 : i32
    %dma_wait3A_167 = tpu.memref_slice %arg10[%dma_wait3A_165, %dma_wait3A_166] : memref<128x128xf32, #tpu.memory_space<vmem>> -> memref<64x128xf32, #tpu.memory_space<vmem>>
    %dma_wait3A_168 = arith.constant 64 : i32
    %dma_wait3A_169 = tpu.memref_slice %arg7[%dma_wait3A_164, %dma_wait3A_168] : memref<40x128xi32, #tpu.memory_space<vmem>> -> memref<1x64xi32, #tpu.memory_space<vmem>>
    %dma_wait3A_170 = tpu.memref_squeeze %dma_wait3A_169 : memref<1x64xi32, #tpu.memory_space<vmem>> -> memref<64xi32, #tpu.memory_space<vmem>>
    %dma_wait3A_171 = arith.constant 0 : i32
    %dma_wait3A_172 = arith.constant 0 : i32
    %dma_wait3A_173 = tpu.memref_slice %arg2[%dma_wait3A_171, %dma_wait3A_172] : memref<10000x128xf32, #tpu.memory_space<hbm>> -> memref<10000x128xf32, #tpu.memory_space<hbm>>
    tpu.wait_indirect_dma semaphore(%arg15 : memref<!tpu.dma_semaphore, #tpu.memory_space<semaphore_mem>>) src(%dma_wait3A_173 : memref<10000x128xf32, #tpu.memory_space<hbm>>) dst(%dma_wait3A_167 : memref<64x128xf32, #tpu.memory_space<vmem>>)
    %run_scoped3A_174 = arith.constant 39 : i32
    "tpu.region"() ({
      %run_scoped3A_180 = tpu.sem_alloc : memref<!tpu.dma_semaphore, #tpu.memory_space<semaphore_mem>>
      %dma_start3A_181 = arith.constant 0 : i32
      %dma_start3A_182 = tpu.memref_slice %arg8[%run_scoped3A_174, %dma_start3A_181] : memref<40x128xi32, #tpu.memory_space<vmem>> -> memref<1x128xi32, #tpu.memory_space<vmem>>
      %dma_start3A_183 = tpu.memref_squeeze %dma_start3A_182 : memref<1x128xi32, #tpu.memory_space<vmem>> -> memref<128xi32, #tpu.memory_space<vmem>>
      %dma_start3A_184 = arith.constant 0 : i32
      %dma_start3A_185 = arith.constant 0 : i32
      %dma_start3A_186 = tpu.memref_slice %arg11[%dma_start3A_184, %dma_start3A_185] : memref<10112x128xf32, #tpu.memory_space<vmem_shared>> -> memref<10112x128xf32, #tpu.memory_space<vmem_shared>>
      tpu.enqueue_indirect_dma source(%arg10 : memref<128x128xf32, #tpu.memory_space<vmem>>) target(%dma_start3A_186 : memref<10112x128xf32, #tpu.memory_space<vmem_shared>>) offsets(%dma_start3A_183 : memref<128xi32, #tpu.memory_space<vmem>>) semaphore(%run_scoped3A_180 : memref<!tpu.dma_semaphore, #tpu.memory_space<semaphore_mem>>) {add = true}
      %dma_wait3A_187 = arith.constant 0 : i32
      %dma_wait3A_188 = tpu.memref_slice %arg8[%run_scoped3A_174, %dma_wait3A_187] : memref<40x128xi32, #tpu.memory_space<vmem>> -> memref<1x128xi32, #tpu.memory_space<vmem>>
      %dma_wait3A_189 = tpu.memref_squeeze %dma_wait3A_188 : memref<1x128xi32, #tpu.memory_space<vmem>> -> memref<128xi32, #tpu.memory_space<vmem>>
      %dma_wait3A_190 = arith.constant 0 : i32
      %dma_wait3A_191 = arith.constant 0 : i32
      %dma_wait3A_192 = tpu.memref_slice %arg11[%dma_wait3A_190, %dma_wait3A_191] : memref<10112x128xf32, #tpu.memory_space<vmem_shared>> -> memref<10112x128xf32, #tpu.memory_space<vmem_shared>>
      tpu.wait_indirect_dma semaphore(%run_scoped3A_180 : memref<!tpu.dma_semaphore, #tpu.memory_space<semaphore_mem>>) src(%arg10 : memref<128x128xf32, #tpu.memory_space<vmem>>) dst(%dma_wait3A_192 : memref<10112x128xf32, #tpu.memory_space<vmem_shared>>)
      tpu.yield
    }) : () -> ()
    %barrier3A_175 = arith.constant 0 : index
    tpu.barrier barrier_id(%barrier3A_175)
    %mul3A_176 = arith.constant 632 : i32
    %mul3A_177 = arith.muli %arg1, %mul3A_176 : i32
    %mul3A_178 = arith.constant 632 : i32
    %mul3A_179 = arith.muli %arg1, %mul3A_178 : i32
    "tpu.region"() ({
      %run_scoped3A_180 = tpu.sem_alloc : memref<!tpu.dma_semaphore, #tpu.memory_space<semaphore_mem>>
      %dma_start3A_181 = arith.constant 0 : i32
      %dma_start3A_182 = tpu.memref_slice %arg6[%arg0, %mul3A_179, %dma_start3A_181] : memref<2x10112x128xf32, #tpu.memory_space<hbm>> -> memref<1x632x128xf32, #tpu.memory_space<hbm>>
      %dma_start3A_183 = tpu.memref_squeeze %dma_start3A_182 : memref<1x632x128xf32, #tpu.memory_space<hbm>> -> memref<632x128xf32, #tpu.memory_space<hbm>>
      %dma_start3A_184 = arith.constant 0 : i32
      %dma_start3A_185 = tpu.memref_slice %arg11[%mul3A_177, %dma_start3A_184] : memref<10112x128xf32, #tpu.memory_space<vmem_shared>> -> memref<632x128xf32, #tpu.memory_space<vmem_shared>>
      tpu.enqueue_dma source(%dma_start3A_185 : memref<632x128xf32, #tpu.memory_space<vmem_shared>>) target(%dma_start3A_183 : memref<632x128xf32, #tpu.memory_space<hbm>>) target_semaphore(%run_scoped3A_180 : memref<!tpu.dma_semaphore, #tpu.memory_space<semaphore_mem>>)
      %dma_wait3A_186 = arith.constant 0 : i32
      %dma_wait3A_187 = tpu.memref_slice %arg6[%arg0, %mul3A_179, %dma_wait3A_186] : memref<2x10112x128xf32, #tpu.memory_space<hbm>> -> memref<1x632x128xf32, #tpu.memory_space<hbm>>
      %dma_wait3A_188 = tpu.memref_squeeze %dma_wait3A_187 : memref<1x632x128xf32, #tpu.memory_space<hbm>> -> memref<632x128xf32, #tpu.memory_space<hbm>>
      %dma_wait3A_189 = arith.constant 0 : i32
      %dma_wait3A_190 = tpu.memref_slice %arg11[%mul3A_177, %dma_wait3A_189] : memref<10112x128xf32, #tpu.memory_space<vmem_shared>> -> memref<632x128xf32, #tpu.memory_space<vmem_shared>>
      tpu.wait_dma2 semaphore(%run_scoped3A_180 : memref<!tpu.dma_semaphore, #tpu.memory_space<semaphore_mem>>) src(%dma_wait3A_190 : memref<632x128xf32, #tpu.memory_space<vmem_shared>>) dst(%dma_wait3A_188 : memref<632x128xf32, #tpu.memory_space<hbm>>)
      tpu.yield
    }) : () -> ()
    return
  }
}

module attributes {stable_mosaic.version = 14 : i64} {
  func.func @body(%arg0: memref<10000x128xf32, #tpu.memory_space<vmem>>, %arg1: memref<128x128xf32, #tpu.memory_space<vmem>>, %arg2: memref<10000x128xf32, #tpu.memory_space<vmem>>) attributes {dimension_semantics = [], scalar_prefetch = 0 : i64, scratch_operands = 0 : i64, tpu.core_type = #tpu.core_type<tc>} {
    %get3A = arith.constant 0 : index
    %get3A_0 = arith.constant 0 : index
    %get3A_1 = vector.load %arg0[%get3A, %get3A_0] : memref<10000x128xf32, #tpu.memory_space<vmem>>, vector<10000x128xf32>
    %get3A_2 = arith.constant 0 : index
    %get3A_3 = arith.constant 0 : index
    %get3A_4 = vector.load %arg1[%get3A_2, %get3A_3] : memref<128x128xf32, #tpu.memory_space<vmem>>, vector<128x128xf32>
    %dot_general3A = arith.constant dense<0.000000e+00> : vector<10000x128xf32>
    %dot_general3A_5 = tpu.matmul %get3A_1, %get3A_4, %dot_general3A {dimension_numbers = #tpu.dot_dimension_numbers<[1], [0], [0], [1], [0, 0, 1, 1], [], []>, transpose_lhs_hint = false} : vector<10000x128xf32>, vector<128x128xf32>, vector<10000x128xf32> -> vector<10000x128xf32>
    %swap3A = arith.constant 0 : index
    %swap3A_6 = arith.constant 0 : index
    %swap3A_7 = vector.load %arg2[%swap3A, %swap3A_6] : memref<10000x128xf32, #tpu.memory_space<vmem>>, vector<10000x128xf32>
    tpu.vector_store %arg2[%swap3A, %swap3A_6], %dot_general3A_5 {strides = array<i32>} : memref<10000x128xf32, #tpu.memory_space<vmem>>, vector<10000x128xf32>,
    return
  }
}

module attributes {stable_mosaic.version = 14 : i64} {
  func.func @body(%arg0: memref<2x10112x128xf32, #tpu.memory_space<vmem>>, %arg1: memref<10000x128xf32, #tpu.memory_space<vmem>>, %arg2: memref<10000x1xf32, #tpu.memory_space<vmem>>, %arg3: memref<10000x128xf32, #tpu.memory_space<vmem>>) attributes {dimension_semantics = [], scalar_prefetch = 0 : i64, scratch_operands = 0 : i64, tpu.core_type = #tpu.core_type<tc>} {
    %get3A = arith.constant 0 : index
    %get3A_0 = arith.constant 0 : index
    %get3A_1 = arith.constant 0 : index
    %get3A_2 = vector.load %arg0[%get3A, %get3A_0, %get3A_1] : memref<2x10112x128xf32, #tpu.memory_space<vmem>>, vector<1x10112x128xf32>
    %get3A_3 = vector.shape_cast %get3A_2 : vector<1x10112x128xf32> to vector<10112x128xf32>
    %slice3A = vector.extract_strided_slice %get3A_3 {offsets = [0, 0], sizes = [10000, 1], strides = [1, 1]} : vector<10112x128xf32> to vector<10000x1xf32>
    %get3A_4 = arith.constant 1 : index
    %get3A_5 = arith.constant 0 : index
    %get3A_6 = arith.constant 0 : index
    %get3A_7 = vector.load %arg0[%get3A_4, %get3A_5, %get3A_6] : memref<2x10112x128xf32, #tpu.memory_space<vmem>>, vector<1x10112x128xf32>
    %get3A_8 = vector.shape_cast %get3A_7 : vector<1x10112x128xf32> to vector<10112x128xf32>
    %slice3A_9 = vector.extract_strided_slice %get3A_8 {offsets = [0, 0], sizes = [10000, 1], strides = [1, 1]} : vector<10112x128xf32> to vector<10000x1xf32>
    %add3A = arith.addf %slice3A, %slice3A_9 : vector<10000x1xf32>
    %add3A_10 = arith.constant 1.000000e+00 : f32
    %add3A_11 = vector.broadcast %add3A_10 : f32 to vector<10000x1xf32>
    %add3A_12 = arith.addf %add3A, %add3A_11 : vector<10000x1xf32>
    %rsqrt3A = math.rsqrt %add3A_12 : vector<10000x1xf32>
    %swap3A = arith.constant 0 : index
    %swap3A_13 = arith.constant 0 : index
    %swap3A_14 = vector.load %arg2[%swap3A, %swap3A_13] : memref<10000x1xf32, #tpu.memory_space<vmem>>, vector<10000x1xf32>
    tpu.vector_store %arg2[%swap3A, %swap3A_13], %rsqrt3A {strides = array<i32>} : memref<10000x1xf32, #tpu.memory_space<vmem>>, vector<10000x1xf32>,
    %get3A_15 = arith.constant 0 : index
    %get3A_16 = arith.constant 0 : index
    %get3A_17 = vector.load %arg1[%get3A_15, %get3A_16] : memref<10000x128xf32, #tpu.memory_space<vmem>>, vector<10000x128xf32>
    %mul3A = vector.broadcast %rsqrt3A : vector<10000x1xf32> to vector<10000x128xf32>
    %mul3A_18 = arith.mulf %get3A_17, %mul3A : vector<10000x128xf32>
    %swap3A_19 = arith.constant 0 : index
    %swap3A_20 = arith.constant 0 : index
    %swap3A_21 = vector.load %arg3[%swap3A_19, %swap3A_20] : memref<10000x128xf32, #tpu.memory_space<vmem>>, vector<10000x128xf32>
    tpu.vector_store %arg3[%swap3A_19, %swap3A_20], %mul3A_18 {strides = array<i32>} : memref<10000x128xf32, #tpu.memory_space<vmem>>, vector<10000x128xf32>,
    return
  }
}

module attributes {stable_mosaic.version = 14 : i64} {
  func.func @body(%arg0: memref<2x10112x128xf32, #tpu.memory_space<vmem>>, %arg1: memref<10000x128xf32, #tpu.memory_space<vmem>>, %arg2: memref<10000x1xf32, #tpu.memory_space<vmem>>, %arg3: memref<1x128xf32, #tpu.memory_space<vmem>>, %arg4: memref<128x128xf32, #tpu.memory_space<vmem>>, %arg5: memref<10000x128xf32, #tpu.memory_space<vmem>>) attributes {dimension_semantics = [], scalar_prefetch = 0 : i64, scratch_operands = 0 : i64, tpu.core_type = #tpu.core_type<tc>} {
    %get3A = arith.constant 0 : index
    %get3A_0 = arith.constant 0 : index
    %get3A_1 = arith.constant 0 : index
    %get3A_2 = vector.load %arg0[%get3A, %get3A_0, %get3A_1] : memref<2x10112x128xf32, #tpu.memory_space<vmem>>, vector<1x10112x128xf32>
    %get3A_3 = vector.shape_cast %get3A_2 : vector<1x10112x128xf32> to vector<10112x128xf32>
    %slice3A = vector.extract_strided_slice %get3A_3 {offsets = [0, 0], sizes = [10000, 128], strides = [1, 1]} : vector<10112x128xf32> to vector<10000x128xf32>
    %get3A_4 = arith.constant 1 : index
    %get3A_5 = arith.constant 0 : index
    %get3A_6 = arith.constant 0 : index
    %get3A_7 = vector.load %arg0[%get3A_4, %get3A_5, %get3A_6] : memref<2x10112x128xf32, #tpu.memory_space<vmem>>, vector<1x10112x128xf32>
    %get3A_8 = vector.shape_cast %get3A_7 : vector<1x10112x128xf32> to vector<10112x128xf32>
    %slice3A_9 = vector.extract_strided_slice %get3A_8 {offsets = [0, 0], sizes = [10000, 128], strides = [1, 1]} : vector<10112x128xf32> to vector<10000x128xf32>
    %add3A = arith.addf %slice3A, %slice3A_9 : vector<10000x128xf32>
    %get3A_10 = arith.constant 0 : index
    %get3A_11 = arith.constant 0 : index
    %get3A_12 = vector.load %arg1[%get3A_10, %get3A_11] : memref<10000x128xf32, #tpu.memory_space<vmem>>, vector<10000x128xf32>
    %add3A_13 = arith.addf %add3A, %get3A_12 : vector<10000x128xf32>
    %get3A_14 = arith.constant 0 : index
    %get3A_15 = arith.constant 0 : index
    %get3A_16 = vector.load %arg2[%get3A_14, %get3A_15] : memref<10000x1xf32, #tpu.memory_space<vmem>>, vector<10000x1xf32>
    %mul3A = vector.broadcast %get3A_16 : vector<10000x1xf32> to vector<10000x128xf32>
    %mul3A_17 = arith.mulf %add3A_13, %mul3A : vector<10000x128xf32>
    %get3A_18 = arith.constant 0 : index
    %get3A_19 = arith.constant 0 : index
    %get3A_20 = vector.load %arg3[%get3A_18, %get3A_19] : memref<1x128xf32, #tpu.memory_space<vmem>>, vector<1x128xf32>
    %add3A_21 = vector.broadcast %get3A_20 : vector<1x128xf32> to vector<10000x128xf32>
    %add3A_22 = arith.addf %mul3A_17, %add3A_21 : vector<10000x128xf32>
    %max3A = arith.constant 0.000000e+00 : f32
    %max3A_23 = vector.broadcast %max3A : f32 to vector<10000x128xf32>
    %max3A_24 = arith.maximumf %add3A_22, %max3A_23 : vector<10000x128xf32>
    %get3A_25 = arith.constant 0 : index
    %get3A_26 = arith.constant 0 : index
    %get3A_27 = vector.load %arg4[%get3A_25, %get3A_26] : memref<128x128xf32, #tpu.memory_space<vmem>>, vector<128x128xf32>
    %dot_general3A = arith.constant dense<0.000000e+00> : vector<10000x128xf32>
    %dot_general3A_28 = tpu.matmul %max3A_24, %get3A_27, %dot_general3A {dimension_numbers = #tpu.dot_dimension_numbers<[1], [0], [0], [1], [0, 0, 1, 1], [], []>, transpose_lhs_hint = false} : vector<10000x128xf32>, vector<128x128xf32>, vector<10000x128xf32> -> vector<10000x128xf32>
    %get3A_29 = arith.constant 0 : index
    %get3A_30 = arith.constant 0 : index
    %get3A_31 = vector.load %arg2[%get3A_29, %get3A_30] : memref<10000x1xf32, #tpu.memory_space<vmem>>, vector<10000x1xf32>
    %mul3A_32 = vector.broadcast %get3A_31 : vector<10000x1xf32> to vector<10000x128xf32>
    %mul3A_33 = arith.mulf %dot_general3A_28, %mul3A_32 : vector<10000x128xf32>
    %swap3A = arith.constant 0 : index
    %swap3A_34 = arith.constant 0 : index
    %swap3A_35 = vector.load %arg5[%swap3A, %swap3A_34] : memref<10000x128xf32, #tpu.memory_space<vmem>>, vector<10000x128xf32>
    tpu.vector_store %arg5[%swap3A, %swap3A_34], %mul3A_33 {strides = array<i32>} : memref<10000x128xf32, #tpu.memory_space<vmem>>, vector<10000x128xf32>,
    return
  }
}

module attributes {stable_mosaic.version = 14 : i64} {
  func.func @body(%arg0: memref<2x10112x128xf32, #tpu.memory_space<vmem>>, %arg1: memref<10000x128xf32, #tpu.memory_space<vmem>>, %arg2: memref<10000x1xf32, #tpu.memory_space<vmem>>, %arg3: memref<1x64xf32, #tpu.memory_space<vmem>>, %arg4: memref<10000x64xf32, #tpu.memory_space<vmem>>) attributes {dimension_semantics = [], scalar_prefetch = 0 : i64, scratch_operands = 0 : i64, tpu.core_type = #tpu.core_type<tc>} {
    %get3A = arith.constant 0 : index
    %get3A_0 = arith.constant 0 : index
    %get3A_1 = arith.constant 0 : index
    %get3A_2 = vector.load %arg0[%get3A, %get3A_0, %get3A_1] : memref<2x10112x128xf32, #tpu.memory_space<vmem>>, vector<1x10112x128xf32>
    %get3A_3 = vector.shape_cast %get3A_2 : vector<1x10112x128xf32> to vector<10112x128xf32>
    %slice3A = vector.extract_strided_slice %get3A_3 {offsets = [0, 0], sizes = [10000, 128], strides = [1, 1]} : vector<10112x128xf32> to vector<10000x128xf32>
    %get3A_4 = arith.constant 1 : index
    %get3A_5 = arith.constant 0 : index
    %get3A_6 = arith.constant 0 : index
    %get3A_7 = vector.load %arg0[%get3A_4, %get3A_5, %get3A_6] : memref<2x10112x128xf32, #tpu.memory_space<vmem>>, vector<1x10112x128xf32>
    %get3A_8 = vector.shape_cast %get3A_7 : vector<1x10112x128xf32> to vector<10112x128xf32>
    %slice3A_9 = vector.extract_strided_slice %get3A_8 {offsets = [0, 0], sizes = [10000, 128], strides = [1, 1]} : vector<10112x128xf32> to vector<10000x128xf32>
    %add3A = arith.addf %slice3A, %slice3A_9 : vector<10000x128xf32>
    %get3A_10 = arith.constant 0 : index
    %get3A_11 = arith.constant 0 : index
    %get3A_12 = vector.load %arg1[%get3A_10, %get3A_11] : memref<10000x128xf32, #tpu.memory_space<vmem>>, vector<10000x128xf32>
    %add3A_13 = arith.addf %add3A, %get3A_12 : vector<10000x128xf32>
    %get3A_14 = arith.constant 0 : index
    %get3A_15 = arith.constant 0 : index
    %get3A_16 = vector.load %arg2[%get3A_14, %get3A_15] : memref<10000x1xf32, #tpu.memory_space<vmem>>, vector<10000x1xf32>
    %mul3A = vector.broadcast %get3A_16 : vector<10000x1xf32> to vector<10000x128xf32>
    %mul3A_17 = arith.mulf %add3A_13, %mul3A : vector<10000x128xf32>
    %slice3A_18 = vector.extract_strided_slice %mul3A_17 {offsets = [0, 0], sizes = [10000, 64], strides = [1, 1]} : vector<10000x128xf32> to vector<10000x64xf32>
    %get3A_19 = arith.constant 0 : index
    %get3A_20 = arith.constant 0 : index
    %get3A_21 = vector.load %arg3[%get3A_19, %get3A_20] : memref<1x64xf32, #tpu.memory_space<vmem>>, vector<1x64xf32>
    %add3A_22 = vector.broadcast %get3A_21 : vector<1x64xf32> to vector<10000x64xf32>
    %add3A_23 = arith.addf %slice3A_18, %add3A_22 : vector<10000x64xf32>
    %swap3A = arith.constant 0 : index
    %swap3A_24 = arith.constant 0 : index
    %swap3A_25 = vector.load %arg4[%swap3A, %swap3A_24] : memref<10000x64xf32, #tpu.memory_space<vmem>>, vector<10000x64xf32>
    tpu.vector_store %arg4[%swap3A, %swap3A_24], %add3A_23 {strides = array<i32>} : memref<10000x64xf32, #tpu.memory_space<vmem>>, vector<10000x64xf32>,
    return
  }
}

</mosaic_0001>

<sc_bundles>
// kernel: kernel.11.cloned.1.call-start
scs
__scs_entry_jumppad:
0x0: {  	(pc) =	sbr.rel $0x88, $3  }
0x1: {  	(tag) =	ssettag $0x0;
	lr =	simm.s32 $0x1  }
0x2: {  	[smem:$0x3F99] =	sst lr;
	_ =	strace $0xD0000000  }
0x3: {  	_ = 	snop  }
0x4: {  	_ = 	snop  }
0x5: {  	_ = 	snop  }
0x6: {  	_ = 	snop  }
0x7: {  	_ = 	snop  }
__scs_overlays_trampoline_lowered:
0x8: {  	[smem:$0x3FA8] =	sst s0  }
0x9: {  	[smem:$0x3FA9] =	sst s1  }
0xa: {  	[smem:$0x3FAA] =	sst s2  }
0xb: {  	[smem:$0x3FAB] =	sst s3  }
0xc: {  	[smem:$0x3FAC] =	sst s4  }
0xd: {  	[smem:$0x3FAD] =	sst s5  }
0xe: {  	[smem:$0x3FAE] =	sst s6  }
0xf: {  	[smem:$0x3FAF] =	sst s7  }
0x10: {  	[smem:$0x3FB0] =	sst s8  }
0x11: {  	[smem:$0x3FB1] =	sst s9;
	s0 =	simm.s32 @!p0 $0x0  }
0x12: {  	s1 =	sld [smem:$0x3F97];
	s0 =	simm.s32 @p0 $0x1  }
0x13: {  	[smem:$0x3FB2] =	sst s0;
	s0 =	simm.s32 @!p1 $0x0  }
0x14: {  	s2 =	sld [smem:$0x3F96];
	s0 =	simm.s32 @p1 $0x1  }
0x15: {  	[smem:$0x3FB3] =	sst s0;
	s0 =	simm.s32 @!p2 $0x0  }
0x16: {  	s3 =	sld [smem:$0x3FDB];
	s0 =	simm.s32 @p2 $0x1  }
0x17: {  	s4 =	simm.s32 $0x1BF5;
	[smem:$0x3FB5] =	sst s0  }
0x18: {  	s0 =	sld [smem:$0x3F98];
	_ =	swait.ge [sflag:s4], $0x0  }
0x19: {  	s7 =	sld [smem:$0x3F99]  }
0x1a: {  	s8 =	sadd.s32 $0xFFFFE003, lr  }
0x1b: {  	s9 =	sadd.s32 $0xFFFFFEF7, lr;
	s5 =	simm.s32 $0xFFFFFFFF;
	p2 =	slt.u32 s8, $0xFFFFF086  }
0x1c: {  	p1 =	slt.u32 s9, $0xF7A;
	s5 =	simm.s32 @!p2 $0x0  }
0x1d: {  	s5 =	simm.s32 @p1 $0x1;
	p0 =	seq.s32 s7, s2  }
0x1e: {  	s7 =	smul.u32 @!p0 $0xF7A, s2;
	p2 =	seq.s32 @!p0 s5, $0x0  }
0x1f: {  	s9 =	smul.u32 $0xF7A, s1;
	s8 =	simm.s32 @!p0 $0x1BF5;
	p2 =	por !p2, p0  }
0x20: {  	[sflag:s8] =	ssyncset.s32 @!p0 $0xFFFFF086;
	s6 =	sadd.s32 @!p0 s3, s7;
	s7 =	simm.s32 @!p0 $0x108  }
0x21: {  	s3 =	sadd.s32 s3, s9;
	s6 =	sadd.s32 @!p0 $0x88, s6;
	s7 =	simm.s32 @p2 $0x1082  }
0x22: {  	[simem:s7], [sflag:s8] =	dma.local @!p0 [hbm:s6], $0xF7A  }
0x23: {  	s9 =	sor.u32 $0xD0000000, s2;
	s6 =	simm.s32 $0x108;
	_ =	swait.ge @!p0 [sflag:s8], $0x0  }
0x24: {  	s3 =	sadd.s32 $0x88, s3;
	s6 =	simm.s32 @!p1 $0x1082;
	[sflag:s4] =	ssyncset.s32 $0xFFFFF086  }
0x25: {  	[simem:s6], [sflag:s4] =	dma.local [hbm:s3], $0xF7A  }
0x26: {  	[smem:$0x3F99] =	sst s1;
	(tag) =	ssettag s2;
	_ =	strace s9  }
0x27: {  	s1 =	sld [smem:$0x3FA9]  }
0x28: {  	s2 =	sld [smem:$0x3FAA]  }
0x29: {  	s4 =	sld [smem:$0x3FAC]  }
0x2a: {  	p0 =	seq.s32 s5, $0x0;
	s5 =	sld [smem:$0x3FAD]  }
0x2b: {  	s6 =	sld [smem:$0x3FAE]  }
0x2c: {  	s7 =	sld [smem:$0x3FAF]  }
0x2d: {  	s3 =	simm.s32 $0x108;
	s8 =	sld [smem:$0x3FB0]  }
0x2e: {  	s3 =	simm.s32 @!p0 $0x1082;
	s9 =	sld [smem:$0x3FB1]  }
0x2f: {  	lr =	sadd.s32 s0, s3;
	s0 =	sld [smem:$0x3FA8]  }
0x30: {  	s3 =	sld [smem:$0x3FAB]  }
0x31: {  	[smem:$0x3FB4] =	sst s10  }
0x32: {  	s10 =	sld [smem:$0x3FB2];
	_ =	sdelay $0x3  }
0x33: {  	p0 =	seq.s32 s10, $0x1;
	s10 =	sld [smem:$0x3FB4];
	_ =	sdelay $0x3  }
0x34: {  	[smem:$0x3FB4] =	sst s10  }
0x35: {  	s10 =	sld [smem:$0x3FB3];
	_ =	sdelay $0x3  }
0x36: {  	p1 =	seq.s32 s10, $0x1;
	s10 =	sld [smem:$0x3FB4];
	_ =	sdelay $0x3  }
0x37: {  	[smem:$0x3FB4] =	sst s10  }
0x38: {  	s10 =	sld [smem:$0x3FB5]  }
0x39: {  	_ = 	snop;
	(pc) =	sbr.ind lr, $3  }
0x3a: {  	_ = 	snop  }
0x3b: {  	_ = 	snop  }
0x3c: {  	p2 =	seq.s32 s10, $0x1;
	s10 =	sld [smem:$0x3FB4]  }
0x3d: {  	_ =	shalt  }
0x3e: {  	_ =	shalt  }
0x3f: {  	_ =	shalt  }
0x40: {  	_ =	shalt  }
0x41: {  	_ =	shalt  }
0x42: {  	_ =	shalt  }
0x43: {  	_ =	shalt  }
0x44: {  	_ =	shalt  }
0x45: {  	_ =	shalt  }
0x46: {  	_ =	shalt  }
0x47: {  	_ =	shalt  }
0x48: {  	_ =	shalt  }
0x49: {  	_ =	shalt  }
0x4a: {  	_ =	shalt  }
0x4b: {  	_ =	shalt  }
0x4c: {  	_ =	shalt  }
0x4d: {  	_ =	shalt  }
0x4e: {  	_ =	shalt  }
0x4f: {  	_ =	shalt  }
0x50: {  	_ =	shalt  }
0x51: {  	_ =	shalt  }
0x52: {  	_ =	shalt  }
0x53: {  	_ =	shalt  }
0x54: {  	_ =	shalt  }
0x55: {  	_ =	shalt  }
0x56: {  	_ =	shalt  }
0x57: {  	_ =	shalt  }
0x58: {  	_ =	shalt  }
0x59: {  	_ =	shalt  }
0x5a: {  	_ =	shalt  }
0x5b: {  	_ =	shalt  }
0x5c: {  	_ =	shalt  }
0x5d: {  	_ =	shalt  }
0x5e: {  	_ =	shalt  }
0x5f: {  	_ =	shalt  }
0x60: {  	_ =	shalt  }
0x61: {  	_ =	shalt  }
0x62: {  	_ =	shalt  }
0x63: {  	_ =	shalt  }
0x64: {  	_ =	shalt  }
0x65: {  	_ =	shalt  }
0x66: {  	_ =	shalt  }
0x67: {  	_ =	shalt  }
0x68: {  	_ =	shalt  }
0x69: {  	_ =	shalt  }
0x6a: {  	_ =	shalt  }
0x6b: {  	_ =	shalt  }
0x6c: {  	_ =	shalt  }
0x6d: {  	_ =	shalt  }
0x6e: {  	_ =	shalt  }
0x6f: {  	_ =	shalt  }
0x70: {  	_ =	shalt  }
0x71: {  	_ =	shalt  }
0x72: {  	_ =	shalt  }
0x73: {  	_ =	shalt  }
0x74: {  	_ =	shalt  }
0x75: {  	_ =	shalt  }
0x76: {  	_ =	shalt  }
0x77: {  	_ =	shalt  }
0x78: {  	_ =	shalt  }
0x79: {  	_ =	shalt  }
0x7a: {  	_ =	shalt  }
0x7b: {  	_ =	shalt  }
0x7c: {  	_ =	shalt  }
0x7d: {  	_ =	shalt  }
0x7e: {  	_ =	shalt  }
0x7f: {  	_ =	shalt  }
0x80: {  	_ =	shalt  }
0x81: {  	_ =	shalt  }
0x82: {  	_ =	shalt  }
0x83: {  	_ =	shalt  }
0x84: {  	_ =	shalt  }
0x85: {  	_ =	shalt  }
0x86: {  	_ =	shalt  }
0x87: {  	_ =	shalt  }
.Lfunc_end0:
.L_simem_size_0:
called_computation_lowered:
.L_overlay_start_0:
0x88: {  	s2 =	sld [smem:$0x3FD9]  }
0x89: {  	s3 =	sld [smem:$0x3FFE];
	_ =	sdelay $0x1  }
0x8a: {  	s1 =	srdreg.scid  }
0x8b: {  	s0 =	sand.u32 $0x1, s1  }
0x8c: {  	s17 =	sshll.u32 s0, $0xA;
	s2 =	sadd.s32 s3, s2  }
0x8d: {  	s2 =	sadd.s32 s2, s17  }
0x8e: {  	[smem:$0x3FC0] =	sst s2  }
0x8f: {  	_ = 	snop  }
0x90: {  	s2 =	sld [smem:$0x3FD0];
	(tm) =	ssettm $0x1  }
0x91: {  	s18 =	sld [smem:$0x3FFB];
	_ =	sdelay $0x3  }
0x92: {  	_ =	strace s18  }
0x93: {  	s3 =	sld [smem:$0x3FFC];
	_ =	sdelay $0x3  }
0x94: {  	_ =	strace s3  }
0x95: {  	s3 =	sld [smem:$0x3FFD];
	_ =	sdelay $0x3  }
0x96: {  	_ =	strace s3  }
0x97: {  	_ =	strace $0x8FFFFFFF  }
0x98: {  	s19 =	sld [smem:$0x3FDB];
	_ =	sdelay $0x1  }
0x99: {  	s4 =	simm.s32 $_scs_section_size  }
0x9a: {  	s5 =	simm.s32 $_size__tile_overlayer_lowered;
	s6 =	simm.s32 $_tile_overlayer_lowered  }
0x9b: {  	s22 =	simm.s32 $0x1BFF;
	s21 =	sshll.u32 s6, $0x1;
	s3 =	sadd.s32 s4, s19  }
0x9c: {  	s7 =	simm.s32 $0x0;
	s20 =	sshll.u32 s5, $0x1;
	s5 =	sadd.s32 s21, s3  }
0x9d: {  	[timem:s7], [sflag:s22] =	dma.local [hbm:s5], s20  }
0x9e: {  	_ =	swait.ge [sflag:s22], s20  }
0x9f: {  	s4 =	ssub.s32 $0x0, s20;
	[sflag:s22] =	ssyncset.done $0x0  }
0xa0: {  	[sflag:s22] =	ssyncadd.s32 s4;
	_ =	sdelay $0x1  }
0xa1: {  	s23 =	simm.s32 $0x1B8B  }
0xa2: {  	_ =	swait.ge [sflag:s23], $0x1  }
0xa3: {  	[sflag:s23] =	ssyncset.done $0x0  }
0xa4: {  	s25 =	simm.s32 $0x1B8E;
	s24 =	sld [smem:$0x3FFE];
	[sflag:s23] =	ssyncadd.s32 $0xFFFFFFFF  }
0xa5: {  	s26 =	simm.s32 $execute0_lowered;
	[smem:$0x3FD2] =	sst s25  }
0xa6: {  	s5 =	sshll.u32 s26, $0x1;
	_ =	strace $0x80000046;
	[dreg:$0x1] =	wrdreg $0xFFFFFFFF  }
0xa7: {  	s28 =	simm.s32 $_size_execute0_lowered;
	s3 =	sadd.s32 s3, s5;
	[dreg:$0x0] =	wrdreg $0x0  }
0xa8: {  	s5 =	sshll.u32 s28, $0x1;
	[dreg:$0x2] =	wrdreg s3  }
0xa9: {  	[dreg:$0x3] =	wrdreg s5  }
0xaa: {  	[dreg:$0x4] =	wrdreg $0xC0  }
0xab: {  	_ =	task [dreg:s7], $0x5FFFF  }
0xac: {  	[dreg:$0x1] =	wrdreg $0xFFFFFFFF  }
0xad: {  	[dreg:$0x0] =	wrdreg $0x60  }
0xae: {  	[dreg:$0x2] =	wrdreg s2  }
0xaf: {  	[dreg:$0x3] =	wrdreg s24  }
0xb0: {  	[dreg:$0x4] =	wrdreg $0x68000  }
0xb1: {  	[dreg:$0x5] =	wrdreg $0x9  }
0xb2: {  	_ =	task.clear_ibuf [dreg:s7], $0x6FFFF;
	_ =	strace $0x90000046  }
0xb3: {  	s29 =	simm.s32 $0x9;
	_ =	strace $0x80000048  }
0xb4: {  	_ =	swait.ge [sflag:s29], $0x1  }
0xb5: {  	[sflag:s29] =	ssyncadd.s32 $0xFFFFFFFF  }
0xb6: {  	_ =	strace $0x90000048  }
0xb7: {  	_ =	sfence  }
0xb8: {  	s30 =	sld [smem:$0x0];
	_ =	sdelay $0x2  }
0xb9: {  	s31 =	sshll.u32 s1, $0xD;
	s1 =	sshrl.u32 s1, $0x2  }
0xba: {  	s3 =	sand.u32 $0x4000, s31;
	s1 =	sadd.s32 s1, s30  }
0xbb: {  	s0 =	sor.u32 s3, s0;
	s1 =	sshll.u32 s1, $0x11  }
0xbc: {  	s0 =	sor.u32 s1, s0  }
0xbd: {  	s0 =	sadd.s32 $0x8F2B, s0  }
0xbe: {  	[sflag:s0] =	ssyncadd.remote.s32 $0x1  }
0xbf: {  	_ =	sfence.sel $0xFFFF  }
0xc0: {  	[dreg:$0x0] =	wrdreg $0xFFFFFFFF;
	(pc) =	sbr.abs _section_cstart, $3  }
0xc1: {  	[dreg:$0x1] =	wrdreg $0xFFFFFFFF  }
0xc2: {  	_ =	task.clear_ibuf [dreg:s7], $0x2FFFF;
	_ =	strace $0x9FFFFFFF  }
0xc3: {  	(tm) =	ssettm $0x7FFFFFFF  }
tec
execute0_lowered:
.L_overlay_start_1:
0x0: {  	(tag) =	ssettag $0x1  }
0x1: {  	s6 =	rddreg [dreg:$0x0]  }
0x2: {  	s7 =	rddreg [dreg:$0x1]  }
0x3: {  	s1 =	rddreg [dreg:$0x2]  }
0x4: {  	s0 =	rddreg [dreg:$0x3];
	s3 =	simm.s32 $0x0;
	s2 =	srdreg.scid  }
0x5: {  	s13 =	simm.s32 $0x80;
	[smem:$0x7FF] =	sst s3;
	s8 =	sand.u32 $0x1, s2  }
0x6: {  	s14 =	simm.s32 $0x0;
	s2 =	stileid.u32;
	s9 =	smul.u32 $0x13C000, s8  }
0x7: {  	s4 =	sadd.s32 $0x5800, s7;
	s5 =	sadd.s32 $0x3000, s7;
	s10 =	smul.u32 $0x13C00, s2  }
0x8: {  	_ =	strace $0x80000047;
	s11 =	sshll.u32 s2, $0x1;
	s29 =	smul.u32 $0x4F000, s2  }
0x9: {  	s31 =	sshll.u32 s2, $0x6;
	s28 =	sor.u32 s8, s11;
	s8 =	ssub.s32 $0x2, s8  }
0xa: {  	s9 =	sadd.s32 s10, s9;
	s10 =	smul.u32 $0x500, s28;
	s30 =	sshrl.u32 s8, $0x1  }
0xb: {  	s11 =	sshrl.u32 s29, $0x2;
	s9 =	sshrl.u32 s9, $0x3;
	s8 =	ssub.s32 s8, s30  }
0xc: {  	s12 =	sadd.s32 s11, s1;
	s11 =	sor.u32 $0x1C01, s31;
	s7 =	sadd.s32 s9, s7  }
0xd: {  	s6 =	sadd.s32 s6, s10;
	s8 =	smax.u32 s8, $0x1;
	s9 =	simm.s32 $0x1  }
0xe: {  	s10 =	simm.s32 $0x2800;
	s12 =	sshrl.u32 s12, $0x3;
	s7 =	sadd.s32 $0x6000, s7  }
.LBB2_1:
0xf: {  	[tilespmem:s3], [sflag:$0x1] =	stream.linear.gather [hbm4b:s6+s3], $0x2800, $0x38;
	[tilespmem:$0x1A400] =	vst v63  }
0x10: {  	_ =	swait.ge [sflag:s9], $0x2800  }
0x11: {  	[sflag:s9] =	ssyncset.done $0x0  }
0x12: {  	[sflag:s9] =	ssyncadd.s32 $0xFFFFD800  }
0x13: {  	[tilespmem:s10], [sflag:$0x1] =	stream.linear.gather [hbm4b:s4+s3], $0x4000, $0x38;
	[tilespmem:$0x1A400] =	vst v63  }
0x14: {  	_ =	swait.ge [sflag:s9], $0x4000  }
0x15: {  	[sflag:s9] =	ssyncset.done $0x0  }
0x16: {  	[sflag:s9] =	ssyncadd.s32 $0xFFFFC000  }
0x17: {  	[spmem:s12], [sflag:s11] =	dma.local [hbm:s5], $0x2780  }
0x18: {  	_ =	swait.ge [sflag:s9], $0x2780  }
0x19: {  	[sflag:s9] =	ssyncset.done $0x0  }
0x1a: {  	[sflag:s9] =	ssyncadd.s32 $0xFFFFD880  }
0x1b: {  	s15 =	simm.s32 $0x0;
	[bflag:$0x0] =	sbarrier.arrive $0xFFFF  }
0x1c: {  	[spmem:s1] =	stream.indirect.scatter.add.f32 [tilespmem:s10], [sflag:$0x1], $0x80, s15, s13, $0xb8;
	[tilespmem:$0x1A400] =	vst v63  }
0x1d: {  	_ =	swait.ge [sflag:s9], $0x4000  }
0x1e: {  	s15 =	simm.s32 $0x200;
	[sflag:s9] =	ssyncset.done $0x0  }
.LBB2_2:
0x1f: {  	s16 =	sshra.s32 s15, $0x2;
	[sflag:s9] =	ssyncadd.s32 $0xFFFFC000;
	p0 =	sne.s32 s15, $0x9E00  }
0x20: {  	[spmem:s1] =	stream.indirect.scatter.add.f32 [tilespmem:s10], [sflag:$0x1], $0x80, s16, s13, $0xb8;
	[tilespmem:$0x1A400] =	vst v63  }
.Ltmp0:
0x21: {  	_ = 	snop;
	(pc) =	sbr.rel @p0 .LBB2_2-.Ltmp0, $4  }
0x22: {  	_ = 	snop  }
0x23: {  	s15 =	sadd.s32 $0x200, s15  }
0x24: {  	_ =	swait.ge [sflag:s9], $0x4000  }
0x25: {  	[sflag:s9] =	ssyncset.done $0x0  }
0x26: {  	s14 =	sadd.s32 $0x1, s14  }
0x27: {  	[sflag:s9] =	ssyncadd.s32 $0xFFFFC000;
	p0 =	sne.s32 s14, s8  }
.Ltmp1:
0x28: {  	[bflag:$0x0] =	sbarrier.arrive $0xFFFF;
	(pc) =	sbr.rel @p0 .LBB2_1-.Ltmp1, $4  }
0x29: {  	[hbm:s7], [sflag:s11] =	dma.local [spmem:s12], $0x2780  }
0x2a: {  	_ =	swait.ge [sflag:s9], $0x2780  }
0x2b: {  	[sflag:s9] =	ssyncset.done $0x0  }
0x2c: {  	[sflag:s9] =	ssyncadd.s32 $0xFFFFD880  }
0x2d: {  	_ =	sfence.sel $0x180000  }
0x2e: {  	[bflag:$0x0] =	sbarrier.arrive $0xFFFF  }
0x2f: {  	p0 =	sne.s32 s2, $0x0;
	_ =	strace $0x90000047  }
0x30: {  	s0 =	sadd.s32 @!p0 $0x100000, s0;
	[bflag:$0x2] =	sbarrier.arrive $0xFFFF  }
0x31: {  	[sflag:s0] =	ssyncadd.tile.s32 @!p0 $0x1;
	_ =	shalt  }
.Lfunc_end2:
_tile_overlayer_lowered:
.L_overlay_start_2:
0x32: {  	(tag) =	ssettag $0x2  }
0x33: {  	s0 =	rddreg [dreg:$0x0];
	s2 =	stileid.u32  }
0x34: {  	s1 =	rddreg [dreg:$0x1];
	p0 =	sne.s32 s2, $0x0  }
0x35: {  	s3 =	rddreg [dreg:$0x2];
	[bflag:$0x3] =	sbarrier.arrive $0xFFFF;
	s2 =	simm.s32 @!p0 $0x1C01  }
0x36: {  	[timem:s3], [sflag:s2] =	dma.local @!p0 [hbm:s0], s1  }
0x37: {  	s0 =	simm.s32 @!p0 $0x1  }
0x38: {  	_ =	swait.ge @!p0 [sflag:s0], s1  }
0x39: {  	s1 =	ssub.s32 @!p0 $0x0, s1;
	[sflag:s0] =	ssyncset.done @!p0 $0x0  }
0x3a: {  	[sflag:s0] =	ssyncadd.s32 @!p0 s1  }
0x3b: {  	[bflag:$0x3] =	sbarrier.arrive $0xFFFF  }
0x3c: {  	_ =	shalt  }

// kernel: kernel.14.cloned.1.call-start
scs
__scs_entry_jumppad:
0x0: {  	(pc) =	sbr.rel $0x88, $3  }
0x1: {  	(tag) =	ssettag $0x0;
	lr =	simm.s32 $0x1  }
0x2: {  	[smem:$0x3F99] =	sst lr;
	_ =	strace $0xD0000000  }
0x3: {  	_ = 	snop  }
0x4: {  	_ = 	snop  }
0x5: {  	_ = 	snop  }
0x6: {  	_ = 	snop  }
0x7: {  	_ = 	snop  }
__scs_overlays_trampoline_lowered:
0x8: {  	[smem:$0x3FA8] =	sst s0  }
0x9: {  	[smem:$0x3FA9] =	sst s1  }
0xa: {  	[smem:$0x3FAA] =	sst s2  }
0xb: {  	[smem:$0x3FAB] =	sst s3  }
0xc: {  	[smem:$0x3FAC] =	sst s4  }
0xd: {  	[smem:$0x3FAD] =	sst s5  }
0xe: {  	[smem:$0x3FAE] =	sst s6  }
0xf: {  	[smem:$0x3FAF] =	sst s7  }
0x10: {  	[smem:$0x3FB0] =	sst s8  }
0x11: {  	[smem:$0x3FB1] =	sst s9;
	s0 =	simm.s32 @!p0 $0x0  }
0x12: {  	s1 =	sld [smem:$0x3F97];
	s0 =	simm.s32 @p0 $0x1  }
0x13: {  	[smem:$0x3FB2] =	sst s0;
	s0 =	simm.s32 @!p1 $0x0  }
0x14: {  	s2 =	sld [smem:$0x3F96];
	s0 =	simm.s32 @p1 $0x1  }
0x15: {  	[smem:$0x3FB3] =	sst s0;
	s0 =	simm.s32 @!p2 $0x0  }
0x16: {  	s3 =	sld [smem:$0x3FDB];
	s0 =	simm.s32 @p2 $0x1  }
0x17: {  	s4 =	simm.s32 $0x1BF5;
	[smem:$0x3FB5] =	sst s0  }
0x18: {  	s0 =	sld [smem:$0x3F98];
	_ =	swait.ge [sflag:s4], $0x0  }
0x19: {  	s7 =	sld [smem:$0x3F99]  }
0x1a: {  	s8 =	sadd.s32 $0xFFFFE003, lr  }
0x1b: {  	s9 =	sadd.s32 $0xFFFFFEF7, lr;
	s5 =	simm.s32 $0xFFFFFFFF;
	p2 =	slt.u32 s8, $0xFFFFF086  }
0x1c: {  	p1 =	slt.u32 s9, $0xF7A;
	s5 =	simm.s32 @!p2 $0x0  }
0x1d: {  	s5 =	simm.s32 @p1 $0x1;
	p0 =	seq.s32 s7, s2  }
0x1e: {  	s7 =	smul.u32 @!p0 $0xF7A, s2;
	p2 =	seq.s32 @!p0 s5, $0x0  }
0x1f: {  	s9 =	smul.u32 $0xF7A, s1;
	s8 =	simm.s32 @!p0 $0x1BF5;
	p2 =	por !p2, p0  }
0x20: {  	[sflag:s8] =	ssyncset.s32 @!p0 $0xFFFFF086;
	s6 =	sadd.s32 @!p0 s3, s7;
	s7 =	simm.s32 @!p0 $0x108  }
0x21: {  	s3 =	sadd.s32 s3, s9;
	s6 =	sadd.s32 @!p0 $0x88, s6;
	s7 =	simm.s32 @p2 $0x1082  }
0x22: {  	[simem:s7], [sflag:s8] =	dma.local @!p0 [hbm:s6], $0xF7A  }
0x23: {  	s9 =	sor.u32 $0xD0000000, s2;
	s6 =	simm.s32 $0x108;
	_ =	swait.ge @!p0 [sflag:s8], $0x0  }
0x24: {  	s3 =	sadd.s32 $0x88, s3;
	s6 =	simm.s32 @!p1 $0x1082;
	[sflag:s4] =	ssyncset.s32 $0xFFFFF086  }
0x25: {  	[simem:s6], [sflag:s4] =	dma.local [hbm:s3], $0xF7A  }
0x26: {  	[smem:$0x3F99] =	sst s1;
	(tag) =	ssettag s2;
	_ =	strace s9  }
0x27: {  	s1 =	sld [smem:$0x3FA9]  }
0x28: {  	s2 =	sld [smem:$0x3FAA]  }
0x29: {  	s4 =	sld [smem:$0x3FAC]  }
0x2a: {  	p0 =	seq.s32 s5, $0x0;
	s5 =	sld [smem:$0x3FAD]  }
0x2b: {  	s6 =	sld [smem:$0x3FAE]  }
0x2c: {  	s7 =	sld [smem:$0x3FAF]  }
0x2d: {  	s3 =	simm.s32 $0x108;
	s8 =	sld [smem:$0x3FB0]  }
0x2e: {  	s3 =	simm.s32 @!p0 $0x1082;
	s9 =	sld [smem:$0x3FB1]  }
0x2f: {  	lr =	sadd.s32 s0, s3;
	s0 =	sld [smem:$0x3FA8]  }
0x30: {  	s3 =	sld [smem:$0x3FAB]  }
0x31: {  	[smem:$0x3FB4] =	sst s10  }
0x32: {  	s10 =	sld [smem:$0x3FB2];
	_ =	sdelay $0x3  }
0x33: {  	p0 =	seq.s32 s10, $0x1;
	s10 =	sld [smem:$0x3FB4];
	_ =	sdelay $0x3  }
0x34: {  	[smem:$0x3FB4] =	sst s10  }
0x35: {  	s10 =	sld [smem:$0x3FB3];
	_ =	sdelay $0x3  }
0x36: {  	p1 =	seq.s32 s10, $0x1;
	s10 =	sld [smem:$0x3FB4];
	_ =	sdelay $0x3  }
0x37: {  	[smem:$0x3FB4] =	sst s10  }
0x38: {  	s10 =	sld [smem:$0x3FB5]  }
0x39: {  	_ = 	snop;
	(pc) =	sbr.ind lr, $3  }
0x3a: {  	_ = 	snop  }
0x3b: {  	_ = 	snop  }
0x3c: {  	p2 =	seq.s32 s10, $0x1;
	s10 =	sld [smem:$0x3FB4]  }
0x3d: {  	_ =	shalt  }
0x3e: {  	_ =	shalt  }
0x3f: {  	_ =	shalt  }
0x40: {  	_ =	shalt  }
0x41: {  	_ =	shalt  }
0x42: {  	_ =	shalt  }
0x43: {  	_ =	shalt  }
0x44: {  	_ =	shalt  }
0x45: {  	_ =	shalt  }
0x46: {  	_ =	shalt  }
0x47: {  	_ =	shalt  }
0x48: {  	_ =	shalt  }
0x49: {  	_ =	shalt  }
0x4a: {  	_ =	shalt  }
0x4b: {  	_ =	shalt  }
0x4c: {  	_ =	shalt  }
0x4d: {  	_ =	shalt  }
0x4e: {  	_ =	shalt  }
0x4f: {  	_ =	shalt  }
0x50: {  	_ =	shalt  }
0x51: {  	_ =	shalt  }
0x52: {  	_ =	shalt  }
0x53: {  	_ =	shalt  }
0x54: {  	_ =	shalt  }
0x55: {  	_ =	shalt  }
0x56: {  	_ =	shalt  }
0x57: {  	_ =	shalt  }
0x58: {  	_ =	shalt  }
0x59: {  	_ =	shalt  }
0x5a: {  	_ =	shalt  }
0x5b: {  	_ =	shalt  }
0x5c: {  	_ =	shalt  }
0x5d: {  	_ =	shalt  }
0x5e: {  	_ =	shalt  }
0x5f: {  	_ =	shalt  }
0x60: {  	_ =	shalt  }
0x61: {  	_ =	shalt  }
0x62: {  	_ =	shalt  }
0x63: {  	_ =	shalt  }
0x64: {  	_ =	shalt  }
0x65: {  	_ =	shalt  }
0x66: {  	_ =	shalt  }
0x67: {  	_ =	shalt  }
0x68: {  	_ =	shalt  }
0x69: {  	_ =	shalt  }
0x6a: {  	_ =	shalt  }
0x6b: {  	_ =	shalt  }
0x6c: {  	_ =	shalt  }
0x6d: {  	_ =	shalt  }
0x6e: {  	_ =	shalt  }
0x6f: {  	_ =	shalt  }
0x70: {  	_ =	shalt  }
0x71: {  	_ =	shalt  }
0x72: {  	_ =	shalt  }
0x73: {  	_ =	shalt  }
0x74: {  	_ =	shalt  }
0x75: {  	_ =	shalt  }
0x76: {  	_ =	shalt  }
0x77: {  	_ =	shalt  }
0x78: {  	_ =	shalt  }
0x79: {  	_ =	shalt  }
0x7a: {  	_ =	shalt  }
0x7b: {  	_ =	shalt  }
0x7c: {  	_ =	shalt  }
0x7d: {  	_ =	shalt  }
0x7e: {  	_ =	shalt  }
0x7f: {  	_ =	shalt  }
0x80: {  	_ =	shalt  }
0x81: {  	_ =	shalt  }
0x82: {  	_ =	shalt  }
0x83: {  	_ =	shalt  }
0x84: {  	_ =	shalt  }
0x85: {  	_ =	shalt  }
0x86: {  	_ =	shalt  }
0x87: {  	_ =	shalt  }
.Lfunc_end0:
.L_simem_size_0:
called_computation.1_lowered:
.L_overlay_start_0:
0x88: {  	s2 =	sld [smem:$0x3FD9]  }
0x89: {  	s3 =	sld [smem:$0x3FFE];
	_ =	sdelay $0x1  }
0x8a: {  	s1 =	srdreg.scid  }
0x8b: {  	s0 =	sand.u32 $0x1, s1  }
0x8c: {  	s17 =	sshll.u32 s0, $0xA;
	s2 =	sadd.s32 s3, s2  }
0x8d: {  	s2 =	sadd.s32 s2, s17  }
0x8e: {  	[smem:$0x3FC0] =	sst s2  }
0x8f: {  	_ = 	snop  }
0x90: {  	s2 =	sld [smem:$0x3FD0];
	(tm) =	ssettm $0x1  }
0x91: {  	s18 =	sld [smem:$0x3FFB];
	_ =	sdelay $0x3  }
0x92: {  	_ =	strace s18  }
0x93: {  	s3 =	sld [smem:$0x3FFC];
	_ =	sdelay $0x3  }
0x94: {  	_ =	strace s3  }
0x95: {  	s3 =	sld [smem:$0x3FFD];
	_ =	sdelay $0x3  }
0x96: {  	_ =	strace s3  }
0x97: {  	_ =	strace $0x8FFFFFFF  }
0x98: {  	s19 =	sld [smem:$0x3FDB];
	_ =	sdelay $0x1  }
0x99: {  	s4 =	simm.s32 $_scs_section_size  }
0x9a: {  	s5 =	simm.s32 $_size__tile_overlayer_lowered;
	s6 =	simm.s32 $_tile_overlayer_lowered  }
0x9b: {  	s22 =	simm.s32 $0x1BFF;
	s21 =	sshll.u32 s6, $0x1;
	s3 =	sadd.s32 s4, s19  }
0x9c: {  	s7 =	simm.s32 $0x0;
	s20 =	sshll.u32 s5, $0x1;
	s5 =	sadd.s32 s21, s3  }
0x9d: {  	[timem:s7], [sflag:s22] =	dma.local [hbm:s5], s20  }
0x9e: {  	_ =	swait.ge [sflag:s22], s20  }
0x9f: {  	s4 =	ssub.s32 $0x0, s20;
	[sflag:s22] =	ssyncset.done $0x0  }
0xa0: {  	[sflag:s22] =	ssyncadd.s32 s4;
	_ =	sdelay $0x1  }
0xa1: {  	s23 =	simm.s32 $0x1B8B  }
0xa2: {  	_ =	swait.ge [sflag:s23], $0x1  }
0xa3: {  	[sflag:s23] =	ssyncset.done $0x0  }
0xa4: {  	s25 =	simm.s32 $0x1B8E;
	s24 =	sld [smem:$0x3FFE];
	[sflag:s23] =	ssyncadd.s32 $0xFFFFFFFF  }
0xa5: {  	s26 =	simm.s32 $execute0_lowered;
	[smem:$0x3FD2] =	sst s25  }
0xa6: {  	s5 =	sshll.u32 s26, $0x1;
	_ =	strace $0x80000049;
	[dreg:$0x1] =	wrdreg $0xFFFFFFFF  }
0xa7: {  	s28 =	simm.s32 $_size_execute0_lowered;
	s3 =	sadd.s32 s3, s5;
	[dreg:$0x0] =	wrdreg $0x0  }
0xa8: {  	s5 =	sshll.u32 s28, $0x1;
	[dreg:$0x2] =	wrdreg s3  }
0xa9: {  	[dreg:$0x3] =	wrdreg s5  }
0xaa: {  	[dreg:$0x4] =	wrdreg $0xC0  }
0xab: {  	_ =	task [dreg:s7], $0x5FFFF  }
0xac: {  	[dreg:$0x1] =	wrdreg $0xFFFFFFFF  }
0xad: {  	[dreg:$0x0] =	wrdreg $0x60  }
0xae: {  	[dreg:$0x2] =	wrdreg s24  }
0xaf: {  	[dreg:$0x3] =	wrdreg s2  }
0xb0: {  	[dreg:$0x4] =	wrdreg $0xA8000  }
0xb1: {  	[dreg:$0x5] =	wrdreg $0x9  }
0xb2: {  	_ =	task.clear_ibuf [dreg:s7], $0x6FFFF;
	_ =	strace $0x90000049  }
0xb3: {  	s29 =	simm.s32 $0x9;
	_ =	strace $0x8000004B  }
0xb4: {  	_ =	swait.ge [sflag:s29], $0x1  }
0xb5: {  	[sflag:s29] =	ssyncadd.s32 $0xFFFFFFFF  }
0xb6: {  	_ =	strace $0x9000004B  }
0xb7: {  	_ =	sfence  }
0xb8: {  	s30 =	sld [smem:$0x0];
	_ =	sdelay $0x2  }
0xb9: {  	s31 =	sshll.u32 s1, $0xD;
	s1 =	sshrl.u32 s1, $0x2  }
0xba: {  	s3 =	sand.u32 $0x4000, s31;
	s1 =	sadd.s32 s1, s30  }
0xbb: {  	s0 =	sor.u32 s3, s0;
	s1 =	sshll.u32 s1, $0x11  }
0xbc: {  	s0 =	sor.u32 s1, s0  }
0xbd: {  	s0 =	sadd.s32 $0x8F2B, s0  }
0xbe: {  	[sflag:s0] =	ssyncadd.remote.s32 $0x1  }
0xbf: {  	_ =	sfence.sel $0xFFFF  }
0xc0: {  	[dreg:$0x0] =	wrdreg $0xFFFFFFFF;
	(pc) =	sbr.abs _section_cstart, $3  }
0xc1: {  	[dreg:$0x1] =	wrdreg $0xFFFFFFFF  }
0xc2: {  	_ =	task.clear_ibuf [dreg:s7], $0x2FFFF;
	_ =	strace $0x9FFFFFFF  }
0xc3: {  	(tm) =	ssettm $0x7FFFFFFF  }
tec
execute0_lowered:
.L_overlay_start_1:
0x0: {  	(tag) =	ssettag $0x1  }
0x1: {  	s0 =	rddreg [dreg:$0x0]  }
0x2: {  	s2 =	rddreg [dreg:$0x1]  }
0x3: {  	s1 =	rddreg [dreg:$0x2]  }
0x4: {  	s3 =	srdreg.scid;
	s11 =	stileid.u32;
	s14 =	simm.s32 $0x7  }
0x5: {  	s15 =	simm.s32 $0x1400;
	s16 =	simm.s32 $0x40;
	s17 =	simm.s32 $0x2800  }
0x6: {  	s18 =	simm.s32 $0x4800;
	s19 =	simm.s32 $0x80;
	s28 =	simm.s32 $0x5  }
0x7: {  	s29 =	simm.s32 $0x6;
	s30 =	simm.s32 $0x2700;
	s31 =	simm.s32 $0x2780  }
0x8: {  	s5 =	sand.u32 $0x1, s3;
	s3 =	simm.s32 $0x0;
	s7 =	smul.u32 $0x13C00, s11  }
0x9: {  	s4 =	sadd.s32 $0x5800, s0;
	s9 =	sadd.s32 $0x55000, s0;
	s8 =	sadd.s32 $0x3000, s0  }
0xa: {  	s20 =	sshll.u32 s11, $0x1;
	s22 =	smul.u32 $0x4F000, s11;
	s24 =	sshll.u32 s11, $0x6  }
0xb: {  	s6 =	smul.u32 $0x13C000, s5;
	[smem:$0x7FF] =	sst s3;
	s21 =	ssub.s32 $0x2, s5  }
0xc: {  	s5 =	sor.u32 s5, s20;
	s20 =	simm.s32 $0x6800;
	_ =	strace $0x8000004A  }
0xd: {  	[dreg:$0x4] =	wrdreg s8;
	s10 =	sshrl.u32 s21, $0x1;
	s5 =	smul.u32 $0x2800, s5  }
0xe: {  	s23 =	sshrl.u32 s22, $0x2;
	s22 =	simm.s32 $0x8800;
	s6 =	sadd.s32 s7, s6  }
0xf: {  	s12 =	ssub.s32 s21, s10;
	s13 =	sadd.s32 s23, s1;
	s21 =	simm.s32 $0xC0  }
0x10: {  	s23 =	simm.s32 $0x1;
	s6 =	sshrl.u32 s6, $0x3;
	s5 =	sshrl.u32 s5, $0x3  }
0x11: {  	s12 =	smax.u32 s12, $0x1;
	s13 =	sshrl.u32 s13, $0x3;
	s0 =	sadd.s32 s6, s0  }
0x12: {  	s6 =	sor.u32 $0x1C07, s24;
	s25 =	sadd.s32 s9, s5;
	s26 =	sadd.s32 $0x280, s5  }
0x13: {  	s8 =	sadd.s32 s2, s5;
	s24 =	simm.s32 $0x2;
	[dreg:$0x5] =	wrdreg s25  }
0x14: {  	s9 =	sadd.s32 s9, s26;
	s10 =	sadd.s32 s2, s26;
	s11 =	sadd.s32 $0x5F000, s0  }
0x15: {  	s25 =	simm.s32 $0x3;
	s26 =	simm.s32 $0x4;
	s0 =	simm.s32 $0x0  }
.LBB2_1:
0x16: {  	s2 =	rddreg [dreg:$0x4]  }
0x17: {  	[spmem:s13], [sflag:s6] =	dma.local [hbm:s2], $0x2780  }
0x18: {  	_ =	swait.ge [sflag:s14], $0x2780  }
0x19: {  	[sflag:s14] =	ssyncset.done $0x0  }
0x1a: {  	[sflag:s14] =	ssyncadd.s32 $0xFFFFD880  }
0x1b: {  	[bflag:$0x0] =	sbarrier.arrive $0xFFFF  }
0x1c: {  	s5 =	rddreg [dreg:$0x5]  }
0x1d: {  	[tilespmem:s3], [sflag:$0x7] =	stream.linear.gather [hbm4b:s5+s3], $0x1400, $0x38;
	[tilespmem:$0x1E400] =	vst v63  }
0x1e: {  	_ =	swait.ge [sflag:s14], $0x1400  }
0x1f: {  	[sflag:s14] =	ssyncset.done $0x0  }
0x20: {  	[sflag:s14] =	ssyncadd.s32 $0xFFFFEC00  }
0x21: {  	[tilespmem:s15], [sflag:$0x7] =	stream.linear.gather [hbm4b:s8+s3], $0x1400, $0x38;
	[tilespmem:$0x1E400] =	vst v63  }
0x22: {  	_ =	swait.ge [sflag:s14], $0x1400  }
0x23: {  	[sflag:s14] =	ssyncset.done $0x0  }
0x24: {  	[sflag:s14] =	ssyncadd.s32 $0xFFFFEC00  }
0x25: {  	[tilespmem:s17], [sflag:$0x1] =	stream.indirect.gather [hbm4b:s4+s16], $0x80, s3, s16, $0xb8;
	[tilespmem:$0x1E400] =	vst v63  }
0x26: {  	_ = 	snop  }
0x27: {  	[tilespmem:s18], [sflag:$0x2] =	stream.indirect.gather [hbm4b:s4+s16], $0x80, s16, s16, $0xb8;
	[tilespmem:$0x1E400] =	vst v63  }
0x28: {  	_ = 	snop  }
0x29: {  	[tilespmem:s20], [sflag:$0x3] =	stream.indirect.gather [hbm4b:s4+s16], $0x80, s19, s16, $0xb8;
	[tilespmem:$0x1E400] =	vst v63  }
0x2a: {  	_ = 	snop  }
0x2b: {  	[tilespmem:s22], [sflag:$0x4] =	stream.indirect.gather [hbm4b:s4+s16], $0x80, s21, s16, $0xb8;
	[tilespmem:$0x1E400] =	vst v63  }
0x2c: {  	_ =	swait.ge [sflag:s23], $0x2000  }
0x2d: {  	[sflag:s23] =	ssyncset.done $0x0  }
0x2e: {  	[sflag:s23] =	ssyncadd.s32 $0xFFFFE000  }
0x2f: {  	_ =	swait.ge [sflag:s24], $0x2000  }
0x30: {  	[sflag:s24] =	ssyncset.done $0x0  }
0x31: {  	s7 =	simm.s32 $0x1400;
	[sflag:s24] =	ssyncadd.s32 $0xFFFFE000  }
0x32: {  	[spmem:s1] =	stream.indirect.scatter.add.f32 [tilespmem:s17], [sflag:$0x5], $0x80, s7, s19, $0xb8;
	[tilespmem:$0x1E400] =	vst v63  }
0x33: {  	_ =	swait.ge [sflag:s25], $0x2000  }
0x34: {  	[sflag:s25] =	ssyncset.done $0x0  }
0x35: {  	[sflag:s25] =	ssyncadd.s32 $0xFFFFE000  }
0x36: {  	_ =	swait.ge [sflag:s26], $0x2000  }
0x37: {  	[sflag:s26] =	ssyncset.done $0x0  }
0x38: {  	s5 =	simm.s32 $0x1480;
	[sflag:s26] =	ssyncadd.s32 $0xFFFFE000  }
0x39: {  	[spmem:s1] =	stream.indirect.scatter.add.f32 [tilespmem:s20], [sflag:$0x6], $0x80, s5, s19, $0xb8;
	[tilespmem:$0x1E400] =	vst v63  }
0x3a: {  	_ =	swait.ge [sflag:s28], $0x4000  }
0x3b: {  	[sflag:s28] =	ssyncset.done $0x0  }
0x3c: {  	s7 =	simm.s32 $0x100;
	[sflag:s28] =	ssyncadd.s32 $0xFFFFC000  }
0x3d: {  	[tilespmem:s17], [sflag:$0x1] =	stream.indirect.gather [hbm4b:s4+s16], $0x80, s7, s16, $0xb8;
	[tilespmem:$0x1E400] =	vst v63  }
0x3e: {  	s5 =	simm.s32 $0x140  }
0x3f: {  	[tilespmem:s18], [sflag:$0x2] =	stream.indirect.gather [hbm4b:s4+s16], $0x80, s5, s16, $0xb8;
	[tilespmem:$0x1E400] =	vst v63  }
0x40: {  	_ =	swait.ge [sflag:s29], $0x4000  }
0x41: {  	s2 =	simm.s32 $0x400;
	[sflag:s29] =	ssyncset.done $0x0  }
0x42: {  	s7 =	simm.s32 $0x180;
	s5 =	simm.s32 $0x1C0;
	[sflag:s29] =	ssyncadd.s32 $0xFFFFC000  }
0x43: {  	[tilespmem:s20], [sflag:$0x3] =	stream.indirect.gather [hbm4b:s4+s16], $0x80, s7, s16, $0xb8;
	[tilespmem:$0x1E400] =	vst v63  }
.LBB2_2:
0x44: {  	[tilespmem:s22], [sflag:$0x4] =	stream.indirect.gather [hbm4b:s4+s16], $0x80, s5, s16, $0xb8;
	[tilespmem:$0x1E400] =	vst v63  }
0x45: {  	s5 =	smov.u32 s2  }
0x46: {  	p0 =	sne.s32 s2, $0x4800;
	s2 =	sadd.s32 $0x400, s2;
	_ =	swait.ge [sflag:s23], $0x2000  }
0x47: {  	[sflag:s23] =	ssyncset.done $0x0  }
0x48: {  	[sflag:s23] =	ssyncadd.s32 $0xFFFFE000  }
0x49: {  	_ =	swait.ge [sflag:s24], $0x2000  }
0x4a: {  	s5 =	sshra.s32 s5, $0x2;
	[sflag:s24] =	ssyncset.done $0x0  }
0x4b: {  	s7 =	sadd.s32 $0x1400, s5;
	[sflag:s24] =	ssyncadd.s32 $0xFFFFE000  }
0x4c: {  	[spmem:s1] =	stream.indirect.scatter.add.f32 [tilespmem:s17], [sflag:$0x5], $0x80, s7, s19, $0xb8;
	[tilespmem:$0x1E400] =	vst v63  }
0x4d: {  	_ =	swait.ge [sflag:s25], $0x2000  }
0x4e: {  	[sflag:s25] =	ssyncset.done $0x0  }
0x4f: {  	[sflag:s25] =	ssyncadd.s32 $0xFFFFE000  }
0x50: {  	_ =	swait.ge [sflag:s26], $0x2000  }
0x51: {  	[sflag:s26] =	ssyncset.done $0x0  }
0x52: {  	s7 =	sadd.s32 $0x1480, s5;
	[sflag:s26] =	ssyncadd.s32 $0xFFFFE000  }
0x53: {  	[spmem:s1] =	stream.indirect.scatter.add.f32 [tilespmem:s20], [sflag:$0x6], $0x80, s7, s19, $0xb8;
	[tilespmem:$0x1E400] =	vst v63  }
0x54: {  	_ =	swait.ge [sflag:s28], $0x4000  }
0x55: {  	[sflag:s28] =	ssyncset.done $0x0  }
0x56: {  	s7 =	sadd.s32 $0x100, s5;
	[sflag:s28] =	ssyncadd.s32 $0xFFFFC000  }
0x57: {  	[tilespmem:s17], [sflag:$0x1] =	stream.indirect.gather [hbm4b:s4+s16], $0x80, s7, s16, $0xb8;
	[tilespmem:$0x1E400] =	vst v63  }
0x58: {  	s7 =	sadd.s32 $0x140, s5  }
0x59: {  	[tilespmem:s18], [sflag:$0x2] =	stream.indirect.gather [hbm4b:s4+s16], $0x80, s7, s16, $0xb8;
	[tilespmem:$0x1E400] =	vst v63  }
.Ltmp0:
0x5a: {  	_ =	swait.ge [sflag:s29], $0x4000;
	(pc) =	sbr.rel @p0 .LBB2_2-.Ltmp0, $4  }
0x5b: {  	[sflag:s29] =	ssyncset.done $0x0  }
0x5c: {  	s7 =	sadd.s32 $0x180, s5;
	[sflag:s29] =	ssyncadd.s32 $0xFFFFC000  }
0x5d: {  	[tilespmem:s20], [sflag:$0x3] =	stream.indirect.gather [hbm4b:s4+s16], $0x80, s7, s16, $0xb8;
	[tilespmem:$0x1E400] =	vst v63  }
0x5e: {  	s5 =	sadd.s32 $0x1C0, s5  }
0x5f: {  	[tilespmem:s22], [sflag:$0x4] =	stream.indirect.gather [hbm4b:s4+s16], $0x80, s5, s16, $0xb8;
	[tilespmem:$0x1E400] =	vst v63  }
0x60: {  	_ =	swait.ge [sflag:s23], $0x2000  }
0x61: {  	[sflag:s23] =	ssyncset.done $0x0  }
0x62: {  	[sflag:s23] =	ssyncadd.s32 $0xFFFFE000  }
0x63: {  	_ =	swait.ge [sflag:s24], $0x2000  }
0x64: {  	[sflag:s24] =	ssyncset.done $0x0  }
0x65: {  	[sflag:s24] =	ssyncadd.s32 $0xFFFFE000  }
0x66: {  	[spmem:s1] =	stream.indirect.scatter.add.f32 [tilespmem:s17], [sflag:$0x7], $0x80, s30, s19, $0xb8;
	[tilespmem:$0x1E400] =	vst v63  }
0x67: {  	_ =	swait.ge [sflag:s14], $0x4000  }
0x68: {  	[sflag:s14] =	ssyncset.done $0x0  }
0x69: {  	[sflag:s14] =	ssyncadd.s32 $0xFFFFC000  }
0x6a: {  	_ =	swait.ge [sflag:s25], $0x2000  }
0x6b: {  	[sflag:s25] =	ssyncset.done $0x0  }
0x6c: {  	[sflag:s25] =	ssyncadd.s32 $0xFFFFE000  }
0x6d: {  	_ =	swait.ge [sflag:s26], $0x2000  }
0x6e: {  	[sflag:s26] =	ssyncset.done $0x0  }
0x6f: {  	[sflag:s26] =	ssyncadd.s32 $0xFFFFE000  }
0x70: {  	[spmem:s1] =	stream.indirect.scatter.add.f32 [tilespmem:s20], [sflag:$0x7], $0x80, s31, s19, $0xb8;
	[tilespmem:$0x1E400] =	vst v63  }
0x71: {  	_ =	swait.ge [sflag:s14], $0x4000  }
0x72: {  	[sflag:s14] =	ssyncset.done $0x0  }
0x73: {  	s2 =	simm.s32 $0x0;
	[sflag:s14] =	ssyncadd.s32 $0xFFFFC000  }
0x74: {  	[tilespmem:s2], [sflag:$0x7] =	stream.linear.gather [hbm4b:s9+s2], $0x1400, $0x38;
	[tilespmem:$0x1E400] =	vst v63  }
0x75: {  	_ =	swait.ge [sflag:s14], $0x1400  }
0x76: {  	[sflag:s14] =	ssyncset.done $0x0  }
0x77: {  	[sflag:s14] =	ssyncadd.s32 $0xFFFFEC00  }
0x78: {  	[tilespmem:s15], [sflag:$0x7] =	stream.linear.gather [hbm4b:s10+s2], $0x1400, $0x38;
	[tilespmem:$0x1E400] =	vst v63  }
0x79: {  	_ =	swait.ge [sflag:s14], $0x1400  }
0x7a: {  	[sflag:s14] =	ssyncset.done $0x0  }
0x7b: {  	[sflag:s14] =	ssyncadd.s32 $0xFFFFEC00  }
0x7c: {  	[tilespmem:s17], [sflag:$0x1] =	stream.indirect.gather [hbm4b:s4+s16], $0x80, s2, s16, $0xb8;
	[tilespmem:$0x1E400] =	vst v63  }
0x7d: {  	_ = 	snop  }
0x7e: {  	[tilespmem:s18], [sflag:$0x2] =	stream.indirect.gather [hbm4b:s4+s16], $0x80, s16, s16, $0xb8;
	[tilespmem:$0x1E400] =	vst v63  }
0x7f: {  	_ = 	snop  }
0x80: {  	[tilespmem:s20], [sflag:$0x3] =	stream.indirect.gather [hbm4b:s4+s16], $0x80, s19, s16, $0xb8;
	[tilespmem:$0x1E400] =	vst v63  }
0x81: {  	_ = 	snop  }
0x82: {  	[tilespmem:s22], [sflag:$0x4] =	stream.indirect.gather [hbm4b:s4+s16], $0x80, s21, s16, $0xb8;
	[tilespmem:$0x1E400] =	vst v63  }
0x83: {  	_ =	swait.ge [sflag:s23], $0x2000  }
0x84: {  	[sflag:s23] =	ssyncset.done $0x0  }
0x85: {  	[sflag:s23] =	ssyncadd.s32 $0xFFFFE000  }
0x86: {  	_ =	swait.ge [sflag:s24], $0x2000  }
0x87: {  	[sflag:s24] =	ssyncset.done $0x0  }
0x88: {  	s7 =	simm.s32 $0x1400;
	[sflag:s24] =	ssyncadd.s32 $0xFFFFE000  }
0x89: {  	[spmem:s1] =	stream.indirect.scatter.add.f32 [tilespmem:s17], [sflag:$0x5], $0x80, s7, s19, $0xb8;
	[tilespmem:$0x1E400] =	vst v63  }
0x8a: {  	_ =	swait.ge [sflag:s25], $0x2000  }
0x8b: {  	[sflag:s25] =	ssyncset.done $0x0  }
0x8c: {  	[sflag:s25] =	ssyncadd.s32 $0xFFFFE000  }
0x8d: {  	_ =	swait.ge [sflag:s26], $0x2000  }
0x8e: {  	[sflag:s26] =	ssyncset.done $0x0  }
0x8f: {  	s5 =	simm.s32 $0x1480;
	[sflag:s26] =	ssyncadd.s32 $0xFFFFE000  }
0x90: {  	[spmem:s1] =	stream.indirect.scatter.add.f32 [tilespmem:s20], [sflag:$0x6], $0x80, s5, s19, $0xb8;
	[tilespmem:$0x1E400] =	vst v63  }
0x91: {  	_ =	swait.ge [sflag:s28], $0x4000  }
0x92: {  	[sflag:s28] =	ssyncset.done $0x0  }
0x93: {  	s7 =	simm.s32 $0x100;
	[sflag:s28] =	ssyncadd.s32 $0xFFFFC000  }
0x94: {  	[tilespmem:s17], [sflag:$0x1] =	stream.indirect.gather [hbm4b:s4+s16], $0x80, s7, s16, $0xb8;
	[tilespmem:$0x1E400] =	vst v63  }
0x95: {  	s5 =	simm.s32 $0x140  }
0x96: {  	[tilespmem:s18], [sflag:$0x2] =	stream.indirect.gather [hbm4b:s4+s16], $0x80, s5, s16, $0xb8;
	[tilespmem:$0x1E400] =	vst v63  }
0x97: {  	_ =	swait.ge [sflag:s29], $0x4000  }
0x98: {  	s2 =	simm.s32 $0x400;
	[sflag:s29] =	ssyncset.done $0x0  }
0x99: {  	s7 =	simm.s32 $0x180;
	s5 =	simm.s32 $0x1C0;
	[sflag:s29] =	ssyncadd.s32 $0xFFFFC000  }
0x9a: {  	[tilespmem:s20], [sflag:$0x3] =	stream.indirect.gather [hbm4b:s4+s16], $0x80, s7, s16, $0xb8;
	[tilespmem:$0x1E400] =	vst v63  }
.LBB2_4:
0x9b: {  	[tilespmem:s22], [sflag:$0x4] =	stream.indirect.gather [hbm4b:s4+s16], $0x80, s5, s16, $0xb8;
	[tilespmem:$0x1E400] =	vst v63  }
0x9c: {  	s5 =	smov.u32 s2  }
0x9d: {  	p0 =	sne.s32 s2, $0x4800;
	s2 =	sadd.s32 $0x400, s2;
	_ =	swait.ge [sflag:s23], $0x2000  }
0x9e: {  	[sflag:s23] =	ssyncset.done $0x0  }
0x9f: {  	[sflag:s23] =	ssyncadd.s32 $0xFFFFE000  }
0xa0: {  	_ =	swait.ge [sflag:s24], $0x2000  }
0xa1: {  	s5 =	sshra.s32 s5, $0x2;
	[sflag:s24] =	ssyncset.done $0x0  }
0xa2: {  	s7 =	sadd.s32 $0x1400, s5;
	[sflag:s24] =	ssyncadd.s32 $0xFFFFE000  }
0xa3: {  	[spmem:s1] =	stream.indirect.scatter.add.f32 [tilespmem:s17], [sflag:$0x5], $0x80, s7, s19, $0xb8;
	[tilespmem:$0x1E400] =	vst v63  }
0xa4: {  	_ =	swait.ge [sflag:s25], $0x2000  }
0xa5: {  	[sflag:s25] =	ssyncset.done $0x0  }
0xa6: {  	[sflag:s25] =	ssyncadd.s32 $0xFFFFE000  }
0xa7: {  	_ =	swait.ge [sflag:s26], $0x2000  }
0xa8: {  	[sflag:s26] =	ssyncset.done $0x0  }
0xa9: {  	s7 =	sadd.s32 $0x1480, s5;
	[sflag:s26] =	ssyncadd.s32 $0xFFFFE000  }
0xaa: {  	[spmem:s1] =	stream.indirect.scatter.add.f32 [tilespmem:s20], [sflag:$0x6], $0x80, s7, s19, $0xb8;
	[tilespmem:$0x1E400] =	vst v63  }
0xab: {  	_ =	swait.ge [sflag:s28], $0x4000  }
0xac: {  	[sflag:s28] =	ssyncset.done $0x0  }
0xad: {  	s7 =	sadd.s32 $0x100, s5;
	[sflag:s28] =	ssyncadd.s32 $0xFFFFC000  }
0xae: {  	[tilespmem:s17], [sflag:$0x1] =	stream.indirect.gather [hbm4b:s4+s16], $0x80, s7, s16, $0xb8;
	[tilespmem:$0x1E400] =	vst v63  }
0xaf: {  	s7 =	sadd.s32 $0x140, s5  }
0xb0: {  	[tilespmem:s18], [sflag:$0x2] =	stream.indirect.gather [hbm4b:s4+s16], $0x80, s7, s16, $0xb8;
	[tilespmem:$0x1E400] =	vst v63  }
.Ltmp1:
0xb1: {  	_ =	swait.ge [sflag:s29], $0x4000;
	(pc) =	sbr.rel @p0 .LBB2_4-.Ltmp1, $4  }
0xb2: {  	[sflag:s29] =	ssyncset.done $0x0  }
0xb3: {  	s7 =	sadd.s32 $0x180, s5;
	[sflag:s29] =	ssyncadd.s32 $0xFFFFC000  }
0xb4: {  	[tilespmem:s20], [sflag:$0x3] =	stream.indirect.gather [hbm4b:s4+s16], $0x80, s7, s16, $0xb8;
	[tilespmem:$0x1E400] =	vst v63  }
0xb5: {  	s5 =	sadd.s32 $0x1C0, s5  }
0xb6: {  	[tilespmem:s22], [sflag:$0x4] =	stream.indirect.gather [hbm4b:s4+s16], $0x80, s5, s16, $0xb8;
	[tilespmem:$0x1E400] =	vst v63  }
0xb7: {  	_ =	swait.ge [sflag:s23], $0x2000  }
0xb8: {  	[sflag:s23] =	ssyncset.done $0x0  }
0xb9: {  	[sflag:s23] =	ssyncadd.s32 $0xFFFFE000  }
0xba: {  	_ =	swait.ge [sflag:s24], $0x2000  }
0xbb: {  	[sflag:s24] =	ssyncset.done $0x0  }
0xbc: {  	[sflag:s24] =	ssyncadd.s32 $0xFFFFE000  }
0xbd: {  	[spmem:s1] =	stream.indirect.scatter.add.f32 [tilespmem:s17], [sflag:$0x7], $0x80, s30, s19, $0xb8;
	[tilespmem:$0x1E400] =	vst v63  }
0xbe: {  	_ =	swait.ge [sflag:s14], $0x4000  }
0xbf: {  	[sflag:s14] =	ssyncset.done $0x0  }
0xc0: {  	[sflag:s14] =	ssyncadd.s32 $0xFFFFC000  }
0xc1: {  	_ =	swait.ge [sflag:s25], $0x2000  }
0xc2: {  	[sflag:s25] =	ssyncset.done $0x0  }
0xc3: {  	[sflag:s25] =	ssyncadd.s32 $0xFFFFE000  }
0xc4: {  	_ =	swait.ge [sflag:s26], $0x2000  }
0xc5: {  	[sflag:s26] =	ssyncset.done $0x0  }
0xc6: {  	[sflag:s26] =	ssyncadd.s32 $0xFFFFE000  }
0xc7: {  	[spmem:s1] =	stream.indirect.scatter.add.f32 [tilespmem:s20], [sflag:$0x7], $0x80, s31, s19, $0xb8;
	[tilespmem:$0x1E400] =	vst v63  }
0xc8: {  	_ =	swait.ge [sflag:s14], $0x4000  }
0xc9: {  	s0 =	sadd.s32 $0x1, s0;
	[sflag:s14] =	ssyncset.done $0x0  }
0xca: {  	p0 =	sne.s32 s0, s12;
	[sflag:s14] =	ssyncadd.s32 $0xFFFFC000  }
.Ltmp2:
0xcb: {  	[bflag:$0x0] =	sbarrier.arrive $0xFFFF;
	(pc) =	sbr.rel @p0 .LBB2_1-.Ltmp2, $4  }
0xcc: {  	[hbm:s11], [sflag:s6] =	dma.local [spmem:s13], $0x2780  }
0xcd: {  	_ =	swait.ge [sflag:s14], $0x2780  }
0xce: {  	[sflag:s14] =	ssyncset.done $0x0  }
0xcf: {  	[sflag:s14] =	ssyncadd.s32 $0xFFFFD880  }
0xd0: {  	_ =	sfence.sel $0x180000  }
0xd1: {  	[bflag:$0x0] =	sbarrier.arrive $0xFFFF  }
0xd2: {  	_ =	strace $0x9000004A  }
0xd3: {  	s0 =	stileid.u32;
	[bflag:$0x2] =	sbarrier.arrive $0xFFFF  }
0xd4: {  	p0 =	sne.s32 s0, $0x0;
	s0 =	rddreg [dreg:$0x3]  }
0xd5: {  	s0 =	sadd.s32 @!p0 $0x100000, s0  }
0xd6: {  	[sflag:s0] =	ssyncadd.tile.s32 @!p0 $0x1;
	_ =	shalt  }
.Lfunc_end2:
_tile_overlayer_lowered:
.L_overlay_start_2:
0xd7: {  	(tag) =	ssettag $0x2  }
0xd8: {  	s0 =	rddreg [dreg:$0x0];
	s2 =	stileid.u32  }
0xd9: {  	s1 =	rddreg [dreg:$0x1];
	p0 =	sne.s32 s2, $0x0  }
0xda: {  	s3 =	rddreg [dreg:$0x2];
	[bflag:$0x3] =	sbarrier.arrive $0xFFFF;
	s2 =	simm.s32 @!p0 $0x1C07  }
0xdb: {  	[timem:s3], [sflag:s2] =	dma.local @!p0 [hbm:s0], s1  }
0xdc: {  	s0 =	simm.s32 @!p0 $0x7  }
0xdd: {  	_ =	swait.ge @!p0 [sflag:s0], s1  }
0xde: {  	s1 =	ssub.s32 @!p0 $0x0, s1;
	[sflag:s0] =	ssyncset.done @!p0 $0x0  }
0xdf: {  	[sflag:s0] =	ssyncadd.s32 @!p0 s1  }
0xe0: {  	[bflag:$0x3] =	sbarrier.arrive $0xFFFF  }
0xe1: {  	_ =	shalt  }

// kernel: kernel.17.cloned.1.call-start
scs
__scs_entry_jumppad:
0x0: {  	(pc) =	sbr.rel $0x88, $3  }
0x1: {  	(tag) =	ssettag $0x0;
	lr =	simm.s32 $0x1  }
0x2: {  	[smem:$0x3F99] =	sst lr;
	_ =	strace $0xD0000000  }
0x3: {  	_ = 	snop  }
0x4: {  	_ = 	snop  }
0x5: {  	_ = 	snop  }
0x6: {  	_ = 	snop  }
0x7: {  	_ = 	snop  }
__scs_overlays_trampoline_lowered:
0x8: {  	[smem:$0x3FA8] =	sst s0  }
0x9: {  	[smem:$0x3FA9] =	sst s1  }
0xa: {  	[smem:$0x3FAA] =	sst s2  }
0xb: {  	[smem:$0x3FAB] =	sst s3  }
0xc: {  	[smem:$0x3FAC] =	sst s4  }
0xd: {  	[smem:$0x3FAD] =	sst s5  }
0xe: {  	[smem:$0x3FAE] =	sst s6  }
0xf: {  	[smem:$0x3FAF] =	sst s7  }
0x10: {  	[smem:$0x3FB0] =	sst s8  }
0x11: {  	[smem:$0x3FB1] =	sst s9;
	s0 =	simm.s32 @!p0 $0x0  }
0x12: {  	s1 =	sld [smem:$0x3F97];
	s0 =	simm.s32 @p0 $0x1  }
0x13: {  	[smem:$0x3FB2] =	sst s0;
	s0 =	simm.s32 @!p1 $0x0  }
0x14: {  	s2 =	sld [smem:$0x3F96];
	s0 =	simm.s32 @p1 $0x1  }
0x15: {  	[smem:$0x3FB3] =	sst s0;
	s0 =	simm.s32 @!p2 $0x0  }
0x16: {  	s3 =	sld [smem:$0x3FDB];
	s0 =	simm.s32 @p2 $0x1  }
0x17: {  	s4 =	simm.s32 $0x1BF5;
	[smem:$0x3FB5] =	sst s0  }
0x18: {  	s0 =	sld [smem:$0x3F98];
	_ =	swait.ge [sflag:s4], $0x0  }
0x19: {  	s7 =	sld [smem:$0x3F99]  }
0x1a: {  	s8 =	sadd.s32 $0xFFFFE003, lr  }
0x1b: {  	s9 =	sadd.s32 $0xFFFFFEF7, lr;
	s5 =	simm.s32 $0xFFFFFFFF;
	p2 =	slt.u32 s8, $0xFFFFF086  }
0x1c: {  	p1 =	slt.u32 s9, $0xF7A;
	s5 =	simm.s32 @!p2 $0x0  }
0x1d: {  	s5 =	simm.s32 @p1 $0x1;
	p0 =	seq.s32 s7, s2  }
0x1e: {  	s7 =	smul.u32 @!p0 $0xF7A, s2;
	p2 =	seq.s32 @!p0 s5, $0x0  }
0x1f: {  	s9 =	smul.u32 $0xF7A, s1;
	s8 =	simm.s32 @!p0 $0x1BF5;
	p2 =	por !p2, p0  }
0x20: {  	[sflag:s8] =	ssyncset.s32 @!p0 $0xFFFFF086;
	s6 =	sadd.s32 @!p0 s3, s7;
	s7 =	simm.s32 @!p0 $0x108  }
0x21: {  	s3 =	sadd.s32 s3, s9;
	s6 =	sadd.s32 @!p0 $0x88, s6;
	s7 =	simm.s32 @p2 $0x1082  }
0x22: {  	[simem:s7], [sflag:s8] =	dma.local @!p0 [hbm:s6], $0xF7A  }
0x23: {  	s9 =	sor.u32 $0xD0000000, s2;
	s6 =	simm.s32 $0x108;
	_ =	swait.ge @!p0 [sflag:s8], $0x0  }
0x24: {  	s3 =	sadd.s32 $0x88, s3;
	s6 =	simm.s32 @!p1 $0x1082;
	[sflag:s4] =	ssyncset.s32 $0xFFFFF086  }
0x25: {  	[simem:s6], [sflag:s4] =	dma.local [hbm:s3], $0xF7A  }
0x26: {  	[smem:$0x3F99] =	sst s1;
	(tag) =	ssettag s2;
	_ =	strace s9  }
0x27: {  	s1 =	sld [smem:$0x3FA9]  }
0x28: {  	s2 =	sld [smem:$0x3FAA]  }
0x29: {  	s4 =	sld [smem:$0x3FAC]  }
0x2a: {  	p0 =	seq.s32 s5, $0x0;
	s5 =	sld [smem:$0x3FAD]  }
0x2b: {  	s6 =	sld [smem:$0x3FAE]  }
0x2c: {  	s7 =	sld [smem:$0x3FAF]  }
0x2d: {  	s3 =	simm.s32 $0x108;
	s8 =	sld [smem:$0x3FB0]  }
0x2e: {  	s3 =	simm.s32 @!p0 $0x1082;
	s9 =	sld [smem:$0x3FB1]  }
0x2f: {  	lr =	sadd.s32 s0, s3;
	s0 =	sld [smem:$0x3FA8]  }
0x30: {  	s3 =	sld [smem:$0x3FAB]  }
0x31: {  	[smem:$0x3FB4] =	sst s10  }
0x32: {  	s10 =	sld [smem:$0x3FB2];
	_ =	sdelay $0x3  }
0x33: {  	p0 =	seq.s32 s10, $0x1;
	s10 =	sld [smem:$0x3FB4];
	_ =	sdelay $0x3  }
0x34: {  	[smem:$0x3FB4] =	sst s10  }
0x35: {  	s10 =	sld [smem:$0x3FB3];
	_ =	sdelay $0x3  }
0x36: {  	p1 =	seq.s32 s10, $0x1;
	s10 =	sld [smem:$0x3FB4];
	_ =	sdelay $0x3  }
0x37: {  	[smem:$0x3FB4] =	sst s10  }
0x38: {  	s10 =	sld [smem:$0x3FB5]  }
0x39: {  	_ = 	snop;
	(pc) =	sbr.ind lr, $3  }
0x3a: {  	_ = 	snop  }
0x3b: {  	_ = 	snop  }
0x3c: {  	p2 =	seq.s32 s10, $0x1;
	s10 =	sld [smem:$0x3FB4]  }
0x3d: {  	_ =	shalt  }
0x3e: {  	_ =	shalt  }
0x3f: {  	_ =	shalt  }
0x40: {  	_ =	shalt  }
0x41: {  	_ =	shalt  }
0x42: {  	_ =	shalt  }
0x43: {  	_ =	shalt  }
0x44: {  	_ =	shalt  }
0x45: {  	_ =	shalt  }
0x46: {  	_ =	shalt  }
0x47: {  	_ =	shalt  }
0x48: {  	_ =	shalt  }
0x49: {  	_ =	shalt  }
0x4a: {  	_ =	shalt  }
0x4b: {  	_ =	shalt  }
0x4c: {  	_ =	shalt  }
0x4d: {  	_ =	shalt  }
0x4e: {  	_ =	shalt  }
0x4f: {  	_ =	shalt  }
0x50: {  	_ =	shalt  }
0x51: {  	_ =	shalt  }
0x52: {  	_ =	shalt  }
0x53: {  	_ =	shalt  }
0x54: {  	_ =	shalt  }
0x55: {  	_ =	shalt  }
0x56: {  	_ =	shalt  }
0x57: {  	_ =	shalt  }
0x58: {  	_ =	shalt  }
0x59: {  	_ =	shalt  }
0x5a: {  	_ =	shalt  }
0x5b: {  	_ =	shalt  }
0x5c: {  	_ =	shalt  }
0x5d: {  	_ =	shalt  }
0x5e: {  	_ =	shalt  }
0x5f: {  	_ =	shalt  }
0x60: {  	_ =	shalt  }
0x61: {  	_ =	shalt  }
0x62: {  	_ =	shalt  }
0x63: {  	_ =	shalt  }
0x64: {  	_ =	shalt  }
0x65: {  	_ =	shalt  }
0x66: {  	_ =	shalt  }
0x67: {  	_ =	shalt  }
0x68: {  	_ =	shalt  }
0x69: {  	_ =	shalt  }
0x6a: {  	_ =	shalt  }
0x6b: {  	_ =	shalt  }
0x6c: {  	_ =	shalt  }
0x6d: {  	_ =	shalt  }
0x6e: {  	_ =	shalt  }
0x6f: {  	_ =	shalt  }
0x70: {  	_ =	shalt  }
0x71: {  	_ =	shalt  }
0x72: {  	_ =	shalt  }
0x73: {  	_ =	shalt  }
0x74: {  	_ =	shalt  }
0x75: {  	_ =	shalt  }
0x76: {  	_ =	shalt  }
0x77: {  	_ =	shalt  }
0x78: {  	_ =	shalt  }
0x79: {  	_ =	shalt  }
0x7a: {  	_ =	shalt  }
0x7b: {  	_ =	shalt  }
0x7c: {  	_ =	shalt  }
0x7d: {  	_ =	shalt  }
0x7e: {  	_ =	shalt  }
0x7f: {  	_ =	shalt  }
0x80: {  	_ =	shalt  }
0x81: {  	_ =	shalt  }
0x82: {  	_ =	shalt  }
0x83: {  	_ =	shalt  }
0x84: {  	_ =	shalt  }
0x85: {  	_ =	shalt  }
0x86: {  	_ =	shalt  }
0x87: {  	_ =	shalt  }
.Lfunc_end0:
.L_simem_size_0:
called_computation.2_lowered:
.L_overlay_start_0:
0x88: {  	s2 =	sld [smem:$0x3FD9]  }
0x89: {  	s3 =	sld [smem:$0x3FFE];
	_ =	sdelay $0x1  }
0x8a: {  	s1 =	srdreg.scid  }
0x8b: {  	s0 =	sand.u32 $0x1, s1  }
0x8c: {  	s17 =	sshll.u32 s0, $0xA;
	s2 =	sadd.s32 s3, s2  }
0x8d: {  	s2 =	sadd.s32 s2, s17  }
0x8e: {  	[smem:$0x3FC0] =	sst s2  }
0x8f: {  	_ = 	snop  }
0x90: {  	s2 =	sld [smem:$0x3FD0];
	(tm) =	ssettm $0x1  }
0x91: {  	s18 =	sld [smem:$0x3FFB];
	_ =	sdelay $0x3  }
0x92: {  	_ =	strace s18  }
0x93: {  	s3 =	sld [smem:$0x3FFC];
	_ =	sdelay $0x3  }
0x94: {  	_ =	strace s3  }
0x95: {  	s3 =	sld [smem:$0x3FFD];
	_ =	sdelay $0x3  }
0x96: {  	_ =	strace s3  }
0x97: {  	_ =	strace $0x8FFFFFFF  }
0x98: {  	s19 =	sld [smem:$0x3FDB];
	_ =	sdelay $0x1  }
0x99: {  	s4 =	simm.s32 $_scs_section_size  }
0x9a: {  	s5 =	simm.s32 $_size__tile_overlayer_lowered;
	s6 =	simm.s32 $_tile_overlayer_lowered  }
0x9b: {  	s22 =	simm.s32 $0x1BFF;
	s21 =	sshll.u32 s6, $0x1;
	s3 =	sadd.s32 s4, s19  }
0x9c: {  	s7 =	simm.s32 $0x0;
	s20 =	sshll.u32 s5, $0x1;
	s5 =	sadd.s32 s21, s3  }
0x9d: {  	[timem:s7], [sflag:s22] =	dma.local [hbm:s5], s20  }
0x9e: {  	_ =	swait.ge [sflag:s22], s20  }
0x9f: {  	s4 =	ssub.s32 $0x0, s20;
	[sflag:s22] =	ssyncset.done $0x0  }
0xa0: {  	[sflag:s22] =	ssyncadd.s32 s4;
	_ =	sdelay $0x1  }
0xa1: {  	s23 =	simm.s32 $0x1B8B  }
0xa2: {  	_ =	swait.ge [sflag:s23], $0x1  }
0xa3: {  	[sflag:s23] =	ssyncset.done $0x0  }
0xa4: {  	s25 =	simm.s32 $0x1B8E;
	s24 =	sld [smem:$0x3FFE];
	[sflag:s23] =	ssyncadd.s32 $0xFFFFFFFF  }
0xa5: {  	s26 =	simm.s32 $execute0_lowered;
	[smem:$0x3FD2] =	sst s25  }
0xa6: {  	s5 =	sshll.u32 s26, $0x1;
	_ =	strace $0x8000004C;
	[dreg:$0x1] =	wrdreg $0xFFFFFFFF  }
0xa7: {  	s28 =	simm.s32 $_size_execute0_lowered;
	s3 =	sadd.s32 s3, s5;
	[dreg:$0x0] =	wrdreg $0x0  }
0xa8: {  	s5 =	sshll.u32 s28, $0x1;
	[dreg:$0x2] =	wrdreg s3  }
0xa9: {  	[dreg:$0x3] =	wrdreg s5  }
0xaa: {  	[dreg:$0x4] =	wrdreg $0xC0  }
0xab: {  	_ =	task [dreg:s7], $0x5FFFF  }
0xac: {  	[dreg:$0x1] =	wrdreg $0xFFFFFFFF  }
0xad: {  	[dreg:$0x0] =	wrdreg $0x60  }
0xae: {  	[dreg:$0x2] =	wrdreg s24  }
0xaf: {  	[dreg:$0x3] =	wrdreg s2  }
0xb0: {  	[dreg:$0x4] =	wrdreg $0xA8000  }
0xb1: {  	[dreg:$0x5] =	wrdreg $0x9  }
0xb2: {  	_ =	task.clear_ibuf [dreg:s7], $0x6FFFF;
	_ =	strace $0x9000004C  }
0xb3: {  	s29 =	simm.s32 $0x9;
	_ =	strace $0x8000004E  }
0xb4: {  	_ =	swait.ge [sflag:s29], $0x1  }
0xb5: {  	[sflag:s29] =	ssyncadd.s32 $0xFFFFFFFF  }
0xb6: {  	_ =	strace $0x9000004E  }
0xb7: {  	_ =	sfence  }
0xb8: {  	s30 =	sld [smem:$0x0];
	_ =	sdelay $0x2  }
0xb9: {  	s31 =	sshll.u32 s1, $0xD;
	s1 =	sshrl.u32 s1, $0x2  }
0xba: {  	s3 =	sand.u32 $0x4000, s31;
	s1 =	sadd.s32 s1, s30  }
0xbb: {  	s0 =	sor.u32 s3, s0;
	s1 =	sshll.u32 s1, $0x11  }
0xbc: {  	s0 =	sor.u32 s1, s0  }
0xbd: {  	s0 =	sadd.s32 $0x8F2B, s0  }
0xbe: {  	[sflag:s0] =	ssyncadd.remote.s32 $0x1  }
0xbf: {  	_ =	sfence.sel $0xFFFF  }
0xc0: {  	[dreg:$0x0] =	wrdreg $0xFFFFFFFF;
	(pc) =	sbr.abs _section_cstart, $3  }
0xc1: {  	[dreg:$0x1] =	wrdreg $0xFFFFFFFF  }
0xc2: {  	_ =	task.clear_ibuf [dreg:s7], $0x2FFFF;
	_ =	strace $0x9FFFFFFF  }
0xc3: {  	(tm) =	ssettm $0x7FFFFFFF  }
tec
execute0_lowered:
.L_overlay_start_1:
0x0: {  	(tag) =	ssettag $0x1  }
0x1: {  	s0 =	rddreg [dreg:$0x0]  }
0x2: {  	s2 =	rddreg [dreg:$0x1]  }
0x3: {  	s1 =	rddreg [dreg:$0x2]  }
0x4: {  	s3 =	srdreg.scid;
	s11 =	stileid.u32;
	s14 =	simm.s32 $0x7  }
0x5: {  	s15 =	simm.s32 $0x1400;
	s16 =	simm.s32 $0x40;
	s17 =	simm.s32 $0x2800  }
0x6: {  	s18 =	simm.s32 $0x4800;
	s19 =	simm.s32 $0x80;
	s28 =	simm.s32 $0x5  }
0x7: {  	s29 =	simm.s32 $0x6;
	s30 =	simm.s32 $0x2700;
	s31 =	simm.s32 $0x2780  }
0x8: {  	s5 =	sand.u32 $0x1, s3;
	s3 =	simm.s32 $0x0;
	s7 =	smul.u32 $0x13C00, s11  }
0x9: {  	s4 =	sadd.s32 $0x5800, s0;
	s9 =	sadd.s32 $0x55000, s0;
	s8 =	sadd.s32 $0x3000, s0  }
0xa: {  	s20 =	sshll.u32 s11, $0x1;
	s22 =	smul.u32 $0x4F000, s11;
	s24 =	sshll.u32 s11, $0x6  }
0xb: {  	s6 =	smul.u32 $0x13C000, s5;
	[smem:$0x7FF] =	sst s3;
	s21 =	ssub.s32 $0x2, s5  }
0xc: {  	s5 =	sor.u32 s5, s20;
	s20 =	simm.s32 $0x6800;
	_ =	strace $0x8000004D  }
0xd: {  	[dreg:$0x4] =	wrdreg s8;
	s10 =	sshrl.u32 s21, $0x1;
	s5 =	smul.u32 $0x2800, s5  }
0xe: {  	s23 =	sshrl.u32 s22, $0x2;
	s22 =	simm.s32 $0x8800;
	s6 =	sadd.s32 s7, s6  }
0xf: {  	s12 =	ssub.s32 s21, s10;
	s13 =	sadd.s32 s23, s1;
	s21 =	simm.s32 $0xC0  }
0x10: {  	s23 =	simm.s32 $0x1;
	s6 =	sshrl.u32 s6, $0x3;
	s5 =	sshrl.u32 s5, $0x3  }
0x11: {  	s12 =	smax.u32 s12, $0x1;
	s13 =	sshrl.u32 s13, $0x3;
	s0 =	sadd.s32 s6, s0  }
0x12: {  	s6 =	sor.u32 $0x1C07, s24;
	s25 =	sadd.s32 s9, s5;
	s26 =	sadd.s32 $0x280, s5  }
0x13: {  	s8 =	sadd.s32 s2, s5;
	s24 =	simm.s32 $0x2;
	[dreg:$0x5] =	wrdreg s25  }
0x14: {  	s9 =	sadd.s32 s9, s26;
	s10 =	sadd.s32 s2, s26;
	s11 =	sadd.s32 $0x5F000, s0  }
0x15: {  	s25 =	simm.s32 $0x3;
	s26 =	simm.s32 $0x4;
	s0 =	simm.s32 $0x0  }
.LBB2_1:
0x16: {  	s2 =	rddreg [dreg:$0x4]  }
0x17: {  	[spmem:s13], [sflag:s6] =	dma.local [hbm:s2], $0x2780  }
0x18: {  	_ =	swait.ge [sflag:s14], $0x2780  }
0x19: {  	[sflag:s14] =	ssyncset.done $0x0  }
0x1a: {  	[sflag:s14] =	ssyncadd.s32 $0xFFFFD880  }
0x1b: {  	[bflag:$0x0] =	sbarrier.arrive $0xFFFF  }
0x1c: {  	s5 =	rddreg [dreg:$0x5]  }
0x1d: {  	[tilespmem:s3], [sflag:$0x7] =	stream.linear.gather [hbm4b:s5+s3], $0x1400, $0x38;
	[tilespmem:$0x1E400] =	vst v63  }
0x1e: {  	_ =	swait.ge [sflag:s14], $0x1400  }
0x1f: {  	[sflag:s14] =	ssyncset.done $0x0  }
0x20: {  	[sflag:s14] =	ssyncadd.s32 $0xFFFFEC00  }
0x21: {  	[tilespmem:s15], [sflag:$0x7] =	stream.linear.gather [hbm4b:s8+s3], $0x1400, $0x38;
	[tilespmem:$0x1E400] =	vst v63  }
0x22: {  	_ =	swait.ge [sflag:s14], $0x1400  }
0x23: {  	[sflag:s14] =	ssyncset.done $0x0  }
0x24: {  	[sflag:s14] =	ssyncadd.s32 $0xFFFFEC00  }
0x25: {  	[tilespmem:s17], [sflag:$0x1] =	stream.indirect.gather [hbm4b:s4+s16], $0x80, s3, s16, $0xb8;
	[tilespmem:$0x1E400] =	vst v63  }
0x26: {  	_ = 	snop  }
0x27: {  	[tilespmem:s18], [sflag:$0x2] =	stream.indirect.gather [hbm4b:s4+s16], $0x80, s16, s16, $0xb8;
	[tilespmem:$0x1E400] =	vst v63  }
0x28: {  	_ = 	snop  }
0x29: {  	[tilespmem:s20], [sflag:$0x3] =	stream.indirect.gather [hbm4b:s4+s16], $0x80, s19, s16, $0xb8;
	[tilespmem:$0x1E400] =	vst v63  }
0x2a: {  	_ = 	snop  }
0x2b: {  	[tilespmem:s22], [sflag:$0x4] =	stream.indirect.gather [hbm4b:s4+s16], $0x80, s21, s16, $0xb8;
	[tilespmem:$0x1E400] =	vst v63  }
0x2c: {  	_ =	swait.ge [sflag:s23], $0x2000  }
0x2d: {  	[sflag:s23] =	ssyncset.done $0x0  }
0x2e: {  	[sflag:s23] =	ssyncadd.s32 $0xFFFFE000  }
0x2f: {  	_ =	swait.ge [sflag:s24], $0x2000  }
0x30: {  	[sflag:s24] =	ssyncset.done $0x0  }
0x31: {  	s7 =	simm.s32 $0x1400;
	[sflag:s24] =	ssyncadd.s32 $0xFFFFE000  }
0x32: {  	[spmem:s1] =	stream.indirect.scatter.add.f32 [tilespmem:s17], [sflag:$0x5], $0x80, s7, s19, $0xb8;
	[tilespmem:$0x1E400] =	vst v63  }
0x33: {  	_ =	swait.ge [sflag:s25], $0x2000  }
0x34: {  	[sflag:s25] =	ssyncset.done $0x0  }
0x35: {  	[sflag:s25] =	ssyncadd.s32 $0xFFFFE000  }
0x36: {  	_ =	swait.ge [sflag:s26], $0x2000  }
0x37: {  	[sflag:s26] =	ssyncset.done $0x0  }
0x38: {  	s5 =	simm.s32 $0x1480;
	[sflag:s26] =	ssyncadd.s32 $0xFFFFE000  }
0x39: {  	[spmem:s1] =	stream.indirect.scatter.add.f32 [tilespmem:s20], [sflag:$0x6], $0x80, s5, s19, $0xb8;
	[tilespmem:$0x1E400] =	vst v63  }
0x3a: {  	_ =	swait.ge [sflag:s28], $0x4000  }
0x3b: {  	[sflag:s28] =	ssyncset.done $0x0  }
0x3c: {  	s7 =	simm.s32 $0x100;
	[sflag:s28] =	ssyncadd.s32 $0xFFFFC000  }
0x3d: {  	[tilespmem:s17], [sflag:$0x1] =	stream.indirect.gather [hbm4b:s4+s16], $0x80, s7, s16, $0xb8;
	[tilespmem:$0x1E400] =	vst v63  }
0x3e: {  	s5 =	simm.s32 $0x140  }
0x3f: {  	[tilespmem:s18], [sflag:$0x2] =	stream.indirect.gather [hbm4b:s4+s16], $0x80, s5, s16, $0xb8;
	[tilespmem:$0x1E400] =	vst v63  }
0x40: {  	_ =	swait.ge [sflag:s29], $0x4000  }
0x41: {  	s2 =	simm.s32 $0x400;
	[sflag:s29] =	ssyncset.done $0x0  }
0x42: {  	s7 =	simm.s32 $0x180;
	s5 =	simm.s32 $0x1C0;
	[sflag:s29] =	ssyncadd.s32 $0xFFFFC000  }
0x43: {  	[tilespmem:s20], [sflag:$0x3] =	stream.indirect.gather [hbm4b:s4+s16], $0x80, s7, s16, $0xb8;
	[tilespmem:$0x1E400] =	vst v63  }
.LBB2_2:
0x44: {  	[tilespmem:s22], [sflag:$0x4] =	stream.indirect.gather [hbm4b:s4+s16], $0x80, s5, s16, $0xb8;
	[tilespmem:$0x1E400] =	vst v63  }
0x45: {  	s5 =	smov.u32 s2  }
0x46: {  	p0 =	sne.s32 s2, $0x4800;
	s2 =	sadd.s32 $0x400, s2;
	_ =	swait.ge [sflag:s23], $0x2000  }
0x47: {  	[sflag:s23] =	ssyncset.done $0x0  }
0x48: {  	[sflag:s23] =	ssyncadd.s32 $0xFFFFE000  }
0x49: {  	_ =	swait.ge [sflag:s24], $0x2000  }
0x4a: {  	s5 =	sshra.s32 s5, $0x2;
	[sflag:s24] =	ssyncset.done $0x0  }
0x4b: {  	s7 =	sadd.s32 $0x1400, s5;
	[sflag:s24] =	ssyncadd.s32 $0xFFFFE000  }
0x4c: {  	[spmem:s1] =	stream.indirect.scatter.add.f32 [tilespmem:s17], [sflag:$0x5], $0x80, s7, s19, $0xb8;
	[tilespmem:$0x1E400] =	vst v63  }
0x4d: {  	_ =	swait.ge [sflag:s25], $0x2000  }
0x4e: {  	[sflag:s25] =	ssyncset.done $0x0  }
0x4f: {  	[sflag:s25] =	ssyncadd.s32 $0xFFFFE000  }
0x50: {  	_ =	swait.ge [sflag:s26], $0x2000  }
0x51: {  	[sflag:s26] =	ssyncset.done $0x0  }
0x52: {  	s7 =	sadd.s32 $0x1480, s5;
	[sflag:s26] =	ssyncadd.s32 $0xFFFFE000  }
0x53: {  	[spmem:s1] =	stream.indirect.scatter.add.f32 [tilespmem:s20], [sflag:$0x6], $0x80, s7, s19, $0xb8;
	[tilespmem:$0x1E400] =	vst v63  }
0x54: {  	_ =	swait.ge [sflag:s28], $0x4000  }
0x55: {  	[sflag:s28] =	ssyncset.done $0x0  }
0x56: {  	s7 =	sadd.s32 $0x100, s5;
	[sflag:s28] =	ssyncadd.s32 $0xFFFFC000  }
0x57: {  	[tilespmem:s17], [sflag:$0x1] =	stream.indirect.gather [hbm4b:s4+s16], $0x80, s7, s16, $0xb8;
	[tilespmem:$0x1E400] =	vst v63  }
0x58: {  	s7 =	sadd.s32 $0x140, s5  }
0x59: {  	[tilespmem:s18], [sflag:$0x2] =	stream.indirect.gather [hbm4b:s4+s16], $0x80, s7, s16, $0xb8;
	[tilespmem:$0x1E400] =	vst v63  }
.Ltmp0:
0x5a: {  	_ =	swait.ge [sflag:s29], $0x4000;
	(pc) =	sbr.rel @p0 .LBB2_2-.Ltmp0, $4  }
0x5b: {  	[sflag:s29] =	ssyncset.done $0x0  }
0x5c: {  	s7 =	sadd.s32 $0x180, s5;
	[sflag:s29] =	ssyncadd.s32 $0xFFFFC000  }
0x5d: {  	[tilespmem:s20], [sflag:$0x3] =	stream.indirect.gather [hbm4b:s4+s16], $0x80, s7, s16, $0xb8;
	[tilespmem:$0x1E400] =	vst v63  }
0x5e: {  	s5 =	sadd.s32 $0x1C0, s5  }
0x5f: {  	[tilespmem:s22], [sflag:$0x4] =	stream.indirect.gather [hbm4b:s4+s16], $0x80, s5, s16, $0xb8;
	[tilespmem:$0x1E400] =	vst v63  }
0x60: {  	_ =	swait.ge [sflag:s23], $0x2000  }
0x61: {  	[sflag:s23] =	ssyncset.done $0x0  }
0x62: {  	[sflag:s23] =	ssyncadd.s32 $0xFFFFE000  }
0x63: {  	_ =	swait.ge [sflag:s24], $0x2000  }
0x64: {  	[sflag:s24] =	ssyncset.done $0x0  }
0x65: {  	[sflag:s24] =	ssyncadd.s32 $0xFFFFE000  }
0x66: {  	[spmem:s1] =	stream.indirect.scatter.add.f32 [tilespmem:s17], [sflag:$0x7], $0x80, s30, s19, $0xb8;
	[tilespmem:$0x1E400] =	vst v63  }
0x67: {  	_ =	swait.ge [sflag:s14], $0x4000  }
0x68: {  	[sflag:s14] =	ssyncset.done $0x0  }
0x69: {  	[sflag:s14] =	ssyncadd.s32 $0xFFFFC000  }
0x6a: {  	_ =	swait.ge [sflag:s25], $0x2000  }
0x6b: {  	[sflag:s25] =	ssyncset.done $0x0  }
0x6c: {  	[sflag:s25] =	ssyncadd.s32 $0xFFFFE000  }
0x6d: {  	_ =	swait.ge [sflag:s26], $0x2000  }
0x6e: {  	[sflag:s26] =	ssyncset.done $0x0  }
0x6f: {  	[sflag:s26] =	ssyncadd.s32 $0xFFFFE000  }
0x70: {  	[spmem:s1] =	stream.indirect.scatter.add.f32 [tilespmem:s20], [sflag:$0x7], $0x80, s31, s19, $0xb8;
	[tilespmem:$0x1E400] =	vst v63  }
0x71: {  	_ =	swait.ge [sflag:s14], $0x4000  }
0x72: {  	[sflag:s14] =	ssyncset.done $0x0  }
0x73: {  	s2 =	simm.s32 $0x0;
	[sflag:s14] =	ssyncadd.s32 $0xFFFFC000  }
0x74: {  	[tilespmem:s2], [sflag:$0x7] =	stream.linear.gather [hbm4b:s9+s2], $0x1400, $0x38;
	[tilespmem:$0x1E400] =	vst v63  }
0x75: {  	_ =	swait.ge [sflag:s14], $0x1400  }
0x76: {  	[sflag:s14] =	ssyncset.done $0x0  }
0x77: {  	[sflag:s14] =	ssyncadd.s32 $0xFFFFEC00  }
0x78: {  	[tilespmem:s15], [sflag:$0x7] =	stream.linear.gather [hbm4b:s10+s2], $0x1400, $0x38;
	[tilespmem:$0x1E400] =	vst v63  }
0x79: {  	_ =	swait.ge [sflag:s14], $0x1400  }
0x7a: {  	[sflag:s14] =	ssyncset.done $0x0  }
0x7b: {  	[sflag:s14] =	ssyncadd.s32 $0xFFFFEC00  }
0x7c: {  	[tilespmem:s17], [sflag:$0x1] =	stream.indirect.gather [hbm4b:s4+s16], $0x80, s2, s16, $0xb8;
	[tilespmem:$0x1E400] =	vst v63  }
0x7d: {  	_ = 	snop  }
0x7e: {  	[tilespmem:s18], [sflag:$0x2] =	stream.indirect.gather [hbm4b:s4+s16], $0x80, s16, s16, $0xb8;
	[tilespmem:$0x1E400] =	vst v63  }
0x7f: {  	_ = 	snop  }
0x80: {  	[tilespmem:s20], [sflag:$0x3] =	stream.indirect.gather [hbm4b:s4+s16], $0x80, s19, s16, $0xb8;
	[tilespmem:$0x1E400] =	vst v63  }
0x81: {  	_ = 	snop  }
0x82: {  	[tilespmem:s22], [sflag:$0x4] =	stream.indirect.gather [hbm4b:s4+s16], $0x80, s21, s16, $0xb8;
	[tilespmem:$0x1E400] =	vst v63  }
0x83: {  	_ =	swait.ge [sflag:s23], $0x2000  }
0x84: {  	[sflag:s23] =	ssyncset.done $0x0  }
0x85: {  	[sflag:s23] =	ssyncadd.s32 $0xFFFFE000  }
0x86: {  	_ =	swait.ge [sflag:s24], $0x2000  }
0x87: {  	[sflag:s24] =	ssyncset.done $0x0  }
0x88: {  	s7 =	simm.s32 $0x1400;
	[sflag:s24] =	ssyncadd.s32 $0xFFFFE000  }
0x89: {  	[spmem:s1] =	stream.indirect.scatter.add.f32 [tilespmem:s17], [sflag:$0x5], $0x80, s7, s19, $0xb8;
	[tilespmem:$0x1E400] =	vst v63  }
0x8a: {  	_ =	swait.ge [sflag:s25], $0x2000  }
0x8b: {  	[sflag:s25] =	ssyncset.done $0x0  }
0x8c: {  	[sflag:s25] =	ssyncadd.s32 $0xFFFFE000  }
0x8d: {  	_ =	swait.ge [sflag:s26], $0x2000  }
0x8e: {  	[sflag:s26] =	ssyncset.done $0x0  }
0x8f: {  	s5 =	simm.s32 $0x1480;
	[sflag:s26] =	ssyncadd.s32 $0xFFFFE000  }
0x90: {  	[spmem:s1] =	stream.indirect.scatter.add.f32 [tilespmem:s20], [sflag:$0x6], $0x80, s5, s19, $0xb8;
	[tilespmem:$0x1E400] =	vst v63  }
0x91: {  	_ =	swait.ge [sflag:s28], $0x4000  }
0x92: {  	[sflag:s28] =	ssyncset.done $0x0  }
0x93: {  	s7 =	simm.s32 $0x100;
	[sflag:s28] =	ssyncadd.s32 $0xFFFFC000  }
0x94: {  	[tilespmem:s17], [sflag:$0x1] =	stream.indirect.gather [hbm4b:s4+s16], $0x80, s7, s16, $0xb8;
	[tilespmem:$0x1E400] =	vst v63  }
0x95: {  	s5 =	simm.s32 $0x140  }
0x96: {  	[tilespmem:s18], [sflag:$0x2] =	stream.indirect.gather [hbm4b:s4+s16], $0x80, s5, s16, $0xb8;
	[tilespmem:$0x1E400] =	vst v63  }
0x97: {  	_ =	swait.ge [sflag:s29], $0x4000  }
0x98: {  	s2 =	simm.s32 $0x400;
	[sflag:s29] =	ssyncset.done $0x0  }
0x99: {  	s7 =	simm.s32 $0x180;
	s5 =	simm.s32 $0x1C0;
	[sflag:s29] =	ssyncadd.s32 $0xFFFFC000  }
0x9a: {  	[tilespmem:s20], [sflag:$0x3] =	stream.indirect.gather [hbm4b:s4+s16], $0x80, s7, s16, $0xb8;
	[tilespmem:$0x1E400] =	vst v63  }
.LBB2_4:
0x9b: {  	[tilespmem:s22], [sflag:$0x4] =	stream.indirect.gather [hbm4b:s4+s16], $0x80, s5, s16, $0xb8;
	[tilespmem:$0x1E400] =	vst v63  }
0x9c: {  	s5 =	smov.u32 s2  }
0x9d: {  	p0 =	sne.s32 s2, $0x4800;
	s2 =	sadd.s32 $0x400, s2;
	_ =	swait.ge [sflag:s23], $0x2000  }
0x9e: {  	[sflag:s23] =	ssyncset.done $0x0  }
0x9f: {  	[sflag:s23] =	ssyncadd.s32 $0xFFFFE000  }
0xa0: {  	_ =	swait.ge [sflag:s24], $0x2000  }
0xa1: {  	s5 =	sshra.s32 s5, $0x2;
	[sflag:s24] =	ssyncset.done $0x0  }
0xa2: {  	s7 =	sadd.s32 $0x1400, s5;
	[sflag:s24] =	ssyncadd.s32 $0xFFFFE000  }
0xa3: {  	[spmem:s1] =	stream.indirect.scatter.add.f32 [tilespmem:s17], [sflag:$0x5], $0x80, s7, s19, $0xb8;
	[tilespmem:$0x1E400] =	vst v63  }
0xa4: {  	_ =	swait.ge [sflag:s25], $0x2000  }
0xa5: {  	[sflag:s25] =	ssyncset.done $0x0  }
0xa6: {  	[sflag:s25] =	ssyncadd.s32 $0xFFFFE000  }
0xa7: {  	_ =	swait.ge [sflag:s26], $0x2000  }
0xa8: {  	[sflag:s26] =	ssyncset.done $0x0  }
0xa9: {  	s7 =	sadd.s32 $0x1480, s5;
	[sflag:s26] =	ssyncadd.s32 $0xFFFFE000  }
0xaa: {  	[spmem:s1] =	stream.indirect.scatter.add.f32 [tilespmem:s20], [sflag:$0x6], $0x80, s7, s19, $0xb8;
	[tilespmem:$0x1E400] =	vst v63  }
0xab: {  	_ =	swait.ge [sflag:s28], $0x4000  }
0xac: {  	[sflag:s28] =	ssyncset.done $0x0  }
0xad: {  	s7 =	sadd.s32 $0x100, s5;
	[sflag:s28] =	ssyncadd.s32 $0xFFFFC000  }
0xae: {  	[tilespmem:s17], [sflag:$0x1] =	stream.indirect.gather [hbm4b:s4+s16], $0x80, s7, s16, $0xb8;
	[tilespmem:$0x1E400] =	vst v63  }
0xaf: {  	s7 =	sadd.s32 $0x140, s5  }
0xb0: {  	[tilespmem:s18], [sflag:$0x2] =	stream.indirect.gather [hbm4b:s4+s16], $0x80, s7, s16, $0xb8;
	[tilespmem:$0x1E400] =	vst v63  }
.Ltmp1:
0xb1: {  	_ =	swait.ge [sflag:s29], $0x4000;
	(pc) =	sbr.rel @p0 .LBB2_4-.Ltmp1, $4  }
0xb2: {  	[sflag:s29] =	ssyncset.done $0x0  }
0xb3: {  	s7 =	sadd.s32 $0x180, s5;
	[sflag:s29] =	ssyncadd.s32 $0xFFFFC000  }
0xb4: {  	[tilespmem:s20], [sflag:$0x3] =	stream.indirect.gather [hbm4b:s4+s16], $0x80, s7, s16, $0xb8;
	[tilespmem:$0x1E400] =	vst v63  }
0xb5: {  	s5 =	sadd.s32 $0x1C0, s5  }
0xb6: {  	[tilespmem:s22], [sflag:$0x4] =	stream.indirect.gather [hbm4b:s4+s16], $0x80, s5, s16, $0xb8;
	[tilespmem:$0x1E400] =	vst v63  }
0xb7: {  	_ =	swait.ge [sflag:s23], $0x2000  }
0xb8: {  	[sflag:s23] =	ssyncset.done $0x0  }
0xb9: {  	[sflag:s23] =	ssyncadd.s32 $0xFFFFE000  }
0xba: {  	_ =	swait.ge [sflag:s24], $0x2000  }
0xbb: {  	[sflag:s24] =	ssyncset.done $0x0  }
0xbc: {  	[sflag:s24] =	ssyncadd.s32 $0xFFFFE000  }
0xbd: {  	[spmem:s1] =	stream.indirect.scatter.add.f32 [tilespmem:s17], [sflag:$0x7], $0x80, s30, s19, $0xb8;
	[tilespmem:$0x1E400] =	vst v63  }
0xbe: {  	_ =	swait.ge [sflag:s14], $0x4000  }
0xbf: {  	[sflag:s14] =	ssyncset.done $0x0  }
0xc0: {  	[sflag:s14] =	ssyncadd.s32 $0xFFFFC000  }
0xc1: {  	_ =	swait.ge [sflag:s25], $0x2000  }
0xc2: {  	[sflag:s25] =	ssyncset.done $0x0  }
0xc3: {  	[sflag:s25] =	ssyncadd.s32 $0xFFFFE000  }
0xc4: {  	_ =	swait.ge [sflag:s26], $0x2000  }
0xc5: {  	[sflag:s26] =	ssyncset.done $0x0  }
0xc6: {  	[sflag:s26] =	ssyncadd.s32 $0xFFFFE000  }
0xc7: {  	[spmem:s1] =	stream.indirect.scatter.add.f32 [tilespmem:s20], [sflag:$0x7], $0x80, s31, s19, $0xb8;
	[tilespmem:$0x1E400] =	vst v63  }
0xc8: {  	_ =	swait.ge [sflag:s14], $0x4000  }
0xc9: {  	s0 =	sadd.s32 $0x1, s0;
	[sflag:s14] =	ssyncset.done $0x0  }
0xca: {  	p0 =	sne.s32 s0, s12;
	[sflag:s14] =	ssyncadd.s32 $0xFFFFC000  }
.Ltmp2:
0xcb: {  	[bflag:$0x0] =	sbarrier.arrive $0xFFFF;
	(pc) =	sbr.rel @p0 .LBB2_1-.Ltmp2, $4  }
0xcc: {  	[hbm:s11], [sflag:s6] =	dma.local [spmem:s13], $0x2780  }
0xcd: {  	_ =	swait.ge [sflag:s14], $0x2780  }
0xce: {  	[sflag:s14] =	ssyncset.done $0x0  }
0xcf: {  	[sflag:s14] =	ssyncadd.s32 $0xFFFFD880  }
0xd0: {  	_ =	sfence.sel $0x180000  }
0xd1: {  	[bflag:$0x0] =	sbarrier.arrive $0xFFFF  }
0xd2: {  	_ =	strace $0x9000004D  }
0xd3: {  	s0 =	stileid.u32;
	[bflag:$0x2] =	sbarrier.arrive $0xFFFF  }
0xd4: {  	p0 =	sne.s32 s0, $0x0;
	s0 =	rddreg [dreg:$0x3]  }
0xd5: {  	s0 =	sadd.s32 @!p0 $0x100000, s0  }
0xd6: {  	[sflag:s0] =	ssyncadd.tile.s32 @!p0 $0x1;
	_ =	shalt  }
.Lfunc_end2:
_tile_overlayer_lowered:
.L_overlay_start_2:
0xd7: {  	(tag) =	ssettag $0x2  }
0xd8: {  	s0 =	rddreg [dreg:$0x0];
	s2 =	stileid.u32  }
0xd9: {  	s1 =	rddreg [dreg:$0x1];
	p0 =	sne.s32 s2, $0x0  }
0xda: {  	s3 =	rddreg [dreg:$0x2];
	[bflag:$0x3] =	sbarrier.arrive $0xFFFF;
	s2 =	simm.s32 @!p0 $0x1C07  }
0xdb: {  	[timem:s3], [sflag:s2] =	dma.local @!p0 [hbm:s0], s1  }
0xdc: {  	s0 =	simm.s32 @!p0 $0x7  }
0xdd: {  	_ =	swait.ge @!p0 [sflag:s0], s1  }
0xde: {  	s1 =	ssub.s32 @!p0 $0x0, s1;
	[sflag:s0] =	ssyncset.done @!p0 $0x0  }
0xdf: {  	[sflag:s0] =	ssyncadd.s32 @!p0 s1  }
0xe0: {  	[bflag:$0x3] =	sbarrier.arrive $0xFFFF  }
0xe1: {  	_ =	shalt  }

// kernel: kernel.20.cloned.1.call-start
scs
__scs_entry_jumppad:
0x0: {  	(pc) =	sbr.rel $0x88, $3  }
0x1: {  	(tag) =	ssettag $0x0;
	lr =	simm.s32 $0x1  }
0x2: {  	[smem:$0x3F99] =	sst lr;
	_ =	strace $0xD0000000  }
0x3: {  	_ = 	snop  }
0x4: {  	_ = 	snop  }
0x5: {  	_ = 	snop  }
0x6: {  	_ = 	snop  }
0x7: {  	_ = 	snop  }
__scs_overlays_trampoline_lowered:
0x8: {  	[smem:$0x3FA8] =	sst s0  }
0x9: {  	[smem:$0x3FA9] =	sst s1  }
0xa: {  	[smem:$0x3FAA] =	sst s2  }
0xb: {  	[smem:$0x3FAB] =	sst s3  }
0xc: {  	[smem:$0x3FAC] =	sst s4  }
0xd: {  	[smem:$0x3FAD] =	sst s5  }
0xe: {  	[smem:$0x3FAE] =	sst s6  }
0xf: {  	[smem:$0x3FAF] =	sst s7  }
0x10: {  	[smem:$0x3FB0] =	sst s8  }
0x11: {  	[smem:$0x3FB1] =	sst s9;
	s0 =	simm.s32 @!p0 $0x0  }
0x12: {  	s1 =	sld [smem:$0x3F97];
	s0 =	simm.s32 @p0 $0x1  }
0x13: {  	[smem:$0x3FB2] =	sst s0;
	s0 =	simm.s32 @!p1 $0x0  }
0x14: {  	s2 =	sld [smem:$0x3F96];
	s0 =	simm.s32 @p1 $0x1  }
0x15: {  	[smem:$0x3FB3] =	sst s0;
	s0 =	simm.s32 @!p2 $0x0  }
0x16: {  	s3 =	sld [smem:$0x3FDB];
	s0 =	simm.s32 @p2 $0x1  }
0x17: {  	s4 =	simm.s32 $0x1BF5;
	[smem:$0x3FB5] =	sst s0  }
0x18: {  	s0 =	sld [smem:$0x3F98];
	_ =	swait.ge [sflag:s4], $0x0  }
0x19: {  	s7 =	sld [smem:$0x3F99]  }
0x1a: {  	s8 =	sadd.s32 $0xFFFFE003, lr  }
0x1b: {  	s9 =	sadd.s32 $0xFFFFFEF7, lr;
	s5 =	simm.s32 $0xFFFFFFFF;
	p2 =	slt.u32 s8, $0xFFFFF086  }
0x1c: {  	p1 =	slt.u32 s9, $0xF7A;
	s5 =	simm.s32 @!p2 $0x0  }
0x1d: {  	s5 =	simm.s32 @p1 $0x1;
	p0 =	seq.s32 s7, s2  }
0x1e: {  	s7 =	smul.u32 @!p0 $0xF7A, s2;
	p2 =	seq.s32 @!p0 s5, $0x0  }
0x1f: {  	s9 =	smul.u32 $0xF7A, s1;
	s8 =	simm.s32 @!p0 $0x1BF5;
	p2 =	por !p2, p0  }
0x20: {  	[sflag:s8] =	ssyncset.s32 @!p0 $0xFFFFF086;
	s6 =	sadd.s32 @!p0 s3, s7;
	s7 =	simm.s32 @!p0 $0x108  }
0x21: {  	s3 =	sadd.s32 s3, s9;
	s6 =	sadd.s32 @!p0 $0x88, s6;
	s7 =	simm.s32 @p2 $0x1082  }
0x22: {  	[simem:s7], [sflag:s8] =	dma.local @!p0 [hbm:s6], $0xF7A  }
0x23: {  	s9 =	sor.u32 $0xD0000000, s2;
	s6 =	simm.s32 $0x108;
	_ =	swait.ge @!p0 [sflag:s8], $0x0  }
0x24: {  	s3 =	sadd.s32 $0x88, s3;
	s6 =	simm.s32 @!p1 $0x1082;
	[sflag:s4] =	ssyncset.s32 $0xFFFFF086  }
0x25: {  	[simem:s6], [sflag:s4] =	dma.local [hbm:s3], $0xF7A  }
0x26: {  	[smem:$0x3F99] =	sst s1;
	(tag) =	ssettag s2;
	_ =	strace s9  }
0x27: {  	s1 =	sld [smem:$0x3FA9]  }
0x28: {  	s2 =	sld [smem:$0x3FAA]  }
0x29: {  	s4 =	sld [smem:$0x3FAC]  }
0x2a: {  	p0 =	seq.s32 s5, $0x0;
	s5 =	sld [smem:$0x3FAD]  }
0x2b: {  	s6 =	sld [smem:$0x3FAE]  }
0x2c: {  	s7 =	sld [smem:$0x3FAF]  }
0x2d: {  	s3 =	simm.s32 $0x108;
	s8 =	sld [smem:$0x3FB0]  }
0x2e: {  	s3 =	simm.s32 @!p0 $0x1082;
	s9 =	sld [smem:$0x3FB1]  }
0x2f: {  	lr =	sadd.s32 s0, s3;
	s0 =	sld [smem:$0x3FA8]  }
0x30: {  	s3 =	sld [smem:$0x3FAB]  }
0x31: {  	[smem:$0x3FB4] =	sst s10  }
0x32: {  	s10 =	sld [smem:$0x3FB2];
	_ =	sdelay $0x3  }
0x33: {  	p0 =	seq.s32 s10, $0x1;
	s10 =	sld [smem:$0x3FB4];
	_ =	sdelay $0x3  }
0x34: {  	[smem:$0x3FB4] =	sst s10  }
0x35: {  	s10 =	sld [smem:$0x3FB3];
	_ =	sdelay $0x3  }
0x36: {  	p1 =	seq.s32 s10, $0x1;
	s10 =	sld [smem:$0x3FB4];
	_ =	sdelay $0x3  }
0x37: {  	[smem:$0x3FB4] =	sst s10  }
0x38: {  	s10 =	sld [smem:$0x3FB5]  }
0x39: {  	_ = 	snop;
	(pc) =	sbr.ind lr, $3  }
0x3a: {  	_ = 	snop  }
0x3b: {  	_ = 	snop  }
0x3c: {  	p2 =	seq.s32 s10, $0x1;
	s10 =	sld [smem:$0x3FB4]  }
0x3d: {  	_ =	shalt  }
0x3e: {  	_ =	shalt  }
0x3f: {  	_ =	shalt  }
0x40: {  	_ =	shalt  }
0x41: {  	_ =	shalt  }
0x42: {  	_ =	shalt  }
0x43: {  	_ =	shalt  }
0x44: {  	_ =	shalt  }
0x45: {  	_ =	shalt  }
0x46: {  	_ =	shalt  }
0x47: {  	_ =	shalt  }
0x48: {  	_ =	shalt  }
0x49: {  	_ =	shalt  }
0x4a: {  	_ =	shalt  }
0x4b: {  	_ =	shalt  }
0x4c: {  	_ =	shalt  }
0x4d: {  	_ =	shalt  }
0x4e: {  	_ =	shalt  }
0x4f: {  	_ =	shalt  }
0x50: {  	_ =	shalt  }
0x51: {  	_ =	shalt  }
0x52: {  	_ =	shalt  }
0x53: {  	_ =	shalt  }
0x54: {  	_ =	shalt  }
0x55: {  	_ =	shalt  }
0x56: {  	_ =	shalt  }
0x57: {  	_ =	shalt  }
0x58: {  	_ =	shalt  }
0x59: {  	_ =	shalt  }
0x5a: {  	_ =	shalt  }
0x5b: {  	_ =	shalt  }
0x5c: {  	_ =	shalt  }
0x5d: {  	_ =	shalt  }
0x5e: {  	_ =	shalt  }
0x5f: {  	_ =	shalt  }
0x60: {  	_ =	shalt  }
0x61: {  	_ =	shalt  }
0x62: {  	_ =	shalt  }
0x63: {  	_ =	shalt  }
0x64: {  	_ =	shalt  }
0x65: {  	_ =	shalt  }
0x66: {  	_ =	shalt  }
0x67: {  	_ =	shalt  }
0x68: {  	_ =	shalt  }
0x69: {  	_ =	shalt  }
0x6a: {  	_ =	shalt  }
0x6b: {  	_ =	shalt  }
0x6c: {  	_ =	shalt  }
0x6d: {  	_ =	shalt  }
0x6e: {  	_ =	shalt  }
0x6f: {  	_ =	shalt  }
0x70: {  	_ =	shalt  }
0x71: {  	_ =	shalt  }
0x72: {  	_ =	shalt  }
0x73: {  	_ =	shalt  }
0x74: {  	_ =	shalt  }
0x75: {  	_ =	shalt  }
0x76: {  	_ =	shalt  }
0x77: {  	_ =	shalt  }
0x78: {  	_ =	shalt  }
0x79: {  	_ =	shalt  }
0x7a: {  	_ =	shalt  }
0x7b: {  	_ =	shalt  }
0x7c: {  	_ =	shalt  }
0x7d: {  	_ =	shalt  }
0x7e: {  	_ =	shalt  }
0x7f: {  	_ =	shalt  }
0x80: {  	_ =	shalt  }
0x81: {  	_ =	shalt  }
0x82: {  	_ =	shalt  }
0x83: {  	_ =	shalt  }
0x84: {  	_ =	shalt  }
0x85: {  	_ =	shalt  }
0x86: {  	_ =	shalt  }
0x87: {  	_ =	shalt  }
.Lfunc_end0:
.L_simem_size_0:
called_computation.3_lowered:
.L_overlay_start_0:
0x88: {  	s2 =	sld [smem:$0x3FD9]  }
0x89: {  	s3 =	sld [smem:$0x3FFE];
	_ =	sdelay $0x1  }
0x8a: {  	s1 =	srdreg.scid  }
0x8b: {  	s0 =	sand.u32 $0x1, s1  }
0x8c: {  	s17 =	sshll.u32 s0, $0xA;
	s2 =	sadd.s32 s3, s2  }
0x8d: {  	s2 =	sadd.s32 s2, s17  }
0x8e: {  	[smem:$0x3FC0] =	sst s2  }
0x8f: {  	_ = 	snop  }
0x90: {  	s2 =	sld [smem:$0x3FD0];
	(tm) =	ssettm $0x1  }
0x91: {  	s18 =	sld [smem:$0x3FFB];
	_ =	sdelay $0x3  }
0x92: {  	_ =	strace s18  }
0x93: {  	s3 =	sld [smem:$0x3FFC];
	_ =	sdelay $0x3  }
0x94: {  	_ =	strace s3  }
0x95: {  	s3 =	sld [smem:$0x3FFD];
	_ =	sdelay $0x3  }
0x96: {  	_ =	strace s3  }
0x97: {  	_ =	strace $0x8FFFFFFF  }
0x98: {  	s19 =	sld [smem:$0x3FDB];
	_ =	sdelay $0x1  }
0x99: {  	s4 =	simm.s32 $_scs_section_size  }
0x9a: {  	s5 =	simm.s32 $_size__tile_overlayer_lowered;
	s6 =	simm.s32 $_tile_overlayer_lowered  }
0x9b: {  	s22 =	simm.s32 $0x1BFF;
	s21 =	sshll.u32 s6, $0x1;
	s3 =	sadd.s32 s4, s19  }
0x9c: {  	s7 =	simm.s32 $0x0;
	s20 =	sshll.u32 s5, $0x1;
	s5 =	sadd.s32 s21, s3  }
0x9d: {  	[timem:s7], [sflag:s22] =	dma.local [hbm:s5], s20  }
0x9e: {  	_ =	swait.ge [sflag:s22], s20  }
0x9f: {  	s4 =	ssub.s32 $0x0, s20;
	[sflag:s22] =	ssyncset.done $0x0  }
0xa0: {  	[sflag:s22] =	ssyncadd.s32 s4;
	_ =	sdelay $0x1  }
0xa1: {  	s23 =	simm.s32 $0x1B8B  }
0xa2: {  	_ =	swait.ge [sflag:s23], $0x1  }
0xa3: {  	[sflag:s23] =	ssyncset.done $0x0  }
0xa4: {  	s25 =	simm.s32 $0x1B8E;
	s24 =	sld [smem:$0x3FFE];
	[sflag:s23] =	ssyncadd.s32 $0xFFFFFFFF  }
0xa5: {  	s26 =	simm.s32 $execute0_lowered;
	[smem:$0x3FD2] =	sst s25  }
0xa6: {  	s5 =	sshll.u32 s26, $0x1;
	_ =	strace $0x8000004F;
	[dreg:$0x1] =	wrdreg $0xFFFFFFFF  }
0xa7: {  	s28 =	simm.s32 $_size_execute0_lowered;
	s3 =	sadd.s32 s3, s5;
	[dreg:$0x0] =	wrdreg $0x0  }
0xa8: {  	s5 =	sshll.u32 s28, $0x1;
	[dreg:$0x2] =	wrdreg s3  }
0xa9: {  	[dreg:$0x3] =	wrdreg s5  }
0xaa: {  	[dreg:$0x4] =	wrdreg $0xC0  }
0xab: {  	_ =	task [dreg:s7], $0x5FFFF  }
0xac: {  	[dreg:$0x1] =	wrdreg $0xFFFFFFFF  }
0xad: {  	[dreg:$0x0] =	wrdreg $0x60  }
0xae: {  	[dreg:$0x2] =	wrdreg s24  }
0xaf: {  	[dreg:$0x3] =	wrdreg s2  }
0xb0: {  	[dreg:$0x4] =	wrdreg $0xA8000  }
0xb1: {  	[dreg:$0x5] =	wrdreg $0x9  }
0xb2: {  	_ =	task.clear_ibuf [dreg:s7], $0x6FFFF;
	_ =	strace $0x9000004F  }
0xb3: {  	s29 =	simm.s32 $0x9;
	_ =	strace $0x80000051  }
0xb4: {  	_ =	swait.ge [sflag:s29], $0x1  }
0xb5: {  	[sflag:s29] =	ssyncadd.s32 $0xFFFFFFFF  }
0xb6: {  	_ =	strace $0x90000051  }
0xb7: {  	_ =	sfence  }
0xb8: {  	s30 =	sld [smem:$0x0];
	_ =	sdelay $0x2  }
0xb9: {  	s31 =	sshll.u32 s1, $0xD;
	s1 =	sshrl.u32 s1, $0x2  }
0xba: {  	s3 =	sand.u32 $0x4000, s31;
	s1 =	sadd.s32 s1, s30  }
0xbb: {  	s0 =	sor.u32 s3, s0;
	s1 =	sshll.u32 s1, $0x11  }
0xbc: {  	s0 =	sor.u32 s1, s0  }
0xbd: {  	s0 =	sadd.s32 $0x8F2B, s0  }
0xbe: {  	[sflag:s0] =	ssyncadd.remote.s32 $0x1  }
0xbf: {  	_ =	sfence.sel $0xFFFF  }
0xc0: {  	[dreg:$0x0] =	wrdreg $0xFFFFFFFF;
	(pc) =	sbr.abs _section_cstart, $3  }
0xc1: {  	[dreg:$0x1] =	wrdreg $0xFFFFFFFF  }
0xc2: {  	_ =	task.clear_ibuf [dreg:s7], $0x2FFFF;
	_ =	strace $0x9FFFFFFF  }
0xc3: {  	(tm) =	ssettm $0x7FFFFFFF  }
tec
execute0_lowered:
.L_overlay_start_1:
0x0: {  	(tag) =	ssettag $0x1  }
0x1: {  	s0 =	rddreg [dreg:$0x0]  }
0x2: {  	s2 =	rddreg [dreg:$0x1]  }
0x3: {  	s1 =	rddreg [dreg:$0x2]  }
0x4: {  	s3 =	srdreg.scid;
	s11 =	stileid.u32;
	s14 =	simm.s32 $0x7  }
0x5: {  	s15 =	simm.s32 $0x1400;
	s16 =	simm.s32 $0x40;
	s17 =	simm.s32 $0x2800  }
0x6: {  	s18 =	simm.s32 $0x4800;
	s19 =	simm.s32 $0x80;
	s28 =	simm.s32 $0x5  }
0x7: {  	s29 =	simm.s32 $0x6;
	s30 =	simm.s32 $0x2700;
	s31 =	simm.s32 $0x2780  }
0x8: {  	s5 =	sand.u32 $0x1, s3;
	s3 =	simm.s32 $0x0;
	s7 =	smul.u32 $0x13C00, s11  }
0x9: {  	s4 =	sadd.s32 $0x5800, s0;
	s9 =	sadd.s32 $0x55000, s0;
	s8 =	sadd.s32 $0x3000, s0  }
0xa: {  	s20 =	sshll.u32 s11, $0x1;
	s22 =	smul.u32 $0x4F000, s11;
	s24 =	sshll.u32 s11, $0x6  }
0xb: {  	s6 =	smul.u32 $0x13C000, s5;
	[smem:$0x7FF] =	sst s3;
	s21 =	ssub.s32 $0x2, s5  }
0xc: {  	s5 =	sor.u32 s5, s20;
	s20 =	simm.s32 $0x6800;
	_ =	strace $0x80000050  }
0xd: {  	[dreg:$0x4] =	wrdreg s8;
	s10 =	sshrl.u32 s21, $0x1;
	s5 =	smul.u32 $0x2800, s5  }
0xe: {  	s23 =	sshrl.u32 s22, $0x2;
	s22 =	simm.s32 $0x8800;
	s6 =	sadd.s32 s7, s6  }
0xf: {  	s12 =	ssub.s32 s21, s10;
	s13 =	sadd.s32 s23, s1;
	s21 =	simm.s32 $0xC0  }
0x10: {  	s23 =	simm.s32 $0x1;
	s6 =	sshrl.u32 s6, $0x3;
	s5 =	sshrl.u32 s5, $0x3  }
0x11: {  	s12 =	smax.u32 s12, $0x1;
	s13 =	sshrl.u32 s13, $0x3;
	s0 =	sadd.s32 s6, s0  }
0x12: {  	s6 =	sor.u32 $0x1C07, s24;
	s25 =	sadd.s32 s9, s5;
	s26 =	sadd.s32 $0x280, s5  }
0x13: {  	s8 =	sadd.s32 s2, s5;
	s24 =	simm.s32 $0x2;
	[dreg:$0x5] =	wrdreg s25  }
0x14: {  	s9 =	sadd.s32 s9, s26;
	s10 =	sadd.s32 s2, s26;
	s11 =	sadd.s32 $0x5F000, s0  }
0x15: {  	s25 =	simm.s32 $0x3;
	s26 =	simm.s32 $0x4;
	s0 =	simm.s32 $0x0  }
.LBB2_1:
0x16: {  	s2 =	rddreg [dreg:$0x4]  }
0x17: {  	[spmem:s13], [sflag:s6] =	dma.local [hbm:s2], $0x2780  }
0x18: {  	_ =	swait.ge [sflag:s14], $0x2780  }
0x19: {  	[sflag:s14] =	ssyncset.done $0x0  }
0x1a: {  	[sflag:s14] =	ssyncadd.s32 $0xFFFFD880  }
0x1b: {  	[bflag:$0x0] =	sbarrier.arrive $0xFFFF  }
0x1c: {  	s5 =	rddreg [dreg:$0x5]  }
0x1d: {  	[tilespmem:s3], [sflag:$0x7] =	stream.linear.gather [hbm4b:s5+s3], $0x1400, $0x38;
	[tilespmem:$0x1E400] =	vst v63  }
0x1e: {  	_ =	swait.ge [sflag:s14], $0x1400  }
0x1f: {  	[sflag:s14] =	ssyncset.done $0x0  }
0x20: {  	[sflag:s14] =	ssyncadd.s32 $0xFFFFEC00  }
0x21: {  	[tilespmem:s15], [sflag:$0x7] =	stream.linear.gather [hbm4b:s8+s3], $0x1400, $0x38;
	[tilespmem:$0x1E400] =	vst v63  }
0x22: {  	_ =	swait.ge [sflag:s14], $0x1400  }
0x23: {  	[sflag:s14] =	ssyncset.done $0x0  }
0x24: {  	[sflag:s14] =	ssyncadd.s32 $0xFFFFEC00  }
0x25: {  	[tilespmem:s17], [sflag:$0x1] =	stream.indirect.gather [hbm4b:s4+s16], $0x80, s3, s16, $0xb8;
	[tilespmem:$0x1E400] =	vst v63  }
0x26: {  	_ = 	snop  }
0x27: {  	[tilespmem:s18], [sflag:$0x2] =	stream.indirect.gather [hbm4b:s4+s16], $0x80, s16, s16, $0xb8;
	[tilespmem:$0x1E400] =	vst v63  }
0x28: {  	_ = 	snop  }
0x29: {  	[tilespmem:s20], [sflag:$0x3] =	stream.indirect.gather [hbm4b:s4+s16], $0x80, s19, s16, $0xb8;
	[tilespmem:$0x1E400] =	vst v63  }
0x2a: {  	_ = 	snop  }
0x2b: {  	[tilespmem:s22], [sflag:$0x4] =	stream.indirect.gather [hbm4b:s4+s16], $0x80, s21, s16, $0xb8;
	[tilespmem:$0x1E400] =	vst v63  }
0x2c: {  	_ =	swait.ge [sflag:s23], $0x2000  }
0x2d: {  	[sflag:s23] =	ssyncset.done $0x0  }
0x2e: {  	[sflag:s23] =	ssyncadd.s32 $0xFFFFE000  }
0x2f: {  	_ =	swait.ge [sflag:s24], $0x2000  }
0x30: {  	[sflag:s24] =	ssyncset.done $0x0  }
0x31: {  	s7 =	simm.s32 $0x1400;
	[sflag:s24] =	ssyncadd.s32 $0xFFFFE000  }
0x32: {  	[spmem:s1] =	stream.indirect.scatter.add.f32 [tilespmem:s17], [sflag:$0x5], $0x80, s7, s19, $0xb8;
	[tilespmem:$0x1E400] =	vst v63  }
0x33: {  	_ =	swait.ge [sflag:s25], $0x2000  }
0x34: {  	[sflag:s25] =	ssyncset.done $0x0  }
0x35: {  	[sflag:s25] =	ssyncadd.s32 $0xFFFFE000  }
0x36: {  	_ =	swait.ge [sflag:s26], $0x2000  }
0x37: {  	[sflag:s26] =	ssyncset.done $0x0  }
0x38: {  	s5 =	simm.s32 $0x1480;
	[sflag:s26] =	ssyncadd.s32 $0xFFFFE000  }
0x39: {  	[spmem:s1] =	stream.indirect.scatter.add.f32 [tilespmem:s20], [sflag:$0x6], $0x80, s5, s19, $0xb8;
	[tilespmem:$0x1E400] =	vst v63  }
0x3a: {  	_ =	swait.ge [sflag:s28], $0x4000  }
0x3b: {  	[sflag:s28] =	ssyncset.done $0x0  }
0x3c: {  	s7 =	simm.s32 $0x100;
	[sflag:s28] =	ssyncadd.s32 $0xFFFFC000  }
0x3d: {  	[tilespmem:s17], [sflag:$0x1] =	stream.indirect.gather [hbm4b:s4+s16], $0x80, s7, s16, $0xb8;
	[tilespmem:$0x1E400] =	vst v63  }
0x3e: {  	s5 =	simm.s32 $0x140  }
0x3f: {  	[tilespmem:s18], [sflag:$0x2] =	stream.indirect.gather [hbm4b:s4+s16], $0x80, s5, s16, $0xb8;
	[tilespmem:$0x1E400] =	vst v63  }
0x40: {  	_ =	swait.ge [sflag:s29], $0x4000  }
0x41: {  	s2 =	simm.s32 $0x400;
	[sflag:s29] =	ssyncset.done $0x0  }
0x42: {  	s7 =	simm.s32 $0x180;
	s5 =	simm.s32 $0x1C0;
	[sflag:s29] =	ssyncadd.s32 $0xFFFFC000  }
0x43: {  	[tilespmem:s20], [sflag:$0x3] =	stream.indirect.gather [hbm4b:s4+s16], $0x80, s7, s16, $0xb8;
	[tilespmem:$0x1E400] =	vst v63  }
.LBB2_2:
0x44: {  	[tilespmem:s22], [sflag:$0x4] =	stream.indirect.gather [hbm4b:s4+s16], $0x80, s5, s16, $0xb8;
	[tilespmem:$0x1E400] =	vst v63  }
0x45: {  	s5 =	smov.u32 s2  }
0x46: {  	p0 =	sne.s32 s2, $0x4800;
	s2 =	sadd.s32 $0x400, s2;
	_ =	swait.ge [sflag:s23], $0x2000  }
0x47: {  	[sflag:s23] =	ssyncset.done $0x0  }
0x48: {  	[sflag:s23] =	ssyncadd.s32 $0xFFFFE000  }
0x49: {  	_ =	swait.ge [sflag:s24], $0x2000  }
0x4a: {  	s5 =	sshra.s32 s5, $0x2;
	[sflag:s24] =	ssyncset.done $0x0  }
0x4b: {  	s7 =	sadd.s32 $0x1400, s5;
	[sflag:s24] =	ssyncadd.s32 $0xFFFFE000  }
0x4c: {  	[spmem:s1] =	stream.indirect.scatter.add.f32 [tilespmem:s17], [sflag:$0x5], $0x80, s7, s19, $0xb8;
	[tilespmem:$0x1E400] =	vst v63  }
0x4d: {  	_ =	swait.ge [sflag:s25], $0x2000  }
0x4e: {  	[sflag:s25] =	ssyncset.done $0x0  }
0x4f: {  	[sflag:s25] =	ssyncadd.s32 $0xFFFFE000  }
0x50: {  	_ =	swait.ge [sflag:s26], $0x2000  }
0x51: {  	[sflag:s26] =	ssyncset.done $0x0  }
0x52: {  	s7 =	sadd.s32 $0x1480, s5;
	[sflag:s26] =	ssyncadd.s32 $0xFFFFE000  }
0x53: {  	[spmem:s1] =	stream.indirect.scatter.add.f32 [tilespmem:s20], [sflag:$0x6], $0x80, s7, s19, $0xb8;
	[tilespmem:$0x1E400] =	vst v63  }
0x54: {  	_ =	swait.ge [sflag:s28], $0x4000  }
0x55: {  	[sflag:s28] =	ssyncset.done $0x0  }
0x56: {  	s7 =	sadd.s32 $0x100, s5;
	[sflag:s28] =	ssyncadd.s32 $0xFFFFC000  }
0x57: {  	[tilespmem:s17], [sflag:$0x1] =	stream.indirect.gather [hbm4b:s4+s16], $0x80, s7, s16, $0xb8;
	[tilespmem:$0x1E400] =	vst v63  }
0x58: {  	s7 =	sadd.s32 $0x140, s5  }
0x59: {  	[tilespmem:s18], [sflag:$0x2] =	stream.indirect.gather [hbm4b:s4+s16], $0x80, s7, s16, $0xb8;
	[tilespmem:$0x1E400] =	vst v63  }
.Ltmp0:
0x5a: {  	_ =	swait.ge [sflag:s29], $0x4000;
	(pc) =	sbr.rel @p0 .LBB2_2-.Ltmp0, $4  }
0x5b: {  	[sflag:s29] =	ssyncset.done $0x0  }
0x5c: {  	s7 =	sadd.s32 $0x180, s5;
	[sflag:s29] =	ssyncadd.s32 $0xFFFFC000  }
0x5d: {  	[tilespmem:s20], [sflag:$0x3] =	stream.indirect.gather [hbm4b:s4+s16], $0x80, s7, s16, $0xb8;
	[tilespmem:$0x1E400] =	vst v63  }
0x5e: {  	s5 =	sadd.s32 $0x1C0, s5  }
0x5f: {  	[tilespmem:s22], [sflag:$0x4] =	stream.indirect.gather [hbm4b:s4+s16], $0x80, s5, s16, $0xb8;
	[tilespmem:$0x1E400] =	vst v63  }
0x60: {  	_ =	swait.ge [sflag:s23], $0x2000  }
0x61: {  	[sflag:s23] =	ssyncset.done $0x0  }
0x62: {  	[sflag:s23] =	ssyncadd.s32 $0xFFFFE000  }
0x63: {  	_ =	swait.ge [sflag:s24], $0x2000  }
0x64: {  	[sflag:s24] =	ssyncset.done $0x0  }
0x65: {  	[sflag:s24] =	ssyncadd.s32 $0xFFFFE000  }
0x66: {  	[spmem:s1] =	stream.indirect.scatter.add.f32 [tilespmem:s17], [sflag:$0x7], $0x80, s30, s19, $0xb8;
	[tilespmem:$0x1E400] =	vst v63  }
0x67: {  	_ =	swait.ge [sflag:s14], $0x4000  }
0x68: {  	[sflag:s14] =	ssyncset.done $0x0  }
0x69: {  	[sflag:s14] =	ssyncadd.s32 $0xFFFFC000  }
0x6a: {  	_ =	swait.ge [sflag:s25], $0x2000  }
0x6b: {  	[sflag:s25] =	ssyncset.done $0x0  }
0x6c: {  	[sflag:s25] =	ssyncadd.s32 $0xFFFFE000  }
0x6d: {  	_ =	swait.ge [sflag:s26], $0x2000  }
0x6e: {  	[sflag:s26] =	ssyncset.done $0x0  }
0x6f: {  	[sflag:s26] =	ssyncadd.s32 $0xFFFFE000  }
0x70: {  	[spmem:s1] =	stream.indirect.scatter.add.f32 [tilespmem:s20], [sflag:$0x7], $0x80, s31, s19, $0xb8;
	[tilespmem:$0x1E400] =	vst v63  }
0x71: {  	_ =	swait.ge [sflag:s14], $0x4000  }
0x72: {  	[sflag:s14] =	ssyncset.done $0x0  }
0x73: {  	s2 =	simm.s32 $0x0;
	[sflag:s14] =	ssyncadd.s32 $0xFFFFC000  }
0x74: {  	[tilespmem:s2], [sflag:$0x7] =	stream.linear.gather [hbm4b:s9+s2], $0x1400, $0x38;
	[tilespmem:$0x1E400] =	vst v63  }
0x75: {  	_ =	swait.ge [sflag:s14], $0x1400  }
0x76: {  	[sflag:s14] =	ssyncset.done $0x0  }
0x77: {  	[sflag:s14] =	ssyncadd.s32 $0xFFFFEC00  }
0x78: {  	[tilespmem:s15], [sflag:$0x7] =	stream.linear.gather [hbm4b:s10+s2], $0x1400, $0x38;
	[tilespmem:$0x1E400] =	vst v63  }
0x79: {  	_ =	swait.ge [sflag:s14], $0x1400  }
0x7a: {  	[sflag:s14] =	ssyncset.done $0x0  }
0x7b: {  	[sflag:s14] =	ssyncadd.s32 $0xFFFFEC00  }
0x7c: {  	[tilespmem:s17], [sflag:$0x1] =	stream.indirect.gather [hbm4b:s4+s16], $0x80, s2, s16, $0xb8;
	[tilespmem:$0x1E400] =	vst v63  }
0x7d: {  	_ = 	snop  }
0x7e: {  	[tilespmem:s18], [sflag:$0x2] =	stream.indirect.gather [hbm4b:s4+s16], $0x80, s16, s16, $0xb8;
	[tilespmem:$0x1E400] =	vst v63  }
0x7f: {  	_ = 	snop  }
0x80: {  	[tilespmem:s20], [sflag:$0x3] =	stream.indirect.gather [hbm4b:s4+s16], $0x80, s19, s16, $0xb8;
	[tilespmem:$0x1E400] =	vst v63  }
0x81: {  	_ = 	snop  }
0x82: {  	[tilespmem:s22], [sflag:$0x4] =	stream.indirect.gather [hbm4b:s4+s16], $0x80, s21, s16, $0xb8;
	[tilespmem:$0x1E400] =	vst v63  }
0x83: {  	_ =	swait.ge [sflag:s23], $0x2000  }
0x84: {  	[sflag:s23] =	ssyncset.done $0x0  }
0x85: {  	[sflag:s23] =	ssyncadd.s32 $0xFFFFE000  }
0x86: {  	_ =	swait.ge [sflag:s24], $0x2000  }
0x87: {  	[sflag:s24] =	ssyncset.done $0x0  }
0x88: {  	s7 =	simm.s32 $0x1400;
	[sflag:s24] =	ssyncadd.s32 $0xFFFFE000  }
0x89: {  	[spmem:s1] =	stream.indirect.scatter.add.f32 [tilespmem:s17], [sflag:$0x5], $0x80, s7, s19, $0xb8;
	[tilespmem:$0x1E400] =	vst v63  }
0x8a: {  	_ =	swait.ge [sflag:s25], $0x2000  }
0x8b: {  	[sflag:s25] =	ssyncset.done $0x0  }
0x8c: {  	[sflag:s25] =	ssyncadd.s32 $0xFFFFE000  }
0x8d: {  	_ =	swait.ge [sflag:s26], $0x2000  }
0x8e: {  	[sflag:s26] =	ssyncset.done $0x0  }
0x8f: {  	s5 =	simm.s32 $0x1480;
	[sflag:s26] =	ssyncadd.s32 $0xFFFFE000  }
0x90: {  	[spmem:s1] =	stream.indirect.scatter.add.f32 [tilespmem:s20], [sflag:$0x6], $0x80, s5, s19, $0xb8;
	[tilespmem:$0x1E400] =	vst v63  }
0x91: {  	_ =	swait.ge [sflag:s28], $0x4000  }
0x92: {  	[sflag:s28] =	ssyncset.done $0x0  }
0x93: {  	s7 =	simm.s32 $0x100;
	[sflag:s28] =	ssyncadd.s32 $0xFFFFC000  }
0x94: {  	[tilespmem:s17], [sflag:$0x1] =	stream.indirect.gather [hbm4b:s4+s16], $0x80, s7, s16, $0xb8;
	[tilespmem:$0x1E400] =	vst v63  }
0x95: {  	s5 =	simm.s32 $0x140  }
0x96: {  	[tilespmem:s18], [sflag:$0x2] =	stream.indirect.gather [hbm4b:s4+s16], $0x80, s5, s16, $0xb8;
	[tilespmem:$0x1E400] =	vst v63  }
0x97: {  	_ =	swait.ge [sflag:s29], $0x4000  }
0x98: {  	s2 =	simm.s32 $0x400;
	[sflag:s29] =	ssyncset.done $0x0  }
0x99: {  	s7 =	simm.s32 $0x180;
	s5 =	simm.s32 $0x1C0;
	[sflag:s29] =	ssyncadd.s32 $0xFFFFC000  }
0x9a: {  	[tilespmem:s20], [sflag:$0x3] =	stream.indirect.gather [hbm4b:s4+s16], $0x80, s7, s16, $0xb8;
	[tilespmem:$0x1E400] =	vst v63  }
.LBB2_4:
0x9b: {  	[tilespmem:s22], [sflag:$0x4] =	stream.indirect.gather [hbm4b:s4+s16], $0x80, s5, s16, $0xb8;
	[tilespmem:$0x1E400] =	vst v63  }
0x9c: {  	s5 =	smov.u32 s2  }
0x9d: {  	p0 =	sne.s32 s2, $0x4800;
	s2 =	sadd.s32 $0x400, s2;
	_ =	swait.ge [sflag:s23], $0x2000  }
0x9e: {  	[sflag:s23] =	ssyncset.done $0x0  }
0x9f: {  	[sflag:s23] =	ssyncadd.s32 $0xFFFFE000  }
0xa0: {  	_ =	swait.ge [sflag:s24], $0x2000  }
0xa1: {  	s5 =	sshra.s32 s5, $0x2;
	[sflag:s24] =	ssyncset.done $0x0  }
0xa2: {  	s7 =	sadd.s32 $0x1400, s5;
	[sflag:s24] =	ssyncadd.s32 $0xFFFFE000  }
0xa3: {  	[spmem:s1] =	stream.indirect.scatter.add.f32 [tilespmem:s17], [sflag:$0x5], $0x80, s7, s19, $0xb8;
	[tilespmem:$0x1E400] =	vst v63  }
0xa4: {  	_ =	swait.ge [sflag:s25], $0x2000  }
0xa5: {  	[sflag:s25] =	ssyncset.done $0x0  }
0xa6: {  	[sflag:s25] =	ssyncadd.s32 $0xFFFFE000  }
0xa7: {  	_ =	swait.ge [sflag:s26], $0x2000  }
0xa8: {  	[sflag:s26] =	ssyncset.done $0x0  }
0xa9: {  	s7 =	sadd.s32 $0x1480, s5;
	[sflag:s26] =	ssyncadd.s32 $0xFFFFE000  }
0xaa: {  	[spmem:s1] =	stream.indirect.scatter.add.f32 [tilespmem:s20], [sflag:$0x6], $0x80, s7, s19, $0xb8;
	[tilespmem:$0x1E400] =	vst v63  }
0xab: {  	_ =	swait.ge [sflag:s28], $0x4000  }
0xac: {  	[sflag:s28] =	ssyncset.done $0x0  }
0xad: {  	s7 =	sadd.s32 $0x100, s5;
	[sflag:s28] =	ssyncadd.s32 $0xFFFFC000  }
0xae: {  	[tilespmem:s17], [sflag:$0x1] =	stream.indirect.gather [hbm4b:s4+s16], $0x80, s7, s16, $0xb8;
	[tilespmem:$0x1E400] =	vst v63  }
0xaf: {  	s7 =	sadd.s32 $0x140, s5  }
0xb0: {  	[tilespmem:s18], [sflag:$0x2] =	stream.indirect.gather [hbm4b:s4+s16], $0x80, s7, s16, $0xb8;
	[tilespmem:$0x1E400] =	vst v63  }
.Ltmp1:
0xb1: {  	_ =	swait.ge [sflag:s29], $0x4000;
	(pc) =	sbr.rel @p0 .LBB2_4-.Ltmp1, $4  }
0xb2: {  	[sflag:s29] =	ssyncset.done $0x0  }
0xb3: {  	s7 =	sadd.s32 $0x180, s5;
	[sflag:s29] =	ssyncadd.s32 $0xFFFFC000  }
0xb4: {  	[tilespmem:s20], [sflag:$0x3] =	stream.indirect.gather [hbm4b:s4+s16], $0x80, s7, s16, $0xb8;
	[tilespmem:$0x1E400] =	vst v63  }
0xb5: {  	s5 =	sadd.s32 $0x1C0, s5  }
0xb6: {  	[tilespmem:s22], [sflag:$0x4] =	stream.indirect.gather [hbm4b:s4+s16], $0x80, s5, s16, $0xb8;
	[tilespmem:$0x1E400] =	vst v63  }
0xb7: {  	_ =	swait.ge [sflag:s23], $0x2000  }
0xb8: {  	[sflag:s23] =	ssyncset.done $0x0  }
0xb9: {  	[sflag:s23] =	ssyncadd.s32 $0xFFFFE000  }
0xba: {  	_ =	swait.ge [sflag:s24], $0x2000  }
0xbb: {  	[sflag:s24] =	ssyncset.done $0x0  }
0xbc: {  	[sflag:s24] =	ssyncadd.s32 $0xFFFFE000  }
0xbd: {  	[spmem:s1] =	stream.indirect.scatter.add.f32 [tilespmem:s17], [sflag:$0x7], $0x80, s30, s19, $0xb8;
	[tilespmem:$0x1E400] =	vst v63  }
0xbe: {  	_ =	swait.ge [sflag:s14], $0x4000  }
0xbf: {  	[sflag:s14] =	ssyncset.done $0x0  }
0xc0: {  	[sflag:s14] =	ssyncadd.s32 $0xFFFFC000  }
0xc1: {  	_ =	swait.ge [sflag:s25], $0x2000  }
0xc2: {  	[sflag:s25] =	ssyncset.done $0x0  }
0xc3: {  	[sflag:s25] =	ssyncadd.s32 $0xFFFFE000  }
0xc4: {  	_ =	swait.ge [sflag:s26], $0x2000  }
0xc5: {  	[sflag:s26] =	ssyncset.done $0x0  }
0xc6: {  	[sflag:s26] =	ssyncadd.s32 $0xFFFFE000  }
0xc7: {  	[spmem:s1] =	stream.indirect.scatter.add.f32 [tilespmem:s20], [sflag:$0x7], $0x80, s31, s19, $0xb8;
	[tilespmem:$0x1E400] =	vst v63  }
0xc8: {  	_ =	swait.ge [sflag:s14], $0x4000  }
0xc9: {  	s0 =	sadd.s32 $0x1, s0;
	[sflag:s14] =	ssyncset.done $0x0  }
0xca: {  	p0 =	sne.s32 s0, s12;
	[sflag:s14] =	ssyncadd.s32 $0xFFFFC000  }
.Ltmp2:
0xcb: {  	[bflag:$0x0] =	sbarrier.arrive $0xFFFF;
	(pc) =	sbr.rel @p0 .LBB2_1-.Ltmp2, $4  }
0xcc: {  	[hbm:s11], [sflag:s6] =	dma.local [spmem:s13], $0x2780  }
0xcd: {  	_ =	swait.ge [sflag:s14], $0x2780  }
0xce: {  	[sflag:s14] =	ssyncset.done $0x0  }
0xcf: {  	[sflag:s14] =	ssyncadd.s32 $0xFFFFD880  }
0xd0: {  	_ =	sfence.sel $0x180000  }
0xd1: {  	[bflag:$0x0] =	sbarrier.arrive $0xFFFF  }
0xd2: {  	_ =	strace $0x90000050  }
0xd3: {  	s0 =	stileid.u32;
	[bflag:$0x2] =	sbarrier.arrive $0xFFFF  }
0xd4: {  	p0 =	sne.s32 s0, $0x0;
	s0 =	rddreg [dreg:$0x3]  }
0xd5: {  	s0 =	sadd.s32 @!p0 $0x100000, s0  }
0xd6: {  	[sflag:s0] =	ssyncadd.tile.s32 @!p0 $0x1;
	_ =	shalt  }
.Lfunc_end2:
_tile_overlayer_lowered:
.L_overlay_start_2:
0xd7: {  	(tag) =	ssettag $0x2  }
0xd8: {  	s0 =	rddreg [dreg:$0x0];
	s2 =	stileid.u32  }
0xd9: {  	s1 =	rddreg [dreg:$0x1];
	p0 =	sne.s32 s2, $0x0  }
0xda: {  	s3 =	rddreg [dreg:$0x2];
	[bflag:$0x3] =	sbarrier.arrive $0xFFFF;
	s2 =	simm.s32 @!p0 $0x1C07  }
0xdb: {  	[timem:s3], [sflag:s2] =	dma.local @!p0 [hbm:s0], s1  }
0xdc: {  	s0 =	simm.s32 @!p0 $0x7  }
0xdd: {  	_ =	swait.ge @!p0 [sflag:s0], s1  }
0xde: {  	s1 =	ssub.s32 @!p0 $0x0, s1;
	[sflag:s0] =	ssyncset.done @!p0 $0x0  }
0xdf: {  	[sflag:s0] =	ssyncadd.s32 @!p0 s1  }
0xe0: {  	[bflag:$0x3] =	sbarrier.arrive $0xFFFF  }
0xe1: {  	_ =	shalt  }

</sc_bundles>
